<compile_context>
chip_gen: v7x
topology: tpu7x:2x2x1
jax: 0.10.2.dev20260603
libtpu: 0.0.44.dev20260713+nightly
codegen_flags: <defaults>
</compile_context>

<pallas_src>
import functools

import jax
import jax.numpy as jnp
from jax import lax
from jax.experimental import pallas as pl
from jax.experimental.pallas import tpu as pltpu
from jax.experimental.pallas import tpu_sc as plsc

_NC = 2
_NS = 16
_NW = _NC * _NS
_LANES = 16

_N = 10000
_E = 320000
_EPW = _E // _NW
_CHUNK = 80
_NCHUNK = _EPW // _CHUNK
_TROWS = 624
_TAIL = _N - _NS * _TROWS
_ZROWS = 104
_DROWS = 80
_NBUF = 5
_LOOK = 3


def _mesh():
    return plsc.VectorSubcoreMesh(core_axis_name="c", subcore_axis_name="s")


_SC_PARAMS = pltpu.CompilerParams(needs_layout_passes=False)



def _sc_agg_body(with_deg, feat_hbm, src_hbm, dst_hbm, zrows_hbm, *rest):
    if with_deg:
        sum_hbm, deg_hbm, degloc, accx, *bufs = rest
    else:
        sum_hbm, accx, *bufs = rest
    rows = bufs[:3]
    sidxb = bufs[3:7]
    didxb = bufs[7:11]
    gsem = bufs[11:14]
    isem = bufs[14:18]
    ssem = bufs[18:20]

    cid = lax.axis_index("c")
    sid = lax.axis_index("s")
    wid = cid * _NS + sid
    zf = jnp.zeros((_LANES,), jnp.float32)
    one16 = jnp.full((_LANES,), 1.0, jnp.float32)
    ebase = wid * _EPW

    def issue_idx(c, j):
        pltpu.async_copy(src_hbm.at[pl.ds(ebase + c * _CHUNK, _CHUNK)],
                         sidxb[j], isem[j])
        pltpu.async_copy(dst_hbm.at[pl.ds(ebase + c * _CHUNK, _CHUNK)],
                         didxb[j], isem[j])

    def wait_idx(c, j):
        pltpu.make_async_copy(src_hbm.at[pl.ds(ebase + c * _CHUNK, _CHUNK)],
                              sidxb[j], isem[j]).wait()
        pltpu.make_async_copy(dst_hbm.at[pl.ds(ebase + c * _CHUNK, _CHUNK)],
                              didxb[j], isem[j]).wait()

    issue_idx(0, 0)
    issue_idx(1, 1)
    pltpu.sync_copy(zrows_hbm, accx.at[pl.ds(sid * _TROWS, _TROWS)])
    if with_deg:
        def zdl(r, carry):
            for j in range(128 // _LANES):
                degloc[r, pl.ds(j * _LANES, _LANES)] = zf
            return carry
        lax.fori_loop(0, _DROWS, zdl, 0)

    @pl.when(sid == 0)
    def _zero_tail():
        pltpu.sync_copy(zrows_hbm.at[pl.ds(0, _TAIL)],
                        accx.at[pl.ds(_NS * _TROWS, _TAIL)])
    plsc.subcore_barrier()
    wait_idx(0, 0)
    pltpu.async_copy(feat_hbm.at[sidxb[0]], rows[0], gsem[0])

    def slot(c, k):
        @pl.when(c >= 2)
        def _wait_scat():
            pltpu.make_async_copy(rows[(k - 2) % 3],
                                  accx.at[didxb[(k - 2) % 4]],
                                  ssem[k % 2]).wait()

        @pl.when(c + 2 < _NCHUNK)
        def _pref_idx():
            issue_idx(c + 2, (k + 2) % 4)

        @pl.when(c + 1 < _NCHUNK)
        def _next_gather():
            wait_idx(c + 1, (k + 1) % 4)
            pltpu.async_copy(feat_hbm.at[sidxb[(k + 1) % 4]],
                             rows[(k + 1) % 3], gsem[(k + 1) % 3])
        pltpu.make_async_copy(feat_hbm.at[sidxb[k % 4]], rows[k % 3],
                              gsem[k % 3]).wait()
        if with_deg:
            for g in range(_CHUNK // _LANES):
                d = didxb[k % 4][pl.ds(g * _LANES, _LANES)]
                plsc.addupdate_scatter(degloc, [d >> 7, d & 127], one16)
        pltpu.async_copy(rows[k % 3], accx.at[didxb[k % 4]], ssem[k % 2],
                         add=True)

    def outer(o, carry):
        for k in range(12):
            slot(o * 12 + k, k)
        return carry
    lax.fori_loop(0, _NCHUNK // 12, outer, 0)
    for c in range((_NCHUNK // 12) * 12, _NCHUNK):
        slot(c, c)

    for c in (_NCHUNK - 2, _NCHUNK - 1):
        pltpu.make_async_copy(rows[c % 3], accx.at[didxb[c % 4]],
                              ssem[c % 2]).wait()
    if with_deg:
        pltpu.sync_copy(degloc, deg_hbm.at[wid])
    plsc.subcore_barrier()

    rbase = sid * _TROWS
    pltpu.sync_copy(accx.at[pl.ds(rbase, _TROWS)],
                    sum_hbm.at[cid, pl.ds(rbase, _TROWS)])

    @pl.when(sid == 0)
    def _copy_tail():
        tbase = _NS * _TROWS
        pltpu.sync_copy(accx.at[pl.ds(tbase, _TAIL)],
                        sum_hbm.at[cid, pl.ds(tbase, _TAIL)])


def _make_sc_agg(with_deg):
    out_type = [jax.ShapeDtypeStruct((_NC, _N, 128), jnp.float32)]
    scratch = []
    if with_deg:
        out_type.append(jax.ShapeDtypeStruct((_NW, _DROWS, 128), jnp.float32))
        scratch.append(pltpu.VMEM((_DROWS, 128), jnp.float32))
    scratch.append(pltpu.VMEM_SHARED((_N, 128), jnp.float32))
    for _ in range(3):
        scratch.append(pltpu.VMEM((_CHUNK, 128), jnp.float32))
    for _ in range(8):
        scratch.append(pltpu.VMEM((_CHUNK,), jnp.int32))
    for _ in range(9):
        scratch.append(pltpu.SemaphoreType.DMA)
    return functools.partial(
        pl.kernel,
        functools.partial(_sc_agg_body, with_deg),
        mesh=_mesh(),
        out_type=out_type,
        scratch_types=scratch,
        compiler_params=_SC_PARAMS,
    )()



def _sc_score_body(sa_hbm, sb_hbm, src_hbm, dst_hbm, out_hbm,
                   sav, sbv, sidx2, didx2, outv):
    cid = lax.axis_index("c")
    sid = lax.axis_index("s")
    wid = cid * _NS + sid
    pltpu.sync_copy(sa_hbm, sav)
    pltpu.sync_copy(sb_hbm, sbv)
    pltpu.sync_copy(src_hbm.at[wid], sidx2)
    pltpu.sync_copy(dst_hbm.at[wid], didx2)
    i16 = lax.iota(jnp.int32, _LANES)

    def chunk(c, carry):
        for g in range(_CHUNK // _LANES):
            s2 = sidx2[c, pl.ds(g * _LANES, _LANES)] * 2
            d2 = didx2[c, pl.ds(g * _LANES, _LANES)] * 2
            a0 = plsc.load_gather(sav, [s2])
            a1 = plsc.load_gather(sav, [s2 + 1])
            b0 = plsc.load_gather(sbv, [d2])
            b1 = plsc.load_gather(sbv, [d2 + 1])
            p = (i16 + c * _CHUNK + g * _LANES) * 2
            plsc.store_scatter(outv, [p], a0 + b0)
            plsc.store_scatter(outv, [p + 1], a1 + b1)
        return carry
    lax.fori_loop(0, _NCHUNK, chunk, 0)
    pltpu.sync_copy(outv, out_hbm.at[pl.ds(wid * 2 * _EPW, 2 * _EPW)])


def _sc_score(sa_flat, sb_flat, src3, dst3):
    return pl.kernel(
        _sc_score_body,
        mesh=_mesh(),
        out_type=jax.ShapeDtypeStruct((2 * _E,), jnp.float32),
        scratch_types=[
            pltpu.VMEM((2 * _N,), jnp.float32),
            pltpu.VMEM((2 * _N,), jnp.float32),
            pltpu.VMEM((_NCHUNK, _CHUNK), jnp.int32),
            pltpu.VMEM((_NCHUNK, _CHUNK), jnp.int32),
            pltpu.VMEM((2 * _EPW,), jnp.float32),
        ],
        compiler_params=_SC_PARAMS,
    )(sa_flat, sb_flat, src3, dst3)



_BN = 1000


def _tc_layer1_body(x_ref, sx0, sx1, dp, ws1, wn1, b1, wn2,
                    h1_ref, t2_ref, rec_ref):
    deg = jnp.sum(dp[...], axis=1, keepdims=True)
    rec = 1.0 / jnp.maximum(deg, 1.0)
    agg = (sx0[...] + sx1[...]) * rec
    h1 = jnp.dot(x_ref[...], ws1[...], preferred_element_type=jnp.float32)
    h1 = h1 + jnp.dot(agg, wn1[...], preferred_element_type=jnp.float32)
    h1 = jnp.maximum(h1 + b1[...], 0.0)
    h1_ref[...] = h1
    t2_ref[...] = jnp.dot(h1, wn2[...], preferred_element_type=jnp.float32)
    rec_ref[...] = rec


def _tc_layer1(x, sx0, sx1, dp, Ws1, Wn1, b1, Wn2):
    grid = (_N // _BN,)
    row = lambda i: (i, 0)
    full = lambda i: (0, 0)
    return pl.pallas_call(
        _tc_layer1_body,
        grid=grid,
        in_specs=[
            pl.BlockSpec((_BN, 128), row),
            pl.BlockSpec((_BN, 128), row),
            pl.BlockSpec((_BN, 128), row),
            pl.BlockSpec((_BN, _NW), row),
            pl.BlockSpec((128, 256), full),
            pl.BlockSpec((128, 256), full),
            pl.BlockSpec((1, 256), full),
            pl.BlockSpec((256, 128), full),
        ],
        out_specs=[
            pl.BlockSpec((_BN, 256), row),
            pl.BlockSpec((_BN, 128), row),
            pl.BlockSpec((_BN, 1), row),
        ],
        out_shape=[
            jax.ShapeDtypeStruct((_N, 256), jnp.float32),
            jax.ShapeDtypeStruct((_N, 128), jnp.float32),
            jax.ShapeDtypeStruct((_N, 1), jnp.float32),
        ],
    )(x, sx0, sx1, dp, Ws1, Wn1, b1, Wn2)


def _tc_layer2_body(h1_ref, sy0, sy1, rec_ref, ws2, b2, wpa, wpb, bp,
                    sa_ref, sb_ref):
    h2 = jnp.dot(h1_ref[...], ws2[...], preferred_element_type=jnp.float32)
    h2 = h2 + (sy0[...] + sy1[...]) * rec_ref[...] + b2[...]
    sa_ref[...] = jnp.dot(h2, wpa[...], preferred_element_type=jnp.float32) + bp[...]
    sb_ref[...] = jnp.dot(h2, wpb[...], preferred_element_type=jnp.float32)


def _tc_layer2(h1, sy0, sy1, rec, Ws2, b2, WpA, WpB, bp):
    grid = (_N // _BN,)
    row = lambda i: (i, 0)
    full = lambda i: (0, 0)
    return pl.pallas_call(
        _tc_layer2_body,
        grid=grid,
        in_specs=[
            pl.BlockSpec((_BN, 256), row),
            pl.BlockSpec((_BN, 128), row),
            pl.BlockSpec((_BN, 128), row),
            pl.BlockSpec((_BN, 1), row),
            pl.BlockSpec((256, 128), full),
            pl.BlockSpec((1, 128), full),
            pl.BlockSpec((128, 2), full),
            pl.BlockSpec((128, 2), full),
            pl.BlockSpec((1, 2), full),
        ],
        out_specs=[
            pl.BlockSpec((_BN, 2), row),
            pl.BlockSpec((_BN, 2), row),
        ],
        out_shape=[
            jax.ShapeDtypeStruct((_N, 2), jnp.float32),
            jax.ShapeDtypeStruct((_N, 2), jnp.float32),
        ],
    )(h1, sy0, sy1, rec, Ws2, b2, WpA, WpB, bp)




def kernel(x, edge_index, Ws1, Wn1, b1, Ws2, Wn2, b2, Wp, bp):
    src = edge_index[0]
    dst = edge_index[1]
    src3 = src.reshape(_NW, _NCHUNK, _CHUNK)
    dst3 = dst.reshape(_NW, _NCHUNK, _CHUNK)
    zrows = jnp.zeros((_TROWS, 128), jnp.float32)

    sum_x, deg_w = _make_sc_agg(True)(x, src, dst, zrows)
    degp = deg_w.reshape(_NW, _DROWS * 128)[:, :_N].T
    h1, t2, rec = _tc_layer1(x, sum_x[0], sum_x[1], degp,
                             Ws1, Wn1, b1.reshape(1, 256), Wn2)
    (sum_y,) = _make_sc_agg(False)(t2, src, dst, zrows)
    sa, sb = _tc_layer2(h1, sum_y[0], sum_y[1], rec, Ws2,
                        b2.reshape(1, 128), Wp[:128], Wp[128:],
                        bp.reshape(1, 2))
    return _sc_score(sa.reshape(-1), sb.reshape(-1), src3, dst3).reshape(_E, 2)

# --- scband reference (transcript-rebuilt; emitter-appended) ---
"""Pipeline reference for scband-model-6571299963289 (READ-ONLY COPY).

The authoritative reference and input builder live on the scoring server;
editing this copy changes nothing except your own understanding.
"""

import jax, jax.numpy as jnp
import numpy as np

N = 10000
E = 320000
D_IN = 128
D_HID = 256
D_OUT = 128
N_CLASSES = 2


def setup_inputs(seed: int = 0) -> dict:
    key = jax.random.key(seed)
    ks = jax.random.split(key, 12)
    x = jax.random.normal(ks[0], (N, D_IN), dtype=jnp.float32)
    edge_index = jax.random.randint(ks[1], (2, E), 0, N, dtype=jnp.int32)
    s1 = 1.0 / np.sqrt(D_IN)
    s2 = 1.0 / np.sqrt(D_HID)
    sp = 1.0 / np.sqrt(2 * D_OUT)
    Ws1 = jax.random.uniform(ks[2], (D_IN, D_HID), jnp.float32, -s1, s1)
    Wn1 = jax.random.uniform(ks[3], (D_IN, D_HID), jnp.float32, -s1, s1)
    b1 = jnp.zeros((D_HID,), jnp.float32)
    Ws2 = jax.random.uniform(ks[4], (D_HID, D_OUT), jnp.float32, -s2, s2)
    Wn2 = jax.random.uniform(ks[5], (D_HID, D_OUT), jnp.float32, -s2, s2)
    b2 = jnp.zeros((D_OUT,), jnp.float32)
    Wp = jax.random.uniform(ks[6], (2 * D_OUT, N_CLASSES), jnp.float32, -sp, sp)
    bp = jax.random.uniform(ks[7], (N_CLASSES,), jnp.float32, -sp, sp)
    return {"x": x, "edge_index": edge_index, "Ws1": Ws1, "Wn1": Wn1, "b1": b1,
            "Ws2": Ws2, "Wn2": Wn2, "b2": b2, "Wp": Wp, "bp": bp}


def _sage_conv(h, src, dst, Ws, Wn, b):
    # DGL SAGEConv(aggregator_type='mean'):
    # h_neigh = mean over in-neighbors of src features; rst = fc_self(h) + fc_neigh(h_neigh) + bias
    deg = jnp.zeros((N,), jnp.float32).at[dst].add(1.0)
    agg = jnp.zeros((N, h.shape[1]), jnp.float32).at[dst].add(h[src])
    agg = agg / jnp.maximum(deg, 1.0)[:, None]
    return h @ Ws + agg @ Wn + b


def reference(x, edge_index, Ws1, Wn1, b1, Ws2, Wn2, b2, Wp, bp):
    src = edge_index[0]
    dst = edge_index[1]
    h = _sage_conv(x, src, dst, Ws1, Wn1, b1)
    h = jax.nn.relu(h)
    h = _sage_conv(h, src, dst, Ws2, Wn2, b2)
    # MLPPredictor.apply_edges: score = W(cat([h_src, h_dst], 1))
    score = jnp.concatenate([h[src], h[dst]], axis=1) @ Wp + bp
    return score

if __name__ == "__main__":
    import jax
    _d = setup_inputs()
    print(jax.jit(kernel)(*tuple(_d.values())))

</pallas_src>

<mosaic_0001>
#map = affine_map<(d0, d1) -> (0, 0)>
#map1 = affine_map<(d0, d1) -> (0)>
#map2 = affine_map<(d0, d1) -> (0, 0, 0)>
module attributes {stable_mosaic.version = 14 : i64} {
  func.func @_sc_agg_body(%arg0: i32, %arg1: i32, %arg2: memref<10000x128xf32, #tpu.memory_space<hbm>>, %arg3: memref<320000xi32, #tpu.memory_space<hbm>>, %arg4: memref<320000xi32, #tpu.memory_space<hbm>>, %arg5: memref<624x128xf32, #tpu.memory_space<hbm>>, %arg6: memref<2x10000x128xf32, #tpu.memory_space<hbm>>, %arg7: memref<32x80x128xf32, #tpu.memory_space<hbm>>, %arg8: memref<80x128xf32, #tpu.memory_space<vmem>>, %arg9: memref<10000x128xf32, #tpu.memory_space<vmem_shared>>, %arg10: memref<80x128xf32, #tpu.memory_space<vmem>>, %arg11: memref<80x128xf32, #tpu.memory_space<vmem>>, %arg12: memref<80x128xf32, #tpu.memory_space<vmem>>, %arg13: memref<80xi32, #tpu.memory_space<vmem>>, %arg14: memref<80xi32, #tpu.memory_space<vmem>>, %arg15: memref<80xi32, #tpu.memory_space<vmem>>, %arg16: memref<80xi32, #tpu.memory_space<vmem>>, %arg17: memref<80xi32, #tpu.memory_space<vmem>>, %arg18: memref<80xi32, #tpu.memory_space<vmem>>, %arg19: memref<80xi32, #tpu.memory_space<vmem>>, %arg20: memref<80xi32, #tpu.memory_space<vmem>>, %arg21: memref<!tpu.dma_semaphore, #tpu.memory_space<semaphore_mem>>, %arg22: memref<!tpu.dma_semaphore, #tpu.memory_space<semaphore_mem>>, %arg23: memref<!tpu.dma_semaphore, #tpu.memory_space<semaphore_mem>>, %arg24: memref<!tpu.dma_semaphore, #tpu.memory_space<semaphore_mem>>, %arg25: memref<!tpu.dma_semaphore, #tpu.memory_space<semaphore_mem>>, %arg26: memref<!tpu.dma_semaphore, #tpu.memory_space<semaphore_mem>>, %arg27: memref<!tpu.dma_semaphore, #tpu.memory_space<semaphore_mem>>, %arg28: memref<!tpu.dma_semaphore, #tpu.memory_space<semaphore_mem>>, %arg29: memref<!tpu.dma_semaphore, #tpu.memory_space<semaphore_mem>>) attributes {dimension_semantics = [#tpu.dimension_semantics<core_parallel>, #tpu.dimension_semantics<subcore_parallel>], iteration_bounds = array<i64: 2, 16>, scalar_prefetch = 0 : i64, scratch_operands = 22 : i64, tpu.core_type = #tpu.core_type<sc_vector_subcore>, window_params = [{transform_indices = #map}, {transform_indices = #map1}, {transform_indices = #map1}, {transform_indices = #map}, {transform_indices = #map2}, {transform_indices = #map2}]} {
    %mul3A = arith.constant 16 : i32
    %mul3A_0 = arith.muli %arg0, %mul3A : i32
    %add3A = arith.addi %mul3A_0, %arg1 : i32
    %broadcast_in_dim3A = arith.constant 0.000000e+00 : f32
    %broadcast_in_dim3A_1 = vector.broadcast %broadcast_in_dim3A : f32 to vector<16xf32>
    %broadcast_in_dim3A_2 = arith.constant 1.000000e+00 : f32
    %broadcast_in_dim3A_3 = vector.broadcast %broadcast_in_dim3A_2 : f32 to vector<16xf32>
    %mul3A_4 = arith.constant 10000 : i32
    %mul3A_5 = arith.muli %add3A, %mul3A_4 : i32
    %add3A_6 = arith.constant 0 : i32
    %add3A_7 = arith.addi %mul3A_5, %add3A_6 : i32
    %dma_start3A = tpu.memref_slice %arg3[%add3A_7] : memref<320000xi32, #tpu.memory_space<hbm>> -> memref<80xi32, #tpu.memory_space<hbm>>
    %dma_start3A_8 = tpu.memref_slice %arg3[%add3A_7] : memref<320000xi32, #tpu.memory_space<hbm>> -> memref<80xi32, #tpu.memory_space<hbm>>
    tpu.enqueue_dma source(%dma_start3A_8 : memref<80xi32, #tpu.memory_space<hbm>>) target(%arg13 : memref<80xi32, #tpu.memory_space<vmem>>) target_semaphore(%arg24 : memref<!tpu.dma_semaphore, #tpu.memory_space<semaphore_mem>>)
    %add3A_9 = arith.constant 0 : i32
    %add3A_10 = arith.addi %mul3A_5, %add3A_9 : i32
    %dma_start3A_11 = tpu.memref_slice %arg4[%add3A_10] : memref<320000xi32, #tpu.memory_space<hbm>> -> memref<80xi32, #tpu.memory_space<hbm>>
    %dma_start3A_12 = tpu.memref_slice %arg4[%add3A_10] : memref<320000xi32, #tpu.memory_space<hbm>> -> memref<80xi32, #tpu.memory_space<hbm>>
    tpu.enqueue_dma source(%dma_start3A_12 : memref<80xi32, #tpu.memory_space<hbm>>) target(%arg17 : memref<80xi32, #tpu.memory_space<vmem>>) target_semaphore(%arg24 : memref<!tpu.dma_semaphore, #tpu.memory_space<semaphore_mem>>)
    %add3A_13 = arith.constant 80 : i32
    %add3A_14 = arith.addi %mul3A_5, %add3A_13 : i32
    %dma_start3A_15 = tpu.memref_slice %arg3[%add3A_14] : memref<320000xi32, #tpu.memory_space<hbm>> -> memref<80xi32, #tpu.memory_space<hbm>>
    %dma_start3A_16 = tpu.memref_slice %arg3[%add3A_14] : memref<320000xi32, #tpu.memory_space<hbm>> -> memref<80xi32, #tpu.memory_space<hbm>>
    tpu.enqueue_dma source(%dma_start3A_16 : memref<80xi32, #tpu.memory_space<hbm>>) target(%arg14 : memref<80xi32, #tpu.memory_space<vmem>>) target_semaphore(%arg25 : memref<!tpu.dma_semaphore, #tpu.memory_space<semaphore_mem>>)
    %add3A_17 = arith.constant 80 : i32
    %add3A_18 = arith.addi %mul3A_5, %add3A_17 : i32
    %dma_start3A_19 = tpu.memref_slice %arg4[%add3A_18] : memref<320000xi32, #tpu.memory_space<hbm>> -> memref<80xi32, #tpu.memory_space<hbm>>
    %dma_start3A_20 = tpu.memref_slice %arg4[%add3A_18] : memref<320000xi32, #tpu.memory_space<hbm>> -> memref<80xi32, #tpu.memory_space<hbm>>
    tpu.enqueue_dma source(%dma_start3A_20 : memref<80xi32, #tpu.memory_space<hbm>>) target(%arg18 : memref<80xi32, #tpu.memory_space<vmem>>) target_semaphore(%arg25 : memref<!tpu.dma_semaphore, #tpu.memory_space<semaphore_mem>>)
    %mul3A_21 = arith.constant 624 : i32
    %mul3A_22 = arith.muli %arg1, %mul3A_21 : i32
    "tpu.region"() ({
      %run_scoped3A = tpu.sem_alloc : memref<!tpu.dma_semaphore, #tpu.memory_space<semaphore_mem>>
      %dma_start3A_370 = arith.constant 0 : i32
      %dma_start3A_371 = tpu.memref_slice %arg9[%mul3A_22, %dma_start3A_370] : memref<10000x128xf32, #tpu.memory_space<vmem_shared>> -> memref<624x128xf32, #tpu.memory_space<vmem_shared>>
      tpu.enqueue_dma source(%arg5 : memref<624x128xf32, #tpu.memory_space<hbm>>) target(%dma_start3A_371 : memref<624x128xf32, #tpu.memory_space<vmem_shared>>) target_semaphore(%run_scoped3A : memref<!tpu.dma_semaphore, #tpu.memory_space<semaphore_mem>>)
      %dma_wait3A_372 = arith.constant 0 : i32
      %dma_wait3A_373 = tpu.memref_slice %arg9[%mul3A_22, %dma_wait3A_372] : memref<10000x128xf32, #tpu.memory_space<vmem_shared>> -> memref<624x128xf32, #tpu.memory_space<vmem_shared>>
      tpu.wait_dma2 semaphore(%run_scoped3A : memref<!tpu.dma_semaphore, #tpu.memory_space<semaphore_mem>>) src(%arg5 : memref<624x128xf32, #tpu.memory_space<hbm>>) dst(%dma_wait3A_373 : memref<624x128xf32, #tpu.memory_space<vmem_shared>>)
      tpu.yield
    }) : () -> ()
    %scan3A = arith.constant 0 : i32
    %scan3A_23 = arith.constant 0 : i32
    %scan3A_24 = arith.constant 80 : i32
    %scan3A_25 = arith.addi %scan3A_23, %scan3A_24 : i32
    %scan3A_26 = arith.constant 1 : i32
    scf.for %scan3A_370 = %scan3A_23 to %scan3A_25 step %scan3A_26  : i32 {
      %swap3A = arith.index_cast %scan3A_370 : i32 to index
      %swap3A_371 = arith.constant 0 : index
      %swap3A_372 = tpu.vector_load %arg8[%swap3A, %swap3A_371] {strides = array<i32>} : memref<80x128xf32, #tpu.memory_space<vmem>>, vector<16xf32>,
      tpu.vector_store %arg8[%swap3A, %swap3A_371], %broadcast_in_dim3A_1 {strides = array<i32>} : memref<80x128xf32, #tpu.memory_space<vmem>>, vector<16xf32>,
      %swap3A_373 = arith.index_cast %scan3A_370 : i32 to index
      %swap3A_374 = arith.constant 16 : index
      %swap3A_375 = tpu.vector_load %arg8[%swap3A_373, %swap3A_374] {strides = array<i32>} : memref<80x128xf32, #tpu.memory_space<vmem>>, vector<16xf32>,
      tpu.vector_store %arg8[%swap3A_373, %swap3A_374], %broadcast_in_dim3A_1 {strides = array<i32>} : memref<80x128xf32, #tpu.memory_space<vmem>>, vector<16xf32>,
      %swap3A_376 = arith.index_cast %scan3A_370 : i32 to index
      %swap3A_377 = arith.constant 32 : index
      %swap3A_378 = tpu.vector_load %arg8[%swap3A_376, %swap3A_377] {strides = array<i32>} : memref<80x128xf32, #tpu.memory_space<vmem>>, vector<16xf32>,
      tpu.vector_store %arg8[%swap3A_376, %swap3A_377], %broadcast_in_dim3A_1 {strides = array<i32>} : memref<80x128xf32, #tpu.memory_space<vmem>>, vector<16xf32>,
      %swap3A_379 = arith.index_cast %scan3A_370 : i32 to index
      %swap3A_380 = arith.constant 48 : index
      %swap3A_381 = tpu.vector_load %arg8[%swap3A_379, %swap3A_380] {strides = array<i32>} : memref<80x128xf32, #tpu.memory_space<vmem>>, vector<16xf32>,
      tpu.vector_store %arg8[%swap3A_379, %swap3A_380], %broadcast_in_dim3A_1 {strides = array<i32>} : memref<80x128xf32, #tpu.memory_space<vmem>>, vector<16xf32>,
      %swap3A_382 = arith.index_cast %scan3A_370 : i32 to index
      %swap3A_383 = arith.constant 64 : index
      %swap3A_384 = tpu.vector_load %arg8[%swap3A_382, %swap3A_383] {strides = array<i32>} : memref<80x128xf32, #tpu.memory_space<vmem>>, vector<16xf32>,
      tpu.vector_store %arg8[%swap3A_382, %swap3A_383], %broadcast_in_dim3A_1 {strides = array<i32>} : memref<80x128xf32, #tpu.memory_space<vmem>>, vector<16xf32>,
      %swap3A_385 = arith.index_cast %scan3A_370 : i32 to index
      %swap3A_386 = arith.constant 80 : index
      %swap3A_387 = tpu.vector_load %arg8[%swap3A_385, %swap3A_386] {strides = array<i32>} : memref<80x128xf32, #tpu.memory_space<vmem>>, vector<16xf32>,
      tpu.vector_store %arg8[%swap3A_385, %swap3A_386], %broadcast_in_dim3A_1 {strides = array<i32>} : memref<80x128xf32, #tpu.memory_space<vmem>>, vector<16xf32>,
      %swap3A_388 = arith.index_cast %scan3A_370 : i32 to index
      %swap3A_389 = arith.constant 96 : index
      %swap3A_390 = tpu.vector_load %arg8[%swap3A_388, %swap3A_389] {strides = array<i32>} : memref<80x128xf32, #tpu.memory_space<vmem>>, vector<16xf32>,
      tpu.vector_store %arg8[%swap3A_388, %swap3A_389], %broadcast_in_dim3A_1 {strides = array<i32>} : memref<80x128xf32, #tpu.memory_space<vmem>>, vector<16xf32>,
      %swap3A_391 = arith.index_cast %scan3A_370 : i32 to index
      %swap3A_392 = arith.constant 112 : index
      %swap3A_393 = tpu.vector_load %arg8[%swap3A_391, %swap3A_392] {strides = array<i32>} : memref<80x128xf32, #tpu.memory_space<vmem>>, vector<16xf32>,
      tpu.vector_store %arg8[%swap3A_391, %swap3A_392], %broadcast_in_dim3A_1 {strides = array<i32>} : memref<80x128xf32, #tpu.memory_space<vmem>>, vector<16xf32>,
    }
    %scan3A_27 = arith.constant 80 : i32
    %eq3A = arith.constant 0 : i32
    %eq3A_28 = arith.cmpi eq, %arg1, %eq3A : i32
    %convert_element_type3A = arith.extui %eq3A_28 : i1 to i32
    %cond3A = arith.constant 0 : i32
    %cond3A_29 = arith.cmpi ne, %convert_element_type3A, %cond3A : i32
    scf.if %cond3A_29 {
      "tpu.region"() ({
        %run_scoped3A = tpu.sem_alloc : memref<!tpu.dma_semaphore, #tpu.memory_space<semaphore_mem>>
        %dma_start3A_370 = arith.constant 9984 : i32
        %dma_start3A_371 = arith.constant 0 : i32
        %dma_start3A_372 = tpu.memref_slice %arg9[%dma_start3A_370, %dma_start3A_371] : memref<10000x128xf32, #tpu.memory_space<vmem_shared>> -> memref<16x128xf32, #tpu.memory_space<vmem_shared>>
        %dma_start3A_373 = arith.constant 0 : i32
        %dma_start3A_374 = arith.constant 0 : i32
        %dma_start3A_375 = tpu.memref_slice %arg5[%dma_start3A_373, %dma_start3A_374] : memref<624x128xf32, #tpu.memory_space<hbm>> -> memref<16x128xf32, #tpu.memory_space<hbm>>
        tpu.enqueue_dma source(%dma_start3A_375 : memref<16x128xf32, #tpu.memory_space<hbm>>) target(%dma_start3A_372 : memref<16x128xf32, #tpu.memory_space<vmem_shared>>) target_semaphore(%run_scoped3A : memref<!tpu.dma_semaphore, #tpu.memory_space<semaphore_mem>>)
        %dma_wait3A_376 = arith.constant 9984 : i32
        %dma_wait3A_377 = arith.constant 0 : i32
        %dma_wait3A_378 = tpu.memref_slice %arg9[%dma_wait3A_376, %dma_wait3A_377] : memref<10000x128xf32, #tpu.memory_space<vmem_shared>> -> memref<16x128xf32, #tpu.memory_space<vmem_shared>>
        %dma_wait3A_379 = arith.constant 0 : i32
        %dma_wait3A_380 = arith.constant 0 : i32
        %dma_wait3A_381 = tpu.memref_slice %arg5[%dma_wait3A_379, %dma_wait3A_380] : memref<624x128xf32, #tpu.memory_space<hbm>> -> memref<16x128xf32, #tpu.memory_space<hbm>>
        tpu.wait_dma2 semaphore(%run_scoped3A : memref<!tpu.dma_semaphore, #tpu.memory_space<semaphore_mem>>) src(%dma_wait3A_381 : memref<16x128xf32, #tpu.memory_space<hbm>>) dst(%dma_wait3A_378 : memref<16x128xf32, #tpu.memory_space<vmem_shared>>)
        tpu.yield
      }) : () -> ()
    } else {
    }
    %barrier3A = arith.constant 0 : index
    tpu.barrier barrier_id(%barrier3A)
    %add3A_30 = arith.constant 0 : i32
    %add3A_31 = arith.addi %mul3A_5, %add3A_30 : i32
    %dma_wait3A = tpu.memref_slice %arg3[%add3A_31] : memref<320000xi32, #tpu.memory_space<hbm>> -> memref<80xi32, #tpu.memory_space<hbm>>
    %dma_wait3A_32 = tpu.memref_slice %arg3[%add3A_31] : memref<320000xi32, #tpu.memory_space<hbm>> -> memref<80xi32, #tpu.memory_space<hbm>>
    tpu.wait_dma2 semaphore(%arg24 : memref<!tpu.dma_semaphore, #tpu.memory_space<semaphore_mem>>) src(%dma_wait3A_32 : memref<80xi32, #tpu.memory_space<hbm>>) dst(%arg13 : memref<80xi32, #tpu.memory_space<vmem>>)
    %add3A_33 = arith.constant 0 : i32
    %add3A_34 = arith.addi %mul3A_5, %add3A_33 : i32
    %dma_wait3A_35 = tpu.memref_slice %arg4[%add3A_34] : memref<320000xi32, #tpu.memory_space<hbm>> -> memref<80xi32, #tpu.memory_space<hbm>>
    %dma_wait3A_36 = tpu.memref_slice %arg4[%add3A_34] : memref<320000xi32, #tpu.memory_space<hbm>> -> memref<80xi32, #tpu.memory_space<hbm>>
    tpu.wait_dma2 semaphore(%arg24 : memref<!tpu.dma_semaphore, #tpu.memory_space<semaphore_mem>>) src(%dma_wait3A_36 : memref<80xi32, #tpu.memory_space<hbm>>) dst(%arg17 : memref<80xi32, #tpu.memory_space<vmem>>)
    %dma_start3A_37 = arith.constant 0 : i32
    %dma_start3A_38 = arith.constant 0 : i32
    %dma_start3A_39 = tpu.memref_slice %arg2[%dma_start3A_37, %dma_start3A_38] : memref<10000x128xf32, #tpu.memory_space<hbm>> -> memref<10000x128xf32, #tpu.memory_space<hbm>>
    tpu.enqueue_indirect_dma source(%dma_start3A_39 : memref<10000x128xf32, #tpu.memory_space<hbm>>) target(%arg10 : memref<80x128xf32, #tpu.memory_space<vmem>>) offsets(%arg13 : memref<80xi32, #tpu.memory_space<vmem>>) semaphore(%arg21 : memref<!tpu.dma_semaphore, #tpu.memory_space<semaphore_mem>>)
    %scan3A_40 = arith.constant 0 : i32
    %scan3A_41 = arith.constant 0 : i32
    %scan3A_42 = arith.constant 10 : i32
    %scan3A_43 = arith.addi %scan3A_41, %scan3A_42 : i32
    %scan3A_44 = arith.constant 1 : i32
    scf.for %scan3A_370 = %scan3A_41 to %scan3A_43 step %scan3A_44  : i32 {
      %mul3A_371 = arith.constant 12 : i32
      %mul3A_372 = arith.muli %scan3A_370, %mul3A_371 : i32
      %add3A_373 = arith.constant 0 : i32
      %add3A_374 = arith.addi %mul3A_372, %add3A_373 : i32
      %ge3A = arith.constant 2 : i32
      %ge3A_375 = arith.cmpi sge, %add3A_374, %ge3A : i32
      %convert_element_type3A_376 = arith.extui %ge3A_375 : i1 to i32
      %cond3A_377 = arith.constant 0 : i32
      %cond3A_378 = arith.cmpi ne, %convert_element_type3A_376, %cond3A_377 : i32
      scf.if %cond3A_378 {
        %dma_wait3A_1197 = arith.constant 0 : i32
        %dma_wait3A_1198 = arith.constant 0 : i32
        %dma_wait3A_1199 = tpu.memref_slice %arg9[%dma_wait3A_1197, %dma_wait3A_1198] : memref<10000x128xf32, #tpu.memory_space<vmem_shared>> -> memref<10000x128xf32, #tpu.memory_space<vmem_shared>>
        tpu.wait_indirect_dma semaphore(%arg28 : memref<!tpu.dma_semaphore, #tpu.memory_space<semaphore_mem>>) src(%arg11 : memref<80x128xf32, #tpu.memory_space<vmem>>) dst(%dma_wait3A_1199 : memref<10000x128xf32, #tpu.memory_space<vmem_shared>>)
      } else {
      }
      %add3A_379 = arith.constant 2 : i32
      %add3A_380 = arith.addi %add3A_374, %add3A_379 : i32
      %lt3A = arith.constant 125 : i32
      %lt3A_381 = arith.cmpi slt, %add3A_380, %lt3A : i32
      %convert_element_type3A_382 = arith.extui %lt3A_381 : i1 to i32
      %cond3A_383 = arith.constant 0 : i32
      %cond3A_384 = arith.cmpi ne, %convert_element_type3A_382, %cond3A_383 : i32
      scf.if %cond3A_384 {
        %add3A_1197 = arith.constant 2 : i32
        %add3A_1198 = arith.addi %add3A_374, %add3A_1197 : i32
        %mul3A_1199 = arith.constant 80 : i32
        %mul3A_1200 = arith.muli %add3A_1198, %mul3A_1199 : i32
        %add3A_1201 = arith.addi %mul3A_5, %mul3A_1200 : i32
        %dma_start3A_1202 = tpu.memref_slice %arg3[%add3A_1201] : memref<320000xi32, #tpu.memory_space<hbm>> -> memref<80xi32, #tpu.memory_space<hbm>>
        %dma_start3A_1203 = tpu.memref_slice %arg3[%add3A_1201] : memref<320000xi32, #tpu.memory_space<hbm>> -> memref<80xi32, #tpu.memory_space<hbm>>
        tpu.enqueue_dma source(%dma_start3A_1203 : memref<80xi32, #tpu.memory_space<hbm>>) target(%arg15 : memref<80xi32, #tpu.memory_space<vmem>>) target_semaphore(%arg26 : memref<!tpu.dma_semaphore, #tpu.memory_space<semaphore_mem>>)
        %mul3A_1204 = arith.constant 80 : i32
        %mul3A_1205 = arith.muli %add3A_1198, %mul3A_1204 : i32
        %add3A_1206 = arith.addi %mul3A_5, %mul3A_1205 : i32
        %dma_start3A_1207 = tpu.memref_slice %arg4[%add3A_1206] : memref<320000xi32, #tpu.memory_space<hbm>> -> memref<80xi32, #tpu.memory_space<hbm>>
        %dma_start3A_1208 = tpu.memref_slice %arg4[%add3A_1206] : memref<320000xi32, #tpu.memory_space<hbm>> -> memref<80xi32, #tpu.memory_space<hbm>>
        tpu.enqueue_dma source(%dma_start3A_1208 : memref<80xi32, #tpu.memory_space<hbm>>) target(%arg19 : memref<80xi32, #tpu.memory_space<vmem>>) target_semaphore(%arg26 : memref<!tpu.dma_semaphore, #tpu.memory_space<semaphore_mem>>)
      } else {
      }
      %add3A_385 = arith.constant 1 : i32
      %add3A_386 = arith.addi %add3A_374, %add3A_385 : i32
      %lt3A_387 = arith.constant 125 : i32
      %lt3A_388 = arith.cmpi slt, %add3A_386, %lt3A_387 : i32
      %convert_element_type3A_389 = arith.extui %lt3A_388 : i1 to i32
      %cond3A_390 = arith.constant 0 : i32
      %cond3A_391 = arith.cmpi ne, %convert_element_type3A_389, %cond3A_390 : i32
      scf.if %cond3A_391 {
        %add3A_1197 = arith.constant 1 : i32
        %add3A_1198 = arith.addi %add3A_374, %add3A_1197 : i32
        %mul3A_1199 = arith.constant 80 : i32
        %mul3A_1200 = arith.muli %add3A_1198, %mul3A_1199 : i32
        %add3A_1201 = arith.addi %mul3A_5, %mul3A_1200 : i32
        %dma_wait3A_1202 = tpu.memref_slice %arg3[%add3A_1201] : memref<320000xi32, #tpu.memory_space<hbm>> -> memref<80xi32, #tpu.memory_space<hbm>>
        %dma_wait3A_1203 = tpu.memref_slice %arg3[%add3A_1201] : memref<320000xi32, #tpu.memory_space<hbm>> -> memref<80xi32, #tpu.memory_space<hbm>>
        tpu.wait_dma2 semaphore(%arg25 : memref<!tpu.dma_semaphore, #tpu.memory_space<semaphore_mem>>) src(%dma_wait3A_1203 : memref<80xi32, #tpu.memory_space<hbm>>) dst(%arg14 : memref<80xi32, #tpu.memory_space<vmem>>)
        %mul3A_1204 = arith.constant 80 : i32
        %mul3A_1205 = arith.muli %add3A_1198, %mul3A_1204 : i32
        %add3A_1206 = arith.addi %mul3A_5, %mul3A_1205 : i32
        %dma_wait3A_1207 = tpu.memref_slice %arg4[%add3A_1206] : memref<320000xi32, #tpu.memory_space<hbm>> -> memref<80xi32, #tpu.memory_space<hbm>>
        %dma_wait3A_1208 = tpu.memref_slice %arg4[%add3A_1206] : memref<320000xi32, #tpu.memory_space<hbm>> -> memref<80xi32, #tpu.memory_space<hbm>>
        tpu.wait_dma2 semaphore(%arg25 : memref<!tpu.dma_semaphore, #tpu.memory_space<semaphore_mem>>) src(%dma_wait3A_1208 : memref<80xi32, #tpu.memory_space<hbm>>) dst(%arg18 : memref<80xi32, #tpu.memory_space<vmem>>)
        %dma_start3A_1209 = arith.constant 0 : i32
        %dma_start3A_1210 = arith.constant 0 : i32
        %dma_start3A_1211 = tpu.memref_slice %arg2[%dma_start3A_1209, %dma_start3A_1210] : memref<10000x128xf32, #tpu.memory_space<hbm>> -> memref<10000x128xf32, #tpu.memory_space<hbm>>
        tpu.enqueue_indirect_dma source(%dma_start3A_1211 : memref<10000x128xf32, #tpu.memory_space<hbm>>) target(%arg11 : memref<80x128xf32, #tpu.memory_space<vmem>>) offsets(%arg14 : memref<80xi32, #tpu.memory_space<vmem>>) semaphore(%arg22 : memref<!tpu.dma_semaphore, #tpu.memory_space<semaphore_mem>>)
      } else {
      }
      %dma_wait3A_392 = arith.constant 0 : i32
      %dma_wait3A_393 = arith.constant 0 : i32
      %dma_wait3A_394 = tpu.memref_slice %arg2[%dma_wait3A_392, %dma_wait3A_393] : memref<10000x128xf32, #tpu.memory_space<hbm>> -> memref<10000x128xf32, #tpu.memory_space<hbm>>
      tpu.wait_indirect_dma semaphore(%arg21 : memref<!tpu.dma_semaphore, #tpu.memory_space<semaphore_mem>>) src(%dma_wait3A_394 : memref<10000x128xf32, #tpu.memory_space<hbm>>) dst(%arg10 : memref<80x128xf32, #tpu.memory_space<vmem>>)
      %get3A_395 = arith.constant 0 : index
      %get3A_396 = tpu.vector_load %arg17[%get3A_395] {strides = array<i32>} : memref<80xi32, #tpu.memory_space<vmem>>, vector<16xi32>,
      %shift_right_arithmetic3A_397 = arith.constant 7 : i32
      %shift_right_arithmetic3A_398 = vector.broadcast %shift_right_arithmetic3A_397 : i32 to vector<16xi32>
      %shift_right_arithmetic3A_399 = arith.shrsi %get3A_396, %shift_right_arithmetic3A_398 : vector<16xi32>
      %and3A_400 = arith.constant 127 : i32
      %and3A_401 = vector.broadcast %and3A_400 : i32 to vector<16xi32>
      %and3A_402 = arith.andi %get3A_396, %and3A_401 : vector<16xi32>
      tpu.vector_store_idx %arg8[%shift_right_arithmetic3A_399, %and3A_402], %broadcast_in_dim3A_3 {add = true} : memref<80x128xf32, #tpu.memory_space<vmem>>[vector<16xi32>, vector<16xi32>], vector<16xf32>,
      %get3A_403 = arith.constant 16 : index
      %get3A_404 = tpu.vector_load %arg17[%get3A_403] {strides = array<i32>} : memref<80xi32, #tpu.memory_space<vmem>>, vector<16xi32>,
      %shift_right_arithmetic3A_405 = arith.constant 7 : i32
      %shift_right_arithmetic3A_406 = vector.broadcast %shift_right_arithmetic3A_405 : i32 to vector<16xi32>
      %shift_right_arithmetic3A_407 = arith.shrsi %get3A_404, %shift_right_arithmetic3A_406 : vector<16xi32>
      %and3A_408 = arith.constant 127 : i32
      %and3A_409 = vector.broadcast %and3A_408 : i32 to vector<16xi32>
      %and3A_410 = arith.andi %get3A_404, %and3A_409 : vector<16xi32>
      tpu.vector_store_idx %arg8[%shift_right_arithmetic3A_407, %and3A_410], %broadcast_in_dim3A_3 {add = true} : memref<80x128xf32, #tpu.memory_space<vmem>>[vector<16xi32>, vector<16xi32>], vector<16xf32>,
      %get3A_411 = arith.constant 32 : index
      %get3A_412 = tpu.vector_load %arg17[%get3A_411] {strides = array<i32>} : memref<80xi32, #tpu.memory_space<vmem>>, vector<16xi32>,
      %shift_right_arithmetic3A_413 = arith.constant 7 : i32
      %shift_right_arithmetic3A_414 = vector.broadcast %shift_right_arithmetic3A_413 : i32 to vector<16xi32>
      %shift_right_arithmetic3A_415 = arith.shrsi %get3A_412, %shift_right_arithmetic3A_414 : vector<16xi32>
      %and3A_416 = arith.constant 127 : i32
      %and3A_417 = vector.broadcast %and3A_416 : i32 to vector<16xi32>
      %and3A_418 = arith.andi %get3A_412, %and3A_417 : vector<16xi32>
      tpu.vector_store_idx %arg8[%shift_right_arithmetic3A_415, %and3A_418], %broadcast_in_dim3A_3 {add = true} : memref<80x128xf32, #tpu.memory_space<vmem>>[vector<16xi32>, vector<16xi32>], vector<16xf32>,
      %get3A_419 = arith.constant 48 : index
      %get3A_420 = tpu.vector_load %arg17[%get3A_419] {strides = array<i32>} : memref<80xi32, #tpu.memory_space<vmem>>, vector<16xi32>,
      %shift_right_arithmetic3A_421 = arith.constant 7 : i32
      %shift_right_arithmetic3A_422 = vector.broadcast %shift_right_arithmetic3A_421 : i32 to vector<16xi32>
      %shift_right_arithmetic3A_423 = arith.shrsi %get3A_420, %shift_right_arithmetic3A_422 : vector<16xi32>
      %and3A_424 = arith.constant 127 : i32
      %and3A_425 = vector.broadcast %and3A_424 : i32 to vector<16xi32>
      %and3A_426 = arith.andi %get3A_420, %and3A_425 : vector<16xi32>
      tpu.vector_store_idx %arg8[%shift_right_arithmetic3A_423, %and3A_426], %broadcast_in_dim3A_3 {add = true} : memref<80x128xf32, #tpu.memory_space<vmem>>[vector<16xi32>, vector<16xi32>], vector<16xf32>,
      %get3A_427 = arith.constant 64 : index
      %get3A_428 = tpu.vector_load %arg17[%get3A_427] {strides = array<i32>} : memref<80xi32, #tpu.memory_space<vmem>>, vector<16xi32>,
      %shift_right_arithmetic3A_429 = arith.constant 7 : i32
      %shift_right_arithmetic3A_430 = vector.broadcast %shift_right_arithmetic3A_429 : i32 to vector<16xi32>
      %shift_right_arithmetic3A_431 = arith.shrsi %get3A_428, %shift_right_arithmetic3A_430 : vector<16xi32>
      %and3A_432 = arith.constant 127 : i32
      %and3A_433 = vector.broadcast %and3A_432 : i32 to vector<16xi32>
      %and3A_434 = arith.andi %get3A_428, %and3A_433 : vector<16xi32>
      tpu.vector_store_idx %arg8[%shift_right_arithmetic3A_431, %and3A_434], %broadcast_in_dim3A_3 {add = true} : memref<80x128xf32, #tpu.memory_space<vmem>>[vector<16xi32>, vector<16xi32>], vector<16xf32>,
      %dma_start3A_435 = arith.constant 0 : i32
      %dma_start3A_436 = arith.constant 0 : i32
      %dma_start3A_437 = tpu.memref_slice %arg9[%dma_start3A_435, %dma_start3A_436] : memref<10000x128xf32, #tpu.memory_space<vmem_shared>> -> memref<10000x128xf32, #tpu.memory_space<vmem_shared>>
      tpu.enqueue_indirect_dma source(%arg10 : memref<80x128xf32, #tpu.memory_space<vmem>>) target(%dma_start3A_437 : memref<10000x128xf32, #tpu.memory_space<vmem_shared>>) offsets(%arg17 : memref<80xi32, #tpu.memory_space<vmem>>) semaphore(%arg28 : memref<!tpu.dma_semaphore, #tpu.memory_space<semaphore_mem>>) {add = true}
      %mul3A_438 = arith.constant 12 : i32
      %mul3A_439 = arith.muli %scan3A_370, %mul3A_438 : i32
      %add3A_440 = arith.constant 1 : i32
      %add3A_441 = arith.addi %mul3A_439, %add3A_440 : i32
      %ge3A_442 = arith.constant 2 : i32
      %ge3A_443 = arith.cmpi sge, %add3A_441, %ge3A_442 : i32
      %convert_element_type3A_444 = arith.extui %ge3A_443 : i1 to i32
      %cond3A_445 = arith.constant 0 : i32
      %cond3A_446 = arith.cmpi ne, %convert_element_type3A_444, %cond3A_445 : i32
      scf.if %cond3A_446 {
        %dma_wait3A_1197 = arith.constant 0 : i32
        %dma_wait3A_1198 = arith.constant 0 : i32
        %dma_wait3A_1199 = tpu.memref_slice %arg9[%dma_wait3A_1197, %dma_wait3A_1198] : memref<10000x128xf32, #tpu.memory_space<vmem_shared>> -> memref<10000x128xf32, #tpu.memory_space<vmem_shared>>
        tpu.wait_indirect_dma semaphore(%arg29 : memref<!tpu.dma_semaphore, #tpu.memory_space<semaphore_mem>>) src(%arg12 : memref<80x128xf32, #tpu.memory_space<vmem>>) dst(%dma_wait3A_1199 : memref<10000x128xf32, #tpu.memory_space<vmem_shared>>)
      } else {
      }
      %add3A_447 = arith.constant 2 : i32
      %add3A_448 = arith.addi %add3A_441, %add3A_447 : i32
      %lt3A_449 = arith.constant 125 : i32
      %lt3A_450 = arith.cmpi slt, %add3A_448, %lt3A_449 : i32
      %convert_element_type3A_451 = arith.extui %lt3A_450 : i1 to i32
      %cond3A_452 = arith.constant 0 : i32
      %cond3A_453 = arith.cmpi ne, %convert_element_type3A_451, %cond3A_452 : i32
      scf.if %cond3A_453 {
        %add3A_1197 = arith.constant 2 : i32
        %add3A_1198 = arith.addi %add3A_441, %add3A_1197 : i32
        %mul3A_1199 = arith.constant 80 : i32
        %mul3A_1200 = arith.muli %add3A_1198, %mul3A_1199 : i32
        %add3A_1201 = arith.addi %mul3A_5, %mul3A_1200 : i32
        %dma_start3A_1202 = tpu.memref_slice %arg3[%add3A_1201] : memref<320000xi32, #tpu.memory_space<hbm>> -> memref<80xi32, #tpu.memory_space<hbm>>
        %dma_start3A_1203 = tpu.memref_slice %arg3[%add3A_1201] : memref<320000xi32, #tpu.memory_space<hbm>> -> memref<80xi32, #tpu.memory_space<hbm>>
        tpu.enqueue_dma source(%dma_start3A_1203 : memref<80xi32, #tpu.memory_space<hbm>>) target(%arg16 : memref<80xi32, #tpu.memory_space<vmem>>) target_semaphore(%arg27 : memref<!tpu.dma_semaphore, #tpu.memory_space<semaphore_mem>>)
        %mul3A_1204 = arith.constant 80 : i32
        %mul3A_1205 = arith.muli %add3A_1198, %mul3A_1204 : i32
        %add3A_1206 = arith.addi %mul3A_5, %mul3A_1205 : i32
        %dma_start3A_1207 = tpu.memref_slice %arg4[%add3A_1206] : memref<320000xi32, #tpu.memory_space<hbm>> -> memref<80xi32, #tpu.memory_space<hbm>>
        %dma_start3A_1208 = tpu.memref_slice %arg4[%add3A_1206] : memref<320000xi32, #tpu.memory_space<hbm>> -> memref<80xi32, #tpu.memory_space<hbm>>
        tpu.enqueue_dma source(%dma_start3A_1208 : memref<80xi32, #tpu.memory_space<hbm>>) target(%arg20 : memref<80xi32, #tpu.memory_space<vmem>>) target_semaphore(%arg27 : memref<!tpu.dma_semaphore, #tpu.memory_space<semaphore_mem>>)
      } else {
      }
      %add3A_454 = arith.constant 1 : i32
      %add3A_455 = arith.addi %add3A_441, %add3A_454 : i32
      %lt3A_456 = arith.constant 125 : i32
      %lt3A_457 = arith.cmpi slt, %add3A_455, %lt3A_456 : i32
      %convert_element_type3A_458 = arith.extui %lt3A_457 : i1 to i32
      %cond3A_459 = arith.constant 0 : i32
      %cond3A_460 = arith.cmpi ne, %convert_element_type3A_458, %cond3A_459 : i32
      scf.if %cond3A_460 {
        %add3A_1197 = arith.constant 1 : i32
        %add3A_1198 = arith.addi %add3A_441, %add3A_1197 : i32
        %mul3A_1199 = arith.constant 80 : i32
        %mul3A_1200 = arith.muli %add3A_1198, %mul3A_1199 : i32
        %add3A_1201 = arith.addi %mul3A_5, %mul3A_1200 : i32
        %dma_wait3A_1202 = tpu.memref_slice %arg3[%add3A_1201] : memref<320000xi32, #tpu.memory_space<hbm>> -> memref<80xi32, #tpu.memory_space<hbm>>
        %dma_wait3A_1203 = tpu.memref_slice %arg3[%add3A_1201] : memref<320000xi32, #tpu.memory_space<hbm>> -> memref<80xi32, #tpu.memory_space<hbm>>
        tpu.wait_dma2 semaphore(%arg26 : memref<!tpu.dma_semaphore, #tpu.memory_space<semaphore_mem>>) src(%dma_wait3A_1203 : memref<80xi32, #tpu.memory_space<hbm>>) dst(%arg15 : memref<80xi32, #tpu.memory_space<vmem>>)
        %mul3A_1204 = arith.constant 80 : i32
        %mul3A_1205 = arith.muli %add3A_1198, %mul3A_1204 : i32
        %add3A_1206 = arith.addi %mul3A_5, %mul3A_1205 : i32
        %dma_wait3A_1207 = tpu.memref_slice %arg4[%add3A_1206] : memref<320000xi32, #tpu.memory_space<hbm>> -> memref<80xi32, #tpu.memory_space<hbm>>
        %dma_wait3A_1208 = tpu.memref_slice %arg4[%add3A_1206] : memref<320000xi32, #tpu.memory_space<hbm>> -> memref<80xi32, #tpu.memory_space<hbm>>
        tpu.wait_dma2 semaphore(%arg26 : memref<!tpu.dma_semaphore, #tpu.memory_space<semaphore_mem>>) src(%dma_wait3A_1208 : memref<80xi32, #tpu.memory_space<hbm>>) dst(%arg19 : memref<80xi32, #tpu.memory_space<vmem>>)
        %dma_start3A_1209 = arith.constant 0 : i32
        %dma_start3A_1210 = arith.constant 0 : i32
        %dma_start3A_1211 = tpu.memref_slice %arg2[%dma_start3A_1209, %dma_start3A_1210] : memref<10000x128xf32, #tpu.memory_space<hbm>> -> memref<10000x128xf32, #tpu.memory_space<hbm>>
        tpu.enqueue_indirect_dma source(%dma_start3A_1211 : memref<10000x128xf32, #tpu.memory_space<hbm>>) target(%arg12 : memref<80x128xf32, #tpu.memory_space<vmem>>) offsets(%arg15 : memref<80xi32, #tpu.memory_space<vmem>>) semaphore(%arg23 : memref<!tpu.dma_semaphore, #tpu.memory_space<semaphore_mem>>)
      } else {
      }
      %dma_wait3A_461 = arith.constant 0 : i32
      %dma_wait3A_462 = arith.constant 0 : i32
      %dma_wait3A_463 = tpu.memref_slice %arg2[%dma_wait3A_461, %dma_wait3A_462] : memref<10000x128xf32, #tpu.memory_space<hbm>> -> memref<10000x128xf32, #tpu.memory_space<hbm>>
      tpu.wait_indirect_dma semaphore(%arg22 : memref<!tpu.dma_semaphore, #tpu.memory_space<semaphore_mem>>) src(%dma_wait3A_463 : memref<10000x128xf32, #tpu.memory_space<hbm>>) dst(%arg11 : memref<80x128xf32, #tpu.memory_space<vmem>>)
      %get3A_464 = arith.constant 0 : index
      %get3A_465 = tpu.vector_load %arg18[%get3A_464] {strides = array<i32>} : memref<80xi32, #tpu.memory_space<vmem>>, vector<16xi32>,
      %shift_right_arithmetic3A_466 = arith.constant 7 : i32
      %shift_right_arithmetic3A_467 = vector.broadcast %shift_right_arithmetic3A_466 : i32 to vector<16xi32>
      %shift_right_arithmetic3A_468 = arith.shrsi %get3A_465, %shift_right_arithmetic3A_467 : vector<16xi32>
      %and3A_469 = arith.constant 127 : i32
      %and3A_470 = vector.broadcast %and3A_469 : i32 to vector<16xi32>
      %and3A_471 = arith.andi %get3A_465, %and3A_470 : vector<16xi32>
      tpu.vector_store_idx %arg8[%shift_right_arithmetic3A_468, %and3A_471], %broadcast_in_dim3A_3 {add = true} : memref<80x128xf32, #tpu.memory_space<vmem>>[vector<16xi32>, vector<16xi32>], vector<16xf32>,
      %get3A_472 = arith.constant 16 : index
      %get3A_473 = tpu.vector_load %arg18[%get3A_472] {strides = array<i32>} : memref<80xi32, #tpu.memory_space<vmem>>, vector<16xi32>,
      %shift_right_arithmetic3A_474 = arith.constant 7 : i32
      %shift_right_arithmetic3A_475 = vector.broadcast %shift_right_arithmetic3A_474 : i32 to vector<16xi32>
      %shift_right_arithmetic3A_476 = arith.shrsi %get3A_473, %shift_right_arithmetic3A_475 : vector<16xi32>
      %and3A_477 = arith.constant 127 : i32
      %and3A_478 = vector.broadcast %and3A_477 : i32 to vector<16xi32>
      %and3A_479 = arith.andi %get3A_473, %and3A_478 : vector<16xi32>
      tpu.vector_store_idx %arg8[%shift_right_arithmetic3A_476, %and3A_479], %broadcast_in_dim3A_3 {add = true} : memref<80x128xf32, #tpu.memory_space<vmem>>[vector<16xi32>, vector<16xi32>], vector<16xf32>,
      %get3A_480 = arith.constant 32 : index
      %get3A_481 = tpu.vector_load %arg18[%get3A_480] {strides = array<i32>} : memref<80xi32, #tpu.memory_space<vmem>>, vector<16xi32>,
      %shift_right_arithmetic3A_482 = arith.constant 7 : i32
      %shift_right_arithmetic3A_483 = vector.broadcast %shift_right_arithmetic3A_482 : i32 to vector<16xi32>
      %shift_right_arithmetic3A_484 = arith.shrsi %get3A_481, %shift_right_arithmetic3A_483 : vector<16xi32>
      %and3A_485 = arith.constant 127 : i32
      %and3A_486 = vector.broadcast %and3A_485 : i32 to vector<16xi32>
      %and3A_487 = arith.andi %get3A_481, %and3A_486 : vector<16xi32>
      tpu.vector_store_idx %arg8[%shift_right_arithmetic3A_484, %and3A_487], %broadcast_in_dim3A_3 {add = true} : memref<80x128xf32, #tpu.memory_space<vmem>>[vector<16xi32>, vector<16xi32>], vector<16xf32>,
      %get3A_488 = arith.constant 48 : index
      %get3A_489 = tpu.vector_load %arg18[%get3A_488] {strides = array<i32>} : memref<80xi32, #tpu.memory_space<vmem>>, vector<16xi32>,
      %shift_right_arithmetic3A_490 = arith.constant 7 : i32
      %shift_right_arithmetic3A_491 = vector.broadcast %shift_right_arithmetic3A_490 : i32 to vector<16xi32>
      %shift_right_arithmetic3A_492 = arith.shrsi %get3A_489, %shift_right_arithmetic3A_491 : vector<16xi32>
      %and3A_493 = arith.constant 127 : i32
      %and3A_494 = vector.broadcast %and3A_493 : i32 to vector<16xi32>
      %and3A_495 = arith.andi %get3A_489, %and3A_494 : vector<16xi32>
      tpu.vector_store_idx %arg8[%shift_right_arithmetic3A_492, %and3A_495], %broadcast_in_dim3A_3 {add = true} : memref<80x128xf32, #tpu.memory_space<vmem>>[vector<16xi32>, vector<16xi32>], vector<16xf32>,
      %get3A_496 = arith.constant 64 : index
      %get3A_497 = tpu.vector_load %arg18[%get3A_496] {strides = array<i32>} : memref<80xi32, #tpu.memory_space<vmem>>, vector<16xi32>,
      %shift_right_arithmetic3A_498 = arith.constant 7 : i32
      %shift_right_arithmetic3A_499 = vector.broadcast %shift_right_arithmetic3A_498 : i32 to vector<16xi32>
      %shift_right_arithmetic3A_500 = arith.shrsi %get3A_497, %shift_right_arithmetic3A_499 : vector<16xi32>
      %and3A_501 = arith.constant 127 : i32
      %and3A_502 = vector.broadcast %and3A_501 : i32 to vector<16xi32>
      %and3A_503 = arith.andi %get3A_497, %and3A_502 : vector<16xi32>
      tpu.vector_store_idx %arg8[%shift_right_arithmetic3A_500, %and3A_503], %broadcast_in_dim3A_3 {add = true} : memref<80x128xf32, #tpu.memory_space<vmem>>[vector<16xi32>, vector<16xi32>], vector<16xf32>,
      %dma_start3A_504 = arith.constant 0 : i32
      %dma_start3A_505 = arith.constant 0 : i32
      %dma_start3A_506 = tpu.memref_slice %arg9[%dma_start3A_504, %dma_start3A_505] : memref<10000x128xf32, #tpu.memory_space<vmem_shared>> -> memref<10000x128xf32, #tpu.memory_space<vmem_shared>>
      tpu.enqueue_indirect_dma source(%arg11 : memref<80x128xf32, #tpu.memory_space<vmem>>) target(%dma_start3A_506 : memref<10000x128xf32, #tpu.memory_space<vmem_shared>>) offsets(%arg18 : memref<80xi32, #tpu.memory_space<vmem>>) semaphore(%arg29 : memref<!tpu.dma_semaphore, #tpu.memory_space<semaphore_mem>>) {add = true}
      %mul3A_507 = arith.constant 12 : i32
      %mul3A_508 = arith.muli %scan3A_370, %mul3A_507 : i32
      %add3A_509 = arith.constant 2 : i32
      %add3A_510 = arith.addi %mul3A_508, %add3A_509 : i32
      %ge3A_511 = arith.constant 2 : i32
      %ge3A_512 = arith.cmpi sge, %add3A_510, %ge3A_511 : i32
      %convert_element_type3A_513 = arith.extui %ge3A_512 : i1 to i32
      %cond3A_514 = arith.constant 0 : i32
      %cond3A_515 = arith.cmpi ne, %convert_element_type3A_513, %cond3A_514 : i32
      scf.if %cond3A_515 {
        %dma_wait3A_1197 = arith.constant 0 : i32
        %dma_wait3A_1198 = arith.constant 0 : i32
        %dma_wait3A_1199 = tpu.memref_slice %arg9[%dma_wait3A_1197, %dma_wait3A_1198] : memref<10000x128xf32, #tpu.memory_space<vmem_shared>> -> memref<10000x128xf32, #tpu.memory_space<vmem_shared>>
        tpu.wait_indirect_dma semaphore(%arg28 : memref<!tpu.dma_semaphore, #tpu.memory_space<semaphore_mem>>) src(%arg10 : memref<80x128xf32, #tpu.memory_space<vmem>>) dst(%dma_wait3A_1199 : memref<10000x128xf32, #tpu.memory_space<vmem_shared>>)
      } else {
      }
      %add3A_516 = arith.constant 2 : i32
      %add3A_517 = arith.addi %add3A_510, %add3A_516 : i32
      %lt3A_518 = arith.constant 125 : i32
      %lt3A_519 = arith.cmpi slt, %add3A_517, %lt3A_518 : i32
      %convert_element_type3A_520 = arith.extui %lt3A_519 : i1 to i32
      %cond3A_521 = arith.constant 0 : i32
      %cond3A_522 = arith.cmpi ne, %convert_element_type3A_520, %cond3A_521 : i32
      scf.if %cond3A_522 {
        %add3A_1197 = arith.constant 2 : i32
        %add3A_1198 = arith.addi %add3A_510, %add3A_1197 : i32
        %mul3A_1199 = arith.constant 80 : i32
        %mul3A_1200 = arith.muli %add3A_1198, %mul3A_1199 : i32
        %add3A_1201 = arith.addi %mul3A_5, %mul3A_1200 : i32
        %dma_start3A_1202 = tpu.memref_slice %arg3[%add3A_1201] : memref<320000xi32, #tpu.memory_space<hbm>> -> memref<80xi32, #tpu.memory_space<hbm>>
        %dma_start3A_1203 = tpu.memref_slice %arg3[%add3A_1201] : memref<320000xi32, #tpu.memory_space<hbm>> -> memref<80xi32, #tpu.memory_space<hbm>>
        tpu.enqueue_dma source(%dma_start3A_1203 : memref<80xi32, #tpu.memory_space<hbm>>) target(%arg13 : memref<80xi32, #tpu.memory_space<vmem>>) target_semaphore(%arg24 : memref<!tpu.dma_semaphore, #tpu.memory_space<semaphore_mem>>)
        %mul3A_1204 = arith.constant 80 : i32
        %mul3A_1205 = arith.muli %add3A_1198, %mul3A_1204 : i32
        %add3A_1206 = arith.addi %mul3A_5, %mul3A_1205 : i32
        %dma_start3A_1207 = tpu.memref_slice %arg4[%add3A_1206] : memref<320000xi32, #tpu.memory_space<hbm>> -> memref<80xi32, #tpu.memory_space<hbm>>
        %dma_start3A_1208 = tpu.memref_slice %arg4[%add3A_1206] : memref<320000xi32, #tpu.memory_space<hbm>> -> memref<80xi32, #tpu.memory_space<hbm>>
        tpu.enqueue_dma source(%dma_start3A_1208 : memref<80xi32, #tpu.memory_space<hbm>>) target(%arg17 : memref<80xi32, #tpu.memory_space<vmem>>) target_semaphore(%arg24 : memref<!tpu.dma_semaphore, #tpu.memory_space<semaphore_mem>>)
      } else {
      }
      %add3A_523 = arith.constant 1 : i32
      %add3A_524 = arith.addi %add3A_510, %add3A_523 : i32
      %lt3A_525 = arith.constant 125 : i32
      %lt3A_526 = arith.cmpi slt, %add3A_524, %lt3A_525 : i32
      %convert_element_type3A_527 = arith.extui %lt3A_526 : i1 to i32
      %cond3A_528 = arith.constant 0 : i32
      %cond3A_529 = arith.cmpi ne, %convert_element_type3A_527, %cond3A_528 : i32
      scf.if %cond3A_529 {
        %add3A_1197 = arith.constant 1 : i32
        %add3A_1198 = arith.addi %add3A_510, %add3A_1197 : i32
        %mul3A_1199 = arith.constant 80 : i32
        %mul3A_1200 = arith.muli %add3A_1198, %mul3A_1199 : i32
        %add3A_1201 = arith.addi %mul3A_5, %mul3A_1200 : i32
        %dma_wait3A_1202 = tpu.memref_slice %arg3[%add3A_1201] : memref<320000xi32, #tpu.memory_space<hbm>> -> memref<80xi32, #tpu.memory_space<hbm>>
        %dma_wait3A_1203 = tpu.memref_slice %arg3[%add3A_1201] : memref<320000xi32, #tpu.memory_space<hbm>> -> memref<80xi32, #tpu.memory_space<hbm>>
        tpu.wait_dma2 semaphore(%arg27 : memref<!tpu.dma_semaphore, #tpu.memory_space<semaphore_mem>>) src(%dma_wait3A_1203 : memref<80xi32, #tpu.memory_space<hbm>>) dst(%arg16 : memref<80xi32, #tpu.memory_space<vmem>>)
        %mul3A_1204 = arith.constant 80 : i32
        %mul3A_1205 = arith.muli %add3A_1198, %mul3A_1204 : i32
        %add3A_1206 = arith.addi %mul3A_5, %mul3A_1205 : i32
        %dma_wait3A_1207 = tpu.memref_slice %arg4[%add3A_1206] : memref<320000xi32, #tpu.memory_space<hbm>> -> memref<80xi32, #tpu.memory_space<hbm>>
        %dma_wait3A_1208 = tpu.memref_slice %arg4[%add3A_1206] : memref<320000xi32, #tpu.memory_space<hbm>> -> memref<80xi32, #tpu.memory_space<hbm>>
        tpu.wait_dma2 semaphore(%arg27 : memref<!tpu.dma_semaphore, #tpu.memory_space<semaphore_mem>>) src(%dma_wait3A_1208 : memref<80xi32, #tpu.memory_space<hbm>>) dst(%arg20 : memref<80xi32, #tpu.memory_space<vmem>>)
        %dma_start3A_1209 = arith.constant 0 : i32
        %dma_start3A_1210 = arith.constant 0 : i32
        %dma_start3A_1211 = tpu.memref_slice %arg2[%dma_start3A_1209, %dma_start3A_1210] : memref<10000x128xf32, #tpu.memory_space<hbm>> -> memref<10000x128xf32, #tpu.memory_space<hbm>>
        tpu.enqueue_indirect_dma source(%dma_start3A_1211 : memref<10000x128xf32, #tpu.memory_space<hbm>>) target(%arg10 : memref<80x128xf32, #tpu.memory_space<vmem>>) offsets(%arg16 : memref<80xi32, #tpu.memory_space<vmem>>) semaphore(%arg21 : memref<!tpu.dma_semaphore, #tpu.memory_space<semaphore_mem>>)
      } else {
      }
      %dma_wait3A_530 = arith.constant 0 : i32
      %dma_wait3A_531 = arith.constant 0 : i32
      %dma_wait3A_532 = tpu.memref_slice %arg2[%dma_wait3A_530, %dma_wait3A_531] : memref<10000x128xf32, #tpu.memory_space<hbm>> -> memref<10000x128xf32, #tpu.memory_space<hbm>>
      tpu.wait_indirect_dma semaphore(%arg23 : memref<!tpu.dma_semaphore, #tpu.memory_space<semaphore_mem>>) src(%dma_wait3A_532 : memref<10000x128xf32, #tpu.memory_space<hbm>>) dst(%arg12 : memref<80x128xf32, #tpu.memory_space<vmem>>)
      %get3A_533 = arith.constant 0 : index
      %get3A_534 = tpu.vector_load %arg19[%get3A_533] {strides = array<i32>} : memref<80xi32, #tpu.memory_space<vmem>>, vector<16xi32>,
      %shift_right_arithmetic3A_535 = arith.constant 7 : i32
      %shift_right_arithmetic3A_536 = vector.broadcast %shift_right_arithmetic3A_535 : i32 to vector<16xi32>
      %shift_right_arithmetic3A_537 = arith.shrsi %get3A_534, %shift_right_arithmetic3A_536 : vector<16xi32>
      %and3A_538 = arith.constant 127 : i32
      %and3A_539 = vector.broadcast %and3A_538 : i32 to vector<16xi32>
      %and3A_540 = arith.andi %get3A_534, %and3A_539 : vector<16xi32>
      tpu.vector_store_idx %arg8[%shift_right_arithmetic3A_537, %and3A_540], %broadcast_in_dim3A_3 {add = true} : memref<80x128xf32, #tpu.memory_space<vmem>>[vector<16xi32>, vector<16xi32>], vector<16xf32>,
      %get3A_541 = arith.constant 16 : index
      %get3A_542 = tpu.vector_load %arg19[%get3A_541] {strides = array<i32>} : memref<80xi32, #tpu.memory_space<vmem>>, vector<16xi32>,
      %shift_right_arithmetic3A_543 = arith.constant 7 : i32
      %shift_right_arithmetic3A_544 = vector.broadcast %shift_right_arithmetic3A_543 : i32 to vector<16xi32>
      %shift_right_arithmetic3A_545 = arith.shrsi %get3A_542, %shift_right_arithmetic3A_544 : vector<16xi32>
      %and3A_546 = arith.constant 127 : i32
      %and3A_547 = vector.broadcast %and3A_546 : i32 to vector<16xi32>
      %and3A_548 = arith.andi %get3A_542, %and3A_547 : vector<16xi32>
      tpu.vector_store_idx %arg8[%shift_right_arithmetic3A_545, %and3A_548], %broadcast_in_dim3A_3 {add = true} : memref<80x128xf32, #tpu.memory_space<vmem>>[vector<16xi32>, vector<16xi32>], vector<16xf32>,
      %get3A_549 = arith.constant 32 : index
      %get3A_550 = tpu.vector_load %arg19[%get3A_549] {strides = array<i32>} : memref<80xi32, #tpu.memory_space<vmem>>, vector<16xi32>,
      %shift_right_arithmetic3A_551 = arith.constant 7 : i32
      %shift_right_arithmetic3A_552 = vector.broadcast %shift_right_arithmetic3A_551 : i32 to vector<16xi32>
      %shift_right_arithmetic3A_553 = arith.shrsi %get3A_550, %shift_right_arithmetic3A_552 : vector<16xi32>
      %and3A_554 = arith.constant 127 : i32
      %and3A_555 = vector.broadcast %and3A_554 : i32 to vector<16xi32>
      %and3A_556 = arith.andi %get3A_550, %and3A_555 : vector<16xi32>
      tpu.vector_store_idx %arg8[%shift_right_arithmetic3A_553, %and3A_556], %broadcast_in_dim3A_3 {add = true} : memref<80x128xf32, #tpu.memory_space<vmem>>[vector<16xi32>, vector<16xi32>], vector<16xf32>,
      %get3A_557 = arith.constant 48 : index
      %get3A_558 = tpu.vector_load %arg19[%get3A_557] {strides = array<i32>} : memref<80xi32, #tpu.memory_space<vmem>>, vector<16xi32>,
      %shift_right_arithmetic3A_559 = arith.constant 7 : i32
      %shift_right_arithmetic3A_560 = vector.broadcast %shift_right_arithmetic3A_559 : i32 to vector<16xi32>
      %shift_right_arithmetic3A_561 = arith.shrsi %get3A_558, %shift_right_arithmetic3A_560 : vector<16xi32>
      %and3A_562 = arith.constant 127 : i32
      %and3A_563 = vector.broadcast %and3A_562 : i32 to vector<16xi32>
      %and3A_564 = arith.andi %get3A_558, %and3A_563 : vector<16xi32>
      tpu.vector_store_idx %arg8[%shift_right_arithmetic3A_561, %and3A_564], %broadcast_in_dim3A_3 {add = true} : memref<80x128xf32, #tpu.memory_space<vmem>>[vector<16xi32>, vector<16xi32>], vector<16xf32>,
      %get3A_565 = arith.constant 64 : index
      %get3A_566 = tpu.vector_load %arg19[%get3A_565] {strides = array<i32>} : memref<80xi32, #tpu.memory_space<vmem>>, vector<16xi32>,
      %shift_right_arithmetic3A_567 = arith.constant 7 : i32
      %shift_right_arithmetic3A_568 = vector.broadcast %shift_right_arithmetic3A_567 : i32 to vector<16xi32>
      %shift_right_arithmetic3A_569 = arith.shrsi %get3A_566, %shift_right_arithmetic3A_568 : vector<16xi32>
      %and3A_570 = arith.constant 127 : i32
      %and3A_571 = vector.broadcast %and3A_570 : i32 to vector<16xi32>
      %and3A_572 = arith.andi %get3A_566, %and3A_571 : vector<16xi32>
      tpu.vector_store_idx %arg8[%shift_right_arithmetic3A_569, %and3A_572], %broadcast_in_dim3A_3 {add = true} : memref<80x128xf32, #tpu.memory_space<vmem>>[vector<16xi32>, vector<16xi32>], vector<16xf32>,
      %dma_start3A_573 = arith.constant 0 : i32
      %dma_start3A_574 = arith.constant 0 : i32
      %dma_start3A_575 = tpu.memref_slice %arg9[%dma_start3A_573, %dma_start3A_574] : memref<10000x128xf32, #tpu.memory_space<vmem_shared>> -> memref<10000x128xf32, #tpu.memory_space<vmem_shared>>
      tpu.enqueue_indirect_dma source(%arg12 : memref<80x128xf32, #tpu.memory_space<vmem>>) target(%dma_start3A_575 : memref<10000x128xf32, #tpu.memory_space<vmem_shared>>) offsets(%arg19 : memref<80xi32, #tpu.memory_space<vmem>>) semaphore(%arg28 : memref<!tpu.dma_semaphore, #tpu.memory_space<semaphore_mem>>) {add = true}
      %mul3A_576 = arith.constant 12 : i32
      %mul3A_577 = arith.muli %scan3A_370, %mul3A_576 : i32
      %add3A_578 = arith.constant 3 : i32
      %add3A_579 = arith.addi %mul3A_577, %add3A_578 : i32
      %ge3A_580 = arith.constant 2 : i32
      %ge3A_581 = arith.cmpi sge, %add3A_579, %ge3A_580 : i32
      %convert_element_type3A_582 = arith.extui %ge3A_581 : i1 to i32
      %cond3A_583 = arith.constant 0 : i32
      %cond3A_584 = arith.cmpi ne, %convert_element_type3A_582, %cond3A_583 : i32
      scf.if %cond3A_584 {
        %dma_wait3A_1197 = arith.constant 0 : i32
        %dma_wait3A_1198 = arith.constant 0 : i32
        %dma_wait3A_1199 = tpu.memref_slice %arg9[%dma_wait3A_1197, %dma_wait3A_1198] : memref<10000x128xf32, #tpu.memory_space<vmem_shared>> -> memref<10000x128xf32, #tpu.memory_space<vmem_shared>>
        tpu.wait_indirect_dma semaphore(%arg29 : memref<!tpu.dma_semaphore, #tpu.memory_space<semaphore_mem>>) src(%arg11 : memref<80x128xf32, #tpu.memory_space<vmem>>) dst(%dma_wait3A_1199 : memref<10000x128xf32, #tpu.memory_space<vmem_shared>>)
      } else {
      }
      %add3A_585 = arith.constant 2 : i32
      %add3A_586 = arith.addi %add3A_579, %add3A_585 : i32
      %lt3A_587 = arith.constant 125 : i32
      %lt3A_588 = arith.cmpi slt, %add3A_586, %lt3A_587 : i32
      %convert_element_type3A_589 = arith.extui %lt3A_588 : i1 to i32
      %cond3A_590 = arith.constant 0 : i32
      %cond3A_591 = arith.cmpi ne, %convert_element_type3A_589, %cond3A_590 : i32
      scf.if %cond3A_591 {
        %add3A_1197 = arith.constant 2 : i32
        %add3A_1198 = arith.addi %add3A_579, %add3A_1197 : i32
        %mul3A_1199 = arith.constant 80 : i32
        %mul3A_1200 = arith.muli %add3A_1198, %mul3A_1199 : i32
        %add3A_1201 = arith.addi %mul3A_5, %mul3A_1200 : i32
        %dma_start3A_1202 = tpu.memref_slice %arg3[%add3A_1201] : memref<320000xi32, #tpu.memory_space<hbm>> -> memref<80xi32, #tpu.memory_space<hbm>>
        %dma_start3A_1203 = tpu.memref_slice %arg3[%add3A_1201] : memref<320000xi32, #tpu.memory_space<hbm>> -> memref<80xi32, #tpu.memory_space<hbm>>
        tpu.enqueue_dma source(%dma_start3A_1203 : memref<80xi32, #tpu.memory_space<hbm>>) target(%arg14 : memref<80xi32, #tpu.memory_space<vmem>>) target_semaphore(%arg25 : memref<!tpu.dma_semaphore, #tpu.memory_space<semaphore_mem>>)
        %mul3A_1204 = arith.constant 80 : i32
        %mul3A_1205 = arith.muli %add3A_1198, %mul3A_1204 : i32
        %add3A_1206 = arith.addi %mul3A_5, %mul3A_1205 : i32
        %dma_start3A_1207 = tpu.memref_slice %arg4[%add3A_1206] : memref<320000xi32, #tpu.memory_space<hbm>> -> memref<80xi32, #tpu.memory_space<hbm>>
        %dma_start3A_1208 = tpu.memref_slice %arg4[%add3A_1206] : memref<320000xi32, #tpu.memory_space<hbm>> -> memref<80xi32, #tpu.memory_space<hbm>>
        tpu.enqueue_dma source(%dma_start3A_1208 : memref<80xi32, #tpu.memory_space<hbm>>) target(%arg18 : memref<80xi32, #tpu.memory_space<vmem>>) target_semaphore(%arg25 : memref<!tpu.dma_semaphore, #tpu.memory_space<semaphore_mem>>)
      } else {
      }
      %add3A_592 = arith.constant 1 : i32
      %add3A_593 = arith.addi %add3A_579, %add3A_592 : i32
      %lt3A_594 = arith.constant 125 : i32
      %lt3A_595 = arith.cmpi slt, %add3A_593, %lt3A_594 : i32
      %convert_element_type3A_596 = arith.extui %lt3A_595 : i1 to i32
      %cond3A_597 = arith.constant 0 : i32
      %cond3A_598 = arith.cmpi ne, %convert_element_type3A_596, %cond3A_597 : i32
      scf.if %cond3A_598 {
        %add3A_1197 = arith.constant 1 : i32
        %add3A_1198 = arith.addi %add3A_579, %add3A_1197 : i32
        %mul3A_1199 = arith.constant 80 : i32
        %mul3A_1200 = arith.muli %add3A_1198, %mul3A_1199 : i32
        %add3A_1201 = arith.addi %mul3A_5, %mul3A_1200 : i32
        %dma_wait3A_1202 = tpu.memref_slice %arg3[%add3A_1201] : memref<320000xi32, #tpu.memory_space<hbm>> -> memref<80xi32, #tpu.memory_space<hbm>>
        %dma_wait3A_1203 = tpu.memref_slice %arg3[%add3A_1201] : memref<320000xi32, #tpu.memory_space<hbm>> -> memref<80xi32, #tpu.memory_space<hbm>>
        tpu.wait_dma2 semaphore(%arg24 : memref<!tpu.dma_semaphore, #tpu.memory_space<semaphore_mem>>) src(%dma_wait3A_1203 : memref<80xi32, #tpu.memory_space<hbm>>) dst(%arg13 : memref<80xi32, #tpu.memory_space<vmem>>)
        %mul3A_1204 = arith.constant 80 : i32
        %mul3A_1205 = arith.muli %add3A_1198, %mul3A_1204 : i32
        %add3A_1206 = arith.addi %mul3A_5, %mul3A_1205 : i32
        %dma_wait3A_1207 = tpu.memref_slice %arg4[%add3A_1206] : memref<320000xi32, #tpu.memory_space<hbm>> -> memref<80xi32, #tpu.memory_space<hbm>>
        %dma_wait3A_1208 = tpu.memref_slice %arg4[%add3A_1206] : memref<320000xi32, #tpu.memory_space<hbm>> -> memref<80xi32, #tpu.memory_space<hbm>>
        tpu.wait_dma2 semaphore(%arg24 : memref<!tpu.dma_semaphore, #tpu.memory_space<semaphore_mem>>) src(%dma_wait3A_1208 : memref<80xi32, #tpu.memory_space<hbm>>) dst(%arg17 : memref<80xi32, #tpu.memory_space<vmem>>)
        %dma_start3A_1209 = arith.constant 0 : i32
        %dma_start3A_1210 = arith.constant 0 : i32
        %dma_start3A_1211 = tpu.memref_slice %arg2[%dma_start3A_1209, %dma_start3A_1210] : memref<10000x128xf32, #tpu.memory_space<hbm>> -> memref<10000x128xf32, #tpu.memory_space<hbm>>
        tpu.enqueue_indirect_dma source(%dma_start3A_1211 : memref<10000x128xf32, #tpu.memory_space<hbm>>) target(%arg11 : memref<80x128xf32, #tpu.memory_space<vmem>>) offsets(%arg13 : memref<80xi32, #tpu.memory_space<vmem>>) semaphore(%arg22 : memref<!tpu.dma_semaphore, #tpu.memory_space<semaphore_mem>>)
      } else {
      }
      %dma_wait3A_599 = arith.constant 0 : i32
      %dma_wait3A_600 = arith.constant 0 : i32
      %dma_wait3A_601 = tpu.memref_slice %arg2[%dma_wait3A_599, %dma_wait3A_600] : memref<10000x128xf32, #tpu.memory_space<hbm>> -> memref<10000x128xf32, #tpu.memory_space<hbm>>
      tpu.wait_indirect_dma semaphore(%arg21 : memref<!tpu.dma_semaphore, #tpu.memory_space<semaphore_mem>>) src(%dma_wait3A_601 : memref<10000x128xf32, #tpu.memory_space<hbm>>) dst(%arg10 : memref<80x128xf32, #tpu.memory_space<vmem>>)
      %get3A_602 = arith.constant 0 : index
      %get3A_603 = tpu.vector_load %arg20[%get3A_602] {strides = array<i32>} : memref<80xi32, #tpu.memory_space<vmem>>, vector<16xi32>,
      %shift_right_arithmetic3A_604 = arith.constant 7 : i32
      %shift_right_arithmetic3A_605 = vector.broadcast %shift_right_arithmetic3A_604 : i32 to vector<16xi32>
      %shift_right_arithmetic3A_606 = arith.shrsi %get3A_603, %shift_right_arithmetic3A_605 : vector<16xi32>
      %and3A_607 = arith.constant 127 : i32
      %and3A_608 = vector.broadcast %and3A_607 : i32 to vector<16xi32>
      %and3A_609 = arith.andi %get3A_603, %and3A_608 : vector<16xi32>
      tpu.vector_store_idx %arg8[%shift_right_arithmetic3A_606, %and3A_609], %broadcast_in_dim3A_3 {add = true} : memref<80x128xf32, #tpu.memory_space<vmem>>[vector<16xi32>, vector<16xi32>], vector<16xf32>,
      %get3A_610 = arith.constant 16 : index
      %get3A_611 = tpu.vector_load %arg20[%get3A_610] {strides = array<i32>} : memref<80xi32, #tpu.memory_space<vmem>>, vector<16xi32>,
      %shift_right_arithmetic3A_612 = arith.constant 7 : i32
      %shift_right_arithmetic3A_613 = vector.broadcast %shift_right_arithmetic3A_612 : i32 to vector<16xi32>
      %shift_right_arithmetic3A_614 = arith.shrsi %get3A_611, %shift_right_arithmetic3A_613 : vector<16xi32>
      %and3A_615 = arith.constant 127 : i32
      %and3A_616 = vector.broadcast %and3A_615 : i32 to vector<16xi32>
      %and3A_617 = arith.andi %get3A_611, %and3A_616 : vector<16xi32>
      tpu.vector_store_idx %arg8[%shift_right_arithmetic3A_614, %and3A_617], %broadcast_in_dim3A_3 {add = true} : memref<80x128xf32, #tpu.memory_space<vmem>>[vector<16xi32>, vector<16xi32>], vector<16xf32>,
      %get3A_618 = arith.constant 32 : index
      %get3A_619 = tpu.vector_load %arg20[%get3A_618] {strides = array<i32>} : memref<80xi32, #tpu.memory_space<vmem>>, vector<16xi32>,
      %shift_right_arithmetic3A_620 = arith.constant 7 : i32
      %shift_right_arithmetic3A_621 = vector.broadcast %shift_right_arithmetic3A_620 : i32 to vector<16xi32>
      %shift_right_arithmetic3A_622 = arith.shrsi %get3A_619, %shift_right_arithmetic3A_621 : vector<16xi32>
      %and3A_623 = arith.constant 127 : i32
      %and3A_624 = vector.broadcast %and3A_623 : i32 to vector<16xi32>
      %and3A_625 = arith.andi %get3A_619, %and3A_624 : vector<16xi32>
      tpu.vector_store_idx %arg8[%shift_right_arithmetic3A_622, %and3A_625], %broadcast_in_dim3A_3 {add = true} : memref<80x128xf32, #tpu.memory_space<vmem>>[vector<16xi32>, vector<16xi32>], vector<16xf32>,
      %get3A_626 = arith.constant 48 : index
      %get3A_627 = tpu.vector_load %arg20[%get3A_626] {strides = array<i32>} : memref<80xi32, #tpu.memory_space<vmem>>, vector<16xi32>,
      %shift_right_arithmetic3A_628 = arith.constant 7 : i32
      %shift_right_arithmetic3A_629 = vector.broadcast %shift_right_arithmetic3A_628 : i32 to vector<16xi32>
      %shift_right_arithmetic3A_630 = arith.shrsi %get3A_627, %shift_right_arithmetic3A_629 : vector<16xi32>
      %and3A_631 = arith.constant 127 : i32
      %and3A_632 = vector.broadcast %and3A_631 : i32 to vector<16xi32>
      %and3A_633 = arith.andi %get3A_627, %and3A_632 : vector<16xi32>
      tpu.vector_store_idx %arg8[%shift_right_arithmetic3A_630, %and3A_633], %broadcast_in_dim3A_3 {add = true} : memref<80x128xf32, #tpu.memory_space<vmem>>[vector<16xi32>, vector<16xi32>], vector<16xf32>,
      %get3A_634 = arith.constant 64 : index
      %get3A_635 = tpu.vector_load %arg20[%get3A_634] {strides = array<i32>} : memref<80xi32, #tpu.memory_space<vmem>>, vector<16xi32>,
      %shift_right_arithmetic3A_636 = arith.constant 7 : i32
      %shift_right_arithmetic3A_637 = vector.broadcast %shift_right_arithmetic3A_636 : i32 to vector<16xi32>
      %shift_right_arithmetic3A_638 = arith.shrsi %get3A_635, %shift_right_arithmetic3A_637 : vector<16xi32>
      %and3A_639 = arith.constant 127 : i32
      %and3A_640 = vector.broadcast %and3A_639 : i32 to vector<16xi32>
      %and3A_641 = arith.andi %get3A_635, %and3A_640 : vector<16xi32>
      tpu.vector_store_idx %arg8[%shift_right_arithmetic3A_638, %and3A_641], %broadcast_in_dim3A_3 {add = true} : memref<80x128xf32, #tpu.memory_space<vmem>>[vector<16xi32>, vector<16xi32>], vector<16xf32>,
      %dma_start3A_642 = arith.constant 0 : i32
      %dma_start3A_643 = arith.constant 0 : i32
      %dma_start3A_644 = tpu.memref_slice %arg9[%dma_start3A_642, %dma_start3A_643] : memref<10000x128xf32, #tpu.memory_space<vmem_shared>> -> memref<10000x128xf32, #tpu.memory_space<vmem_shared>>
      tpu.enqueue_indirect_dma source(%arg10 : memref<80x128xf32, #tpu.memory_space<vmem>>) target(%dma_start3A_644 : memref<10000x128xf32, #tpu.memory_space<vmem_shared>>) offsets(%arg20 : memref<80xi32, #tpu.memory_space<vmem>>) semaphore(%arg29 : memref<!tpu.dma_semaphore, #tpu.memory_space<semaphore_mem>>) {add = true}
      %mul3A_645 = arith.constant 12 : i32
      %mul3A_646 = arith.muli %scan3A_370, %mul3A_645 : i32
      %add3A_647 = arith.constant 4 : i32
      %add3A_648 = arith.addi %mul3A_646, %add3A_647 : i32
      %ge3A_649 = arith.constant 2 : i32
      %ge3A_650 = arith.cmpi sge, %add3A_648, %ge3A_649 : i32
      %convert_element_type3A_651 = arith.extui %ge3A_650 : i1 to i32
      %cond3A_652 = arith.constant 0 : i32
      %cond3A_653 = arith.cmpi ne, %convert_element_type3A_651, %cond3A_652 : i32
      scf.if %cond3A_653 {
        %dma_wait3A_1197 = arith.constant 0 : i32
        %dma_wait3A_1198 = arith.constant 0 : i32
        %dma_wait3A_1199 = tpu.memref_slice %arg9[%dma_wait3A_1197, %dma_wait3A_1198] : memref<10000x128xf32, #tpu.memory_space<vmem_shared>> -> memref<10000x128xf32, #tpu.memory_space<vmem_shared>>
        tpu.wait_indirect_dma semaphore(%arg28 : memref<!tpu.dma_semaphore, #tpu.memory_space<semaphore_mem>>) src(%arg12 : memref<80x128xf32, #tpu.memory_space<vmem>>) dst(%dma_wait3A_1199 : memref<10000x128xf32, #tpu.memory_space<vmem_shared>>)
      } else {
      }
      %add3A_654 = arith.constant 2 : i32
      %add3A_655 = arith.addi %add3A_648, %add3A_654 : i32
      %lt3A_656 = arith.constant 125 : i32
      %lt3A_657 = arith.cmpi slt, %add3A_655, %lt3A_656 : i32
      %convert_element_type3A_658 = arith.extui %lt3A_657 : i1 to i32
      %cond3A_659 = arith.constant 0 : i32
      %cond3A_660 = arith.cmpi ne, %convert_element_type3A_658, %cond3A_659 : i32
      scf.if %cond3A_660 {
        %add3A_1197 = arith.constant 2 : i32
        %add3A_1198 = arith.addi %add3A_648, %add3A_1197 : i32
        %mul3A_1199 = arith.constant 80 : i32
        %mul3A_1200 = arith.muli %add3A_1198, %mul3A_1199 : i32
        %add3A_1201 = arith.addi %mul3A_5, %mul3A_1200 : i32
        %dma_start3A_1202 = tpu.memref_slice %arg3[%add3A_1201] : memref<320000xi32, #tpu.memory_space<hbm>> -> memref<80xi32, #tpu.memory_space<hbm>>
        %dma_start3A_1203 = tpu.memref_slice %arg3[%add3A_1201] : memref<320000xi32, #tpu.memory_space<hbm>> -> memref<80xi32, #tpu.memory_space<hbm>>
        tpu.enqueue_dma source(%dma_start3A_1203 : memref<80xi32, #tpu.memory_space<hbm>>) target(%arg15 : memref<80xi32, #tpu.memory_space<vmem>>) target_semaphore(%arg26 : memref<!tpu.dma_semaphore, #tpu.memory_space<semaphore_mem>>)
        %mul3A_1204 = arith.constant 80 : i32
        %mul3A_1205 = arith.muli %add3A_1198, %mul3A_1204 : i32
        %add3A_1206 = arith.addi %mul3A_5, %mul3A_1205 : i32
        %dma_start3A_1207 = tpu.memref_slice %arg4[%add3A_1206] : memref<320000xi32, #tpu.memory_space<hbm>> -> memref<80xi32, #tpu.memory_space<hbm>>
        %dma_start3A_1208 = tpu.memref_slice %arg4[%add3A_1206] : memref<320000xi32, #tpu.memory_space<hbm>> -> memref<80xi32, #tpu.memory_space<hbm>>
        tpu.enqueue_dma source(%dma_start3A_1208 : memref<80xi32, #tpu.memory_space<hbm>>) target(%arg19 : memref<80xi32, #tpu.memory_space<vmem>>) target_semaphore(%arg26 : memref<!tpu.dma_semaphore, #tpu.memory_space<semaphore_mem>>)
      } else {
      }
      %add3A_661 = arith.constant 1 : i32
      %add3A_662 = arith.addi %add3A_648, %add3A_661 : i32
      %lt3A_663 = arith.constant 125 : i32
      %lt3A_664 = arith.cmpi slt, %add3A_662, %lt3A_663 : i32
      %convert_element_type3A_665 = arith.extui %lt3A_664 : i1 to i32
      %cond3A_666 = arith.constant 0 : i32
      %cond3A_667 = arith.cmpi ne, %convert_element_type3A_665, %cond3A_666 : i32
      scf.if %cond3A_667 {
        %add3A_1197 = arith.constant 1 : i32
        %add3A_1198 = arith.addi %add3A_648, %add3A_1197 : i32
        %mul3A_1199 = arith.constant 80 : i32
        %mul3A_1200 = arith.muli %add3A_1198, %mul3A_1199 : i32
        %add3A_1201 = arith.addi %mul3A_5, %mul3A_1200 : i32
        %dma_wait3A_1202 = tpu.memref_slice %arg3[%add3A_1201] : memref<320000xi32, #tpu.memory_space<hbm>> -> memref<80xi32, #tpu.memory_space<hbm>>
        %dma_wait3A_1203 = tpu.memref_slice %arg3[%add3A_1201] : memref<320000xi32, #tpu.memory_space<hbm>> -> memref<80xi32, #tpu.memory_space<hbm>>
        tpu.wait_dma2 semaphore(%arg25 : memref<!tpu.dma_semaphore, #tpu.memory_space<semaphore_mem>>) src(%dma_wait3A_1203 : memref<80xi32, #tpu.memory_space<hbm>>) dst(%arg14 : memref<80xi32, #tpu.memory_space<vmem>>)
        %mul3A_1204 = arith.constant 80 : i32
        %mul3A_1205 = arith.muli %add3A_1198, %mul3A_1204 : i32
        %add3A_1206 = arith.addi %mul3A_5, %mul3A_1205 : i32
        %dma_wait3A_1207 = tpu.memref_slice %arg4[%add3A_1206] : memref<320000xi32, #tpu.memory_space<hbm>> -> memref<80xi32, #tpu.memory_space<hbm>>
        %dma_wait3A_1208 = tpu.memref_slice %arg4[%add3A_1206] : memref<320000xi32, #tpu.memory_space<hbm>> -> memref<80xi32, #tpu.memory_space<hbm>>
        tpu.wait_dma2 semaphore(%arg25 : memref<!tpu.dma_semaphore, #tpu.memory_space<semaphore_mem>>) src(%dma_wait3A_1208 : memref<80xi32, #tpu.memory_space<hbm>>) dst(%arg18 : memref<80xi32, #tpu.memory_space<vmem>>)
        %dma_start3A_1209 = arith.constant 0 : i32
        %dma_start3A_1210 = arith.constant 0 : i32
        %dma_start3A_1211 = tpu.memref_slice %arg2[%dma_start3A_1209, %dma_start3A_1210] : memref<10000x128xf32, #tpu.memory_space<hbm>> -> memref<10000x128xf32, #tpu.memory_space<hbm>>
        tpu.enqueue_indirect_dma source(%dma_start3A_1211 : memref<10000x128xf32, #tpu.memory_space<hbm>>) target(%arg12 : memref<80x128xf32, #tpu.memory_space<vmem>>) offsets(%arg14 : memref<80xi32, #tpu.memory_space<vmem>>) semaphore(%arg23 : memref<!tpu.dma_semaphore, #tpu.memory_space<semaphore_mem>>)
      } else {
      }
      %dma_wait3A_668 = arith.constant 0 : i32
      %dma_wait3A_669 = arith.constant 0 : i32
      %dma_wait3A_670 = tpu.memref_slice %arg2[%dma_wait3A_668, %dma_wait3A_669] : memref<10000x128xf32, #tpu.memory_space<hbm>> -> memref<10000x128xf32, #tpu.memory_space<hbm>>
      tpu.wait_indirect_dma semaphore(%arg22 : memref<!tpu.dma_semaphore, #tpu.memory_space<semaphore_mem>>) src(%dma_wait3A_670 : memref<10000x128xf32, #tpu.memory_space<hbm>>) dst(%arg11 : memref<80x128xf32, #tpu.memory_space<vmem>>)
      %get3A_671 = arith.constant 0 : index
      %get3A_672 = tpu.vector_load %arg17[%get3A_671] {strides = array<i32>} : memref<80xi32, #tpu.memory_space<vmem>>, vector<16xi32>,
      %shift_right_arithmetic3A_673 = arith.constant 7 : i32
      %shift_right_arithmetic3A_674 = vector.broadcast %shift_right_arithmetic3A_673 : i32 to vector<16xi32>
      %shift_right_arithmetic3A_675 = arith.shrsi %get3A_672, %shift_right_arithmetic3A_674 : vector<16xi32>
      %and3A_676 = arith.constant 127 : i32
      %and3A_677 = vector.broadcast %and3A_676 : i32 to vector<16xi32>
      %and3A_678 = arith.andi %get3A_672, %and3A_677 : vector<16xi32>
      tpu.vector_store_idx %arg8[%shift_right_arithmetic3A_675, %and3A_678], %broadcast_in_dim3A_3 {add = true} : memref<80x128xf32, #tpu.memory_space<vmem>>[vector<16xi32>, vector<16xi32>], vector<16xf32>,
      %get3A_679 = arith.constant 16 : index
      %get3A_680 = tpu.vector_load %arg17[%get3A_679] {strides = array<i32>} : memref<80xi32, #tpu.memory_space<vmem>>, vector<16xi32>,
      %shift_right_arithmetic3A_681 = arith.constant 7 : i32
      %shift_right_arithmetic3A_682 = vector.broadcast %shift_right_arithmetic3A_681 : i32 to vector<16xi32>
      %shift_right_arithmetic3A_683 = arith.shrsi %get3A_680, %shift_right_arithmetic3A_682 : vector<16xi32>
      %and3A_684 = arith.constant 127 : i32
      %and3A_685 = vector.broadcast %and3A_684 : i32 to vector<16xi32>
      %and3A_686 = arith.andi %get3A_680, %and3A_685 : vector<16xi32>
      tpu.vector_store_idx %arg8[%shift_right_arithmetic3A_683, %and3A_686], %broadcast_in_dim3A_3 {add = true} : memref<80x128xf32, #tpu.memory_space<vmem>>[vector<16xi32>, vector<16xi32>], vector<16xf32>,
      %get3A_687 = arith.constant 32 : index
      %get3A_688 = tpu.vector_load %arg17[%get3A_687] {strides = array<i32>} : memref<80xi32, #tpu.memory_space<vmem>>, vector<16xi32>,
      %shift_right_arithmetic3A_689 = arith.constant 7 : i32
      %shift_right_arithmetic3A_690 = vector.broadcast %shift_right_arithmetic3A_689 : i32 to vector<16xi32>
      %shift_right_arithmetic3A_691 = arith.shrsi %get3A_688, %shift_right_arithmetic3A_690 : vector<16xi32>
      %and3A_692 = arith.constant 127 : i32
      %and3A_693 = vector.broadcast %and3A_692 : i32 to vector<16xi32>
      %and3A_694 = arith.andi %get3A_688, %and3A_693 : vector<16xi32>
      tpu.vector_store_idx %arg8[%shift_right_arithmetic3A_691, %and3A_694], %broadcast_in_dim3A_3 {add = true} : memref<80x128xf32, #tpu.memory_space<vmem>>[vector<16xi32>, vector<16xi32>], vector<16xf32>,
      %get3A_695 = arith.constant 48 : index
      %get3A_696 = tpu.vector_load %arg17[%get3A_695] {strides = array<i32>} : memref<80xi32, #tpu.memory_space<vmem>>, vector<16xi32>,
      %shift_right_arithmetic3A_697 = arith.constant 7 : i32
      %shift_right_arithmetic3A_698 = vector.broadcast %shift_right_arithmetic3A_697 : i32 to vector<16xi32>
      %shift_right_arithmetic3A_699 = arith.shrsi %get3A_696, %shift_right_arithmetic3A_698 : vector<16xi32>
      %and3A_700 = arith.constant 127 : i32
      %and3A_701 = vector.broadcast %and3A_700 : i32 to vector<16xi32>
      %and3A_702 = arith.andi %get3A_696, %and3A_701 : vector<16xi32>
      tpu.vector_store_idx %arg8[%shift_right_arithmetic3A_699, %and3A_702], %broadcast_in_dim3A_3 {add = true} : memref<80x128xf32, #tpu.memory_space<vmem>>[vector<16xi32>, vector<16xi32>], vector<16xf32>,
      %get3A_703 = arith.constant 64 : index
      %get3A_704 = tpu.vector_load %arg17[%get3A_703] {strides = array<i32>} : memref<80xi32, #tpu.memory_space<vmem>>, vector<16xi32>,
      %shift_right_arithmetic3A_705 = arith.constant 7 : i32
      %shift_right_arithmetic3A_706 = vector.broadcast %shift_right_arithmetic3A_705 : i32 to vector<16xi32>
      %shift_right_arithmetic3A_707 = arith.shrsi %get3A_704, %shift_right_arithmetic3A_706 : vector<16xi32>
      %and3A_708 = arith.constant 127 : i32
      %and3A_709 = vector.broadcast %and3A_708 : i32 to vector<16xi32>
      %and3A_710 = arith.andi %get3A_704, %and3A_709 : vector<16xi32>
      tpu.vector_store_idx %arg8[%shift_right_arithmetic3A_707, %and3A_710], %broadcast_in_dim3A_3 {add = true} : memref<80x128xf32, #tpu.memory_space<vmem>>[vector<16xi32>, vector<16xi32>], vector<16xf32>,
      %dma_start3A_711 = arith.constant 0 : i32
      %dma_start3A_712 = arith.constant 0 : i32
      %dma_start3A_713 = tpu.memref_slice %arg9[%dma_start3A_711, %dma_start3A_712] : memref<10000x128xf32, #tpu.memory_space<vmem_shared>> -> memref<10000x128xf32, #tpu.memory_space<vmem_shared>>
      tpu.enqueue_indirect_dma source(%arg11 : memref<80x128xf32, #tpu.memory_space<vmem>>) target(%dma_start3A_713 : memref<10000x128xf32, #tpu.memory_space<vmem_shared>>) offsets(%arg17 : memref<80xi32, #tpu.memory_space<vmem>>) semaphore(%arg28 : memref<!tpu.dma_semaphore, #tpu.memory_space<semaphore_mem>>) {add = true}
      %mul3A_714 = arith.constant 12 : i32
      %mul3A_715 = arith.muli %scan3A_370, %mul3A_714 : i32
      %add3A_716 = arith.constant 5 : i32
      %add3A_717 = arith.addi %mul3A_715, %add3A_716 : i32
      %ge3A_718 = arith.constant 2 : i32
      %ge3A_719 = arith.cmpi sge, %add3A_717, %ge3A_718 : i32
      %convert_element_type3A_720 = arith.extui %ge3A_719 : i1 to i32
      %cond3A_721 = arith.constant 0 : i32
      %cond3A_722 = arith.cmpi ne, %convert_element_type3A_720, %cond3A_721 : i32
      scf.if %cond3A_722 {
        %dma_wait3A_1197 = arith.constant 0 : i32
        %dma_wait3A_1198 = arith.constant 0 : i32
        %dma_wait3A_1199 = tpu.memref_slice %arg9[%dma_wait3A_1197, %dma_wait3A_1198] : memref<10000x128xf32, #tpu.memory_space<vmem_shared>> -> memref<10000x128xf32, #tpu.memory_space<vmem_shared>>
        tpu.wait_indirect_dma semaphore(%arg29 : memref<!tpu.dma_semaphore, #tpu.memory_space<semaphore_mem>>) src(%arg10 : memref<80x128xf32, #tpu.memory_space<vmem>>) dst(%dma_wait3A_1199 : memref<10000x128xf32, #tpu.memory_space<vmem_shared>>)
      } else {
      }
      %add3A_723 = arith.constant 2 : i32
      %add3A_724 = arith.addi %add3A_717, %add3A_723 : i32
      %lt3A_725 = arith.constant 125 : i32
      %lt3A_726 = arith.cmpi slt, %add3A_724, %lt3A_725 : i32
      %convert_element_type3A_727 = arith.extui %lt3A_726 : i1 to i32
      %cond3A_728 = arith.constant 0 : i32
      %cond3A_729 = arith.cmpi ne, %convert_element_type3A_727, %cond3A_728 : i32
      scf.if %cond3A_729 {
        %add3A_1197 = arith.constant 2 : i32
        %add3A_1198 = arith.addi %add3A_717, %add3A_1197 : i32
        %mul3A_1199 = arith.constant 80 : i32
        %mul3A_1200 = arith.muli %add3A_1198, %mul3A_1199 : i32
        %add3A_1201 = arith.addi %mul3A_5, %mul3A_1200 : i32
        %dma_start3A_1202 = tpu.memref_slice %arg3[%add3A_1201] : memref<320000xi32, #tpu.memory_space<hbm>> -> memref<80xi32, #tpu.memory_space<hbm>>
        %dma_start3A_1203 = tpu.memref_slice %arg3[%add3A_1201] : memref<320000xi32, #tpu.memory_space<hbm>> -> memref<80xi32, #tpu.memory_space<hbm>>
        tpu.enqueue_dma source(%dma_start3A_1203 : memref<80xi32, #tpu.memory_space<hbm>>) target(%arg16 : memref<80xi32, #tpu.memory_space<vmem>>) target_semaphore(%arg27 : memref<!tpu.dma_semaphore, #tpu.memory_space<semaphore_mem>>)
        %mul3A_1204 = arith.constant 80 : i32
        %mul3A_1205 = arith.muli %add3A_1198, %mul3A_1204 : i32
        %add3A_1206 = arith.addi %mul3A_5, %mul3A_1205 : i32
        %dma_start3A_1207 = tpu.memref_slice %arg4[%add3A_1206] : memref<320000xi32, #tpu.memory_space<hbm>> -> memref<80xi32, #tpu.memory_space<hbm>>
        %dma_start3A_1208 = tpu.memref_slice %arg4[%add3A_1206] : memref<320000xi32, #tpu.memory_space<hbm>> -> memref<80xi32, #tpu.memory_space<hbm>>
        tpu.enqueue_dma source(%dma_start3A_1208 : memref<80xi32, #tpu.memory_space<hbm>>) target(%arg20 : memref<80xi32, #tpu.memory_space<vmem>>) target_semaphore(%arg27 : memref<!tpu.dma_semaphore, #tpu.memory_space<semaphore_mem>>)
      } else {
      }
      %add3A_730 = arith.constant 1 : i32
      %add3A_731 = arith.addi %add3A_717, %add3A_730 : i32
      %lt3A_732 = arith.constant 125 : i32
      %lt3A_733 = arith.cmpi slt, %add3A_731, %lt3A_732 : i32
      %convert_element_type3A_734 = arith.extui %lt3A_733 : i1 to i32
      %cond3A_735 = arith.constant 0 : i32
      %cond3A_736 = arith.cmpi ne, %convert_element_type3A_734, %cond3A_735 : i32
      scf.if %cond3A_736 {
        %add3A_1197 = arith.constant 1 : i32
        %add3A_1198 = arith.addi %add3A_717, %add3A_1197 : i32
        %mul3A_1199 = arith.constant 80 : i32
        %mul3A_1200 = arith.muli %add3A_1198, %mul3A_1199 : i32
        %add3A_1201 = arith.addi %mul3A_5, %mul3A_1200 : i32
        %dma_wait3A_1202 = tpu.memref_slice %arg3[%add3A_1201] : memref<320000xi32, #tpu.memory_space<hbm>> -> memref<80xi32, #tpu.memory_space<hbm>>
        %dma_wait3A_1203 = tpu.memref_slice %arg3[%add3A_1201] : memref<320000xi32, #tpu.memory_space<hbm>> -> memref<80xi32, #tpu.memory_space<hbm>>
        tpu.wait_dma2 semaphore(%arg26 : memref<!tpu.dma_semaphore, #tpu.memory_space<semaphore_mem>>) src(%dma_wait3A_1203 : memref<80xi32, #tpu.memory_space<hbm>>) dst(%arg15 : memref<80xi32, #tpu.memory_space<vmem>>)
        %mul3A_1204 = arith.constant 80 : i32
        %mul3A_1205 = arith.muli %add3A_1198, %mul3A_1204 : i32
        %add3A_1206 = arith.addi %mul3A_5, %mul3A_1205 : i32
        %dma_wait3A_1207 = tpu.memref_slice %arg4[%add3A_1206] : memref<320000xi32, #tpu.memory_space<hbm>> -> memref<80xi32, #tpu.memory_space<hbm>>
        %dma_wait3A_1208 = tpu.memref_slice %arg4[%add3A_1206] : memref<320000xi32, #tpu.memory_space<hbm>> -> memref<80xi32, #tpu.memory_space<hbm>>
        tpu.wait_dma2 semaphore(%arg26 : memref<!tpu.dma_semaphore, #tpu.memory_space<semaphore_mem>>) src(%dma_wait3A_1208 : memref<80xi32, #tpu.memory_space<hbm>>) dst(%arg19 : memref<80xi32, #tpu.memory_space<vmem>>)
        %dma_start3A_1209 = arith.constant 0 : i32
        %dma_start3A_1210 = arith.constant 0 : i32
        %dma_start3A_1211 = tpu.memref_slice %arg2[%dma_start3A_1209, %dma_start3A_1210] : memref<10000x128xf32, #tpu.memory_space<hbm>> -> memref<10000x128xf32, #tpu.memory_space<hbm>>
        tpu.enqueue_indirect_dma source(%dma_start3A_1211 : memref<10000x128xf32, #tpu.memory_space<hbm>>) target(%arg10 : memref<80x128xf32, #tpu.memory_space<vmem>>) offsets(%arg15 : memref<80xi32, #tpu.memory_space<vmem>>) semaphore(%arg21 : memref<!tpu.dma_semaphore, #tpu.memory_space<semaphore_mem>>)
      } else {
      }
      %dma_wait3A_737 = arith.constant 0 : i32
      %dma_wait3A_738 = arith.constant 0 : i32
      %dma_wait3A_739 = tpu.memref_slice %arg2[%dma_wait3A_737, %dma_wait3A_738] : memref<10000x128xf32, #tpu.memory_space<hbm>> -> memref<10000x128xf32, #tpu.memory_space<hbm>>
      tpu.wait_indirect_dma semaphore(%arg23 : memref<!tpu.dma_semaphore, #tpu.memory_space<semaphore_mem>>) src(%dma_wait3A_739 : memref<10000x128xf32, #tpu.memory_space<hbm>>) dst(%arg12 : memref<80x128xf32, #tpu.memory_space<vmem>>)
      %get3A_740 = arith.constant 0 : index
      %get3A_741 = tpu.vector_load %arg18[%get3A_740] {strides = array<i32>} : memref<80xi32, #tpu.memory_space<vmem>>, vector<16xi32>,
      %shift_right_arithmetic3A_742 = arith.constant 7 : i32
      %shift_right_arithmetic3A_743 = vector.broadcast %shift_right_arithmetic3A_742 : i32 to vector<16xi32>
      %shift_right_arithmetic3A_744 = arith.shrsi %get3A_741, %shift_right_arithmetic3A_743 : vector<16xi32>
      %and3A_745 = arith.constant 127 : i32
      %and3A_746 = vector.broadcast %and3A_745 : i32 to vector<16xi32>
      %and3A_747 = arith.andi %get3A_741, %and3A_746 : vector<16xi32>
      tpu.vector_store_idx %arg8[%shift_right_arithmetic3A_744, %and3A_747], %broadcast_in_dim3A_3 {add = true} : memref<80x128xf32, #tpu.memory_space<vmem>>[vector<16xi32>, vector<16xi32>], vector<16xf32>,
      %get3A_748 = arith.constant 16 : index
      %get3A_749 = tpu.vector_load %arg18[%get3A_748] {strides = array<i32>} : memref<80xi32, #tpu.memory_space<vmem>>, vector<16xi32>,
      %shift_right_arithmetic3A_750 = arith.constant 7 : i32
      %shift_right_arithmetic3A_751 = vector.broadcast %shift_right_arithmetic3A_750 : i32 to vector<16xi32>
      %shift_right_arithmetic3A_752 = arith.shrsi %get3A_749, %shift_right_arithmetic3A_751 : vector<16xi32>
      %and3A_753 = arith.constant 127 : i32
      %and3A_754 = vector.broadcast %and3A_753 : i32 to vector<16xi32>
      %and3A_755 = arith.andi %get3A_749, %and3A_754 : vector<16xi32>
      tpu.vector_store_idx %arg8[%shift_right_arithmetic3A_752, %and3A_755], %broadcast_in_dim3A_3 {add = true} : memref<80x128xf32, #tpu.memory_space<vmem>>[vector<16xi32>, vector<16xi32>], vector<16xf32>,
      %get3A_756 = arith.constant 32 : index
      %get3A_757 = tpu.vector_load %arg18[%get3A_756] {strides = array<i32>} : memref<80xi32, #tpu.memory_space<vmem>>, vector<16xi32>,
      %shift_right_arithmetic3A_758 = arith.constant 7 : i32
      %shift_right_arithmetic3A_759 = vector.broadcast %shift_right_arithmetic3A_758 : i32 to vector<16xi32>
      %shift_right_arithmetic3A_760 = arith.shrsi %get3A_757, %shift_right_arithmetic3A_759 : vector<16xi32>
      %and3A_761 = arith.constant 127 : i32
      %and3A_762 = vector.broadcast %and3A_761 : i32 to vector<16xi32>
      %and3A_763 = arith.andi %get3A_757, %and3A_762 : vector<16xi32>
      tpu.vector_store_idx %arg8[%shift_right_arithmetic3A_760, %and3A_763], %broadcast_in_dim3A_3 {add = true} : memref<80x128xf32, #tpu.memory_space<vmem>>[vector<16xi32>, vector<16xi32>], vector<16xf32>,
      %get3A_764 = arith.constant 48 : index
      %get3A_765 = tpu.vector_load %arg18[%get3A_764] {strides = array<i32>} : memref<80xi32, #tpu.memory_space<vmem>>, vector<16xi32>,
      %shift_right_arithmetic3A_766 = arith.constant 7 : i32
      %shift_right_arithmetic3A_767 = vector.broadcast %shift_right_arithmetic3A_766 : i32 to vector<16xi32>
      %shift_right_arithmetic3A_768 = arith.shrsi %get3A_765, %shift_right_arithmetic3A_767 : vector<16xi32>
      %and3A_769 = arith.constant 127 : i32
      %and3A_770 = vector.broadcast %and3A_769 : i32 to vector<16xi32>
      %and3A_771 = arith.andi %get3A_765, %and3A_770 : vector<16xi32>
      tpu.vector_store_idx %arg8[%shift_right_arithmetic3A_768, %and3A_771], %broadcast_in_dim3A_3 {add = true} : memref<80x128xf32, #tpu.memory_space<vmem>>[vector<16xi32>, vector<16xi32>], vector<16xf32>,
      %get3A_772 = arith.constant 64 : index
      %get3A_773 = tpu.vector_load %arg18[%get3A_772] {strides = array<i32>} : memref<80xi32, #tpu.memory_space<vmem>>, vector<16xi32>,
      %shift_right_arithmetic3A_774 = arith.constant 7 : i32
      %shift_right_arithmetic3A_775 = vector.broadcast %shift_right_arithmetic3A_774 : i32 to vector<16xi32>
      %shift_right_arithmetic3A_776 = arith.shrsi %get3A_773, %shift_right_arithmetic3A_775 : vector<16xi32>
      %and3A_777 = arith.constant 127 : i32
      %and3A_778 = vector.broadcast %and3A_777 : i32 to vector<16xi32>
      %and3A_779 = arith.andi %get3A_773, %and3A_778 : vector<16xi32>
      tpu.vector_store_idx %arg8[%shift_right_arithmetic3A_776, %and3A_779], %broadcast_in_dim3A_3 {add = true} : memref<80x128xf32, #tpu.memory_space<vmem>>[vector<16xi32>, vector<16xi32>], vector<16xf32>,
      %dma_start3A_780 = arith.constant 0 : i32
      %dma_start3A_781 = arith.constant 0 : i32
      %dma_start3A_782 = tpu.memref_slice %arg9[%dma_start3A_780, %dma_start3A_781] : memref<10000x128xf32, #tpu.memory_space<vmem_shared>> -> memref<10000x128xf32, #tpu.memory_space<vmem_shared>>
      tpu.enqueue_indirect_dma source(%arg12 : memref<80x128xf32, #tpu.memory_space<vmem>>) target(%dma_start3A_782 : memref<10000x128xf32, #tpu.memory_space<vmem_shared>>) offsets(%arg18 : memref<80xi32, #tpu.memory_space<vmem>>) semaphore(%arg29 : memref<!tpu.dma_semaphore, #tpu.memory_space<semaphore_mem>>) {add = true}
      %mul3A_783 = arith.constant 12 : i32
      %mul3A_784 = arith.muli %scan3A_370, %mul3A_783 : i32
      %add3A_785 = arith.constant 6 : i32
      %add3A_786 = arith.addi %mul3A_784, %add3A_785 : i32
      %ge3A_787 = arith.constant 2 : i32
      %ge3A_788 = arith.cmpi sge, %add3A_786, %ge3A_787 : i32
      %convert_element_type3A_789 = arith.extui %ge3A_788 : i1 to i32
      %cond3A_790 = arith.constant 0 : i32
      %cond3A_791 = arith.cmpi ne, %convert_element_type3A_789, %cond3A_790 : i32
      scf.if %cond3A_791 {
        %dma_wait3A_1197 = arith.constant 0 : i32
        %dma_wait3A_1198 = arith.constant 0 : i32
        %dma_wait3A_1199 = tpu.memref_slice %arg9[%dma_wait3A_1197, %dma_wait3A_1198] : memref<10000x128xf32, #tpu.memory_space<vmem_shared>> -> memref<10000x128xf32, #tpu.memory_space<vmem_shared>>
        tpu.wait_indirect_dma semaphore(%arg28 : memref<!tpu.dma_semaphore, #tpu.memory_space<semaphore_mem>>) src(%arg11 : memref<80x128xf32, #tpu.memory_space<vmem>>) dst(%dma_wait3A_1199 : memref<10000x128xf32, #tpu.memory_space<vmem_shared>>)
      } else {
      }
      %add3A_792 = arith.constant 2 : i32
      %add3A_793 = arith.addi %add3A_786, %add3A_792 : i32
      %lt3A_794 = arith.constant 125 : i32
      %lt3A_795 = arith.cmpi slt, %add3A_793, %lt3A_794 : i32
      %convert_element_type3A_796 = arith.extui %lt3A_795 : i1 to i32
      %cond3A_797 = arith.constant 0 : i32
      %cond3A_798 = arith.cmpi ne, %convert_element_type3A_796, %cond3A_797 : i32
      scf.if %cond3A_798 {
        %add3A_1197 = arith.constant 2 : i32
        %add3A_1198 = arith.addi %add3A_786, %add3A_1197 : i32
        %mul3A_1199 = arith.constant 80 : i32
        %mul3A_1200 = arith.muli %add3A_1198, %mul3A_1199 : i32
        %add3A_1201 = arith.addi %mul3A_5, %mul3A_1200 : i32
        %dma_start3A_1202 = tpu.memref_slice %arg3[%add3A_1201] : memref<320000xi32, #tpu.memory_space<hbm>> -> memref<80xi32, #tpu.memory_space<hbm>>
        %dma_start3A_1203 = tpu.memref_slice %arg3[%add3A_1201] : memref<320000xi32, #tpu.memory_space<hbm>> -> memref<80xi32, #tpu.memory_space<hbm>>
        tpu.enqueue_dma source(%dma_start3A_1203 : memref<80xi32, #tpu.memory_space<hbm>>) target(%arg13 : memref<80xi32, #tpu.memory_space<vmem>>) target_semaphore(%arg24 : memref<!tpu.dma_semaphore, #tpu.memory_space<semaphore_mem>>)
        %mul3A_1204 = arith.constant 80 : i32
        %mul3A_1205 = arith.muli %add3A_1198, %mul3A_1204 : i32
        %add3A_1206 = arith.addi %mul3A_5, %mul3A_1205 : i32
        %dma_start3A_1207 = tpu.memref_slice %arg4[%add3A_1206] : memref<320000xi32, #tpu.memory_space<hbm>> -> memref<80xi32, #tpu.memory_space<hbm>>
        %dma_start3A_1208 = tpu.memref_slice %arg4[%add3A_1206] : memref<320000xi32, #tpu.memory_space<hbm>> -> memref<80xi32, #tpu.memory_space<hbm>>
        tpu.enqueue_dma source(%dma_start3A_1208 : memref<80xi32, #tpu.memory_space<hbm>>) target(%arg17 : memref<80xi32, #tpu.memory_space<vmem>>) target_semaphore(%arg24 : memref<!tpu.dma_semaphore, #tpu.memory_space<semaphore_mem>>)
      } else {
      }
      %add3A_799 = arith.constant 1 : i32
      %add3A_800 = arith.addi %add3A_786, %add3A_799 : i32
      %lt3A_801 = arith.constant 125 : i32
      %lt3A_802 = arith.cmpi slt, %add3A_800, %lt3A_801 : i32
      %convert_element_type3A_803 = arith.extui %lt3A_802 : i1 to i32
      %cond3A_804 = arith.constant 0 : i32
      %cond3A_805 = arith.cmpi ne, %convert_element_type3A_803, %cond3A_804 : i32
      scf.if %cond3A_805 {
        %add3A_1197 = arith.constant 1 : i32
        %add3A_1198 = arith.addi %add3A_786, %add3A_1197 : i32
        %mul3A_1199 = arith.constant 80 : i32
        %mul3A_1200 = arith.muli %add3A_1198, %mul3A_1199 : i32
        %add3A_1201 = arith.addi %mul3A_5, %mul3A_1200 : i32
        %dma_wait3A_1202 = tpu.memref_slice %arg3[%add3A_1201] : memref<320000xi32, #tpu.memory_space<hbm>> -> memref<80xi32, #tpu.memory_space<hbm>>
        %dma_wait3A_1203 = tpu.memref_slice %arg3[%add3A_1201] : memref<320000xi32, #tpu.memory_space<hbm>> -> memref<80xi32, #tpu.memory_space<hbm>>
        tpu.wait_dma2 semaphore(%arg27 : memref<!tpu.dma_semaphore, #tpu.memory_space<semaphore_mem>>) src(%dma_wait3A_1203 : memref<80xi32, #tpu.memory_space<hbm>>) dst(%arg16 : memref<80xi32, #tpu.memory_space<vmem>>)
        %mul3A_1204 = arith.constant 80 : i32
        %mul3A_1205 = arith.muli %add3A_1198, %mul3A_1204 : i32
        %add3A_1206 = arith.addi %mul3A_5, %mul3A_1205 : i32
        %dma_wait3A_1207 = tpu.memref_slice %arg4[%add3A_1206] : memref<320000xi32, #tpu.memory_space<hbm>> -> memref<80xi32, #tpu.memory_space<hbm>>
        %dma_wait3A_1208 = tpu.memref_slice %arg4[%add3A_1206] : memref<320000xi32, #tpu.memory_space<hbm>> -> memref<80xi32, #tpu.memory_space<hbm>>
        tpu.wait_dma2 semaphore(%arg27 : memref<!tpu.dma_semaphore, #tpu.memory_space<semaphore_mem>>) src(%dma_wait3A_1208 : memref<80xi32, #tpu.memory_space<hbm>>) dst(%arg20 : memref<80xi32, #tpu.memory_space<vmem>>)
        %dma_start3A_1209 = arith.constant 0 : i32
        %dma_start3A_1210 = arith.constant 0 : i32
        %dma_start3A_1211 = tpu.memref_slice %arg2[%dma_start3A_1209, %dma_start3A_1210] : memref<10000x128xf32, #tpu.memory_space<hbm>> -> memref<10000x128xf32, #tpu.memory_space<hbm>>
        tpu.enqueue_indirect_dma source(%dma_start3A_1211 : memref<10000x128xf32, #tpu.memory_space<hbm>>) target(%arg11 : memref<80x128xf32, #tpu.memory_space<vmem>>) offsets(%arg16 : memref<80xi32, #tpu.memory_space<vmem>>) semaphore(%arg22 : memref<!tpu.dma_semaphore, #tpu.memory_space<semaphore_mem>>)
      } else {
      }
      %dma_wait3A_806 = arith.constant 0 : i32
      %dma_wait3A_807 = arith.constant 0 : i32
      %dma_wait3A_808 = tpu.memref_slice %arg2[%dma_wait3A_806, %dma_wait3A_807] : memref<10000x128xf32, #tpu.memory_space<hbm>> -> memref<10000x128xf32, #tpu.memory_space<hbm>>
      tpu.wait_indirect_dma semaphore(%arg21 : memref<!tpu.dma_semaphore, #tpu.memory_space<semaphore_mem>>) src(%dma_wait3A_808 : memref<10000x128xf32, #tpu.memory_space<hbm>>) dst(%arg10 : memref<80x128xf32, #tpu.memory_space<vmem>>)
      %get3A_809 = arith.constant 0 : index
      %get3A_810 = tpu.vector_load %arg19[%get3A_809] {strides = array<i32>} : memref<80xi32, #tpu.memory_space<vmem>>, vector<16xi32>,
      %shift_right_arithmetic3A_811 = arith.constant 7 : i32
      %shift_right_arithmetic3A_812 = vector.broadcast %shift_right_arithmetic3A_811 : i32 to vector<16xi32>
      %shift_right_arithmetic3A_813 = arith.shrsi %get3A_810, %shift_right_arithmetic3A_812 : vector<16xi32>
      %and3A_814 = arith.constant 127 : i32
      %and3A_815 = vector.broadcast %and3A_814 : i32 to vector<16xi32>
      %and3A_816 = arith.andi %get3A_810, %and3A_815 : vector<16xi32>
      tpu.vector_store_idx %arg8[%shift_right_arithmetic3A_813, %and3A_816], %broadcast_in_dim3A_3 {add = true} : memref<80x128xf32, #tpu.memory_space<vmem>>[vector<16xi32>, vector<16xi32>], vector<16xf32>,
      %get3A_817 = arith.constant 16 : index
      %get3A_818 = tpu.vector_load %arg19[%get3A_817] {strides = array<i32>} : memref<80xi32, #tpu.memory_space<vmem>>, vector<16xi32>,
      %shift_right_arithmetic3A_819 = arith.constant 7 : i32
      %shift_right_arithmetic3A_820 = vector.broadcast %shift_right_arithmetic3A_819 : i32 to vector<16xi32>
      %shift_right_arithmetic3A_821 = arith.shrsi %get3A_818, %shift_right_arithmetic3A_820 : vector<16xi32>
      %and3A_822 = arith.constant 127 : i32
      %and3A_823 = vector.broadcast %and3A_822 : i32 to vector<16xi32>
      %and3A_824 = arith.andi %get3A_818, %and3A_823 : vector<16xi32>
      tpu.vector_store_idx %arg8[%shift_right_arithmetic3A_821, %and3A_824], %broadcast_in_dim3A_3 {add = true} : memref<80x128xf32, #tpu.memory_space<vmem>>[vector<16xi32>, vector<16xi32>], vector<16xf32>,
      %get3A_825 = arith.constant 32 : index
      %get3A_826 = tpu.vector_load %arg19[%get3A_825] {strides = array<i32>} : memref<80xi32, #tpu.memory_space<vmem>>, vector<16xi32>,
      %shift_right_arithmetic3A_827 = arith.constant 7 : i32
      %shift_right_arithmetic3A_828 = vector.broadcast %shift_right_arithmetic3A_827 : i32 to vector<16xi32>
      %shift_right_arithmetic3A_829 = arith.shrsi %get3A_826, %shift_right_arithmetic3A_828 : vector<16xi32>
      %and3A_830 = arith.constant 127 : i32
      %and3A_831 = vector.broadcast %and3A_830 : i32 to vector<16xi32>
      %and3A_832 = arith.andi %get3A_826, %and3A_831 : vector<16xi32>
      tpu.vector_store_idx %arg8[%shift_right_arithmetic3A_829, %and3A_832], %broadcast_in_dim3A_3 {add = true} : memref<80x128xf32, #tpu.memory_space<vmem>>[vector<16xi32>, vector<16xi32>], vector<16xf32>,
      %get3A_833 = arith.constant 48 : index
      %get3A_834 = tpu.vector_load %arg19[%get3A_833] {strides = array<i32>} : memref<80xi32, #tpu.memory_space<vmem>>, vector<16xi32>,
      %shift_right_arithmetic3A_835 = arith.constant 7 : i32
      %shift_right_arithmetic3A_836 = vector.broadcast %shift_right_arithmetic3A_835 : i32 to vector<16xi32>
      %shift_right_arithmetic3A_837 = arith.shrsi %get3A_834, %shift_right_arithmetic3A_836 : vector<16xi32>
      %and3A_838 = arith.constant 127 : i32
      %and3A_839 = vector.broadcast %and3A_838 : i32 to vector<16xi32>
      %and3A_840 = arith.andi %get3A_834, %and3A_839 : vector<16xi32>
      tpu.vector_store_idx %arg8[%shift_right_arithmetic3A_837, %and3A_840], %broadcast_in_dim3A_3 {add = true} : memref<80x128xf32, #tpu.memory_space<vmem>>[vector<16xi32>, vector<16xi32>], vector<16xf32>,
      %get3A_841 = arith.constant 64 : index
      %get3A_842 = tpu.vector_load %arg19[%get3A_841] {strides = array<i32>} : memref<80xi32, #tpu.memory_space<vmem>>, vector<16xi32>,
      %shift_right_arithmetic3A_843 = arith.constant 7 : i32
      %shift_right_arithmetic3A_844 = vector.broadcast %shift_right_arithmetic3A_843 : i32 to vector<16xi32>
      %shift_right_arithmetic3A_845 = arith.shrsi %get3A_842, %shift_right_arithmetic3A_844 : vector<16xi32>
      %and3A_846 = arith.constant 127 : i32
      %and3A_847 = vector.broadcast %and3A_846 : i32 to vector<16xi32>
      %and3A_848 = arith.andi %get3A_842, %and3A_847 : vector<16xi32>
      tpu.vector_store_idx %arg8[%shift_right_arithmetic3A_845, %and3A_848], %broadcast_in_dim3A_3 {add = true} : memref<80x128xf32, #tpu.memory_space<vmem>>[vector<16xi32>, vector<16xi32>], vector<16xf32>,
      %dma_start3A_849 = arith.constant 0 : i32
      %dma_start3A_850 = arith.constant 0 : i32
      %dma_start3A_851 = tpu.memref_slice %arg9[%dma_start3A_849, %dma_start3A_850] : memref<10000x128xf32, #tpu.memory_space<vmem_shared>> -> memref<10000x128xf32, #tpu.memory_space<vmem_shared>>
      tpu.enqueue_indirect_dma source(%arg10 : memref<80x128xf32, #tpu.memory_space<vmem>>) target(%dma_start3A_851 : memref<10000x128xf32, #tpu.memory_space<vmem_shared>>) offsets(%arg19 : memref<80xi32, #tpu.memory_space<vmem>>) semaphore(%arg28 : memref<!tpu.dma_semaphore, #tpu.memory_space<semaphore_mem>>) {add = true}
      %mul3A_852 = arith.constant 12 : i32
      %mul3A_853 = arith.muli %scan3A_370, %mul3A_852 : i32
      %add3A_854 = arith.constant 7 : i32
      %add3A_855 = arith.addi %mul3A_853, %add3A_854 : i32
      %ge3A_856 = arith.constant 2 : i32
      %ge3A_857 = arith.cmpi sge, %add3A_855, %ge3A_856 : i32
      %convert_element_type3A_858 = arith.extui %ge3A_857 : i1 to i32
      %cond3A_859 = arith.constant 0 : i32
      %cond3A_860 = arith.cmpi ne, %convert_element_type3A_858, %cond3A_859 : i32
      scf.if %cond3A_860 {
        %dma_wait3A_1197 = arith.constant 0 : i32
        %dma_wait3A_1198 = arith.constant 0 : i32
        %dma_wait3A_1199 = tpu.memref_slice %arg9[%dma_wait3A_1197, %dma_wait3A_1198] : memref<10000x128xf32, #tpu.memory_space<vmem_shared>> -> memref<10000x128xf32, #tpu.memory_space<vmem_shared>>
        tpu.wait_indirect_dma semaphore(%arg29 : memref<!tpu.dma_semaphore, #tpu.memory_space<semaphore_mem>>) src(%arg12 : memref<80x128xf32, #tpu.memory_space<vmem>>) dst(%dma_wait3A_1199 : memref<10000x128xf32, #tpu.memory_space<vmem_shared>>)
      } else {
      }
      %add3A_861 = arith.constant 2 : i32
      %add3A_862 = arith.addi %add3A_855, %add3A_861 : i32
      %lt3A_863 = arith.constant 125 : i32
      %lt3A_864 = arith.cmpi slt, %add3A_862, %lt3A_863 : i32
      %convert_element_type3A_865 = arith.extui %lt3A_864 : i1 to i32
      %cond3A_866 = arith.constant 0 : i32
      %cond3A_867 = arith.cmpi ne, %convert_element_type3A_865, %cond3A_866 : i32
      scf.if %cond3A_867 {
        %add3A_1197 = arith.constant 2 : i32
        %add3A_1198 = arith.addi %add3A_855, %add3A_1197 : i32
        %mul3A_1199 = arith.constant 80 : i32
        %mul3A_1200 = arith.muli %add3A_1198, %mul3A_1199 : i32
        %add3A_1201 = arith.addi %mul3A_5, %mul3A_1200 : i32
        %dma_start3A_1202 = tpu.memref_slice %arg3[%add3A_1201] : memref<320000xi32, #tpu.memory_space<hbm>> -> memref<80xi32, #tpu.memory_space<hbm>>
        %dma_start3A_1203 = tpu.memref_slice %arg3[%add3A_1201] : memref<320000xi32, #tpu.memory_space<hbm>> -> memref<80xi32, #tpu.memory_space<hbm>>
        tpu.enqueue_dma source(%dma_start3A_1203 : memref<80xi32, #tpu.memory_space<hbm>>) target(%arg14 : memref<80xi32, #tpu.memory_space<vmem>>) target_semaphore(%arg25 : memref<!tpu.dma_semaphore, #tpu.memory_space<semaphore_mem>>)
        %mul3A_1204 = arith.constant 80 : i32
        %mul3A_1205 = arith.muli %add3A_1198, %mul3A_1204 : i32
        %add3A_1206 = arith.addi %mul3A_5, %mul3A_1205 : i32
        %dma_start3A_1207 = tpu.memref_slice %arg4[%add3A_1206] : memref<320000xi32, #tpu.memory_space<hbm>> -> memref<80xi32, #tpu.memory_space<hbm>>
        %dma_start3A_1208 = tpu.memref_slice %arg4[%add3A_1206] : memref<320000xi32, #tpu.memory_space<hbm>> -> memref<80xi32, #tpu.memory_space<hbm>>
        tpu.enqueue_dma source(%dma_start3A_1208 : memref<80xi32, #tpu.memory_space<hbm>>) target(%arg18 : memref<80xi32, #tpu.memory_space<vmem>>) target_semaphore(%arg25 : memref<!tpu.dma_semaphore, #tpu.memory_space<semaphore_mem>>)
      } else {
      }
      %add3A_868 = arith.constant 1 : i32
      %add3A_869 = arith.addi %add3A_855, %add3A_868 : i32
      %lt3A_870 = arith.constant 125 : i32
      %lt3A_871 = arith.cmpi slt, %add3A_869, %lt3A_870 : i32
      %convert_element_type3A_872 = arith.extui %lt3A_871 : i1 to i32
      %cond3A_873 = arith.constant 0 : i32
      %cond3A_874 = arith.cmpi ne, %convert_element_type3A_872, %cond3A_873 : i32
      scf.if %cond3A_874 {
        %add3A_1197 = arith.constant 1 : i32
        %add3A_1198 = arith.addi %add3A_855, %add3A_1197 : i32
        %mul3A_1199 = arith.constant 80 : i32
        %mul3A_1200 = arith.muli %add3A_1198, %mul3A_1199 : i32
        %add3A_1201 = arith.addi %mul3A_5, %mul3A_1200 : i32
        %dma_wait3A_1202 = tpu.memref_slice %arg3[%add3A_1201] : memref<320000xi32, #tpu.memory_space<hbm>> -> memref<80xi32, #tpu.memory_space<hbm>>
        %dma_wait3A_1203 = tpu.memref_slice %arg3[%add3A_1201] : memref<320000xi32, #tpu.memory_space<hbm>> -> memref<80xi32, #tpu.memory_space<hbm>>
        tpu.wait_dma2 semaphore(%arg24 : memref<!tpu.dma_semaphore, #tpu.memory_space<semaphore_mem>>) src(%dma_wait3A_1203 : memref<80xi32, #tpu.memory_space<hbm>>) dst(%arg13 : memref<80xi32, #tpu.memory_space<vmem>>)
        %mul3A_1204 = arith.constant 80 : i32
        %mul3A_1205 = arith.muli %add3A_1198, %mul3A_1204 : i32
        %add3A_1206 = arith.addi %mul3A_5, %mul3A_1205 : i32
        %dma_wait3A_1207 = tpu.memref_slice %arg4[%add3A_1206] : memref<320000xi32, #tpu.memory_space<hbm>> -> memref<80xi32, #tpu.memory_space<hbm>>
        %dma_wait3A_1208 = tpu.memref_slice %arg4[%add3A_1206] : memref<320000xi32, #tpu.memory_space<hbm>> -> memref<80xi32, #tpu.memory_space<hbm>>
        tpu.wait_dma2 semaphore(%arg24 : memref<!tpu.dma_semaphore, #tpu.memory_space<semaphore_mem>>) src(%dma_wait3A_1208 : memref<80xi32, #tpu.memory_space<hbm>>) dst(%arg17 : memref<80xi32, #tpu.memory_space<vmem>>)
        %dma_start3A_1209 = arith.constant 0 : i32
        %dma_start3A_1210 = arith.constant 0 : i32
        %dma_start3A_1211 = tpu.memref_slice %arg2[%dma_start3A_1209, %dma_start3A_1210] : memref<10000x128xf32, #tpu.memory_space<hbm>> -> memref<10000x128xf32, #tpu.memory_space<hbm>>
        tpu.enqueue_indirect_dma source(%dma_start3A_1211 : memref<10000x128xf32, #tpu.memory_space<hbm>>) target(%arg12 : memref<80x128xf32, #tpu.memory_space<vmem>>) offsets(%arg13 : memref<80xi32, #tpu.memory_space<vmem>>) semaphore(%arg23 : memref<!tpu.dma_semaphore, #tpu.memory_space<semaphore_mem>>)
      } else {
      }
      %dma_wait3A_875 = arith.constant 0 : i32
      %dma_wait3A_876 = arith.constant 0 : i32
      %dma_wait3A_877 = tpu.memref_slice %arg2[%dma_wait3A_875, %dma_wait3A_876] : memref<10000x128xf32, #tpu.memory_space<hbm>> -> memref<10000x128xf32, #tpu.memory_space<hbm>>
      tpu.wait_indirect_dma semaphore(%arg22 : memref<!tpu.dma_semaphore, #tpu.memory_space<semaphore_mem>>) src(%dma_wait3A_877 : memref<10000x128xf32, #tpu.memory_space<hbm>>) dst(%arg11 : memref<80x128xf32, #tpu.memory_space<vmem>>)
      %get3A_878 = arith.constant 0 : index
      %get3A_879 = tpu.vector_load %arg20[%get3A_878] {strides = array<i32>} : memref<80xi32, #tpu.memory_space<vmem>>, vector<16xi32>,
      %shift_right_arithmetic3A_880 = arith.constant 7 : i32
      %shift_right_arithmetic3A_881 = vector.broadcast %shift_right_arithmetic3A_880 : i32 to vector<16xi32>
      %shift_right_arithmetic3A_882 = arith.shrsi %get3A_879, %shift_right_arithmetic3A_881 : vector<16xi32>
      %and3A_883 = arith.constant 127 : i32
      %and3A_884 = vector.broadcast %and3A_883 : i32 to vector<16xi32>
      %and3A_885 = arith.andi %get3A_879, %and3A_884 : vector<16xi32>
      tpu.vector_store_idx %arg8[%shift_right_arithmetic3A_882, %and3A_885], %broadcast_in_dim3A_3 {add = true} : memref<80x128xf32, #tpu.memory_space<vmem>>[vector<16xi32>, vector<16xi32>], vector<16xf32>,
      %get3A_886 = arith.constant 16 : index
      %get3A_887 = tpu.vector_load %arg20[%get3A_886] {strides = array<i32>} : memref<80xi32, #tpu.memory_space<vmem>>, vector<16xi32>,
      %shift_right_arithmetic3A_888 = arith.constant 7 : i32
      %shift_right_arithmetic3A_889 = vector.broadcast %shift_right_arithmetic3A_888 : i32 to vector<16xi32>
      %shift_right_arithmetic3A_890 = arith.shrsi %get3A_887, %shift_right_arithmetic3A_889 : vector<16xi32>
      %and3A_891 = arith.constant 127 : i32
      %and3A_892 = vector.broadcast %and3A_891 : i32 to vector<16xi32>
      %and3A_893 = arith.andi %get3A_887, %and3A_892 : vector<16xi32>
      tpu.vector_store_idx %arg8[%shift_right_arithmetic3A_890, %and3A_893], %broadcast_in_dim3A_3 {add = true} : memref<80x128xf32, #tpu.memory_space<vmem>>[vector<16xi32>, vector<16xi32>], vector<16xf32>,
      %get3A_894 = arith.constant 32 : index
      %get3A_895 = tpu.vector_load %arg20[%get3A_894] {strides = array<i32>} : memref<80xi32, #tpu.memory_space<vmem>>, vector<16xi32>,
      %shift_right_arithmetic3A_896 = arith.constant 7 : i32
      %shift_right_arithmetic3A_897 = vector.broadcast %shift_right_arithmetic3A_896 : i32 to vector<16xi32>
      %shift_right_arithmetic3A_898 = arith.shrsi %get3A_895, %shift_right_arithmetic3A_897 : vector<16xi32>
      %and3A_899 = arith.constant 127 : i32
      %and3A_900 = vector.broadcast %and3A_899 : i32 to vector<16xi32>
      %and3A_901 = arith.andi %get3A_895, %and3A_900 : vector<16xi32>
      tpu.vector_store_idx %arg8[%shift_right_arithmetic3A_898, %and3A_901], %broadcast_in_dim3A_3 {add = true} : memref<80x128xf32, #tpu.memory_space<vmem>>[vector<16xi32>, vector<16xi32>], vector<16xf32>,
      %get3A_902 = arith.constant 48 : index
      %get3A_903 = tpu.vector_load %arg20[%get3A_902] {strides = array<i32>} : memref<80xi32, #tpu.memory_space<vmem>>, vector<16xi32>,
      %shift_right_arithmetic3A_904 = arith.constant 7 : i32
      %shift_right_arithmetic3A_905 = vector.broadcast %shift_right_arithmetic3A_904 : i32 to vector<16xi32>
      %shift_right_arithmetic3A_906 = arith.shrsi %get3A_903, %shift_right_arithmetic3A_905 : vector<16xi32>
      %and3A_907 = arith.constant 127 : i32
      %and3A_908 = vector.broadcast %and3A_907 : i32 to vector<16xi32>
      %and3A_909 = arith.andi %get3A_903, %and3A_908 : vector<16xi32>
      tpu.vector_store_idx %arg8[%shift_right_arithmetic3A_906, %and3A_909], %broadcast_in_dim3A_3 {add = true} : memref<80x128xf32, #tpu.memory_space<vmem>>[vector<16xi32>, vector<16xi32>], vector<16xf32>,
      %get3A_910 = arith.constant 64 : index
      %get3A_911 = tpu.vector_load %arg20[%get3A_910] {strides = array<i32>} : memref<80xi32, #tpu.memory_space<vmem>>, vector<16xi32>,
      %shift_right_arithmetic3A_912 = arith.constant 7 : i32
      %shift_right_arithmetic3A_913 = vector.broadcast %shift_right_arithmetic3A_912 : i32 to vector<16xi32>
      %shift_right_arithmetic3A_914 = arith.shrsi %get3A_911, %shift_right_arithmetic3A_913 : vector<16xi32>
      %and3A_915 = arith.constant 127 : i32
      %and3A_916 = vector.broadcast %and3A_915 : i32 to vector<16xi32>
      %and3A_917 = arith.andi %get3A_911, %and3A_916 : vector<16xi32>
      tpu.vector_store_idx %arg8[%shift_right_arithmetic3A_914, %and3A_917], %broadcast_in_dim3A_3 {add = true} : memref<80x128xf32, #tpu.memory_space<vmem>>[vector<16xi32>, vector<16xi32>], vector<16xf32>,
      %dma_start3A_918 = arith.constant 0 : i32
      %dma_start3A_919 = arith.constant 0 : i32
      %dma_start3A_920 = tpu.memref_slice %arg9[%dma_start3A_918, %dma_start3A_919] : memref<10000x128xf32, #tpu.memory_space<vmem_shared>> -> memref<10000x128xf32, #tpu.memory_space<vmem_shared>>
      tpu.enqueue_indirect_dma source(%arg11 : memref<80x128xf32, #tpu.memory_space<vmem>>) target(%dma_start3A_920 : memref<10000x128xf32, #tpu.memory_space<vmem_shared>>) offsets(%arg20 : memref<80xi32, #tpu.memory_space<vmem>>) semaphore(%arg29 : memref<!tpu.dma_semaphore, #tpu.memory_space<semaphore_mem>>) {add = true}
      %mul3A_921 = arith.constant 12 : i32
      %mul3A_922 = arith.muli %scan3A_370, %mul3A_921 : i32
      %add3A_923 = arith.constant 8 : i32
      %add3A_924 = arith.addi %mul3A_922, %add3A_923 : i32
      %ge3A_925 = arith.constant 2 : i32
      %ge3A_926 = arith.cmpi sge, %add3A_924, %ge3A_925 : i32
      %convert_element_type3A_927 = arith.extui %ge3A_926 : i1 to i32
      %cond3A_928 = arith.constant 0 : i32
      %cond3A_929 = arith.cmpi ne, %convert_element_type3A_927, %cond3A_928 : i32
      scf.if %cond3A_929 {
        %dma_wait3A_1197 = arith.constant 0 : i32
        %dma_wait3A_1198 = arith.constant 0 : i32
        %dma_wait3A_1199 = tpu.memref_slice %arg9[%dma_wait3A_1197, %dma_wait3A_1198] : memref<10000x128xf32, #tpu.memory_space<vmem_shared>> -> memref<10000x128xf32, #tpu.memory_space<vmem_shared>>
        tpu.wait_indirect_dma semaphore(%arg28 : memref<!tpu.dma_semaphore, #tpu.memory_space<semaphore_mem>>) src(%arg10 : memref<80x128xf32, #tpu.memory_space<vmem>>) dst(%dma_wait3A_1199 : memref<10000x128xf32, #tpu.memory_space<vmem_shared>>)
      } else {
      }
      %add3A_930 = arith.constant 2 : i32
      %add3A_931 = arith.addi %add3A_924, %add3A_930 : i32
      %lt3A_932 = arith.constant 125 : i32
      %lt3A_933 = arith.cmpi slt, %add3A_931, %lt3A_932 : i32
      %convert_element_type3A_934 = arith.extui %lt3A_933 : i1 to i32
      %cond3A_935 = arith.constant 0 : i32
      %cond3A_936 = arith.cmpi ne, %convert_element_type3A_934, %cond3A_935 : i32
      scf.if %cond3A_936 {
        %add3A_1197 = arith.constant 2 : i32
        %add3A_1198 = arith.addi %add3A_924, %add3A_1197 : i32
        %mul3A_1199 = arith.constant 80 : i32
        %mul3A_1200 = arith.muli %add3A_1198, %mul3A_1199 : i32
        %add3A_1201 = arith.addi %mul3A_5, %mul3A_1200 : i32
        %dma_start3A_1202 = tpu.memref_slice %arg3[%add3A_1201] : memref<320000xi32, #tpu.memory_space<hbm>> -> memref<80xi32, #tpu.memory_space<hbm>>
        %dma_start3A_1203 = tpu.memref_slice %arg3[%add3A_1201] : memref<320000xi32, #tpu.memory_space<hbm>> -> memref<80xi32, #tpu.memory_space<hbm>>
        tpu.enqueue_dma source(%dma_start3A_1203 : memref<80xi32, #tpu.memory_space<hbm>>) target(%arg15 : memref<80xi32, #tpu.memory_space<vmem>>) target_semaphore(%arg26 : memref<!tpu.dma_semaphore, #tpu.memory_space<semaphore_mem>>)
        %mul3A_1204 = arith.constant 80 : i32
        %mul3A_1205 = arith.muli %add3A_1198, %mul3A_1204 : i32
        %add3A_1206 = arith.addi %mul3A_5, %mul3A_1205 : i32
        %dma_start3A_1207 = tpu.memref_slice %arg4[%add3A_1206] : memref<320000xi32, #tpu.memory_space<hbm>> -> memref<80xi32, #tpu.memory_space<hbm>>
        %dma_start3A_1208 = tpu.memref_slice %arg4[%add3A_1206] : memref<320000xi32, #tpu.memory_space<hbm>> -> memref<80xi32, #tpu.memory_space<hbm>>
        tpu.enqueue_dma source(%dma_start3A_1208 : memref<80xi32, #tpu.memory_space<hbm>>) target(%arg19 : memref<80xi32, #tpu.memory_space<vmem>>) target_semaphore(%arg26 : memref<!tpu.dma_semaphore, #tpu.memory_space<semaphore_mem>>)
      } else {
      }
      %add3A_937 = arith.constant 1 : i32
      %add3A_938 = arith.addi %add3A_924, %add3A_937 : i32
      %lt3A_939 = arith.constant 125 : i32
      %lt3A_940 = arith.cmpi slt, %add3A_938, %lt3A_939 : i32
      %convert_element_type3A_941 = arith.extui %lt3A_940 : i1 to i32
      %cond3A_942 = arith.constant 0 : i32
      %cond3A_943 = arith.cmpi ne, %convert_element_type3A_941, %cond3A_942 : i32
      scf.if %cond3A_943 {
        %add3A_1197 = arith.constant 1 : i32
        %add3A_1198 = arith.addi %add3A_924, %add3A_1197 : i32
        %mul3A_1199 = arith.constant 80 : i32
        %mul3A_1200 = arith.muli %add3A_1198, %mul3A_1199 : i32
        %add3A_1201 = arith.addi %mul3A_5, %mul3A_1200 : i32
        %dma_wait3A_1202 = tpu.memref_slice %arg3[%add3A_1201] : memref<320000xi32, #tpu.memory_space<hbm>> -> memref<80xi32, #tpu.memory_space<hbm>>
        %dma_wait3A_1203 = tpu.memref_slice %arg3[%add3A_1201] : memref<320000xi32, #tpu.memory_space<hbm>> -> memref<80xi32, #tpu.memory_space<hbm>>
        tpu.wait_dma2 semaphore(%arg25 : memref<!tpu.dma_semaphore, #tpu.memory_space<semaphore_mem>>) src(%dma_wait3A_1203 : memref<80xi32, #tpu.memory_space<hbm>>) dst(%arg14 : memref<80xi32, #tpu.memory_space<vmem>>)
        %mul3A_1204 = arith.constant 80 : i32
        %mul3A_1205 = arith.muli %add3A_1198, %mul3A_1204 : i32
        %add3A_1206 = arith.addi %mul3A_5, %mul3A_1205 : i32
        %dma_wait3A_1207 = tpu.memref_slice %arg4[%add3A_1206] : memref<320000xi32, #tpu.memory_space<hbm>> -> memref<80xi32, #tpu.memory_space<hbm>>
        %dma_wait3A_1208 = tpu.memref_slice %arg4[%add3A_1206] : memref<320000xi32, #tpu.memory_space<hbm>> -> memref<80xi32, #tpu.memory_space<hbm>>
        tpu.wait_dma2 semaphore(%arg25 : memref<!tpu.dma_semaphore, #tpu.memory_space<semaphore_mem>>) src(%dma_wait3A_1208 : memref<80xi32, #tpu.memory_space<hbm>>) dst(%arg18 : memref<80xi32, #tpu.memory_space<vmem>>)
        %dma_start3A_1209 = arith.constant 0 : i32
        %dma_start3A_1210 = arith.constant 0 : i32
        %dma_start3A_1211 = tpu.memref_slice %arg2[%dma_start3A_1209, %dma_start3A_1210] : memref<10000x128xf32, #tpu.memory_space<hbm>> -> memref<10000x128xf32, #tpu.memory_space<hbm>>
        tpu.enqueue_indirect_dma source(%dma_start3A_1211 : memref<10000x128xf32, #tpu.memory_space<hbm>>) target(%arg10 : memref<80x128xf32, #tpu.memory_space<vmem>>) offsets(%arg14 : memref<80xi32, #tpu.memory_space<vmem>>) semaphore(%arg21 : memref<!tpu.dma_semaphore, #tpu.memory_space<semaphore_mem>>)
      } else {
      }
      %dma_wait3A_944 = arith.constant 0 : i32
      %dma_wait3A_945 = arith.constant 0 : i32
      %dma_wait3A_946 = tpu.memref_slice %arg2[%dma_wait3A_944, %dma_wait3A_945] : memref<10000x128xf32, #tpu.memory_space<hbm>> -> memref<10000x128xf32, #tpu.memory_space<hbm>>
      tpu.wait_indirect_dma semaphore(%arg23 : memref<!tpu.dma_semaphore, #tpu.memory_space<semaphore_mem>>) src(%dma_wait3A_946 : memref<10000x128xf32, #tpu.memory_space<hbm>>) dst(%arg12 : memref<80x128xf32, #tpu.memory_space<vmem>>)
      %get3A_947 = arith.constant 0 : index
      %get3A_948 = tpu.vector_load %arg17[%get3A_947] {strides = array<i32>} : memref<80xi32, #tpu.memory_space<vmem>>, vector<16xi32>,
      %shift_right_arithmetic3A_949 = arith.constant 7 : i32
      %shift_right_arithmetic3A_950 = vector.broadcast %shift_right_arithmetic3A_949 : i32 to vector<16xi32>
      %shift_right_arithmetic3A_951 = arith.shrsi %get3A_948, %shift_right_arithmetic3A_950 : vector<16xi32>
      %and3A_952 = arith.constant 127 : i32
      %and3A_953 = vector.broadcast %and3A_952 : i32 to vector<16xi32>
      %and3A_954 = arith.andi %get3A_948, %and3A_953 : vector<16xi32>
      tpu.vector_store_idx %arg8[%shift_right_arithmetic3A_951, %and3A_954], %broadcast_in_dim3A_3 {add = true} : memref<80x128xf32, #tpu.memory_space<vmem>>[vector<16xi32>, vector<16xi32>], vector<16xf32>,
      %get3A_955 = arith.constant 16 : index
      %get3A_956 = tpu.vector_load %arg17[%get3A_955] {strides = array<i32>} : memref<80xi32, #tpu.memory_space<vmem>>, vector<16xi32>,
      %shift_right_arithmetic3A_957 = arith.constant 7 : i32
      %shift_right_arithmetic3A_958 = vector.broadcast %shift_right_arithmetic3A_957 : i32 to vector<16xi32>
      %shift_right_arithmetic3A_959 = arith.shrsi %get3A_956, %shift_right_arithmetic3A_958 : vector<16xi32>
      %and3A_960 = arith.constant 127 : i32
      %and3A_961 = vector.broadcast %and3A_960 : i32 to vector<16xi32>
      %and3A_962 = arith.andi %get3A_956, %and3A_961 : vector<16xi32>
      tpu.vector_store_idx %arg8[%shift_right_arithmetic3A_959, %and3A_962], %broadcast_in_dim3A_3 {add = true} : memref<80x128xf32, #tpu.memory_space<vmem>>[vector<16xi32>, vector<16xi32>], vector<16xf32>,
      %get3A_963 = arith.constant 32 : index
      %get3A_964 = tpu.vector_load %arg17[%get3A_963] {strides = array<i32>} : memref<80xi32, #tpu.memory_space<vmem>>, vector<16xi32>,
      %shift_right_arithmetic3A_965 = arith.constant 7 : i32
      %shift_right_arithmetic3A_966 = vector.broadcast %shift_right_arithmetic3A_965 : i32 to vector<16xi32>
      %shift_right_arithmetic3A_967 = arith.shrsi %get3A_964, %shift_right_arithmetic3A_966 : vector<16xi32>
      %and3A_968 = arith.constant 127 : i32
      %and3A_969 = vector.broadcast %and3A_968 : i32 to vector<16xi32>
      %and3A_970 = arith.andi %get3A_964, %and3A_969 : vector<16xi32>
      tpu.vector_store_idx %arg8[%shift_right_arithmetic3A_967, %and3A_970], %broadcast_in_dim3A_3 {add = true} : memref<80x128xf32, #tpu.memory_space<vmem>>[vector<16xi32>, vector<16xi32>], vector<16xf32>,
      %get3A_971 = arith.constant 48 : index
      %get3A_972 = tpu.vector_load %arg17[%get3A_971] {strides = array<i32>} : memref<80xi32, #tpu.memory_space<vmem>>, vector<16xi32>,
      %shift_right_arithmetic3A_973 = arith.constant 7 : i32
      %shift_right_arithmetic3A_974 = vector.broadcast %shift_right_arithmetic3A_973 : i32 to vector<16xi32>
      %shift_right_arithmetic3A_975 = arith.shrsi %get3A_972, %shift_right_arithmetic3A_974 : vector<16xi32>
      %and3A_976 = arith.constant 127 : i32
      %and3A_977 = vector.broadcast %and3A_976 : i32 to vector<16xi32>
      %and3A_978 = arith.andi %get3A_972, %and3A_977 : vector<16xi32>
      tpu.vector_store_idx %arg8[%shift_right_arithmetic3A_975, %and3A_978], %broadcast_in_dim3A_3 {add = true} : memref<80x128xf32, #tpu.memory_space<vmem>>[vector<16xi32>, vector<16xi32>], vector<16xf32>,
      %get3A_979 = arith.constant 64 : index
      %get3A_980 = tpu.vector_load %arg17[%get3A_979] {strides = array<i32>} : memref<80xi32, #tpu.memory_space<vmem>>, vector<16xi32>,
      %shift_right_arithmetic3A_981 = arith.constant 7 : i32
      %shift_right_arithmetic3A_982 = vector.broadcast %shift_right_arithmetic3A_981 : i32 to vector<16xi32>
      %shift_right_arithmetic3A_983 = arith.shrsi %get3A_980, %shift_right_arithmetic3A_982 : vector<16xi32>
      %and3A_984 = arith.constant 127 : i32
      %and3A_985 = vector.broadcast %and3A_984 : i32 to vector<16xi32>
      %and3A_986 = arith.andi %get3A_980, %and3A_985 : vector<16xi32>
      tpu.vector_store_idx %arg8[%shift_right_arithmetic3A_983, %and3A_986], %broadcast_in_dim3A_3 {add = true} : memref<80x128xf32, #tpu.memory_space<vmem>>[vector<16xi32>, vector<16xi32>], vector<16xf32>,
      %dma_start3A_987 = arith.constant 0 : i32
      %dma_start3A_988 = arith.constant 0 : i32
      %dma_start3A_989 = tpu.memref_slice %arg9[%dma_start3A_987, %dma_start3A_988] : memref<10000x128xf32, #tpu.memory_space<vmem_shared>> -> memref<10000x128xf32, #tpu.memory_space<vmem_shared>>
      tpu.enqueue_indirect_dma source(%arg12 : memref<80x128xf32, #tpu.memory_space<vmem>>) target(%dma_start3A_989 : memref<10000x128xf32, #tpu.memory_space<vmem_shared>>) offsets(%arg17 : memref<80xi32, #tpu.memory_space<vmem>>) semaphore(%arg28 : memref<!tpu.dma_semaphore, #tpu.memory_space<semaphore_mem>>) {add = true}
      %mul3A_990 = arith.constant 12 : i32
      %mul3A_991 = arith.muli %scan3A_370, %mul3A_990 : i32
      %add3A_992 = arith.constant 9 : i32
      %add3A_993 = arith.addi %mul3A_991, %add3A_992 : i32
      %ge3A_994 = arith.constant 2 : i32
      %ge3A_995 = arith.cmpi sge, %add3A_993, %ge3A_994 : i32
      %convert_element_type3A_996 = arith.extui %ge3A_995 : i1 to i32
      %cond3A_997 = arith.constant 0 : i32
      %cond3A_998 = arith.cmpi ne, %convert_element_type3A_996, %cond3A_997 : i32
      scf.if %cond3A_998 {
        %dma_wait3A_1197 = arith.constant 0 : i32
        %dma_wait3A_1198 = arith.constant 0 : i32
        %dma_wait3A_1199 = tpu.memref_slice %arg9[%dma_wait3A_1197, %dma_wait3A_1198] : memref<10000x128xf32, #tpu.memory_space<vmem_shared>> -> memref<10000x128xf32, #tpu.memory_space<vmem_shared>>
        tpu.wait_indirect_dma semaphore(%arg29 : memref<!tpu.dma_semaphore, #tpu.memory_space<semaphore_mem>>) src(%arg11 : memref<80x128xf32, #tpu.memory_space<vmem>>) dst(%dma_wait3A_1199 : memref<10000x128xf32, #tpu.memory_space<vmem_shared>>)
      } else {
      }
      %add3A_999 = arith.constant 2 : i32
      %add3A_1000 = arith.addi %add3A_993, %add3A_999 : i32
      %lt3A_1001 = arith.constant 125 : i32
      %lt3A_1002 = arith.cmpi slt, %add3A_1000, %lt3A_1001 : i32
      %convert_element_type3A_1003 = arith.extui %lt3A_1002 : i1 to i32
      %cond3A_1004 = arith.constant 0 : i32
      %cond3A_1005 = arith.cmpi ne, %convert_element_type3A_1003, %cond3A_1004 : i32
      scf.if %cond3A_1005 {
        %add3A_1197 = arith.constant 2 : i32
        %add3A_1198 = arith.addi %add3A_993, %add3A_1197 : i32
        %mul3A_1199 = arith.constant 80 : i32
        %mul3A_1200 = arith.muli %add3A_1198, %mul3A_1199 : i32
        %add3A_1201 = arith.addi %mul3A_5, %mul3A_1200 : i32
        %dma_start3A_1202 = tpu.memref_slice %arg3[%add3A_1201] : memref<320000xi32, #tpu.memory_space<hbm>> -> memref<80xi32, #tpu.memory_space<hbm>>
        %dma_start3A_1203 = tpu.memref_slice %arg3[%add3A_1201] : memref<320000xi32, #tpu.memory_space<hbm>> -> memref<80xi32, #tpu.memory_space<hbm>>
        tpu.enqueue_dma source(%dma_start3A_1203 : memref<80xi32, #tpu.memory_space<hbm>>) target(%arg16 : memref<80xi32, #tpu.memory_space<vmem>>) target_semaphore(%arg27 : memref<!tpu.dma_semaphore, #tpu.memory_space<semaphore_mem>>)
        %mul3A_1204 = arith.constant 80 : i32
        %mul3A_1205 = arith.muli %add3A_1198, %mul3A_1204 : i32
        %add3A_1206 = arith.addi %mul3A_5, %mul3A_1205 : i32
        %dma_start3A_1207 = tpu.memref_slice %arg4[%add3A_1206] : memref<320000xi32, #tpu.memory_space<hbm>> -> memref<80xi32, #tpu.memory_space<hbm>>
        %dma_start3A_1208 = tpu.memref_slice %arg4[%add3A_1206] : memref<320000xi32, #tpu.memory_space<hbm>> -> memref<80xi32, #tpu.memory_space<hbm>>
        tpu.enqueue_dma source(%dma_start3A_1208 : memref<80xi32, #tpu.memory_space<hbm>>) target(%arg20 : memref<80xi32, #tpu.memory_space<vmem>>) target_semaphore(%arg27 : memref<!tpu.dma_semaphore, #tpu.memory_space<semaphore_mem>>)
      } else {
      }
      %add3A_1006 = arith.constant 1 : i32
      %add3A_1007 = arith.addi %add3A_993, %add3A_1006 : i32
      %lt3A_1008 = arith.constant 125 : i32
      %lt3A_1009 = arith.cmpi slt, %add3A_1007, %lt3A_1008 : i32
      %convert_element_type3A_1010 = arith.extui %lt3A_1009 : i1 to i32
      %cond3A_1011 = arith.constant 0 : i32
      %cond3A_1012 = arith.cmpi ne, %convert_element_type3A_1010, %cond3A_1011 : i32
      scf.if %cond3A_1012 {
        %add3A_1197 = arith.constant 1 : i32
        %add3A_1198 = arith.addi %add3A_993, %add3A_1197 : i32
        %mul3A_1199 = arith.constant 80 : i32
        %mul3A_1200 = arith.muli %add3A_1198, %mul3A_1199 : i32
        %add3A_1201 = arith.addi %mul3A_5, %mul3A_1200 : i32
        %dma_wait3A_1202 = tpu.memref_slice %arg3[%add3A_1201] : memref<320000xi32, #tpu.memory_space<hbm>> -> memref<80xi32, #tpu.memory_space<hbm>>
        %dma_wait3A_1203 = tpu.memref_slice %arg3[%add3A_1201] : memref<320000xi32, #tpu.memory_space<hbm>> -> memref<80xi32, #tpu.memory_space<hbm>>
        tpu.wait_dma2 semaphore(%arg26 : memref<!tpu.dma_semaphore, #tpu.memory_space<semaphore_mem>>) src(%dma_wait3A_1203 : memref<80xi32, #tpu.memory_space<hbm>>) dst(%arg15 : memref<80xi32, #tpu.memory_space<vmem>>)
        %mul3A_1204 = arith.constant 80 : i32
        %mul3A_1205 = arith.muli %add3A_1198, %mul3A_1204 : i32
        %add3A_1206 = arith.addi %mul3A_5, %mul3A_1205 : i32
        %dma_wait3A_1207 = tpu.memref_slice %arg4[%add3A_1206] : memref<320000xi32, #tpu.memory_space<hbm>> -> memref<80xi32, #tpu.memory_space<hbm>>
        %dma_wait3A_1208 = tpu.memref_slice %arg4[%add3A_1206] : memref<320000xi32, #tpu.memory_space<hbm>> -> memref<80xi32, #tpu.memory_space<hbm>>
        tpu.wait_dma2 semaphore(%arg26 : memref<!tpu.dma_semaphore, #tpu.memory_space<semaphore_mem>>) src(%dma_wait3A_1208 : memref<80xi32, #tpu.memory_space<hbm>>) dst(%arg19 : memref<80xi32, #tpu.memory_space<vmem>>)
        %dma_start3A_1209 = arith.constant 0 : i32
        %dma_start3A_1210 = arith.constant 0 : i32
        %dma_start3A_1211 = tpu.memref_slice %arg2[%dma_start3A_1209, %dma_start3A_1210] : memref<10000x128xf32, #tpu.memory_space<hbm>> -> memref<10000x128xf32, #tpu.memory_space<hbm>>
        tpu.enqueue_indirect_dma source(%dma_start3A_1211 : memref<10000x128xf32, #tpu.memory_space<hbm>>) target(%arg11 : memref<80x128xf32, #tpu.memory_space<vmem>>) offsets(%arg15 : memref<80xi32, #tpu.memory_space<vmem>>) semaphore(%arg22 : memref<!tpu.dma_semaphore, #tpu.memory_space<semaphore_mem>>)
      } else {
      }
      %dma_wait3A_1013 = arith.constant 0 : i32
      %dma_wait3A_1014 = arith.constant 0 : i32
      %dma_wait3A_1015 = tpu.memref_slice %arg2[%dma_wait3A_1013, %dma_wait3A_1014] : memref<10000x128xf32, #tpu.memory_space<hbm>> -> memref<10000x128xf32, #tpu.memory_space<hbm>>
      tpu.wait_indirect_dma semaphore(%arg21 : memref<!tpu.dma_semaphore, #tpu.memory_space<semaphore_mem>>) src(%dma_wait3A_1015 : memref<10000x128xf32, #tpu.memory_space<hbm>>) dst(%arg10 : memref<80x128xf32, #tpu.memory_space<vmem>>)
      %get3A_1016 = arith.constant 0 : index
      %get3A_1017 = tpu.vector_load %arg18[%get3A_1016] {strides = array<i32>} : memref<80xi32, #tpu.memory_space<vmem>>, vector<16xi32>,
      %shift_right_arithmetic3A_1018 = arith.constant 7 : i32
      %shift_right_arithmetic3A_1019 = vector.broadcast %shift_right_arithmetic3A_1018 : i32 to vector<16xi32>
      %shift_right_arithmetic3A_1020 = arith.shrsi %get3A_1017, %shift_right_arithmetic3A_1019 : vector<16xi32>
      %and3A_1021 = arith.constant 127 : i32
      %and3A_1022 = vector.broadcast %and3A_1021 : i32 to vector<16xi32>
      %and3A_1023 = arith.andi %get3A_1017, %and3A_1022 : vector<16xi32>
      tpu.vector_store_idx %arg8[%shift_right_arithmetic3A_1020, %and3A_1023], %broadcast_in_dim3A_3 {add = true} : memref<80x128xf32, #tpu.memory_space<vmem>>[vector<16xi32>, vector<16xi32>], vector<16xf32>,
      %get3A_1024 = arith.constant 16 : index
      %get3A_1025 = tpu.vector_load %arg18[%get3A_1024] {strides = array<i32>} : memref<80xi32, #tpu.memory_space<vmem>>, vector<16xi32>,
      %shift_right_arithmetic3A_1026 = arith.constant 7 : i32
      %shift_right_arithmetic3A_1027 = vector.broadcast %shift_right_arithmetic3A_1026 : i32 to vector<16xi32>
      %shift_right_arithmetic3A_1028 = arith.shrsi %get3A_1025, %shift_right_arithmetic3A_1027 : vector<16xi32>
      %and3A_1029 = arith.constant 127 : i32
      %and3A_1030 = vector.broadcast %and3A_1029 : i32 to vector<16xi32>
      %and3A_1031 = arith.andi %get3A_1025, %and3A_1030 : vector<16xi32>
      tpu.vector_store_idx %arg8[%shift_right_arithmetic3A_1028, %and3A_1031], %broadcast_in_dim3A_3 {add = true} : memref<80x128xf32, #tpu.memory_space<vmem>>[vector<16xi32>, vector<16xi32>], vector<16xf32>,
      %get3A_1032 = arith.constant 32 : index
      %get3A_1033 = tpu.vector_load %arg18[%get3A_1032] {strides = array<i32>} : memref<80xi32, #tpu.memory_space<vmem>>, vector<16xi32>,
      %shift_right_arithmetic3A_1034 = arith.constant 7 : i32
      %shift_right_arithmetic3A_1035 = vector.broadcast %shift_right_arithmetic3A_1034 : i32 to vector<16xi32>
      %shift_right_arithmetic3A_1036 = arith.shrsi %get3A_1033, %shift_right_arithmetic3A_1035 : vector<16xi32>
      %and3A_1037 = arith.constant 127 : i32
      %and3A_1038 = vector.broadcast %and3A_1037 : i32 to vector<16xi32>
      %and3A_1039 = arith.andi %get3A_1033, %and3A_1038 : vector<16xi32>
      tpu.vector_store_idx %arg8[%shift_right_arithmetic3A_1036, %and3A_1039], %broadcast_in_dim3A_3 {add = true} : memref<80x128xf32, #tpu.memory_space<vmem>>[vector<16xi32>, vector<16xi32>], vector<16xf32>,
      %get3A_1040 = arith.constant 48 : index
      %get3A_1041 = tpu.vector_load %arg18[%get3A_1040] {strides = array<i32>} : memref<80xi32, #tpu.memory_space<vmem>>, vector<16xi32>,
      %shift_right_arithmetic3A_1042 = arith.constant 7 : i32
      %shift_right_arithmetic3A_1043 = vector.broadcast %shift_right_arithmetic3A_1042 : i32 to vector<16xi32>
      %shift_right_arithmetic3A_1044 = arith.shrsi %get3A_1041, %shift_right_arithmetic3A_1043 : vector<16xi32>
      %and3A_1045 = arith.constant 127 : i32
      %and3A_1046 = vector.broadcast %and3A_1045 : i32 to vector<16xi32>
      %and3A_1047 = arith.andi %get3A_1041, %and3A_1046 : vector<16xi32>
      tpu.vector_store_idx %arg8[%shift_right_arithmetic3A_1044, %and3A_1047], %broadcast_in_dim3A_3 {add = true} : memref<80x128xf32, #tpu.memory_space<vmem>>[vector<16xi32>, vector<16xi32>], vector<16xf32>,
      %get3A_1048 = arith.constant 64 : index
      %get3A_1049 = tpu.vector_load %arg18[%get3A_1048] {strides = array<i32>} : memref<80xi32, #tpu.memory_space<vmem>>, vector<16xi32>,
      %shift_right_arithmetic3A_1050 = arith.constant 7 : i32
      %shift_right_arithmetic3A_1051 = vector.broadcast %shift_right_arithmetic3A_1050 : i32 to vector<16xi32>
      %shift_right_arithmetic3A_1052 = arith.shrsi %get3A_1049, %shift_right_arithmetic3A_1051 : vector<16xi32>
      %and3A_1053 = arith.constant 127 : i32
      %and3A_1054 = vector.broadcast %and3A_1053 : i32 to vector<16xi32>
      %and3A_1055 = arith.andi %get3A_1049, %and3A_1054 : vector<16xi32>
      tpu.vector_store_idx %arg8[%shift_right_arithmetic3A_1052, %and3A_1055], %broadcast_in_dim3A_3 {add = true} : memref<80x128xf32, #tpu.memory_space<vmem>>[vector<16xi32>, vector<16xi32>], vector<16xf32>,
      %dma_start3A_1056 = arith.constant 0 : i32
      %dma_start3A_1057 = arith.constant 0 : i32
      %dma_start3A_1058 = tpu.memref_slice %arg9[%dma_start3A_1056, %dma_start3A_1057] : memref<10000x128xf32, #tpu.memory_space<vmem_shared>> -> memref<10000x128xf32, #tpu.memory_space<vmem_shared>>
      tpu.enqueue_indirect_dma source(%arg10 : memref<80x128xf32, #tpu.memory_space<vmem>>) target(%dma_start3A_1058 : memref<10000x128xf32, #tpu.memory_space<vmem_shared>>) offsets(%arg18 : memref<80xi32, #tpu.memory_space<vmem>>) semaphore(%arg29 : memref<!tpu.dma_semaphore, #tpu.memory_space<semaphore_mem>>) {add = true}
      %mul3A_1059 = arith.constant 12 : i32
      %mul3A_1060 = arith.muli %scan3A_370, %mul3A_1059 : i32
      %add3A_1061 = arith.constant 10 : i32
      %add3A_1062 = arith.addi %mul3A_1060, %add3A_1061 : i32
      %ge3A_1063 = arith.constant 2 : i32
      %ge3A_1064 = arith.cmpi sge, %add3A_1062, %ge3A_1063 : i32
      %convert_element_type3A_1065 = arith.extui %ge3A_1064 : i1 to i32
      %cond3A_1066 = arith.constant 0 : i32
      %cond3A_1067 = arith.cmpi ne, %convert_element_type3A_1065, %cond3A_1066 : i32
      scf.if %cond3A_1067 {
        %dma_wait3A_1197 = arith.constant 0 : i32
        %dma_wait3A_1198 = arith.constant 0 : i32
        %dma_wait3A_1199 = tpu.memref_slice %arg9[%dma_wait3A_1197, %dma_wait3A_1198] : memref<10000x128xf32, #tpu.memory_space<vmem_shared>> -> memref<10000x128xf32, #tpu.memory_space<vmem_shared>>
        tpu.wait_indirect_dma semaphore(%arg28 : memref<!tpu.dma_semaphore, #tpu.memory_space<semaphore_mem>>) src(%arg12 : memref<80x128xf32, #tpu.memory_space<vmem>>) dst(%dma_wait3A_1199 : memref<10000x128xf32, #tpu.memory_space<vmem_shared>>)
      } else {
      }
      %add3A_1068 = arith.constant 2 : i32
      %add3A_1069 = arith.addi %add3A_1062, %add3A_1068 : i32
      %lt3A_1070 = arith.constant 125 : i32
      %lt3A_1071 = arith.cmpi slt, %add3A_1069, %lt3A_1070 : i32
      %convert_element_type3A_1072 = arith.extui %lt3A_1071 : i1 to i32
      %cond3A_1073 = arith.constant 0 : i32
      %cond3A_1074 = arith.cmpi ne, %convert_element_type3A_1072, %cond3A_1073 : i32
      scf.if %cond3A_1074 {
        %add3A_1197 = arith.constant 2 : i32
        %add3A_1198 = arith.addi %add3A_1062, %add3A_1197 : i32
        %mul3A_1199 = arith.constant 80 : i32
        %mul3A_1200 = arith.muli %add3A_1198, %mul3A_1199 : i32
        %add3A_1201 = arith.addi %mul3A_5, %mul3A_1200 : i32
        %dma_start3A_1202 = tpu.memref_slice %arg3[%add3A_1201] : memref<320000xi32, #tpu.memory_space<hbm>> -> memref<80xi32, #tpu.memory_space<hbm>>
        %dma_start3A_1203 = tpu.memref_slice %arg3[%add3A_1201] : memref<320000xi32, #tpu.memory_space<hbm>> -> memref<80xi32, #tpu.memory_space<hbm>>
        tpu.enqueue_dma source(%dma_start3A_1203 : memref<80xi32, #tpu.memory_space<hbm>>) target(%arg13 : memref<80xi32, #tpu.memory_space<vmem>>) target_semaphore(%arg24 : memref<!tpu.dma_semaphore, #tpu.memory_space<semaphore_mem>>)
        %mul3A_1204 = arith.constant 80 : i32
        %mul3A_1205 = arith.muli %add3A_1198, %mul3A_1204 : i32
        %add3A_1206 = arith.addi %mul3A_5, %mul3A_1205 : i32
        %dma_start3A_1207 = tpu.memref_slice %arg4[%add3A_1206] : memref<320000xi32, #tpu.memory_space<hbm>> -> memref<80xi32, #tpu.memory_space<hbm>>
        %dma_start3A_1208 = tpu.memref_slice %arg4[%add3A_1206] : memref<320000xi32, #tpu.memory_space<hbm>> -> memref<80xi32, #tpu.memory_space<hbm>>
        tpu.enqueue_dma source(%dma_start3A_1208 : memref<80xi32, #tpu.memory_space<hbm>>) target(%arg17 : memref<80xi32, #tpu.memory_space<vmem>>) target_semaphore(%arg24 : memref<!tpu.dma_semaphore, #tpu.memory_space<semaphore_mem>>)
      } else {
      }
      %add3A_1075 = arith.constant 1 : i32
      %add3A_1076 = arith.addi %add3A_1062, %add3A_1075 : i32
      %lt3A_1077 = arith.constant 125 : i32
      %lt3A_1078 = arith.cmpi slt, %add3A_1076, %lt3A_1077 : i32
      %convert_element_type3A_1079 = arith.extui %lt3A_1078 : i1 to i32
      %cond3A_1080 = arith.constant 0 : i32
      %cond3A_1081 = arith.cmpi ne, %convert_element_type3A_1079, %cond3A_1080 : i32
      scf.if %cond3A_1081 {
        %add3A_1197 = arith.constant 1 : i32
        %add3A_1198 = arith.addi %add3A_1062, %add3A_1197 : i32
        %mul3A_1199 = arith.constant 80 : i32
        %mul3A_1200 = arith.muli %add3A_1198, %mul3A_1199 : i32
        %add3A_1201 = arith.addi %mul3A_5, %mul3A_1200 : i32
        %dma_wait3A_1202 = tpu.memref_slice %arg3[%add3A_1201] : memref<320000xi32, #tpu.memory_space<hbm>> -> memref<80xi32, #tpu.memory_space<hbm>>
        %dma_wait3A_1203 = tpu.memref_slice %arg3[%add3A_1201] : memref<320000xi32, #tpu.memory_space<hbm>> -> memref<80xi32, #tpu.memory_space<hbm>>
        tpu.wait_dma2 semaphore(%arg27 : memref<!tpu.dma_semaphore, #tpu.memory_space<semaphore_mem>>) src(%dma_wait3A_1203 : memref<80xi32, #tpu.memory_space<hbm>>) dst(%arg16 : memref<80xi32, #tpu.memory_space<vmem>>)
        %mul3A_1204 = arith.constant 80 : i32
        %mul3A_1205 = arith.muli %add3A_1198, %mul3A_1204 : i32
        %add3A_1206 = arith.addi %mul3A_5, %mul3A_1205 : i32
        %dma_wait3A_1207 = tpu.memref_slice %arg4[%add3A_1206] : memref<320000xi32, #tpu.memory_space<hbm>> -> memref<80xi32, #tpu.memory_space<hbm>>
        %dma_wait3A_1208 = tpu.memref_slice %arg4[%add3A_1206] : memref<320000xi32, #tpu.memory_space<hbm>> -> memref<80xi32, #tpu.memory_space<hbm>>
        tpu.wait_dma2 semaphore(%arg27 : memref<!tpu.dma_semaphore, #tpu.memory_space<semaphore_mem>>) src(%dma_wait3A_1208 : memref<80xi32, #tpu.memory_space<hbm>>) dst(%arg20 : memref<80xi32, #tpu.memory_space<vmem>>)
        %dma_start3A_1209 = arith.constant 0 : i32
        %dma_start3A_1210 = arith.constant 0 : i32
        %dma_start3A_1211 = tpu.memref_slice %arg2[%dma_start3A_1209, %dma_start3A_1210] : memref<10000x128xf32, #tpu.memory_space<hbm>> -> memref<10000x128xf32, #tpu.memory_space<hbm>>
        tpu.enqueue_indirect_dma source(%dma_start3A_1211 : memref<10000x128xf32, #tpu.memory_space<hbm>>) target(%arg12 : memref<80x128xf32, #tpu.memory_space<vmem>>) offsets(%arg16 : memref<80xi32, #tpu.memory_space<vmem>>) semaphore(%arg23 : memref<!tpu.dma_semaphore, #tpu.memory_space<semaphore_mem>>)
      } else {
      }
      %dma_wait3A_1082 = arith.constant 0 : i32
      %dma_wait3A_1083 = arith.constant 0 : i32
      %dma_wait3A_1084 = tpu.memref_slice %arg2[%dma_wait3A_1082, %dma_wait3A_1083] : memref<10000x128xf32, #tpu.memory_space<hbm>> -> memref<10000x128xf32, #tpu.memory_space<hbm>>
      tpu.wait_indirect_dma semaphore(%arg22 : memref<!tpu.dma_semaphore, #tpu.memory_space<semaphore_mem>>) src(%dma_wait3A_1084 : memref<10000x128xf32, #tpu.memory_space<hbm>>) dst(%arg11 : memref<80x128xf32, #tpu.memory_space<vmem>>)
      %get3A_1085 = arith.constant 0 : index
      %get3A_1086 = tpu.vector_load %arg19[%get3A_1085] {strides = array<i32>} : memref<80xi32, #tpu.memory_space<vmem>>, vector<16xi32>,
      %shift_right_arithmetic3A_1087 = arith.constant 7 : i32
      %shift_right_arithmetic3A_1088 = vector.broadcast %shift_right_arithmetic3A_1087 : i32 to vector<16xi32>
      %shift_right_arithmetic3A_1089 = arith.shrsi %get3A_1086, %shift_right_arithmetic3A_1088 : vector<16xi32>
      %and3A_1090 = arith.constant 127 : i32
      %and3A_1091 = vector.broadcast %and3A_1090 : i32 to vector<16xi32>
      %and3A_1092 = arith.andi %get3A_1086, %and3A_1091 : vector<16xi32>
      tpu.vector_store_idx %arg8[%shift_right_arithmetic3A_1089, %and3A_1092], %broadcast_in_dim3A_3 {add = true} : memref<80x128xf32, #tpu.memory_space<vmem>>[vector<16xi32>, vector<16xi32>], vector<16xf32>,
      %get3A_1093 = arith.constant 16 : index
      %get3A_1094 = tpu.vector_load %arg19[%get3A_1093] {strides = array<i32>} : memref<80xi32, #tpu.memory_space<vmem>>, vector<16xi32>,
      %shift_right_arithmetic3A_1095 = arith.constant 7 : i32
      %shift_right_arithmetic3A_1096 = vector.broadcast %shift_right_arithmetic3A_1095 : i32 to vector<16xi32>
      %shift_right_arithmetic3A_1097 = arith.shrsi %get3A_1094, %shift_right_arithmetic3A_1096 : vector<16xi32>
      %and3A_1098 = arith.constant 127 : i32
      %and3A_1099 = vector.broadcast %and3A_1098 : i32 to vector<16xi32>
      %and3A_1100 = arith.andi %get3A_1094, %and3A_1099 : vector<16xi32>
      tpu.vector_store_idx %arg8[%shift_right_arithmetic3A_1097, %and3A_1100], %broadcast_in_dim3A_3 {add = true} : memref<80x128xf32, #tpu.memory_space<vmem>>[vector<16xi32>, vector<16xi32>], vector<16xf32>,
      %get3A_1101 = arith.constant 32 : index
      %get3A_1102 = tpu.vector_load %arg19[%get3A_1101] {strides = array<i32>} : memref<80xi32, #tpu.memory_space<vmem>>, vector<16xi32>,
      %shift_right_arithmetic3A_1103 = arith.constant 7 : i32
      %shift_right_arithmetic3A_1104 = vector.broadcast %shift_right_arithmetic3A_1103 : i32 to vector<16xi32>
      %shift_right_arithmetic3A_1105 = arith.shrsi %get3A_1102, %shift_right_arithmetic3A_1104 : vector<16xi32>
      %and3A_1106 = arith.constant 127 : i32
      %and3A_1107 = vector.broadcast %and3A_1106 : i32 to vector<16xi32>
      %and3A_1108 = arith.andi %get3A_1102, %and3A_1107 : vector<16xi32>
      tpu.vector_store_idx %arg8[%shift_right_arithmetic3A_1105, %and3A_1108], %broadcast_in_dim3A_3 {add = true} : memref<80x128xf32, #tpu.memory_space<vmem>>[vector<16xi32>, vector<16xi32>], vector<16xf32>,
      %get3A_1109 = arith.constant 48 : index
      %get3A_1110 = tpu.vector_load %arg19[%get3A_1109] {strides = array<i32>} : memref<80xi32, #tpu.memory_space<vmem>>, vector<16xi32>,
      %shift_right_arithmetic3A_1111 = arith.constant 7 : i32
      %shift_right_arithmetic3A_1112 = vector.broadcast %shift_right_arithmetic3A_1111 : i32 to vector<16xi32>
      %shift_right_arithmetic3A_1113 = arith.shrsi %get3A_1110, %shift_right_arithmetic3A_1112 : vector<16xi32>
      %and3A_1114 = arith.constant 127 : i32
      %and3A_1115 = vector.broadcast %and3A_1114 : i32 to vector<16xi32>
      %and3A_1116 = arith.andi %get3A_1110, %and3A_1115 : vector<16xi32>
      tpu.vector_store_idx %arg8[%shift_right_arithmetic3A_1113, %and3A_1116], %broadcast_in_dim3A_3 {add = true} : memref<80x128xf32, #tpu.memory_space<vmem>>[vector<16xi32>, vector<16xi32>], vector<16xf32>,
      %get3A_1117 = arith.constant 64 : index
      %get3A_1118 = tpu.vector_load %arg19[%get3A_1117] {strides = array<i32>} : memref<80xi32, #tpu.memory_space<vmem>>, vector<16xi32>,
      %shift_right_arithmetic3A_1119 = arith.constant 7 : i32
      %shift_right_arithmetic3A_1120 = vector.broadcast %shift_right_arithmetic3A_1119 : i32 to vector<16xi32>
      %shift_right_arithmetic3A_1121 = arith.shrsi %get3A_1118, %shift_right_arithmetic3A_1120 : vector<16xi32>
      %and3A_1122 = arith.constant 127 : i32
      %and3A_1123 = vector.broadcast %and3A_1122 : i32 to vector<16xi32>
      %and3A_1124 = arith.andi %get3A_1118, %and3A_1123 : vector<16xi32>
      tpu.vector_store_idx %arg8[%shift_right_arithmetic3A_1121, %and3A_1124], %broadcast_in_dim3A_3 {add = true} : memref<80x128xf32, #tpu.memory_space<vmem>>[vector<16xi32>, vector<16xi32>], vector<16xf32>,
      %dma_start3A_1125 = arith.constant 0 : i32
      %dma_start3A_1126 = arith.constant 0 : i32
      %dma_start3A_1127 = tpu.memref_slice %arg9[%dma_start3A_1125, %dma_start3A_1126] : memref<10000x128xf32, #tpu.memory_space<vmem_shared>> -> memref<10000x128xf32, #tpu.memory_space<vmem_shared>>
      tpu.enqueue_indirect_dma source(%arg11 : memref<80x128xf32, #tpu.memory_space<vmem>>) target(%dma_start3A_1127 : memref<10000x128xf32, #tpu.memory_space<vmem_shared>>) offsets(%arg19 : memref<80xi32, #tpu.memory_space<vmem>>) semaphore(%arg28 : memref<!tpu.dma_semaphore, #tpu.memory_space<semaphore_mem>>) {add = true}
      %mul3A_1128 = arith.constant 12 : i32
      %mul3A_1129 = arith.muli %scan3A_370, %mul3A_1128 : i32
      %add3A_1130 = arith.constant 11 : i32
      %add3A_1131 = arith.addi %mul3A_1129, %add3A_1130 : i32
      %ge3A_1132 = arith.constant 2 : i32
      %ge3A_1133 = arith.cmpi sge, %add3A_1131, %ge3A_1132 : i32
      %convert_element_type3A_1134 = arith.extui %ge3A_1133 : i1 to i32
      %cond3A_1135 = arith.constant 0 : i32
      %cond3A_1136 = arith.cmpi ne, %convert_element_type3A_1134, %cond3A_1135 : i32
      scf.if %cond3A_1136 {
        %dma_wait3A_1197 = arith.constant 0 : i32
        %dma_wait3A_1198 = arith.constant 0 : i32
        %dma_wait3A_1199 = tpu.memref_slice %arg9[%dma_wait3A_1197, %dma_wait3A_1198] : memref<10000x128xf32, #tpu.memory_space<vmem_shared>> -> memref<10000x128xf32, #tpu.memory_space<vmem_shared>>
        tpu.wait_indirect_dma semaphore(%arg29 : memref<!tpu.dma_semaphore, #tpu.memory_space<semaphore_mem>>) src(%arg10 : memref<80x128xf32, #tpu.memory_space<vmem>>) dst(%dma_wait3A_1199 : memref<10000x128xf32, #tpu.memory_space<vmem_shared>>)
      } else {
      }
      %add3A_1137 = arith.constant 2 : i32
      %add3A_1138 = arith.addi %add3A_1131, %add3A_1137 : i32
      %lt3A_1139 = arith.constant 125 : i32
      %lt3A_1140 = arith.cmpi slt, %add3A_1138, %lt3A_1139 : i32
      %convert_element_type3A_1141 = arith.extui %lt3A_1140 : i1 to i32
      %cond3A_1142 = arith.constant 0 : i32
      %cond3A_1143 = arith.cmpi ne, %convert_element_type3A_1141, %cond3A_1142 : i32
      scf.if %cond3A_1143 {
        %add3A_1197 = arith.constant 2 : i32
        %add3A_1198 = arith.addi %add3A_1131, %add3A_1197 : i32
        %mul3A_1199 = arith.constant 80 : i32
        %mul3A_1200 = arith.muli %add3A_1198, %mul3A_1199 : i32
        %add3A_1201 = arith.addi %mul3A_5, %mul3A_1200 : i32
        %dma_start3A_1202 = tpu.memref_slice %arg3[%add3A_1201] : memref<320000xi32, #tpu.memory_space<hbm>> -> memref<80xi32, #tpu.memory_space<hbm>>
        %dma_start3A_1203 = tpu.memref_slice %arg3[%add3A_1201] : memref<320000xi32, #tpu.memory_space<hbm>> -> memref<80xi32, #tpu.memory_space<hbm>>
        tpu.enqueue_dma source(%dma_start3A_1203 : memref<80xi32, #tpu.memory_space<hbm>>) target(%arg14 : memref<80xi32, #tpu.memory_space<vmem>>) target_semaphore(%arg25 : memref<!tpu.dma_semaphore, #tpu.memory_space<semaphore_mem>>)
        %mul3A_1204 = arith.constant 80 : i32
        %mul3A_1205 = arith.muli %add3A_1198, %mul3A_1204 : i32
        %add3A_1206 = arith.addi %mul3A_5, %mul3A_1205 : i32
        %dma_start3A_1207 = tpu.memref_slice %arg4[%add3A_1206] : memref<320000xi32, #tpu.memory_space<hbm>> -> memref<80xi32, #tpu.memory_space<hbm>>
        %dma_start3A_1208 = tpu.memref_slice %arg4[%add3A_1206] : memref<320000xi32, #tpu.memory_space<hbm>> -> memref<80xi32, #tpu.memory_space<hbm>>
        tpu.enqueue_dma source(%dma_start3A_1208 : memref<80xi32, #tpu.memory_space<hbm>>) target(%arg18 : memref<80xi32, #tpu.memory_space<vmem>>) target_semaphore(%arg25 : memref<!tpu.dma_semaphore, #tpu.memory_space<semaphore_mem>>)
      } else {
      }
      %add3A_1144 = arith.constant 1 : i32
      %add3A_1145 = arith.addi %add3A_1131, %add3A_1144 : i32
      %lt3A_1146 = arith.constant 125 : i32
      %lt3A_1147 = arith.cmpi slt, %add3A_1145, %lt3A_1146 : i32
      %convert_element_type3A_1148 = arith.extui %lt3A_1147 : i1 to i32
      %cond3A_1149 = arith.constant 0 : i32
      %cond3A_1150 = arith.cmpi ne, %convert_element_type3A_1148, %cond3A_1149 : i32
      scf.if %cond3A_1150 {
        %add3A_1197 = arith.constant 1 : i32
        %add3A_1198 = arith.addi %add3A_1131, %add3A_1197 : i32
        %mul3A_1199 = arith.constant 80 : i32
        %mul3A_1200 = arith.muli %add3A_1198, %mul3A_1199 : i32
        %add3A_1201 = arith.addi %mul3A_5, %mul3A_1200 : i32
        %dma_wait3A_1202 = tpu.memref_slice %arg3[%add3A_1201] : memref<320000xi32, #tpu.memory_space<hbm>> -> memref<80xi32, #tpu.memory_space<hbm>>
        %dma_wait3A_1203 = tpu.memref_slice %arg3[%add3A_1201] : memref<320000xi32, #tpu.memory_space<hbm>> -> memref<80xi32, #tpu.memory_space<hbm>>
        tpu.wait_dma2 semaphore(%arg24 : memref<!tpu.dma_semaphore, #tpu.memory_space<semaphore_mem>>) src(%dma_wait3A_1203 : memref<80xi32, #tpu.memory_space<hbm>>) dst(%arg13 : memref<80xi32, #tpu.memory_space<vmem>>)
        %mul3A_1204 = arith.constant 80 : i32
        %mul3A_1205 = arith.muli %add3A_1198, %mul3A_1204 : i32
        %add3A_1206 = arith.addi %mul3A_5, %mul3A_1205 : i32
        %dma_wait3A_1207 = tpu.memref_slice %arg4[%add3A_1206] : memref<320000xi32, #tpu.memory_space<hbm>> -> memref<80xi32, #tpu.memory_space<hbm>>
        %dma_wait3A_1208 = tpu.memref_slice %arg4[%add3A_1206] : memref<320000xi32, #tpu.memory_space<hbm>> -> memref<80xi32, #tpu.memory_space<hbm>>
        tpu.wait_dma2 semaphore(%arg24 : memref<!tpu.dma_semaphore, #tpu.memory_space<semaphore_mem>>) src(%dma_wait3A_1208 : memref<80xi32, #tpu.memory_space<hbm>>) dst(%arg17 : memref<80xi32, #tpu.memory_space<vmem>>)
        %dma_start3A_1209 = arith.constant 0 : i32
        %dma_start3A_1210 = arith.constant 0 : i32
        %dma_start3A_1211 = tpu.memref_slice %arg2[%dma_start3A_1209, %dma_start3A_1210] : memref<10000x128xf32, #tpu.memory_space<hbm>> -> memref<10000x128xf32, #tpu.memory_space<hbm>>
        tpu.enqueue_indirect_dma source(%dma_start3A_1211 : memref<10000x128xf32, #tpu.memory_space<hbm>>) target(%arg10 : memref<80x128xf32, #tpu.memory_space<vmem>>) offsets(%arg13 : memref<80xi32, #tpu.memory_space<vmem>>) semaphore(%arg21 : memref<!tpu.dma_semaphore, #tpu.memory_space<semaphore_mem>>)
      } else {
      }
      %dma_wait3A_1151 = arith.constant 0 : i32
      %dma_wait3A_1152 = arith.constant 0 : i32
      %dma_wait3A_1153 = tpu.memref_slice %arg2[%dma_wait3A_1151, %dma_wait3A_1152] : memref<10000x128xf32, #tpu.memory_space<hbm>> -> memref<10000x128xf32, #tpu.memory_space<hbm>>
      tpu.wait_indirect_dma semaphore(%arg23 : memref<!tpu.dma_semaphore, #tpu.memory_space<semaphore_mem>>) src(%dma_wait3A_1153 : memref<10000x128xf32, #tpu.memory_space<hbm>>) dst(%arg12 : memref<80x128xf32, #tpu.memory_space<vmem>>)
      %get3A_1154 = arith.constant 0 : index
      %get3A_1155 = tpu.vector_load %arg20[%get3A_1154] {strides = array<i32>} : memref<80xi32, #tpu.memory_space<vmem>>, vector<16xi32>,
      %shift_right_arithmetic3A_1156 = arith.constant 7 : i32
      %shift_right_arithmetic3A_1157 = vector.broadcast %shift_right_arithmetic3A_1156 : i32 to vector<16xi32>
      %shift_right_arithmetic3A_1158 = arith.shrsi %get3A_1155, %shift_right_arithmetic3A_1157 : vector<16xi32>
      %and3A_1159 = arith.constant 127 : i32
      %and3A_1160 = vector.broadcast %and3A_1159 : i32 to vector<16xi32>
      %and3A_1161 = arith.andi %get3A_1155, %and3A_1160 : vector<16xi32>
      tpu.vector_store_idx %arg8[%shift_right_arithmetic3A_1158, %and3A_1161], %broadcast_in_dim3A_3 {add = true} : memref<80x128xf32, #tpu.memory_space<vmem>>[vector<16xi32>, vector<16xi32>], vector<16xf32>,
      %get3A_1162 = arith.constant 16 : index
      %get3A_1163 = tpu.vector_load %arg20[%get3A_1162] {strides = array<i32>} : memref<80xi32, #tpu.memory_space<vmem>>, vector<16xi32>,
      %shift_right_arithmetic3A_1164 = arith.constant 7 : i32
      %shift_right_arithmetic3A_1165 = vector.broadcast %shift_right_arithmetic3A_1164 : i32 to vector<16xi32>
      %shift_right_arithmetic3A_1166 = arith.shrsi %get3A_1163, %shift_right_arithmetic3A_1165 : vector<16xi32>
      %and3A_1167 = arith.constant 127 : i32
      %and3A_1168 = vector.broadcast %and3A_1167 : i32 to vector<16xi32>
      %and3A_1169 = arith.andi %get3A_1163, %and3A_1168 : vector<16xi32>
      tpu.vector_store_idx %arg8[%shift_right_arithmetic3A_1166, %and3A_1169], %broadcast_in_dim3A_3 {add = true} : memref<80x128xf32, #tpu.memory_space<vmem>>[vector<16xi32>, vector<16xi32>], vector<16xf32>,
      %get3A_1170 = arith.constant 32 : index
      %get3A_1171 = tpu.vector_load %arg20[%get3A_1170] {strides = array<i32>} : memref<80xi32, #tpu.memory_space<vmem>>, vector<16xi32>,
      %shift_right_arithmetic3A_1172 = arith.constant 7 : i32
      %shift_right_arithmetic3A_1173 = vector.broadcast %shift_right_arithmetic3A_1172 : i32 to vector<16xi32>
      %shift_right_arithmetic3A_1174 = arith.shrsi %get3A_1171, %shift_right_arithmetic3A_1173 : vector<16xi32>
      %and3A_1175 = arith.constant 127 : i32
      %and3A_1176 = vector.broadcast %and3A_1175 : i32 to vector<16xi32>
      %and3A_1177 = arith.andi %get3A_1171, %and3A_1176 : vector<16xi32>
      tpu.vector_store_idx %arg8[%shift_right_arithmetic3A_1174, %and3A_1177], %broadcast_in_dim3A_3 {add = true} : memref<80x128xf32, #tpu.memory_space<vmem>>[vector<16xi32>, vector<16xi32>], vector<16xf32>,
      %get3A_1178 = arith.constant 48 : index
      %get3A_1179 = tpu.vector_load %arg20[%get3A_1178] {strides = array<i32>} : memref<80xi32, #tpu.memory_space<vmem>>, vector<16xi32>,
      %shift_right_arithmetic3A_1180 = arith.constant 7 : i32
      %shift_right_arithmetic3A_1181 = vector.broadcast %shift_right_arithmetic3A_1180 : i32 to vector<16xi32>
      %shift_right_arithmetic3A_1182 = arith.shrsi %get3A_1179, %shift_right_arithmetic3A_1181 : vector<16xi32>
      %and3A_1183 = arith.constant 127 : i32
      %and3A_1184 = vector.broadcast %and3A_1183 : i32 to vector<16xi32>
      %and3A_1185 = arith.andi %get3A_1179, %and3A_1184 : vector<16xi32>
      tpu.vector_store_idx %arg8[%shift_right_arithmetic3A_1182, %and3A_1185], %broadcast_in_dim3A_3 {add = true} : memref<80x128xf32, #tpu.memory_space<vmem>>[vector<16xi32>, vector<16xi32>], vector<16xf32>,
      %get3A_1186 = arith.constant 64 : index
      %get3A_1187 = tpu.vector_load %arg20[%get3A_1186] {strides = array<i32>} : memref<80xi32, #tpu.memory_space<vmem>>, vector<16xi32>,
      %shift_right_arithmetic3A_1188 = arith.constant 7 : i32
      %shift_right_arithmetic3A_1189 = vector.broadcast %shift_right_arithmetic3A_1188 : i32 to vector<16xi32>
      %shift_right_arithmetic3A_1190 = arith.shrsi %get3A_1187, %shift_right_arithmetic3A_1189 : vector<16xi32>
      %and3A_1191 = arith.constant 127 : i32
      %and3A_1192 = vector.broadcast %and3A_1191 : i32 to vector<16xi32>
      %and3A_1193 = arith.andi %get3A_1187, %and3A_1192 : vector<16xi32>
      tpu.vector_store_idx %arg8[%shift_right_arithmetic3A_1190, %and3A_1193], %broadcast_in_dim3A_3 {add = true} : memref<80x128xf32, #tpu.memory_space<vmem>>[vector<16xi32>, vector<16xi32>], vector<16xf32>,
      %dma_start3A_1194 = arith.constant 0 : i32
      %dma_start3A_1195 = arith.constant 0 : i32
      %dma_start3A_1196 = tpu.memref_slice %arg9[%dma_start3A_1194, %dma_start3A_1195] : memref<10000x128xf32, #tpu.memory_space<vmem_shared>> -> memref<10000x128xf32, #tpu.memory_space<vmem_shared>>
      tpu.enqueue_indirect_dma source(%arg12 : memref<80x128xf32, #tpu.memory_space<vmem>>) target(%dma_start3A_1196 : memref<10000x128xf32, #tpu.memory_space<vmem_shared>>) offsets(%arg20 : memref<80xi32, #tpu.memory_space<vmem>>) semaphore(%arg29 : memref<!tpu.dma_semaphore, #tpu.memory_space<semaphore_mem>>) {add = true}
    }
    %scan3A_45 = arith.constant 10 : i32
    %dma_wait3A_46 = arith.constant 0 : i32
    %dma_wait3A_47 = arith.constant 0 : i32
    %dma_wait3A_48 = tpu.memref_slice %arg9[%dma_wait3A_46, %dma_wait3A_47] : memref<10000x128xf32, #tpu.memory_space<vmem_shared>> -> memref<10000x128xf32, #tpu.memory_space<vmem_shared>>
    tpu.wait_indirect_dma semaphore(%arg28 : memref<!tpu.dma_semaphore, #tpu.memory_space<semaphore_mem>>) src(%arg11 : memref<80x128xf32, #tpu.memory_space<vmem>>) dst(%dma_wait3A_48 : memref<10000x128xf32, #tpu.memory_space<vmem_shared>>)
    %add3A_49 = arith.constant 9760 : i32
    %add3A_50 = arith.addi %mul3A_5, %add3A_49 : i32
    %dma_start3A_51 = tpu.memref_slice %arg3[%add3A_50] : memref<320000xi32, #tpu.memory_space<hbm>> -> memref<80xi32, #tpu.memory_space<hbm>>
    %dma_start3A_52 = tpu.memref_slice %arg3[%add3A_50] : memref<320000xi32, #tpu.memory_space<hbm>> -> memref<80xi32, #tpu.memory_space<hbm>>
    tpu.enqueue_dma source(%dma_start3A_52 : memref<80xi32, #tpu.memory_space<hbm>>) target(%arg15 : memref<80xi32, #tpu.memory_space<vmem>>) target_semaphore(%arg26 : memref<!tpu.dma_semaphore, #tpu.memory_space<semaphore_mem>>)
    %add3A_53 = arith.constant 9760 : i32
    %add3A_54 = arith.addi %mul3A_5, %add3A_53 : i32
    %dma_start3A_55 = tpu.memref_slice %arg4[%add3A_54] : memref<320000xi32, #tpu.memory_space<hbm>> -> memref<80xi32, #tpu.memory_space<hbm>>
    %dma_start3A_56 = tpu.memref_slice %arg4[%add3A_54] : memref<320000xi32, #tpu.memory_space<hbm>> -> memref<80xi32, #tpu.memory_space<hbm>>
    tpu.enqueue_dma source(%dma_start3A_56 : memref<80xi32, #tpu.memory_space<hbm>>) target(%arg19 : memref<80xi32, #tpu.memory_space<vmem>>) target_semaphore(%arg26 : memref<!tpu.dma_semaphore, #tpu.memory_space<semaphore_mem>>)
    %add3A_57 = arith.constant 9680 : i32
    %add3A_58 = arith.addi %mul3A_5, %add3A_57 : i32
    %dma_wait3A_59 = tpu.memref_slice %arg3[%add3A_58] : memref<320000xi32, #tpu.memory_space<hbm>> -> memref<80xi32, #tpu.memory_space<hbm>>
    %dma_wait3A_60 = tpu.memref_slice %arg3[%add3A_58] : memref<320000xi32, #tpu.memory_space<hbm>> -> memref<80xi32, #tpu.memory_space<hbm>>
    tpu.wait_dma2 semaphore(%arg25 : memref<!tpu.dma_semaphore, #tpu.memory_space<semaphore_mem>>) src(%dma_wait3A_60 : memref<80xi32, #tpu.memory_space<hbm>>) dst(%arg14 : memref<80xi32, #tpu.memory_space<vmem>>)
    %add3A_61 = arith.constant 9680 : i32
    %add3A_62 = arith.addi %mul3A_5, %add3A_61 : i32
    %dma_wait3A_63 = tpu.memref_slice %arg4[%add3A_62] : memref<320000xi32, #tpu.memory_space<hbm>> -> memref<80xi32, #tpu.memory_space<hbm>>
    %dma_wait3A_64 = tpu.memref_slice %arg4[%add3A_62] : memref<320000xi32, #tpu.memory_space<hbm>> -> memref<80xi32, #tpu.memory_space<hbm>>
    tpu.wait_dma2 semaphore(%arg25 : memref<!tpu.dma_semaphore, #tpu.memory_space<semaphore_mem>>) src(%dma_wait3A_64 : memref<80xi32, #tpu.memory_space<hbm>>) dst(%arg18 : memref<80xi32, #tpu.memory_space<vmem>>)
    %dma_start3A_65 = arith.constant 0 : i32
    %dma_start3A_66 = arith.constant 0 : i32
    %dma_start3A_67 = tpu.memref_slice %arg2[%dma_start3A_65, %dma_start3A_66] : memref<10000x128xf32, #tpu.memory_space<hbm>> -> memref<10000x128xf32, #tpu.memory_space<hbm>>
    tpu.enqueue_indirect_dma source(%dma_start3A_67 : memref<10000x128xf32, #tpu.memory_space<hbm>>) target(%arg11 : memref<80x128xf32, #tpu.memory_space<vmem>>) offsets(%arg14 : memref<80xi32, #tpu.memory_space<vmem>>) semaphore(%arg22 : memref<!tpu.dma_semaphore, #tpu.memory_space<semaphore_mem>>)
    %dma_wait3A_68 = arith.constant 0 : i32
    %dma_wait3A_69 = arith.constant 0 : i32
    %dma_wait3A_70 = tpu.memref_slice %arg2[%dma_wait3A_68, %dma_wait3A_69] : memref<10000x128xf32, #tpu.memory_space<hbm>> -> memref<10000x128xf32, #tpu.memory_space<hbm>>
    tpu.wait_indirect_dma semaphore(%arg21 : memref<!tpu.dma_semaphore, #tpu.memory_space<semaphore_mem>>) src(%dma_wait3A_70 : memref<10000x128xf32, #tpu.memory_space<hbm>>) dst(%arg10 : memref<80x128xf32, #tpu.memory_space<vmem>>)
    %get3A = arith.constant 0 : index
    %get3A_71 = tpu.vector_load %arg17[%get3A] {strides = array<i32>} : memref<80xi32, #tpu.memory_space<vmem>>, vector<16xi32>,
    %shift_right_arithmetic3A = arith.constant 7 : i32
    %shift_right_arithmetic3A_72 = vector.broadcast %shift_right_arithmetic3A : i32 to vector<16xi32>
    %shift_right_arithmetic3A_73 = arith.shrsi %get3A_71, %shift_right_arithmetic3A_72 : vector<16xi32>
    %and3A = arith.constant 127 : i32
    %and3A_74 = vector.broadcast %and3A : i32 to vector<16xi32>
    %and3A_75 = arith.andi %get3A_71, %and3A_74 : vector<16xi32>
    tpu.vector_store_idx %arg8[%shift_right_arithmetic3A_73, %and3A_75], %broadcast_in_dim3A_3 {add = true} : memref<80x128xf32, #tpu.memory_space<vmem>>[vector<16xi32>, vector<16xi32>], vector<16xf32>,
    %get3A_76 = arith.constant 16 : index
    %get3A_77 = tpu.vector_load %arg17[%get3A_76] {strides = array<i32>} : memref<80xi32, #tpu.memory_space<vmem>>, vector<16xi32>,
    %shift_right_arithmetic3A_78 = arith.constant 7 : i32
    %shift_right_arithmetic3A_79 = vector.broadcast %shift_right_arithmetic3A_78 : i32 to vector<16xi32>
    %shift_right_arithmetic3A_80 = arith.shrsi %get3A_77, %shift_right_arithmetic3A_79 : vector<16xi32>
    %and3A_81 = arith.constant 127 : i32
    %and3A_82 = vector.broadcast %and3A_81 : i32 to vector<16xi32>
    %and3A_83 = arith.andi %get3A_77, %and3A_82 : vector<16xi32>
    tpu.vector_store_idx %arg8[%shift_right_arithmetic3A_80, %and3A_83], %broadcast_in_dim3A_3 {add = true} : memref<80x128xf32, #tpu.memory_space<vmem>>[vector<16xi32>, vector<16xi32>], vector<16xf32>,
    %get3A_84 = arith.constant 32 : index
    %get3A_85 = tpu.vector_load %arg17[%get3A_84] {strides = array<i32>} : memref<80xi32, #tpu.memory_space<vmem>>, vector<16xi32>,
    %shift_right_arithmetic3A_86 = arith.constant 7 : i32
    %shift_right_arithmetic3A_87 = vector.broadcast %shift_right_arithmetic3A_86 : i32 to vector<16xi32>
    %shift_right_arithmetic3A_88 = arith.shrsi %get3A_85, %shift_right_arithmetic3A_87 : vector<16xi32>
    %and3A_89 = arith.constant 127 : i32
    %and3A_90 = vector.broadcast %and3A_89 : i32 to vector<16xi32>
    %and3A_91 = arith.andi %get3A_85, %and3A_90 : vector<16xi32>
    tpu.vector_store_idx %arg8[%shift_right_arithmetic3A_88, %and3A_91], %broadcast_in_dim3A_3 {add = true} : memref<80x128xf32, #tpu.memory_space<vmem>>[vector<16xi32>, vector<16xi32>], vector<16xf32>,
    %get3A_92 = arith.constant 48 : index
    %get3A_93 = tpu.vector_load %arg17[%get3A_92] {strides = array<i32>} : memref<80xi32, #tpu.memory_space<vmem>>, vector<16xi32>,
    %shift_right_arithmetic3A_94 = arith.constant 7 : i32
    %shift_right_arithmetic3A_95 = vector.broadcast %shift_right_arithmetic3A_94 : i32 to vector<16xi32>
    %shift_right_arithmetic3A_96 = arith.shrsi %get3A_93, %shift_right_arithmetic3A_95 : vector<16xi32>
    %and3A_97 = arith.constant 127 : i32
    %and3A_98 = vector.broadcast %and3A_97 : i32 to vector<16xi32>
    %and3A_99 = arith.andi %get3A_93, %and3A_98 : vector<16xi32>
    tpu.vector_store_idx %arg8[%shift_right_arithmetic3A_96, %and3A_99], %broadcast_in_dim3A_3 {add = true} : memref<80x128xf32, #tpu.memory_space<vmem>>[vector<16xi32>, vector<16xi32>], vector<16xf32>,
    %get3A_100 = arith.constant 64 : index
    %get3A_101 = tpu.vector_load %arg17[%get3A_100] {strides = array<i32>} : memref<80xi32, #tpu.memory_space<vmem>>, vector<16xi32>,
    %shift_right_arithmetic3A_102 = arith.constant 7 : i32
    %shift_right_arithmetic3A_103 = vector.broadcast %shift_right_arithmetic3A_102 : i32 to vector<16xi32>
    %shift_right_arithmetic3A_104 = arith.shrsi %get3A_101, %shift_right_arithmetic3A_103 : vector<16xi32>
    %and3A_105 = arith.constant 127 : i32
    %and3A_106 = vector.broadcast %and3A_105 : i32 to vector<16xi32>
    %and3A_107 = arith.andi %get3A_101, %and3A_106 : vector<16xi32>
    tpu.vector_store_idx %arg8[%shift_right_arithmetic3A_104, %and3A_107], %broadcast_in_dim3A_3 {add = true} : memref<80x128xf32, #tpu.memory_space<vmem>>[vector<16xi32>, vector<16xi32>], vector<16xf32>,
    %dma_start3A_108 = arith.constant 0 : i32
    %dma_start3A_109 = arith.constant 0 : i32
    %dma_start3A_110 = tpu.memref_slice %arg9[%dma_start3A_108, %dma_start3A_109] : memref<10000x128xf32, #tpu.memory_space<vmem_shared>> -> memref<10000x128xf32, #tpu.memory_space<vmem_shared>>
    tpu.enqueue_indirect_dma source(%arg10 : memref<80x128xf32, #tpu.memory_space<vmem>>) target(%dma_start3A_110 : memref<10000x128xf32, #tpu.memory_space<vmem_shared>>) offsets(%arg17 : memref<80xi32, #tpu.memory_space<vmem>>) semaphore(%arg28 : memref<!tpu.dma_semaphore, #tpu.memory_space<semaphore_mem>>) {add = true}
    %dma_wait3A_111 = arith.constant 0 : i32
    %dma_wait3A_112 = arith.constant 0 : i32
    %dma_wait3A_113 = tpu.memref_slice %arg9[%dma_wait3A_111, %dma_wait3A_112] : memref<10000x128xf32, #tpu.memory_space<vmem_shared>> -> memref<10000x128xf32, #tpu.memory_space<vmem_shared>>
    tpu.wait_indirect_dma semaphore(%arg29 : memref<!tpu.dma_semaphore, #tpu.memory_space<semaphore_mem>>) src(%arg12 : memref<80x128xf32, #tpu.memory_space<vmem>>) dst(%dma_wait3A_113 : memref<10000x128xf32, #tpu.memory_space<vmem_shared>>)
    %add3A_114 = arith.constant 9840 : i32
    %add3A_115 = arith.addi %mul3A_5, %add3A_114 : i32
    %dma_start3A_116 = tpu.memref_slice %arg3[%add3A_115] : memref<320000xi32, #tpu.memory_space<hbm>> -> memref<80xi32, #tpu.memory_space<hbm>>
    %dma_start3A_117 = tpu.memref_slice %arg3[%add3A_115] : memref<320000xi32, #tpu.memory_space<hbm>> -> memref<80xi32, #tpu.memory_space<hbm>>
    tpu.enqueue_dma source(%dma_start3A_117 : memref<80xi32, #tpu.memory_space<hbm>>) target(%arg16 : memref<80xi32, #tpu.memory_space<vmem>>) target_semaphore(%arg27 : memref<!tpu.dma_semaphore, #tpu.memory_space<semaphore_mem>>)
    %add3A_118 = arith.constant 9840 : i32
    %add3A_119 = arith.addi %mul3A_5, %add3A_118 : i32
    %dma_start3A_120 = tpu.memref_slice %arg4[%add3A_119] : memref<320000xi32, #tpu.memory_space<hbm>> -> memref<80xi32, #tpu.memory_space<hbm>>
    %dma_start3A_121 = tpu.memref_slice %arg4[%add3A_119] : memref<320000xi32, #tpu.memory_space<hbm>> -> memref<80xi32, #tpu.memory_space<hbm>>
    tpu.enqueue_dma source(%dma_start3A_121 : memref<80xi32, #tpu.memory_space<hbm>>) target(%arg20 : memref<80xi32, #tpu.memory_space<vmem>>) target_semaphore(%arg27 : memref<!tpu.dma_semaphore, #tpu.memory_space<semaphore_mem>>)
    %add3A_122 = arith.constant 9760 : i32
    %add3A_123 = arith.addi %mul3A_5, %add3A_122 : i32
    %dma_wait3A_124 = tpu.memref_slice %arg3[%add3A_123] : memref<320000xi32, #tpu.memory_space<hbm>> -> memref<80xi32, #tpu.memory_space<hbm>>
    %dma_wait3A_125 = tpu.memref_slice %arg3[%add3A_123] : memref<320000xi32, #tpu.memory_space<hbm>> -> memref<80xi32, #tpu.memory_space<hbm>>
    tpu.wait_dma2 semaphore(%arg26 : memref<!tpu.dma_semaphore, #tpu.memory_space<semaphore_mem>>) src(%dma_wait3A_125 : memref<80xi32, #tpu.memory_space<hbm>>) dst(%arg15 : memref<80xi32, #tpu.memory_space<vmem>>)
    %add3A_126 = arith.constant 9760 : i32
    %add3A_127 = arith.addi %mul3A_5, %add3A_126 : i32
    %dma_wait3A_128 = tpu.memref_slice %arg4[%add3A_127] : memref<320000xi32, #tpu.memory_space<hbm>> -> memref<80xi32, #tpu.memory_space<hbm>>
    %dma_wait3A_129 = tpu.memref_slice %arg4[%add3A_127] : memref<320000xi32, #tpu.memory_space<hbm>> -> memref<80xi32, #tpu.memory_space<hbm>>
    tpu.wait_dma2 semaphore(%arg26 : memref<!tpu.dma_semaphore, #tpu.memory_space<semaphore_mem>>) src(%dma_wait3A_129 : memref<80xi32, #tpu.memory_space<hbm>>) dst(%arg19 : memref<80xi32, #tpu.memory_space<vmem>>)
    %dma_start3A_130 = arith.constant 0 : i32
    %dma_start3A_131 = arith.constant 0 : i32
    %dma_start3A_132 = tpu.memref_slice %arg2[%dma_start3A_130, %dma_start3A_131] : memref<10000x128xf32, #tpu.memory_space<hbm>> -> memref<10000x128xf32, #tpu.memory_space<hbm>>
    tpu.enqueue_indirect_dma source(%dma_start3A_132 : memref<10000x128xf32, #tpu.memory_space<hbm>>) target(%arg12 : memref<80x128xf32, #tpu.memory_space<vmem>>) offsets(%arg15 : memref<80xi32, #tpu.memory_space<vmem>>) semaphore(%arg23 : memref<!tpu.dma_semaphore, #tpu.memory_space<semaphore_mem>>)
    %dma_wait3A_133 = arith.constant 0 : i32
    %dma_wait3A_134 = arith.constant 0 : i32
    %dma_wait3A_135 = tpu.memref_slice %arg2[%dma_wait3A_133, %dma_wait3A_134] : memref<10000x128xf32, #tpu.memory_space<hbm>> -> memref<10000x128xf32, #tpu.memory_space<hbm>>
    tpu.wait_indirect_dma semaphore(%arg22 : memref<!tpu.dma_semaphore, #tpu.memory_space<semaphore_mem>>) src(%dma_wait3A_135 : memref<10000x128xf32, #tpu.memory_space<hbm>>) dst(%arg11 : memref<80x128xf32, #tpu.memory_space<vmem>>)
    %get3A_136 = arith.constant 0 : index
    %get3A_137 = tpu.vector_load %arg18[%get3A_136] {strides = array<i32>} : memref<80xi32, #tpu.memory_space<vmem>>, vector<16xi32>,
    %shift_right_arithmetic3A_138 = arith.constant 7 : i32
    %shift_right_arithmetic3A_139 = vector.broadcast %shift_right_arithmetic3A_138 : i32 to vector<16xi32>
    %shift_right_arithmetic3A_140 = arith.shrsi %get3A_137, %shift_right_arithmetic3A_139 : vector<16xi32>
    %and3A_141 = arith.constant 127 : i32
    %and3A_142 = vector.broadcast %and3A_141 : i32 to vector<16xi32>
    %and3A_143 = arith.andi %get3A_137, %and3A_142 : vector<16xi32>
    tpu.vector_store_idx %arg8[%shift_right_arithmetic3A_140, %and3A_143], %broadcast_in_dim3A_3 {add = true} : memref<80x128xf32, #tpu.memory_space<vmem>>[vector<16xi32>, vector<16xi32>], vector<16xf32>,
    %get3A_144 = arith.constant 16 : index
    %get3A_145 = tpu.vector_load %arg18[%get3A_144] {strides = array<i32>} : memref<80xi32, #tpu.memory_space<vmem>>, vector<16xi32>,
    %shift_right_arithmetic3A_146 = arith.constant 7 : i32
    %shift_right_arithmetic3A_147 = vector.broadcast %shift_right_arithmetic3A_146 : i32 to vector<16xi32>
    %shift_right_arithmetic3A_148 = arith.shrsi %get3A_145, %shift_right_arithmetic3A_147 : vector<16xi32>
    %and3A_149 = arith.constant 127 : i32
    %and3A_150 = vector.broadcast %and3A_149 : i32 to vector<16xi32>
    %and3A_151 = arith.andi %get3A_145, %and3A_150 : vector<16xi32>
    tpu.vector_store_idx %arg8[%shift_right_arithmetic3A_148, %and3A_151], %broadcast_in_dim3A_3 {add = true} : memref<80x128xf32, #tpu.memory_space<vmem>>[vector<16xi32>, vector<16xi32>], vector<16xf32>,
    %get3A_152 = arith.constant 32 : index
    %get3A_153 = tpu.vector_load %arg18[%get3A_152] {strides = array<i32>} : memref<80xi32, #tpu.memory_space<vmem>>, vector<16xi32>,
    %shift_right_arithmetic3A_154 = arith.constant 7 : i32
    %shift_right_arithmetic3A_155 = vector.broadcast %shift_right_arithmetic3A_154 : i32 to vector<16xi32>
    %shift_right_arithmetic3A_156 = arith.shrsi %get3A_153, %shift_right_arithmetic3A_155 : vector<16xi32>
    %and3A_157 = arith.constant 127 : i32
    %and3A_158 = vector.broadcast %and3A_157 : i32 to vector<16xi32>
    %and3A_159 = arith.andi %get3A_153, %and3A_158 : vector<16xi32>
    tpu.vector_store_idx %arg8[%shift_right_arithmetic3A_156, %and3A_159], %broadcast_in_dim3A_3 {add = true} : memref<80x128xf32, #tpu.memory_space<vmem>>[vector<16xi32>, vector<16xi32>], vector<16xf32>,
    %get3A_160 = arith.constant 48 : index
    %get3A_161 = tpu.vector_load %arg18[%get3A_160] {strides = array<i32>} : memref<80xi32, #tpu.memory_space<vmem>>, vector<16xi32>,
    %shift_right_arithmetic3A_162 = arith.constant 7 : i32
    %shift_right_arithmetic3A_163 = vector.broadcast %shift_right_arithmetic3A_162 : i32 to vector<16xi32>
    %shift_right_arithmetic3A_164 = arith.shrsi %get3A_161, %shift_right_arithmetic3A_163 : vector<16xi32>
    %and3A_165 = arith.constant 127 : i32
    %and3A_166 = vector.broadcast %and3A_165 : i32 to vector<16xi32>
    %and3A_167 = arith.andi %get3A_161, %and3A_166 : vector<16xi32>
    tpu.vector_store_idx %arg8[%shift_right_arithmetic3A_164, %and3A_167], %broadcast_in_dim3A_3 {add = true} : memref<80x128xf32, #tpu.memory_space<vmem>>[vector<16xi32>, vector<16xi32>], vector<16xf32>,
    %get3A_168 = arith.constant 64 : index
    %get3A_169 = tpu.vector_load %arg18[%get3A_168] {strides = array<i32>} : memref<80xi32, #tpu.memory_space<vmem>>, vector<16xi32>,
    %shift_right_arithmetic3A_170 = arith.constant 7 : i32
    %shift_right_arithmetic3A_171 = vector.broadcast %shift_right_arithmetic3A_170 : i32 to vector<16xi32>
    %shift_right_arithmetic3A_172 = arith.shrsi %get3A_169, %shift_right_arithmetic3A_171 : vector<16xi32>
    %and3A_173 = arith.constant 127 : i32
    %and3A_174 = vector.broadcast %and3A_173 : i32 to vector<16xi32>
    %and3A_175 = arith.andi %get3A_169, %and3A_174 : vector<16xi32>
    tpu.vector_store_idx %arg8[%shift_right_arithmetic3A_172, %and3A_175], %broadcast_in_dim3A_3 {add = true} : memref<80x128xf32, #tpu.memory_space<vmem>>[vector<16xi32>, vector<16xi32>], vector<16xf32>,
    %dma_start3A_176 = arith.constant 0 : i32
    %dma_start3A_177 = arith.constant 0 : i32
    %dma_start3A_178 = tpu.memref_slice %arg9[%dma_start3A_176, %dma_start3A_177] : memref<10000x128xf32, #tpu.memory_space<vmem_shared>> -> memref<10000x128xf32, #tpu.memory_space<vmem_shared>>
    tpu.enqueue_indirect_dma source(%arg11 : memref<80x128xf32, #tpu.memory_space<vmem>>) target(%dma_start3A_178 : memref<10000x128xf32, #tpu.memory_space<vmem_shared>>) offsets(%arg18 : memref<80xi32, #tpu.memory_space<vmem>>) semaphore(%arg29 : memref<!tpu.dma_semaphore, #tpu.memory_space<semaphore_mem>>) {add = true}
    %dma_wait3A_179 = arith.constant 0 : i32
    %dma_wait3A_180 = arith.constant 0 : i32
    %dma_wait3A_181 = tpu.memref_slice %arg9[%dma_wait3A_179, %dma_wait3A_180] : memref<10000x128xf32, #tpu.memory_space<vmem_shared>> -> memref<10000x128xf32, #tpu.memory_space<vmem_shared>>
    tpu.wait_indirect_dma semaphore(%arg28 : memref<!tpu.dma_semaphore, #tpu.memory_space<semaphore_mem>>) src(%arg10 : memref<80x128xf32, #tpu.memory_space<vmem>>) dst(%dma_wait3A_181 : memref<10000x128xf32, #tpu.memory_space<vmem_shared>>)
    %add3A_182 = arith.constant 9920 : i32
    %add3A_183 = arith.addi %mul3A_5, %add3A_182 : i32
    %dma_start3A_184 = tpu.memref_slice %arg3[%add3A_183] : memref<320000xi32, #tpu.memory_space<hbm>> -> memref<80xi32, #tpu.memory_space<hbm>>
    %dma_start3A_185 = tpu.memref_slice %arg3[%add3A_183] : memref<320000xi32, #tpu.memory_space<hbm>> -> memref<80xi32, #tpu.memory_space<hbm>>
    tpu.enqueue_dma source(%dma_start3A_185 : memref<80xi32, #tpu.memory_space<hbm>>) target(%arg13 : memref<80xi32, #tpu.memory_space<vmem>>) target_semaphore(%arg24 : memref<!tpu.dma_semaphore, #tpu.memory_space<semaphore_mem>>)
    %add3A_186 = arith.constant 9920 : i32
    %add3A_187 = arith.addi %mul3A_5, %add3A_186 : i32
    %dma_start3A_188 = tpu.memref_slice %arg4[%add3A_187] : memref<320000xi32, #tpu.memory_space<hbm>> -> memref<80xi32, #tpu.memory_space<hbm>>
    %dma_start3A_189 = tpu.memref_slice %arg4[%add3A_187] : memref<320000xi32, #tpu.memory_space<hbm>> -> memref<80xi32, #tpu.memory_space<hbm>>
    tpu.enqueue_dma source(%dma_start3A_189 : memref<80xi32, #tpu.memory_space<hbm>>) target(%arg17 : memref<80xi32, #tpu.memory_space<vmem>>) target_semaphore(%arg24 : memref<!tpu.dma_semaphore, #tpu.memory_space<semaphore_mem>>)
    %add3A_190 = arith.constant 9840 : i32
    %add3A_191 = arith.addi %mul3A_5, %add3A_190 : i32
    %dma_wait3A_192 = tpu.memref_slice %arg3[%add3A_191] : memref<320000xi32, #tpu.memory_space<hbm>> -> memref<80xi32, #tpu.memory_space<hbm>>
    %dma_wait3A_193 = tpu.memref_slice %arg3[%add3A_191] : memref<320000xi32, #tpu.memory_space<hbm>> -> memref<80xi32, #tpu.memory_space<hbm>>
    tpu.wait_dma2 semaphore(%arg27 : memref<!tpu.dma_semaphore, #tpu.memory_space<semaphore_mem>>) src(%dma_wait3A_193 : memref<80xi32, #tpu.memory_space<hbm>>) dst(%arg16 : memref<80xi32, #tpu.memory_space<vmem>>)
    %add3A_194 = arith.constant 9840 : i32
    %add3A_195 = arith.addi %mul3A_5, %add3A_194 : i32
    %dma_wait3A_196 = tpu.memref_slice %arg4[%add3A_195] : memref<320000xi32, #tpu.memory_space<hbm>> -> memref<80xi32, #tpu.memory_space<hbm>>
    %dma_wait3A_197 = tpu.memref_slice %arg4[%add3A_195] : memref<320000xi32, #tpu.memory_space<hbm>> -> memref<80xi32, #tpu.memory_space<hbm>>
    tpu.wait_dma2 semaphore(%arg27 : memref<!tpu.dma_semaphore, #tpu.memory_space<semaphore_mem>>) src(%dma_wait3A_197 : memref<80xi32, #tpu.memory_space<hbm>>) dst(%arg20 : memref<80xi32, #tpu.memory_space<vmem>>)
    %dma_start3A_198 = arith.constant 0 : i32
    %dma_start3A_199 = arith.constant 0 : i32
    %dma_start3A_200 = tpu.memref_slice %arg2[%dma_start3A_198, %dma_start3A_199] : memref<10000x128xf32, #tpu.memory_space<hbm>> -> memref<10000x128xf32, #tpu.memory_space<hbm>>
    tpu.enqueue_indirect_dma source(%dma_start3A_200 : memref<10000x128xf32, #tpu.memory_space<hbm>>) target(%arg10 : memref<80x128xf32, #tpu.memory_space<vmem>>) offsets(%arg16 : memref<80xi32, #tpu.memory_space<vmem>>) semaphore(%arg21 : memref<!tpu.dma_semaphore, #tpu.memory_space<semaphore_mem>>)
    %dma_wait3A_201 = arith.constant 0 : i32
    %dma_wait3A_202 = arith.constant 0 : i32
    %dma_wait3A_203 = tpu.memref_slice %arg2[%dma_wait3A_201, %dma_wait3A_202] : memref<10000x128xf32, #tpu.memory_space<hbm>> -> memref<10000x128xf32, #tpu.memory_space<hbm>>
    tpu.wait_indirect_dma semaphore(%arg23 : memref<!tpu.dma_semaphore, #tpu.memory_space<semaphore_mem>>) src(%dma_wait3A_203 : memref<10000x128xf32, #tpu.memory_space<hbm>>) dst(%arg12 : memref<80x128xf32, #tpu.memory_space<vmem>>)
    %get3A_204 = arith.constant 0 : index
    %get3A_205 = tpu.vector_load %arg19[%get3A_204] {strides = array<i32>} : memref<80xi32, #tpu.memory_space<vmem>>, vector<16xi32>,
    %shift_right_arithmetic3A_206 = arith.constant 7 : i32
    %shift_right_arithmetic3A_207 = vector.broadcast %shift_right_arithmetic3A_206 : i32 to vector<16xi32>
    %shift_right_arithmetic3A_208 = arith.shrsi %get3A_205, %shift_right_arithmetic3A_207 : vector<16xi32>
    %and3A_209 = arith.constant 127 : i32
    %and3A_210 = vector.broadcast %and3A_209 : i32 to vector<16xi32>
    %and3A_211 = arith.andi %get3A_205, %and3A_210 : vector<16xi32>
    tpu.vector_store_idx %arg8[%shift_right_arithmetic3A_208, %and3A_211], %broadcast_in_dim3A_3 {add = true} : memref<80x128xf32, #tpu.memory_space<vmem>>[vector<16xi32>, vector<16xi32>], vector<16xf32>,
    %get3A_212 = arith.constant 16 : index
    %get3A_213 = tpu.vector_load %arg19[%get3A_212] {strides = array<i32>} : memref<80xi32, #tpu.memory_space<vmem>>, vector<16xi32>,
    %shift_right_arithmetic3A_214 = arith.constant 7 : i32
    %shift_right_arithmetic3A_215 = vector.broadcast %shift_right_arithmetic3A_214 : i32 to vector<16xi32>
    %shift_right_arithmetic3A_216 = arith.shrsi %get3A_213, %shift_right_arithmetic3A_215 : vector<16xi32>
    %and3A_217 = arith.constant 127 : i32
    %and3A_218 = vector.broadcast %and3A_217 : i32 to vector<16xi32>
    %and3A_219 = arith.andi %get3A_213, %and3A_218 : vector<16xi32>
    tpu.vector_store_idx %arg8[%shift_right_arithmetic3A_216, %and3A_219], %broadcast_in_dim3A_3 {add = true} : memref<80x128xf32, #tpu.memory_space<vmem>>[vector<16xi32>, vector<16xi32>], vector<16xf32>,
    %get3A_220 = arith.constant 32 : index
    %get3A_221 = tpu.vector_load %arg19[%get3A_220] {strides = array<i32>} : memref<80xi32, #tpu.memory_space<vmem>>, vector<16xi32>,
    %shift_right_arithmetic3A_222 = arith.constant 7 : i32
    %shift_right_arithmetic3A_223 = vector.broadcast %shift_right_arithmetic3A_222 : i32 to vector<16xi32>
    %shift_right_arithmetic3A_224 = arith.shrsi %get3A_221, %shift_right_arithmetic3A_223 : vector<16xi32>
    %and3A_225 = arith.constant 127 : i32
    %and3A_226 = vector.broadcast %and3A_225 : i32 to vector<16xi32>
    %and3A_227 = arith.andi %get3A_221, %and3A_226 : vector<16xi32>
    tpu.vector_store_idx %arg8[%shift_right_arithmetic3A_224, %and3A_227], %broadcast_in_dim3A_3 {add = true} : memref<80x128xf32, #tpu.memory_space<vmem>>[vector<16xi32>, vector<16xi32>], vector<16xf32>,
    %get3A_228 = arith.constant 48 : index
    %get3A_229 = tpu.vector_load %arg19[%get3A_228] {strides = array<i32>} : memref<80xi32, #tpu.memory_space<vmem>>, vector<16xi32>,
    %shift_right_arithmetic3A_230 = arith.constant 7 : i32
    %shift_right_arithmetic3A_231 = vector.broadcast %shift_right_arithmetic3A_230 : i32 to vector<16xi32>
    %shift_right_arithmetic3A_232 = arith.shrsi %get3A_229, %shift_right_arithmetic3A_231 : vector<16xi32>
    %and3A_233 = arith.constant 127 : i32
    %and3A_234 = vector.broadcast %and3A_233 : i32 to vector<16xi32>
    %and3A_235 = arith.andi %get3A_229, %and3A_234 : vector<16xi32>
    tpu.vector_store_idx %arg8[%shift_right_arithmetic3A_232, %and3A_235], %broadcast_in_dim3A_3 {add = true} : memref<80x128xf32, #tpu.memory_space<vmem>>[vector<16xi32>, vector<16xi32>], vector<16xf32>,
    %get3A_236 = arith.constant 64 : index
    %get3A_237 = tpu.vector_load %arg19[%get3A_236] {strides = array<i32>} : memref<80xi32, #tpu.memory_space<vmem>>, vector<16xi32>,
    %shift_right_arithmetic3A_238 = arith.constant 7 : i32
    %shift_right_arithmetic3A_239 = vector.broadcast %shift_right_arithmetic3A_238 : i32 to vector<16xi32>
    %shift_right_arithmetic3A_240 = arith.shrsi %get3A_237, %shift_right_arithmetic3A_239 : vector<16xi32>
    %and3A_241 = arith.constant 127 : i32
    %and3A_242 = vector.broadcast %and3A_241 : i32 to vector<16xi32>
    %and3A_243 = arith.andi %get3A_237, %and3A_242 : vector<16xi32>
    tpu.vector_store_idx %arg8[%shift_right_arithmetic3A_240, %and3A_243], %broadcast_in_dim3A_3 {add = true} : memref<80x128xf32, #tpu.memory_space<vmem>>[vector<16xi32>, vector<16xi32>], vector<16xf32>,
    %dma_start3A_244 = arith.constant 0 : i32
    %dma_start3A_245 = arith.constant 0 : i32
    %dma_start3A_246 = tpu.memref_slice %arg9[%dma_start3A_244, %dma_start3A_245] : memref<10000x128xf32, #tpu.memory_space<vmem_shared>> -> memref<10000x128xf32, #tpu.memory_space<vmem_shared>>
    tpu.enqueue_indirect_dma source(%arg12 : memref<80x128xf32, #tpu.memory_space<vmem>>) target(%dma_start3A_246 : memref<10000x128xf32, #tpu.memory_space<vmem_shared>>) offsets(%arg19 : memref<80xi32, #tpu.memory_space<vmem>>) semaphore(%arg28 : memref<!tpu.dma_semaphore, #tpu.memory_space<semaphore_mem>>) {add = true}
    %dma_wait3A_247 = arith.constant 0 : i32
    %dma_wait3A_248 = arith.constant 0 : i32
    %dma_wait3A_249 = tpu.memref_slice %arg9[%dma_wait3A_247, %dma_wait3A_248] : memref<10000x128xf32, #tpu.memory_space<vmem_shared>> -> memref<10000x128xf32, #tpu.memory_space<vmem_shared>>
    tpu.wait_indirect_dma semaphore(%arg29 : memref<!tpu.dma_semaphore, #tpu.memory_space<semaphore_mem>>) src(%arg11 : memref<80x128xf32, #tpu.memory_space<vmem>>) dst(%dma_wait3A_249 : memref<10000x128xf32, #tpu.memory_space<vmem_shared>>)
    %add3A_250 = arith.constant 9920 : i32
    %add3A_251 = arith.addi %mul3A_5, %add3A_250 : i32
    %dma_wait3A_252 = tpu.memref_slice %arg3[%add3A_251] : memref<320000xi32, #tpu.memory_space<hbm>> -> memref<80xi32, #tpu.memory_space<hbm>>
    %dma_wait3A_253 = tpu.memref_slice %arg3[%add3A_251] : memref<320000xi32, #tpu.memory_space<hbm>> -> memref<80xi32, #tpu.memory_space<hbm>>
    tpu.wait_dma2 semaphore(%arg24 : memref<!tpu.dma_semaphore, #tpu.memory_space<semaphore_mem>>) src(%dma_wait3A_253 : memref<80xi32, #tpu.memory_space<hbm>>) dst(%arg13 : memref<80xi32, #tpu.memory_space<vmem>>)
    %add3A_254 = arith.constant 9920 : i32
    %add3A_255 = arith.addi %mul3A_5, %add3A_254 : i32
    %dma_wait3A_256 = tpu.memref_slice %arg4[%add3A_255] : memref<320000xi32, #tpu.memory_space<hbm>> -> memref<80xi32, #tpu.memory_space<hbm>>
    %dma_wait3A_257 = tpu.memref_slice %arg4[%add3A_255] : memref<320000xi32, #tpu.memory_space<hbm>> -> memref<80xi32, #tpu.memory_space<hbm>>
    tpu.wait_dma2 semaphore(%arg24 : memref<!tpu.dma_semaphore, #tpu.memory_space<semaphore_mem>>) src(%dma_wait3A_257 : memref<80xi32, #tpu.memory_space<hbm>>) dst(%arg17 : memref<80xi32, #tpu.memory_space<vmem>>)
    %dma_start3A_258 = arith.constant 0 : i32
    %dma_start3A_259 = arith.constant 0 : i32
    %dma_start3A_260 = tpu.memref_slice %arg2[%dma_start3A_258, %dma_start3A_259] : memref<10000x128xf32, #tpu.memory_space<hbm>> -> memref<10000x128xf32, #tpu.memory_space<hbm>>
    tpu.enqueue_indirect_dma source(%dma_start3A_260 : memref<10000x128xf32, #tpu.memory_space<hbm>>) target(%arg11 : memref<80x128xf32, #tpu.memory_space<vmem>>) offsets(%arg13 : memref<80xi32, #tpu.memory_space<vmem>>) semaphore(%arg22 : memref<!tpu.dma_semaphore, #tpu.memory_space<semaphore_mem>>)
    %dma_wait3A_261 = arith.constant 0 : i32
    %dma_wait3A_262 = arith.constant 0 : i32
    %dma_wait3A_263 = tpu.memref_slice %arg2[%dma_wait3A_261, %dma_wait3A_262] : memref<10000x128xf32, #tpu.memory_space<hbm>> -> memref<10000x128xf32, #tpu.memory_space<hbm>>
    tpu.wait_indirect_dma semaphore(%arg21 : memref<!tpu.dma_semaphore, #tpu.memory_space<semaphore_mem>>) src(%dma_wait3A_263 : memref<10000x128xf32, #tpu.memory_space<hbm>>) dst(%arg10 : memref<80x128xf32, #tpu.memory_space<vmem>>)
    %get3A_264 = arith.constant 0 : index
    %get3A_265 = tpu.vector_load %arg20[%get3A_264] {strides = array<i32>} : memref<80xi32, #tpu.memory_space<vmem>>, vector<16xi32>,
    %shift_right_arithmetic3A_266 = arith.constant 7 : i32
    %shift_right_arithmetic3A_267 = vector.broadcast %shift_right_arithmetic3A_266 : i32 to vector<16xi32>
    %shift_right_arithmetic3A_268 = arith.shrsi %get3A_265, %shift_right_arithmetic3A_267 : vector<16xi32>
    %and3A_269 = arith.constant 127 : i32
    %and3A_270 = vector.broadcast %and3A_269 : i32 to vector<16xi32>
    %and3A_271 = arith.andi %get3A_265, %and3A_270 : vector<16xi32>
    tpu.vector_store_idx %arg8[%shift_right_arithmetic3A_268, %and3A_271], %broadcast_in_dim3A_3 {add = true} : memref<80x128xf32, #tpu.memory_space<vmem>>[vector<16xi32>, vector<16xi32>], vector<16xf32>,
    %get3A_272 = arith.constant 16 : index
    %get3A_273 = tpu.vector_load %arg20[%get3A_272] {strides = array<i32>} : memref<80xi32, #tpu.memory_space<vmem>>, vector<16xi32>,
    %shift_right_arithmetic3A_274 = arith.constant 7 : i32
    %shift_right_arithmetic3A_275 = vector.broadcast %shift_right_arithmetic3A_274 : i32 to vector<16xi32>
    %shift_right_arithmetic3A_276 = arith.shrsi %get3A_273, %shift_right_arithmetic3A_275 : vector<16xi32>
    %and3A_277 = arith.constant 127 : i32
    %and3A_278 = vector.broadcast %and3A_277 : i32 to vector<16xi32>
    %and3A_279 = arith.andi %get3A_273, %and3A_278 : vector<16xi32>
    tpu.vector_store_idx %arg8[%shift_right_arithmetic3A_276, %and3A_279], %broadcast_in_dim3A_3 {add = true} : memref<80x128xf32, #tpu.memory_space<vmem>>[vector<16xi32>, vector<16xi32>], vector<16xf32>,
    %get3A_280 = arith.constant 32 : index
    %get3A_281 = tpu.vector_load %arg20[%get3A_280] {strides = array<i32>} : memref<80xi32, #tpu.memory_space<vmem>>, vector<16xi32>,
    %shift_right_arithmetic3A_282 = arith.constant 7 : i32
    %shift_right_arithmetic3A_283 = vector.broadcast %shift_right_arithmetic3A_282 : i32 to vector<16xi32>
    %shift_right_arithmetic3A_284 = arith.shrsi %get3A_281, %shift_right_arithmetic3A_283 : vector<16xi32>
    %and3A_285 = arith.constant 127 : i32
    %and3A_286 = vector.broadcast %and3A_285 : i32 to vector<16xi32>
    %and3A_287 = arith.andi %get3A_281, %and3A_286 : vector<16xi32>
    tpu.vector_store_idx %arg8[%shift_right_arithmetic3A_284, %and3A_287], %broadcast_in_dim3A_3 {add = true} : memref<80x128xf32, #tpu.memory_space<vmem>>[vector<16xi32>, vector<16xi32>], vector<16xf32>,
    %get3A_288 = arith.constant 48 : index
    %get3A_289 = tpu.vector_load %arg20[%get3A_288] {strides = array<i32>} : memref<80xi32, #tpu.memory_space<vmem>>, vector<16xi32>,
    %shift_right_arithmetic3A_290 = arith.constant 7 : i32
    %shift_right_arithmetic3A_291 = vector.broadcast %shift_right_arithmetic3A_290 : i32 to vector<16xi32>
    %shift_right_arithmetic3A_292 = arith.shrsi %get3A_289, %shift_right_arithmetic3A_291 : vector<16xi32>
    %and3A_293 = arith.constant 127 : i32
    %and3A_294 = vector.broadcast %and3A_293 : i32 to vector<16xi32>
    %and3A_295 = arith.andi %get3A_289, %and3A_294 : vector<16xi32>
    tpu.vector_store_idx %arg8[%shift_right_arithmetic3A_292, %and3A_295], %broadcast_in_dim3A_3 {add = true} : memref<80x128xf32, #tpu.memory_space<vmem>>[vector<16xi32>, vector<16xi32>], vector<16xf32>,
    %get3A_296 = arith.constant 64 : index
    %get3A_297 = tpu.vector_load %arg20[%get3A_296] {strides = array<i32>} : memref<80xi32, #tpu.memory_space<vmem>>, vector<16xi32>,
    %shift_right_arithmetic3A_298 = arith.constant 7 : i32
    %shift_right_arithmetic3A_299 = vector.broadcast %shift_right_arithmetic3A_298 : i32 to vector<16xi32>
    %shift_right_arithmetic3A_300 = arith.shrsi %get3A_297, %shift_right_arithmetic3A_299 : vector<16xi32>
    %and3A_301 = arith.constant 127 : i32
    %and3A_302 = vector.broadcast %and3A_301 : i32 to vector<16xi32>
    %and3A_303 = arith.andi %get3A_297, %and3A_302 : vector<16xi32>
    tpu.vector_store_idx %arg8[%shift_right_arithmetic3A_300, %and3A_303], %broadcast_in_dim3A_3 {add = true} : memref<80x128xf32, #tpu.memory_space<vmem>>[vector<16xi32>, vector<16xi32>], vector<16xf32>,
    %dma_start3A_304 = arith.constant 0 : i32
    %dma_start3A_305 = arith.constant 0 : i32
    %dma_start3A_306 = tpu.memref_slice %arg9[%dma_start3A_304, %dma_start3A_305] : memref<10000x128xf32, #tpu.memory_space<vmem_shared>> -> memref<10000x128xf32, #tpu.memory_space<vmem_shared>>
    tpu.enqueue_indirect_dma source(%arg10 : memref<80x128xf32, #tpu.memory_space<vmem>>) target(%dma_start3A_306 : memref<10000x128xf32, #tpu.memory_space<vmem_shared>>) offsets(%arg20 : memref<80xi32, #tpu.memory_space<vmem>>) semaphore(%arg29 : memref<!tpu.dma_semaphore, #tpu.memory_space<semaphore_mem>>) {add = true}
    %dma_wait3A_307 = arith.constant 0 : i32
    %dma_wait3A_308 = arith.constant 0 : i32
    %dma_wait3A_309 = tpu.memref_slice %arg9[%dma_wait3A_307, %dma_wait3A_308] : memref<10000x128xf32, #tpu.memory_space<vmem_shared>> -> memref<10000x128xf32, #tpu.memory_space<vmem_shared>>
    tpu.wait_indirect_dma semaphore(%arg28 : memref<!tpu.dma_semaphore, #tpu.memory_space<semaphore_mem>>) src(%arg12 : memref<80x128xf32, #tpu.memory_space<vmem>>) dst(%dma_wait3A_309 : memref<10000x128xf32, #tpu.memory_space<vmem_shared>>)
    %dma_wait3A_310 = arith.constant 0 : i32
    %dma_wait3A_311 = arith.constant 0 : i32
    %dma_wait3A_312 = tpu.memref_slice %arg2[%dma_wait3A_310, %dma_wait3A_311] : memref<10000x128xf32, #tpu.memory_space<hbm>> -> memref<10000x128xf32, #tpu.memory_space<hbm>>
    tpu.wait_indirect_dma semaphore(%arg22 : memref<!tpu.dma_semaphore, #tpu.memory_space<semaphore_mem>>) src(%dma_wait3A_312 : memref<10000x128xf32, #tpu.memory_space<hbm>>) dst(%arg11 : memref<80x128xf32, #tpu.memory_space<vmem>>)
    %get3A_313 = arith.constant 0 : index
    %get3A_314 = tpu.vector_load %arg17[%get3A_313] {strides = array<i32>} : memref<80xi32, #tpu.memory_space<vmem>>, vector<16xi32>,
    %shift_right_arithmetic3A_315 = arith.constant 7 : i32
    %shift_right_arithmetic3A_316 = vector.broadcast %shift_right_arithmetic3A_315 : i32 to vector<16xi32>
    %shift_right_arithmetic3A_317 = arith.shrsi %get3A_314, %shift_right_arithmetic3A_316 : vector<16xi32>
    %and3A_318 = arith.constant 127 : i32
    %and3A_319 = vector.broadcast %and3A_318 : i32 to vector<16xi32>
    %and3A_320 = arith.andi %get3A_314, %and3A_319 : vector<16xi32>
    tpu.vector_store_idx %arg8[%shift_right_arithmetic3A_317, %and3A_320], %broadcast_in_dim3A_3 {add = true} : memref<80x128xf32, #tpu.memory_space<vmem>>[vector<16xi32>, vector<16xi32>], vector<16xf32>,
    %get3A_321 = arith.constant 16 : index
    %get3A_322 = tpu.vector_load %arg17[%get3A_321] {strides = array<i32>} : memref<80xi32, #tpu.memory_space<vmem>>, vector<16xi32>,
    %shift_right_arithmetic3A_323 = arith.constant 7 : i32
    %shift_right_arithmetic3A_324 = vector.broadcast %shift_right_arithmetic3A_323 : i32 to vector<16xi32>
    %shift_right_arithmetic3A_325 = arith.shrsi %get3A_322, %shift_right_arithmetic3A_324 : vector<16xi32>
    %and3A_326 = arith.constant 127 : i32
    %and3A_327 = vector.broadcast %and3A_326 : i32 to vector<16xi32>
    %and3A_328 = arith.andi %get3A_322, %and3A_327 : vector<16xi32>
    tpu.vector_store_idx %arg8[%shift_right_arithmetic3A_325, %and3A_328], %broadcast_in_dim3A_3 {add = true} : memref<80x128xf32, #tpu.memory_space<vmem>>[vector<16xi32>, vector<16xi32>], vector<16xf32>,
    %get3A_329 = arith.constant 32 : index
    %get3A_330 = tpu.vector_load %arg17[%get3A_329] {strides = array<i32>} : memref<80xi32, #tpu.memory_space<vmem>>, vector<16xi32>,
    %shift_right_arithmetic3A_331 = arith.constant 7 : i32
    %shift_right_arithmetic3A_332 = vector.broadcast %shift_right_arithmetic3A_331 : i32 to vector<16xi32>
    %shift_right_arithmetic3A_333 = arith.shrsi %get3A_330, %shift_right_arithmetic3A_332 : vector<16xi32>
    %and3A_334 = arith.constant 127 : i32
    %and3A_335 = vector.broadcast %and3A_334 : i32 to vector<16xi32>
    %and3A_336 = arith.andi %get3A_330, %and3A_335 : vector<16xi32>
    tpu.vector_store_idx %arg8[%shift_right_arithmetic3A_333, %and3A_336], %broadcast_in_dim3A_3 {add = true} : memref<80x128xf32, #tpu.memory_space<vmem>>[vector<16xi32>, vector<16xi32>], vector<16xf32>,
    %get3A_337 = arith.constant 48 : index
    %get3A_338 = tpu.vector_load %arg17[%get3A_337] {strides = array<i32>} : memref<80xi32, #tpu.memory_space<vmem>>, vector<16xi32>,
    %shift_right_arithmetic3A_339 = arith.constant 7 : i32
    %shift_right_arithmetic3A_340 = vector.broadcast %shift_right_arithmetic3A_339 : i32 to vector<16xi32>
    %shift_right_arithmetic3A_341 = arith.shrsi %get3A_338, %shift_right_arithmetic3A_340 : vector<16xi32>
    %and3A_342 = arith.constant 127 : i32
    %and3A_343 = vector.broadcast %and3A_342 : i32 to vector<16xi32>
    %and3A_344 = arith.andi %get3A_338, %and3A_343 : vector<16xi32>
    tpu.vector_store_idx %arg8[%shift_right_arithmetic3A_341, %and3A_344], %broadcast_in_dim3A_3 {add = true} : memref<80x128xf32, #tpu.memory_space<vmem>>[vector<16xi32>, vector<16xi32>], vector<16xf32>,
    %get3A_345 = arith.constant 64 : index
    %get3A_346 = tpu.vector_load %arg17[%get3A_345] {strides = array<i32>} : memref<80xi32, #tpu.memory_space<vmem>>, vector<16xi32>,
    %shift_right_arithmetic3A_347 = arith.constant 7 : i32
    %shift_right_arithmetic3A_348 = vector.broadcast %shift_right_arithmetic3A_347 : i32 to vector<16xi32>
    %shift_right_arithmetic3A_349 = arith.shrsi %get3A_346, %shift_right_arithmetic3A_348 : vector<16xi32>
    %and3A_350 = arith.constant 127 : i32
    %and3A_351 = vector.broadcast %and3A_350 : i32 to vector<16xi32>
    %and3A_352 = arith.andi %get3A_346, %and3A_351 : vector<16xi32>
    tpu.vector_store_idx %arg8[%shift_right_arithmetic3A_349, %and3A_352], %broadcast_in_dim3A_3 {add = true} : memref<80x128xf32, #tpu.memory_space<vmem>>[vector<16xi32>, vector<16xi32>], vector<16xf32>,
    %dma_start3A_353 = arith.constant 0 : i32
    %dma_start3A_354 = arith.constant 0 : i32
    %dma_start3A_355 = tpu.memref_slice %arg9[%dma_start3A_353, %dma_start3A_354] : memref<10000x128xf32, #tpu.memory_space<vmem_shared>> -> memref<10000x128xf32, #tpu.memory_space<vmem_shared>>
    tpu.enqueue_indirect_dma source(%arg11 : memref<80x128xf32, #tpu.memory_space<vmem>>) target(%dma_start3A_355 : memref<10000x128xf32, #tpu.memory_space<vmem_shared>>) offsets(%arg17 : memref<80xi32, #tpu.memory_space<vmem>>) semaphore(%arg28 : memref<!tpu.dma_semaphore, #tpu.memory_space<semaphore_mem>>) {add = true}
    %dma_wait3A_356 = arith.constant 0 : i32
    %dma_wait3A_357 = arith.constant 0 : i32
    %dma_wait3A_358 = tpu.memref_slice %arg9[%dma_wait3A_356, %dma_wait3A_357] : memref<10000x128xf32, #tpu.memory_space<vmem_shared>> -> memref<10000x128xf32, #tpu.memory_space<vmem_shared>>
    tpu.wait_indirect_dma semaphore(%arg29 : memref<!tpu.dma_semaphore, #tpu.memory_space<semaphore_mem>>) src(%arg10 : memref<80x128xf32, #tpu.memory_space<vmem>>) dst(%dma_wait3A_358 : memref<10000x128xf32, #tpu.memory_space<vmem_shared>>)
    %dma_wait3A_359 = arith.constant 0 : i32
    %dma_wait3A_360 = arith.constant 0 : i32
    %dma_wait3A_361 = tpu.memref_slice %arg9[%dma_wait3A_359, %dma_wait3A_360] : memref<10000x128xf32, #tpu.memory_space<vmem_shared>> -> memref<10000x128xf32, #tpu.memory_space<vmem_shared>>
    tpu.wait_indirect_dma semaphore(%arg28 : memref<!tpu.dma_semaphore, #tpu.memory_space<semaphore_mem>>) src(%arg11 : memref<80x128xf32, #tpu.memory_space<vmem>>) dst(%dma_wait3A_361 : memref<10000x128xf32, #tpu.memory_space<vmem_shared>>)
    "tpu.region"() ({
      %run_scoped3A = tpu.sem_alloc : memref<!tpu.dma_semaphore, #tpu.memory_space<semaphore_mem>>
      %dma_start3A_370 = arith.constant 0 : i32
      %dma_start3A_371 = arith.constant 0 : i32
      %dma_start3A_372 = tpu.memref_slice %arg7[%add3A, %dma_start3A_370, %dma_start3A_371] : memref<32x80x128xf32, #tpu.memory_space<hbm>> -> memref<1x80x128xf32, #tpu.memory_space<hbm>>
      %dma_start3A_373 = tpu.memref_squeeze %dma_start3A_372 : memref<1x80x128xf32, #tpu.memory_space<hbm>> -> memref<80x128xf32, #tpu.memory_space<hbm>>
      %dma_start3A_374 = arith.constant 0 : i32
      %dma_start3A_375 = arith.constant 0 : i32
      %dma_start3A_376 = tpu.memref_slice %arg7[%add3A, %dma_start3A_374, %dma_start3A_375] : memref<32x80x128xf32, #tpu.memory_space<hbm>> -> memref<1x80x128xf32, #tpu.memory_space<hbm>>
      %dma_start3A_377 = tpu.memref_squeeze %dma_start3A_376 : memref<1x80x128xf32, #tpu.memory_space<hbm>> -> memref<80x128xf32, #tpu.memory_space<hbm>>
      tpu.enqueue_dma source(%arg8 : memref<80x128xf32, #tpu.memory_space<vmem>>) target(%dma_start3A_377 : memref<80x128xf32, #tpu.memory_space<hbm>>) target_semaphore(%run_scoped3A : memref<!tpu.dma_semaphore, #tpu.memory_space<semaphore_mem>>)
      %dma_wait3A_378 = arith.constant 0 : i32
      %dma_wait3A_379 = arith.constant 0 : i32
      %dma_wait3A_380 = tpu.memref_slice %arg7[%add3A, %dma_wait3A_378, %dma_wait3A_379] : memref<32x80x128xf32, #tpu.memory_space<hbm>> -> memref<1x80x128xf32, #tpu.memory_space<hbm>>
      %dma_wait3A_381 = tpu.memref_squeeze %dma_wait3A_380 : memref<1x80x128xf32, #tpu.memory_space<hbm>> -> memref<80x128xf32, #tpu.memory_space<hbm>>
      %dma_wait3A_382 = arith.constant 0 : i32
      %dma_wait3A_383 = arith.constant 0 : i32
      %dma_wait3A_384 = tpu.memref_slice %arg7[%add3A, %dma_wait3A_382, %dma_wait3A_383] : memref<32x80x128xf32, #tpu.memory_space<hbm>> -> memref<1x80x128xf32, #tpu.memory_space<hbm>>
      %dma_wait3A_385 = tpu.memref_squeeze %dma_wait3A_384 : memref<1x80x128xf32, #tpu.memory_space<hbm>> -> memref<80x128xf32, #tpu.memory_space<hbm>>
      tpu.wait_dma2 semaphore(%run_scoped3A : memref<!tpu.dma_semaphore, #tpu.memory_space<semaphore_mem>>) src(%arg8 : memref<80x128xf32, #tpu.memory_space<vmem>>) dst(%dma_wait3A_385 : memref<80x128xf32, #tpu.memory_space<hbm>>)
      tpu.yield
    }) : () -> ()
    %barrier3A_362 = arith.constant 0 : index
    tpu.barrier barrier_id(%barrier3A_362)
    %mul3A_363 = arith.constant 624 : i32
    %mul3A_364 = arith.muli %arg1, %mul3A_363 : i32
    "tpu.region"() ({
      %run_scoped3A = tpu.sem_alloc : memref<!tpu.dma_semaphore, #tpu.memory_space<semaphore_mem>>
      %dma_start3A_370 = arith.constant 0 : i32
      %dma_start3A_371 = tpu.memref_slice %arg6[%arg0, %mul3A_364, %dma_start3A_370] : memref<2x10000x128xf32, #tpu.memory_space<hbm>> -> memref<1x624x128xf32, #tpu.memory_space<hbm>>
      %dma_start3A_372 = tpu.memref_squeeze %dma_start3A_371 : memref<1x624x128xf32, #tpu.memory_space<hbm>> -> memref<624x128xf32, #tpu.memory_space<hbm>>
      %dma_start3A_373 = arith.constant 0 : i32
      %dma_start3A_374 = tpu.memref_slice %arg9[%mul3A_364, %dma_start3A_373] : memref<10000x128xf32, #tpu.memory_space<vmem_shared>> -> memref<624x128xf32, #tpu.memory_space<vmem_shared>>
      tpu.enqueue_dma source(%dma_start3A_374 : memref<624x128xf32, #tpu.memory_space<vmem_shared>>) target(%dma_start3A_372 : memref<624x128xf32, #tpu.memory_space<hbm>>) target_semaphore(%run_scoped3A : memref<!tpu.dma_semaphore, #tpu.memory_space<semaphore_mem>>)
      %dma_wait3A_375 = arith.constant 0 : i32
      %dma_wait3A_376 = tpu.memref_slice %arg6[%arg0, %mul3A_364, %dma_wait3A_375] : memref<2x10000x128xf32, #tpu.memory_space<hbm>> -> memref<1x624x128xf32, #tpu.memory_space<hbm>>
      %dma_wait3A_377 = tpu.memref_squeeze %dma_wait3A_376 : memref<1x624x128xf32, #tpu.memory_space<hbm>> -> memref<624x128xf32, #tpu.memory_space<hbm>>
      %dma_wait3A_378 = arith.constant 0 : i32
      %dma_wait3A_379 = tpu.memref_slice %arg9[%mul3A_364, %dma_wait3A_378] : memref<10000x128xf32, #tpu.memory_space<vmem_shared>> -> memref<624x128xf32, #tpu.memory_space<vmem_shared>>
      tpu.wait_dma2 semaphore(%run_scoped3A : memref<!tpu.dma_semaphore, #tpu.memory_space<semaphore_mem>>) src(%dma_wait3A_379 : memref<624x128xf32, #tpu.memory_space<vmem_shared>>) dst(%dma_wait3A_377 : memref<624x128xf32, #tpu.memory_space<hbm>>)
      tpu.yield
    }) : () -> ()
    %eq3A_365 = arith.constant 0 : i32
    %eq3A_366 = arith.cmpi eq, %arg1, %eq3A_365 : i32
    %convert_element_type3A_367 = arith.extui %eq3A_366 : i1 to i32
    %cond3A_368 = arith.constant 0 : i32
    %cond3A_369 = arith.cmpi ne, %convert_element_type3A_367, %cond3A_368 : i32
    scf.if %cond3A_369 {
      "tpu.region"() ({
        %run_scoped3A = tpu.sem_alloc : memref<!tpu.dma_semaphore, #tpu.memory_space<semaphore_mem>>
        %dma_start3A_370 = arith.constant 9984 : i32
        %dma_start3A_371 = arith.constant 0 : i32
        %dma_start3A_372 = tpu.memref_slice %arg6[%arg0, %dma_start3A_370, %dma_start3A_371] : memref<2x10000x128xf32, #tpu.memory_space<hbm>> -> memref<1x16x128xf32, #tpu.memory_space<hbm>>
        %dma_start3A_373 = tpu.memref_squeeze %dma_start3A_372 : memref<1x16x128xf32, #tpu.memory_space<hbm>> -> memref<16x128xf32, #tpu.memory_space<hbm>>
        %dma_start3A_374 = arith.constant 9984 : i32
        %dma_start3A_375 = arith.constant 0 : i32
        %dma_start3A_376 = tpu.memref_slice %arg9[%dma_start3A_374, %dma_start3A_375] : memref<10000x128xf32, #tpu.memory_space<vmem_shared>> -> memref<16x128xf32, #tpu.memory_space<vmem_shared>>
        tpu.enqueue_dma source(%dma_start3A_376 : memref<16x128xf32, #tpu.memory_space<vmem_shared>>) target(%dma_start3A_373 : memref<16x128xf32, #tpu.memory_space<hbm>>) target_semaphore(%run_scoped3A : memref<!tpu.dma_semaphore, #tpu.memory_space<semaphore_mem>>)
        %dma_wait3A_377 = arith.constant 9984 : i32
        %dma_wait3A_378 = arith.constant 0 : i32
        %dma_wait3A_379 = tpu.memref_slice %arg6[%arg0, %dma_wait3A_377, %dma_wait3A_378] : memref<2x10000x128xf32, #tpu.memory_space<hbm>> -> memref<1x16x128xf32, #tpu.memory_space<hbm>>
        %dma_wait3A_380 = tpu.memref_squeeze %dma_wait3A_379 : memref<1x16x128xf32, #tpu.memory_space<hbm>> -> memref<16x128xf32, #tpu.memory_space<hbm>>
        %dma_wait3A_381 = arith.constant 9984 : i32
        %dma_wait3A_382 = arith.constant 0 : i32
        %dma_wait3A_383 = tpu.memref_slice %arg9[%dma_wait3A_381, %dma_wait3A_382] : memref<10000x128xf32, #tpu.memory_space<vmem_shared>> -> memref<16x128xf32, #tpu.memory_space<vmem_shared>>
        tpu.wait_dma2 semaphore(%run_scoped3A : memref<!tpu.dma_semaphore, #tpu.memory_space<semaphore_mem>>) src(%dma_wait3A_383 : memref<16x128xf32, #tpu.memory_space<vmem_shared>>) dst(%dma_wait3A_380 : memref<16x128xf32, #tpu.memory_space<hbm>>)
        tpu.yield
      }) : () -> ()
    } else {
    }
    return
  }
}

#map = affine_map<(d0, d1) -> (0, 0)>
#map1 = affine_map<(d0, d1) -> (0)>
#map2 = affine_map<(d0, d1) -> (0, 0, 0)>
module attributes {stable_mosaic.version = 14 : i64} {
  func.func @_sc_agg_body(%arg0: i32, %arg1: i32, %arg2: memref<10000x128xf32, #tpu.memory_space<hbm>>, %arg3: memref<320000xi32, #tpu.memory_space<hbm>>, %arg4: memref<320000xi32, #tpu.memory_space<hbm>>, %arg5: memref<624x128xf32, #tpu.memory_space<hbm>>, %arg6: memref<2x10000x128xf32, #tpu.memory_space<hbm>>, %arg7: memref<10000x128xf32, #tpu.memory_space<vmem_shared>>, %arg8: memref<80x128xf32, #tpu.memory_space<vmem>>, %arg9: memref<80x128xf32, #tpu.memory_space<vmem>>, %arg10: memref<80x128xf32, #tpu.memory_space<vmem>>, %arg11: memref<80xi32, #tpu.memory_space<vmem>>, %arg12: memref<80xi32, #tpu.memory_space<vmem>>, %arg13: memref<80xi32, #tpu.memory_space<vmem>>, %arg14: memref<80xi32, #tpu.memory_space<vmem>>, %arg15: memref<80xi32, #tpu.memory_space<vmem>>, %arg16: memref<80xi32, #tpu.memory_space<vmem>>, %arg17: memref<80xi32, #tpu.memory_space<vmem>>, %arg18: memref<80xi32, #tpu.memory_space<vmem>>, %arg19: memref<!tpu.dma_semaphore, #tpu.memory_space<semaphore_mem>>, %arg20: memref<!tpu.dma_semaphore, #tpu.memory_space<semaphore_mem>>, %arg21: memref<!tpu.dma_semaphore, #tpu.memory_space<semaphore_mem>>, %arg22: memref<!tpu.dma_semaphore, #tpu.memory_space<semaphore_mem>>, %arg23: memref<!tpu.dma_semaphore, #tpu.memory_space<semaphore_mem>>, %arg24: memref<!tpu.dma_semaphore, #tpu.memory_space<semaphore_mem>>, %arg25: memref<!tpu.dma_semaphore, #tpu.memory_space<semaphore_mem>>, %arg26: memref<!tpu.dma_semaphore, #tpu.memory_space<semaphore_mem>>, %arg27: memref<!tpu.dma_semaphore, #tpu.memory_space<semaphore_mem>>) attributes {dimension_semantics = [#tpu.dimension_semantics<core_parallel>, #tpu.dimension_semantics<subcore_parallel>], iteration_bounds = array<i64: 2, 16>, scalar_prefetch = 0 : i64, scratch_operands = 21 : i64, tpu.core_type = #tpu.core_type<sc_vector_subcore>, window_params = [{transform_indices = #map}, {transform_indices = #map1}, {transform_indices = #map1}, {transform_indices = #map}, {transform_indices = #map2}]} {
    %mul3A = arith.constant 16 : i32
    %mul3A_0 = arith.muli %arg0, %mul3A : i32
    %add3A = arith.addi %mul3A_0, %arg1 : i32
    %broadcast_in_dim3A = arith.constant 0.000000e+00 : f32
    %broadcast_in_dim3A_1 = vector.broadcast %broadcast_in_dim3A : f32 to vector<16xf32>
    %broadcast_in_dim3A_2 = arith.constant 1.000000e+00 : f32
    %broadcast_in_dim3A_3 = vector.broadcast %broadcast_in_dim3A_2 : f32 to vector<16xf32>
    %mul3A_4 = arith.constant 10000 : i32
    %mul3A_5 = arith.muli %add3A, %mul3A_4 : i32
    %add3A_6 = arith.constant 0 : i32
    %add3A_7 = arith.addi %mul3A_5, %add3A_6 : i32
    %dma_start3A = tpu.memref_slice %arg3[%add3A_7] : memref<320000xi32, #tpu.memory_space<hbm>> -> memref<80xi32, #tpu.memory_space<hbm>>
    %dma_start3A_8 = tpu.memref_slice %arg3[%add3A_7] : memref<320000xi32, #tpu.memory_space<hbm>> -> memref<80xi32, #tpu.memory_space<hbm>>
    tpu.enqueue_dma source(%dma_start3A_8 : memref<80xi32, #tpu.memory_space<hbm>>) target(%arg11 : memref<80xi32, #tpu.memory_space<vmem>>) target_semaphore(%arg22 : memref<!tpu.dma_semaphore, #tpu.memory_space<semaphore_mem>>)
    %add3A_9 = arith.constant 0 : i32
    %add3A_10 = arith.addi %mul3A_5, %add3A_9 : i32
    %dma_start3A_11 = tpu.memref_slice %arg4[%add3A_10] : memref<320000xi32, #tpu.memory_space<hbm>> -> memref<80xi32, #tpu.memory_space<hbm>>
    %dma_start3A_12 = tpu.memref_slice %arg4[%add3A_10] : memref<320000xi32, #tpu.memory_space<hbm>> -> memref<80xi32, #tpu.memory_space<hbm>>
    tpu.enqueue_dma source(%dma_start3A_12 : memref<80xi32, #tpu.memory_space<hbm>>) target(%arg15 : memref<80xi32, #tpu.memory_space<vmem>>) target_semaphore(%arg22 : memref<!tpu.dma_semaphore, #tpu.memory_space<semaphore_mem>>)
    %add3A_13 = arith.constant 80 : i32
    %add3A_14 = arith.addi %mul3A_5, %add3A_13 : i32
    %dma_start3A_15 = tpu.memref_slice %arg3[%add3A_14] : memref<320000xi32, #tpu.memory_space<hbm>> -> memref<80xi32, #tpu.memory_space<hbm>>
    %dma_start3A_16 = tpu.memref_slice %arg3[%add3A_14] : memref<320000xi32, #tpu.memory_space<hbm>> -> memref<80xi32, #tpu.memory_space<hbm>>
    tpu.enqueue_dma source(%dma_start3A_16 : memref<80xi32, #tpu.memory_space<hbm>>) target(%arg12 : memref<80xi32, #tpu.memory_space<vmem>>) target_semaphore(%arg23 : memref<!tpu.dma_semaphore, #tpu.memory_space<semaphore_mem>>)
    %add3A_17 = arith.constant 80 : i32
    %add3A_18 = arith.addi %mul3A_5, %add3A_17 : i32
    %dma_start3A_19 = tpu.memref_slice %arg4[%add3A_18] : memref<320000xi32, #tpu.memory_space<hbm>> -> memref<80xi32, #tpu.memory_space<hbm>>
    %dma_start3A_20 = tpu.memref_slice %arg4[%add3A_18] : memref<320000xi32, #tpu.memory_space<hbm>> -> memref<80xi32, #tpu.memory_space<hbm>>
    tpu.enqueue_dma source(%dma_start3A_20 : memref<80xi32, #tpu.memory_space<hbm>>) target(%arg16 : memref<80xi32, #tpu.memory_space<vmem>>) target_semaphore(%arg23 : memref<!tpu.dma_semaphore, #tpu.memory_space<semaphore_mem>>)
    %mul3A_21 = arith.constant 624 : i32
    %mul3A_22 = arith.muli %arg1, %mul3A_21 : i32
    "tpu.region"() ({
      %run_scoped3A = tpu.sem_alloc : memref<!tpu.dma_semaphore, #tpu.memory_space<semaphore_mem>>
      %dma_start3A_167 = arith.constant 0 : i32
      %dma_start3A_168 = tpu.memref_slice %arg7[%mul3A_22, %dma_start3A_167] : memref<10000x128xf32, #tpu.memory_space<vmem_shared>> -> memref<624x128xf32, #tpu.memory_space<vmem_shared>>
      tpu.enqueue_dma source(%arg5 : memref<624x128xf32, #tpu.memory_space<hbm>>) target(%dma_start3A_168 : memref<624x128xf32, #tpu.memory_space<vmem_shared>>) target_semaphore(%run_scoped3A : memref<!tpu.dma_semaphore, #tpu.memory_space<semaphore_mem>>)
      %dma_wait3A_169 = arith.constant 0 : i32
      %dma_wait3A_170 = tpu.memref_slice %arg7[%mul3A_22, %dma_wait3A_169] : memref<10000x128xf32, #tpu.memory_space<vmem_shared>> -> memref<624x128xf32, #tpu.memory_space<vmem_shared>>
      tpu.wait_dma2 semaphore(%run_scoped3A : memref<!tpu.dma_semaphore, #tpu.memory_space<semaphore_mem>>) src(%arg5 : memref<624x128xf32, #tpu.memory_space<hbm>>) dst(%dma_wait3A_170 : memref<624x128xf32, #tpu.memory_space<vmem_shared>>)
      tpu.yield
    }) : () -> ()
    %eq3A = arith.constant 0 : i32
    %eq3A_23 = arith.cmpi eq, %arg1, %eq3A : i32
    %convert_element_type3A = arith.extui %eq3A_23 : i1 to i32
    %cond3A = arith.constant 0 : i32
    %cond3A_24 = arith.cmpi ne, %convert_element_type3A, %cond3A : i32
    scf.if %cond3A_24 {
      "tpu.region"() ({
        %run_scoped3A = tpu.sem_alloc : memref<!tpu.dma_semaphore, #tpu.memory_space<semaphore_mem>>
        %dma_start3A_167 = arith.constant 9984 : i32
        %dma_start3A_168 = arith.constant 0 : i32
        %dma_start3A_169 = tpu.memref_slice %arg7[%dma_start3A_167, %dma_start3A_168] : memref<10000x128xf32, #tpu.memory_space<vmem_shared>> -> memref<16x128xf32, #tpu.memory_space<vmem_shared>>
        %dma_start3A_170 = arith.constant 0 : i32
        %dma_start3A_171 = arith.constant 0 : i32
        %dma_start3A_172 = tpu.memref_slice %arg5[%dma_start3A_170, %dma_start3A_171] : memref<624x128xf32, #tpu.memory_space<hbm>> -> memref<16x128xf32, #tpu.memory_space<hbm>>
        tpu.enqueue_dma source(%dma_start3A_172 : memref<16x128xf32, #tpu.memory_space<hbm>>) target(%dma_start3A_169 : memref<16x128xf32, #tpu.memory_space<vmem_shared>>) target_semaphore(%run_scoped3A : memref<!tpu.dma_semaphore, #tpu.memory_space<semaphore_mem>>)
        %dma_wait3A_173 = arith.constant 9984 : i32
        %dma_wait3A_174 = arith.constant 0 : i32
        %dma_wait3A_175 = tpu.memref_slice %arg7[%dma_wait3A_173, %dma_wait3A_174] : memref<10000x128xf32, #tpu.memory_space<vmem_shared>> -> memref<16x128xf32, #tpu.memory_space<vmem_shared>>
        %dma_wait3A_176 = arith.constant 0 : i32
        %dma_wait3A_177 = arith.constant 0 : i32
        %dma_wait3A_178 = tpu.memref_slice %arg5[%dma_wait3A_176, %dma_wait3A_177] : memref<624x128xf32, #tpu.memory_space<hbm>> -> memref<16x128xf32, #tpu.memory_space<hbm>>
        tpu.wait_dma2 semaphore(%run_scoped3A : memref<!tpu.dma_semaphore, #tpu.memory_space<semaphore_mem>>) src(%dma_wait3A_178 : memref<16x128xf32, #tpu.memory_space<hbm>>) dst(%dma_wait3A_175 : memref<16x128xf32, #tpu.memory_space<vmem_shared>>)
        tpu.yield
      }) : () -> ()
    } else {
    }
    %barrier3A = arith.constant 0 : index
    tpu.barrier barrier_id(%barrier3A)
    %add3A_25 = arith.constant 0 : i32
    %add3A_26 = arith.addi %mul3A_5, %add3A_25 : i32
    %dma_wait3A = tpu.memref_slice %arg3[%add3A_26] : memref<320000xi32, #tpu.memory_space<hbm>> -> memref<80xi32, #tpu.memory_space<hbm>>
    %dma_wait3A_27 = tpu.memref_slice %arg3[%add3A_26] : memref<320000xi32, #tpu.memory_space<hbm>> -> memref<80xi32, #tpu.memory_space<hbm>>
    tpu.wait_dma2 semaphore(%arg22 : memref<!tpu.dma_semaphore, #tpu.memory_space<semaphore_mem>>) src(%dma_wait3A_27 : memref<80xi32, #tpu.memory_space<hbm>>) dst(%arg11 : memref<80xi32, #tpu.memory_space<vmem>>)
    %add3A_28 = arith.constant 0 : i32
    %add3A_29 = arith.addi %mul3A_5, %add3A_28 : i32
    %dma_wait3A_30 = tpu.memref_slice %arg4[%add3A_29] : memref<320000xi32, #tpu.memory_space<hbm>> -> memref<80xi32, #tpu.memory_space<hbm>>
    %dma_wait3A_31 = tpu.memref_slice %arg4[%add3A_29] : memref<320000xi32, #tpu.memory_space<hbm>> -> memref<80xi32, #tpu.memory_space<hbm>>
    tpu.wait_dma2 semaphore(%arg22 : memref<!tpu.dma_semaphore, #tpu.memory_space<semaphore_mem>>) src(%dma_wait3A_31 : memref<80xi32, #tpu.memory_space<hbm>>) dst(%arg15 : memref<80xi32, #tpu.memory_space<vmem>>)
    %dma_start3A_32 = arith.constant 0 : i32
    %dma_start3A_33 = arith.constant 0 : i32
    %dma_start3A_34 = tpu.memref_slice %arg2[%dma_start3A_32, %dma_start3A_33] : memref<10000x128xf32, #tpu.memory_space<hbm>> -> memref<10000x128xf32, #tpu.memory_space<hbm>>
    tpu.enqueue_indirect_dma source(%dma_start3A_34 : memref<10000x128xf32, #tpu.memory_space<hbm>>) target(%arg8 : memref<80x128xf32, #tpu.memory_space<vmem>>) offsets(%arg11 : memref<80xi32, #tpu.memory_space<vmem>>) semaphore(%arg19 : memref<!tpu.dma_semaphore, #tpu.memory_space<semaphore_mem>>)
    %scan3A = arith.constant 0 : i32
    %scan3A_35 = arith.constant 0 : i32
    %scan3A_36 = arith.constant 10 : i32
    %scan3A_37 = arith.addi %scan3A_35, %scan3A_36 : i32
    %scan3A_38 = arith.constant 1 : i32
    scf.for %scan3A_167 = %scan3A_35 to %scan3A_37 step %scan3A_38  : i32 {
      %mul3A_168 = arith.constant 12 : i32
      %mul3A_169 = arith.muli %scan3A_167, %mul3A_168 : i32
      %add3A_170 = arith.constant 0 : i32
      %add3A_171 = arith.addi %mul3A_169, %add3A_170 : i32
      %ge3A = arith.constant 2 : i32
      %ge3A_172 = arith.cmpi sge, %add3A_171, %ge3A : i32
      %convert_element_type3A_173 = arith.extui %ge3A_172 : i1 to i32
      %cond3A_174 = arith.constant 0 : i32
      %cond3A_175 = arith.cmpi ne, %convert_element_type3A_173, %cond3A_174 : i32
      scf.if %cond3A_175 {
        %dma_wait3A_514 = arith.constant 0 : i32
        %dma_wait3A_515 = arith.constant 0 : i32
        %dma_wait3A_516 = tpu.memref_slice %arg7[%dma_wait3A_514, %dma_wait3A_515] : memref<10000x128xf32, #tpu.memory_space<vmem_shared>> -> memref<10000x128xf32, #tpu.memory_space<vmem_shared>>
        tpu.wait_indirect_dma semaphore(%arg26 : memref<!tpu.dma_semaphore, #tpu.memory_space<semaphore_mem>>) src(%arg9 : memref<80x128xf32, #tpu.memory_space<vmem>>) dst(%dma_wait3A_516 : memref<10000x128xf32, #tpu.memory_space<vmem_shared>>)
      } else {
      }
      %add3A_176 = arith.constant 2 : i32
      %add3A_177 = arith.addi %add3A_171, %add3A_176 : i32
      %lt3A = arith.constant 125 : i32
      %lt3A_178 = arith.cmpi slt, %add3A_177, %lt3A : i32
      %convert_element_type3A_179 = arith.extui %lt3A_178 : i1 to i32
      %cond3A_180 = arith.constant 0 : i32
      %cond3A_181 = arith.cmpi ne, %convert_element_type3A_179, %cond3A_180 : i32
      scf.if %cond3A_181 {
        %add3A_514 = arith.constant 2 : i32
        %add3A_515 = arith.addi %add3A_171, %add3A_514 : i32
        %mul3A_516 = arith.constant 80 : i32
        %mul3A_517 = arith.muli %add3A_515, %mul3A_516 : i32
        %add3A_518 = arith.addi %mul3A_5, %mul3A_517 : i32
        %dma_start3A_519 = tpu.memref_slice %arg3[%add3A_518] : memref<320000xi32, #tpu.memory_space<hbm>> -> memref<80xi32, #tpu.memory_space<hbm>>
        %dma_start3A_520 = tpu.memref_slice %arg3[%add3A_518] : memref<320000xi32, #tpu.memory_space<hbm>> -> memref<80xi32, #tpu.memory_space<hbm>>
        tpu.enqueue_dma source(%dma_start3A_520 : memref<80xi32, #tpu.memory_space<hbm>>) target(%arg13 : memref<80xi32, #tpu.memory_space<vmem>>) target_semaphore(%arg24 : memref<!tpu.dma_semaphore, #tpu.memory_space<semaphore_mem>>)
        %mul3A_521 = arith.constant 80 : i32
        %mul3A_522 = arith.muli %add3A_515, %mul3A_521 : i32
        %add3A_523 = arith.addi %mul3A_5, %mul3A_522 : i32
        %dma_start3A_524 = tpu.memref_slice %arg4[%add3A_523] : memref<320000xi32, #tpu.memory_space<hbm>> -> memref<80xi32, #tpu.memory_space<hbm>>
        %dma_start3A_525 = tpu.memref_slice %arg4[%add3A_523] : memref<320000xi32, #tpu.memory_space<hbm>> -> memref<80xi32, #tpu.memory_space<hbm>>
        tpu.enqueue_dma source(%dma_start3A_525 : memref<80xi32, #tpu.memory_space<hbm>>) target(%arg17 : memref<80xi32, #tpu.memory_space<vmem>>) target_semaphore(%arg24 : memref<!tpu.dma_semaphore, #tpu.memory_space<semaphore_mem>>)
      } else {
      }
      %add3A_182 = arith.constant 1 : i32
      %add3A_183 = arith.addi %add3A_171, %add3A_182 : i32
      %lt3A_184 = arith.constant 125 : i32
      %lt3A_185 = arith.cmpi slt, %add3A_183, %lt3A_184 : i32
      %convert_element_type3A_186 = arith.extui %lt3A_185 : i1 to i32
      %cond3A_187 = arith.constant 0 : i32
      %cond3A_188 = arith.cmpi ne, %convert_element_type3A_186, %cond3A_187 : i32
      scf.if %cond3A_188 {
        %add3A_514 = arith.constant 1 : i32
        %add3A_515 = arith.addi %add3A_171, %add3A_514 : i32
        %mul3A_516 = arith.constant 80 : i32
        %mul3A_517 = arith.muli %add3A_515, %mul3A_516 : i32
        %add3A_518 = arith.addi %mul3A_5, %mul3A_517 : i32
        %dma_wait3A_519 = tpu.memref_slice %arg3[%add3A_518] : memref<320000xi32, #tpu.memory_space<hbm>> -> memref<80xi32, #tpu.memory_space<hbm>>
        %dma_wait3A_520 = tpu.memref_slice %arg3[%add3A_518] : memref<320000xi32, #tpu.memory_space<hbm>> -> memref<80xi32, #tpu.memory_space<hbm>>
        tpu.wait_dma2 semaphore(%arg23 : memref<!tpu.dma_semaphore, #tpu.memory_space<semaphore_mem>>) src(%dma_wait3A_520 : memref<80xi32, #tpu.memory_space<hbm>>) dst(%arg12 : memref<80xi32, #tpu.memory_space<vmem>>)
        %mul3A_521 = arith.constant 80 : i32
        %mul3A_522 = arith.muli %add3A_515, %mul3A_521 : i32
        %add3A_523 = arith.addi %mul3A_5, %mul3A_522 : i32
        %dma_wait3A_524 = tpu.memref_slice %arg4[%add3A_523] : memref<320000xi32, #tpu.memory_space<hbm>> -> memref<80xi32, #tpu.memory_space<hbm>>
        %dma_wait3A_525 = tpu.memref_slice %arg4[%add3A_523] : memref<320000xi32, #tpu.memory_space<hbm>> -> memref<80xi32, #tpu.memory_space<hbm>>
        tpu.wait_dma2 semaphore(%arg23 : memref<!tpu.dma_semaphore, #tpu.memory_space<semaphore_mem>>) src(%dma_wait3A_525 : memref<80xi32, #tpu.memory_space<hbm>>) dst(%arg16 : memref<80xi32, #tpu.memory_space<vmem>>)
        %dma_start3A_526 = arith.constant 0 : i32
        %dma_start3A_527 = arith.constant 0 : i32
        %dma_start3A_528 = tpu.memref_slice %arg2[%dma_start3A_526, %dma_start3A_527] : memref<10000x128xf32, #tpu.memory_space<hbm>> -> memref<10000x128xf32, #tpu.memory_space<hbm>>
        tpu.enqueue_indirect_dma source(%dma_start3A_528 : memref<10000x128xf32, #tpu.memory_space<hbm>>) target(%arg9 : memref<80x128xf32, #tpu.memory_space<vmem>>) offsets(%arg12 : memref<80xi32, #tpu.memory_space<vmem>>) semaphore(%arg20 : memref<!tpu.dma_semaphore, #tpu.memory_space<semaphore_mem>>)
      } else {
      }
      %dma_wait3A_189 = arith.constant 0 : i32
      %dma_wait3A_190 = arith.constant 0 : i32
      %dma_wait3A_191 = tpu.memref_slice %arg2[%dma_wait3A_189, %dma_wait3A_190] : memref<10000x128xf32, #tpu.memory_space<hbm>> -> memref<10000x128xf32, #tpu.memory_space<hbm>>
      tpu.wait_indirect_dma semaphore(%arg19 : memref<!tpu.dma_semaphore, #tpu.memory_space<semaphore_mem>>) src(%dma_wait3A_191 : memref<10000x128xf32, #tpu.memory_space<hbm>>) dst(%arg8 : memref<80x128xf32, #tpu.memory_space<vmem>>)
      %dma_start3A_192 = arith.constant 0 : i32
      %dma_start3A_193 = arith.constant 0 : i32
      %dma_start3A_194 = tpu.memref_slice %arg7[%dma_start3A_192, %dma_start3A_193] : memref<10000x128xf32, #tpu.memory_space<vmem_shared>> -> memref<10000x128xf32, #tpu.memory_space<vmem_shared>>
      tpu.enqueue_indirect_dma source(%arg8 : memref<80x128xf32, #tpu.memory_space<vmem>>) target(%dma_start3A_194 : memref<10000x128xf32, #tpu.memory_space<vmem_shared>>) offsets(%arg15 : memref<80xi32, #tpu.memory_space<vmem>>) semaphore(%arg26 : memref<!tpu.dma_semaphore, #tpu.memory_space<semaphore_mem>>) {add = true}
      %mul3A_195 = arith.constant 12 : i32
      %mul3A_196 = arith.muli %scan3A_167, %mul3A_195 : i32
      %add3A_197 = arith.constant 1 : i32
      %add3A_198 = arith.addi %mul3A_196, %add3A_197 : i32
      %ge3A_199 = arith.constant 2 : i32
      %ge3A_200 = arith.cmpi sge, %add3A_198, %ge3A_199 : i32
      %convert_element_type3A_201 = arith.extui %ge3A_200 : i1 to i32
      %cond3A_202 = arith.constant 0 : i32
      %cond3A_203 = arith.cmpi ne, %convert_element_type3A_201, %cond3A_202 : i32
      scf.if %cond3A_203 {
        %dma_wait3A_514 = arith.constant 0 : i32
        %dma_wait3A_515 = arith.constant 0 : i32
        %dma_wait3A_516 = tpu.memref_slice %arg7[%dma_wait3A_514, %dma_wait3A_515] : memref<10000x128xf32, #tpu.memory_space<vmem_shared>> -> memref<10000x128xf32, #tpu.memory_space<vmem_shared>>
        tpu.wait_indirect_dma semaphore(%arg27 : memref<!tpu.dma_semaphore, #tpu.memory_space<semaphore_mem>>) src(%arg10 : memref<80x128xf32, #tpu.memory_space<vmem>>) dst(%dma_wait3A_516 : memref<10000x128xf32, #tpu.memory_space<vmem_shared>>)
      } else {
      }
      %add3A_204 = arith.constant 2 : i32
      %add3A_205 = arith.addi %add3A_198, %add3A_204 : i32
      %lt3A_206 = arith.constant 125 : i32
      %lt3A_207 = arith.cmpi slt, %add3A_205, %lt3A_206 : i32
      %convert_element_type3A_208 = arith.extui %lt3A_207 : i1 to i32
      %cond3A_209 = arith.constant 0 : i32
      %cond3A_210 = arith.cmpi ne, %convert_element_type3A_208, %cond3A_209 : i32
      scf.if %cond3A_210 {
        %add3A_514 = arith.constant 2 : i32
        %add3A_515 = arith.addi %add3A_198, %add3A_514 : i32
        %mul3A_516 = arith.constant 80 : i32
        %mul3A_517 = arith.muli %add3A_515, %mul3A_516 : i32
        %add3A_518 = arith.addi %mul3A_5, %mul3A_517 : i32
        %dma_start3A_519 = tpu.memref_slice %arg3[%add3A_518] : memref<320000xi32, #tpu.memory_space<hbm>> -> memref<80xi32, #tpu.memory_space<hbm>>
        %dma_start3A_520 = tpu.memref_slice %arg3[%add3A_518] : memref<320000xi32, #tpu.memory_space<hbm>> -> memref<80xi32, #tpu.memory_space<hbm>>
        tpu.enqueue_dma source(%dma_start3A_520 : memref<80xi32, #tpu.memory_space<hbm>>) target(%arg14 : memref<80xi32, #tpu.memory_space<vmem>>) target_semaphore(%arg25 : memref<!tpu.dma_semaphore, #tpu.memory_space<semaphore_mem>>)
        %mul3A_521 = arith.constant 80 : i32
        %mul3A_522 = arith.muli %add3A_515, %mul3A_521 : i32
        %add3A_523 = arith.addi %mul3A_5, %mul3A_522 : i32
        %dma_start3A_524 = tpu.memref_slice %arg4[%add3A_523] : memref<320000xi32, #tpu.memory_space<hbm>> -> memref<80xi32, #tpu.memory_space<hbm>>
        %dma_start3A_525 = tpu.memref_slice %arg4[%add3A_523] : memref<320000xi32, #tpu.memory_space<hbm>> -> memref<80xi32, #tpu.memory_space<hbm>>
        tpu.enqueue_dma source(%dma_start3A_525 : memref<80xi32, #tpu.memory_space<hbm>>) target(%arg18 : memref<80xi32, #tpu.memory_space<vmem>>) target_semaphore(%arg25 : memref<!tpu.dma_semaphore, #tpu.memory_space<semaphore_mem>>)
      } else {
      }
      %add3A_211 = arith.constant 1 : i32
      %add3A_212 = arith.addi %add3A_198, %add3A_211 : i32
      %lt3A_213 = arith.constant 125 : i32
      %lt3A_214 = arith.cmpi slt, %add3A_212, %lt3A_213 : i32
      %convert_element_type3A_215 = arith.extui %lt3A_214 : i1 to i32
      %cond3A_216 = arith.constant 0 : i32
      %cond3A_217 = arith.cmpi ne, %convert_element_type3A_215, %cond3A_216 : i32
      scf.if %cond3A_217 {
        %add3A_514 = arith.constant 1 : i32
        %add3A_515 = arith.addi %add3A_198, %add3A_514 : i32
        %mul3A_516 = arith.constant 80 : i32
        %mul3A_517 = arith.muli %add3A_515, %mul3A_516 : i32
        %add3A_518 = arith.addi %mul3A_5, %mul3A_517 : i32
        %dma_wait3A_519 = tpu.memref_slice %arg3[%add3A_518] : memref<320000xi32, #tpu.memory_space<hbm>> -> memref<80xi32, #tpu.memory_space<hbm>>
        %dma_wait3A_520 = tpu.memref_slice %arg3[%add3A_518] : memref<320000xi32, #tpu.memory_space<hbm>> -> memref<80xi32, #tpu.memory_space<hbm>>
        tpu.wait_dma2 semaphore(%arg24 : memref<!tpu.dma_semaphore, #tpu.memory_space<semaphore_mem>>) src(%dma_wait3A_520 : memref<80xi32, #tpu.memory_space<hbm>>) dst(%arg13 : memref<80xi32, #tpu.memory_space<vmem>>)
        %mul3A_521 = arith.constant 80 : i32
        %mul3A_522 = arith.muli %add3A_515, %mul3A_521 : i32
        %add3A_523 = arith.addi %mul3A_5, %mul3A_522 : i32
        %dma_wait3A_524 = tpu.memref_slice %arg4[%add3A_523] : memref<320000xi32, #tpu.memory_space<hbm>> -> memref<80xi32, #tpu.memory_space<hbm>>
        %dma_wait3A_525 = tpu.memref_slice %arg4[%add3A_523] : memref<320000xi32, #tpu.memory_space<hbm>> -> memref<80xi32, #tpu.memory_space<hbm>>
        tpu.wait_dma2 semaphore(%arg24 : memref<!tpu.dma_semaphore, #tpu.memory_space<semaphore_mem>>) src(%dma_wait3A_525 : memref<80xi32, #tpu.memory_space<hbm>>) dst(%arg17 : memref<80xi32, #tpu.memory_space<vmem>>)
        %dma_start3A_526 = arith.constant 0 : i32
        %dma_start3A_527 = arith.constant 0 : i32
        %dma_start3A_528 = tpu.memref_slice %arg2[%dma_start3A_526, %dma_start3A_527] : memref<10000x128xf32, #tpu.memory_space<hbm>> -> memref<10000x128xf32, #tpu.memory_space<hbm>>
        tpu.enqueue_indirect_dma source(%dma_start3A_528 : memref<10000x128xf32, #tpu.memory_space<hbm>>) target(%arg10 : memref<80x128xf32, #tpu.memory_space<vmem>>) offsets(%arg13 : memref<80xi32, #tpu.memory_space<vmem>>) semaphore(%arg21 : memref<!tpu.dma_semaphore, #tpu.memory_space<semaphore_mem>>)
      } else {
      }
      %dma_wait3A_218 = arith.constant 0 : i32
      %dma_wait3A_219 = arith.constant 0 : i32
      %dma_wait3A_220 = tpu.memref_slice %arg2[%dma_wait3A_218, %dma_wait3A_219] : memref<10000x128xf32, #tpu.memory_space<hbm>> -> memref<10000x128xf32, #tpu.memory_space<hbm>>
      tpu.wait_indirect_dma semaphore(%arg20 : memref<!tpu.dma_semaphore, #tpu.memory_space<semaphore_mem>>) src(%dma_wait3A_220 : memref<10000x128xf32, #tpu.memory_space<hbm>>) dst(%arg9 : memref<80x128xf32, #tpu.memory_space<vmem>>)
      %dma_start3A_221 = arith.constant 0 : i32
      %dma_start3A_222 = arith.constant 0 : i32
      %dma_start3A_223 = tpu.memref_slice %arg7[%dma_start3A_221, %dma_start3A_222] : memref<10000x128xf32, #tpu.memory_space<vmem_shared>> -> memref<10000x128xf32, #tpu.memory_space<vmem_shared>>
      tpu.enqueue_indirect_dma source(%arg9 : memref<80x128xf32, #tpu.memory_space<vmem>>) target(%dma_start3A_223 : memref<10000x128xf32, #tpu.memory_space<vmem_shared>>) offsets(%arg16 : memref<80xi32, #tpu.memory_space<vmem>>) semaphore(%arg27 : memref<!tpu.dma_semaphore, #tpu.memory_space<semaphore_mem>>) {add = true}
      %mul3A_224 = arith.constant 12 : i32
      %mul3A_225 = arith.muli %scan3A_167, %mul3A_224 : i32
      %add3A_226 = arith.constant 2 : i32
      %add3A_227 = arith.addi %mul3A_225, %add3A_226 : i32
      %ge3A_228 = arith.constant 2 : i32
      %ge3A_229 = arith.cmpi sge, %add3A_227, %ge3A_228 : i32
      %convert_element_type3A_230 = arith.extui %ge3A_229 : i1 to i32
      %cond3A_231 = arith.constant 0 : i32
      %cond3A_232 = arith.cmpi ne, %convert_element_type3A_230, %cond3A_231 : i32
      scf.if %cond3A_232 {
        %dma_wait3A_514 = arith.constant 0 : i32
        %dma_wait3A_515 = arith.constant 0 : i32
        %dma_wait3A_516 = tpu.memref_slice %arg7[%dma_wait3A_514, %dma_wait3A_515] : memref<10000x128xf32, #tpu.memory_space<vmem_shared>> -> memref<10000x128xf32, #tpu.memory_space<vmem_shared>>
        tpu.wait_indirect_dma semaphore(%arg26 : memref<!tpu.dma_semaphore, #tpu.memory_space<semaphore_mem>>) src(%arg8 : memref<80x128xf32, #tpu.memory_space<vmem>>) dst(%dma_wait3A_516 : memref<10000x128xf32, #tpu.memory_space<vmem_shared>>)
      } else {
      }
      %add3A_233 = arith.constant 2 : i32
      %add3A_234 = arith.addi %add3A_227, %add3A_233 : i32
      %lt3A_235 = arith.constant 125 : i32
      %lt3A_236 = arith.cmpi slt, %add3A_234, %lt3A_235 : i32
      %convert_element_type3A_237 = arith.extui %lt3A_236 : i1 to i32
      %cond3A_238 = arith.constant 0 : i32
      %cond3A_239 = arith.cmpi ne, %convert_element_type3A_237, %cond3A_238 : i32
      scf.if %cond3A_239 {
        %add3A_514 = arith.constant 2 : i32
        %add3A_515 = arith.addi %add3A_227, %add3A_514 : i32
        %mul3A_516 = arith.constant 80 : i32
        %mul3A_517 = arith.muli %add3A_515, %mul3A_516 : i32
        %add3A_518 = arith.addi %mul3A_5, %mul3A_517 : i32
        %dma_start3A_519 = tpu.memref_slice %arg3[%add3A_518] : memref<320000xi32, #tpu.memory_space<hbm>> -> memref<80xi32, #tpu.memory_space<hbm>>
        %dma_start3A_520 = tpu.memref_slice %arg3[%add3A_518] : memref<320000xi32, #tpu.memory_space<hbm>> -> memref<80xi32, #tpu.memory_space<hbm>>
        tpu.enqueue_dma source(%dma_start3A_520 : memref<80xi32, #tpu.memory_space<hbm>>) target(%arg11 : memref<80xi32, #tpu.memory_space<vmem>>) target_semaphore(%arg22 : memref<!tpu.dma_semaphore, #tpu.memory_space<semaphore_mem>>)
        %mul3A_521 = arith.constant 80 : i32
        %mul3A_522 = arith.muli %add3A_515, %mul3A_521 : i32
        %add3A_523 = arith.addi %mul3A_5, %mul3A_522 : i32
        %dma_start3A_524 = tpu.memref_slice %arg4[%add3A_523] : memref<320000xi32, #tpu.memory_space<hbm>> -> memref<80xi32, #tpu.memory_space<hbm>>
        %dma_start3A_525 = tpu.memref_slice %arg4[%add3A_523] : memref<320000xi32, #tpu.memory_space<hbm>> -> memref<80xi32, #tpu.memory_space<hbm>>
        tpu.enqueue_dma source(%dma_start3A_525 : memref<80xi32, #tpu.memory_space<hbm>>) target(%arg15 : memref<80xi32, #tpu.memory_space<vmem>>) target_semaphore(%arg22 : memref<!tpu.dma_semaphore, #tpu.memory_space<semaphore_mem>>)
      } else {
      }
      %add3A_240 = arith.constant 1 : i32
      %add3A_241 = arith.addi %add3A_227, %add3A_240 : i32
      %lt3A_242 = arith.constant 125 : i32
      %lt3A_243 = arith.cmpi slt, %add3A_241, %lt3A_242 : i32
      %convert_element_type3A_244 = arith.extui %lt3A_243 : i1 to i32
      %cond3A_245 = arith.constant 0 : i32
      %cond3A_246 = arith.cmpi ne, %convert_element_type3A_244, %cond3A_245 : i32
      scf.if %cond3A_246 {
        %add3A_514 = arith.constant 1 : i32
        %add3A_515 = arith.addi %add3A_227, %add3A_514 : i32
        %mul3A_516 = arith.constant 80 : i32
        %mul3A_517 = arith.muli %add3A_515, %mul3A_516 : i32
        %add3A_518 = arith.addi %mul3A_5, %mul3A_517 : i32
        %dma_wait3A_519 = tpu.memref_slice %arg3[%add3A_518] : memref<320000xi32, #tpu.memory_space<hbm>> -> memref<80xi32, #tpu.memory_space<hbm>>
        %dma_wait3A_520 = tpu.memref_slice %arg3[%add3A_518] : memref<320000xi32, #tpu.memory_space<hbm>> -> memref<80xi32, #tpu.memory_space<hbm>>
        tpu.wait_dma2 semaphore(%arg25 : memref<!tpu.dma_semaphore, #tpu.memory_space<semaphore_mem>>) src(%dma_wait3A_520 : memref<80xi32, #tpu.memory_space<hbm>>) dst(%arg14 : memref<80xi32, #tpu.memory_space<vmem>>)
        %mul3A_521 = arith.constant 80 : i32
        %mul3A_522 = arith.muli %add3A_515, %mul3A_521 : i32
        %add3A_523 = arith.addi %mul3A_5, %mul3A_522 : i32
        %dma_wait3A_524 = tpu.memref_slice %arg4[%add3A_523] : memref<320000xi32, #tpu.memory_space<hbm>> -> memref<80xi32, #tpu.memory_space<hbm>>
        %dma_wait3A_525 = tpu.memref_slice %arg4[%add3A_523] : memref<320000xi32, #tpu.memory_space<hbm>> -> memref<80xi32, #tpu.memory_space<hbm>>
        tpu.wait_dma2 semaphore(%arg25 : memref<!tpu.dma_semaphore, #tpu.memory_space<semaphore_mem>>) src(%dma_wait3A_525 : memref<80xi32, #tpu.memory_space<hbm>>) dst(%arg18 : memref<80xi32, #tpu.memory_space<vmem>>)
        %dma_start3A_526 = arith.constant 0 : i32
        %dma_start3A_527 = arith.constant 0 : i32
        %dma_start3A_528 = tpu.memref_slice %arg2[%dma_start3A_526, %dma_start3A_527] : memref<10000x128xf32, #tpu.memory_space<hbm>> -> memref<10000x128xf32, #tpu.memory_space<hbm>>
        tpu.enqueue_indirect_dma source(%dma_start3A_528 : memref<10000x128xf32, #tpu.memory_space<hbm>>) target(%arg8 : memref<80x128xf32, #tpu.memory_space<vmem>>) offsets(%arg14 : memref<80xi32, #tpu.memory_space<vmem>>) semaphore(%arg19 : memref<!tpu.dma_semaphore, #tpu.memory_space<semaphore_mem>>)
      } else {
      }
      %dma_wait3A_247 = arith.constant 0 : i32
      %dma_wait3A_248 = arith.constant 0 : i32
      %dma_wait3A_249 = tpu.memref_slice %arg2[%dma_wait3A_247, %dma_wait3A_248] : memref<10000x128xf32, #tpu.memory_space<hbm>> -> memref<10000x128xf32, #tpu.memory_space<hbm>>
      tpu.wait_indirect_dma semaphore(%arg21 : memref<!tpu.dma_semaphore, #tpu.memory_space<semaphore_mem>>) src(%dma_wait3A_249 : memref<10000x128xf32, #tpu.memory_space<hbm>>) dst(%arg10 : memref<80x128xf32, #tpu.memory_space<vmem>>)
      %dma_start3A_250 = arith.constant 0 : i32
      %dma_start3A_251 = arith.constant 0 : i32
      %dma_start3A_252 = tpu.memref_slice %arg7[%dma_start3A_250, %dma_start3A_251] : memref<10000x128xf32, #tpu.memory_space<vmem_shared>> -> memref<10000x128xf32, #tpu.memory_space<vmem_shared>>
      tpu.enqueue_indirect_dma source(%arg10 : memref<80x128xf32, #tpu.memory_space<vmem>>) target(%dma_start3A_252 : memref<10000x128xf32, #tpu.memory_space<vmem_shared>>) offsets(%arg17 : memref<80xi32, #tpu.memory_space<vmem>>) semaphore(%arg26 : memref<!tpu.dma_semaphore, #tpu.memory_space<semaphore_mem>>) {add = true}
      %mul3A_253 = arith.constant 12 : i32
      %mul3A_254 = arith.muli %scan3A_167, %mul3A_253 : i32
      %add3A_255 = arith.constant 3 : i32
      %add3A_256 = arith.addi %mul3A_254, %add3A_255 : i32
      %ge3A_257 = arith.constant 2 : i32
      %ge3A_258 = arith.cmpi sge, %add3A_256, %ge3A_257 : i32
      %convert_element_type3A_259 = arith.extui %ge3A_258 : i1 to i32
      %cond3A_260 = arith.constant 0 : i32
      %cond3A_261 = arith.cmpi ne, %convert_element_type3A_259, %cond3A_260 : i32
      scf.if %cond3A_261 {
        %dma_wait3A_514 = arith.constant 0 : i32
        %dma_wait3A_515 = arith.constant 0 : i32
        %dma_wait3A_516 = tpu.memref_slice %arg7[%dma_wait3A_514, %dma_wait3A_515] : memref<10000x128xf32, #tpu.memory_space<vmem_shared>> -> memref<10000x128xf32, #tpu.memory_space<vmem_shared>>
        tpu.wait_indirect_dma semaphore(%arg27 : memref<!tpu.dma_semaphore, #tpu.memory_space<semaphore_mem>>) src(%arg9 : memref<80x128xf32, #tpu.memory_space<vmem>>) dst(%dma_wait3A_516 : memref<10000x128xf32, #tpu.memory_space<vmem_shared>>)
      } else {
      }
      %add3A_262 = arith.constant 2 : i32
      %add3A_263 = arith.addi %add3A_256, %add3A_262 : i32
      %lt3A_264 = arith.constant 125 : i32
      %lt3A_265 = arith.cmpi slt, %add3A_263, %lt3A_264 : i32
      %convert_element_type3A_266 = arith.extui %lt3A_265 : i1 to i32
      %cond3A_267 = arith.constant 0 : i32
      %cond3A_268 = arith.cmpi ne, %convert_element_type3A_266, %cond3A_267 : i32
      scf.if %cond3A_268 {
        %add3A_514 = arith.constant 2 : i32
        %add3A_515 = arith.addi %add3A_256, %add3A_514 : i32
        %mul3A_516 = arith.constant 80 : i32
        %mul3A_517 = arith.muli %add3A_515, %mul3A_516 : i32
        %add3A_518 = arith.addi %mul3A_5, %mul3A_517 : i32
        %dma_start3A_519 = tpu.memref_slice %arg3[%add3A_518] : memref<320000xi32, #tpu.memory_space<hbm>> -> memref<80xi32, #tpu.memory_space<hbm>>
        %dma_start3A_520 = tpu.memref_slice %arg3[%add3A_518] : memref<320000xi32, #tpu.memory_space<hbm>> -> memref<80xi32, #tpu.memory_space<hbm>>
        tpu.enqueue_dma source(%dma_start3A_520 : memref<80xi32, #tpu.memory_space<hbm>>) target(%arg12 : memref<80xi32, #tpu.memory_space<vmem>>) target_semaphore(%arg23 : memref<!tpu.dma_semaphore, #tpu.memory_space<semaphore_mem>>)
        %mul3A_521 = arith.constant 80 : i32
        %mul3A_522 = arith.muli %add3A_515, %mul3A_521 : i32
        %add3A_523 = arith.addi %mul3A_5, %mul3A_522 : i32
        %dma_start3A_524 = tpu.memref_slice %arg4[%add3A_523] : memref<320000xi32, #tpu.memory_space<hbm>> -> memref<80xi32, #tpu.memory_space<hbm>>
        %dma_start3A_525 = tpu.memref_slice %arg4[%add3A_523] : memref<320000xi32, #tpu.memory_space<hbm>> -> memref<80xi32, #tpu.memory_space<hbm>>
        tpu.enqueue_dma source(%dma_start3A_525 : memref<80xi32, #tpu.memory_space<hbm>>) target(%arg16 : memref<80xi32, #tpu.memory_space<vmem>>) target_semaphore(%arg23 : memref<!tpu.dma_semaphore, #tpu.memory_space<semaphore_mem>>)
      } else {
      }
      %add3A_269 = arith.constant 1 : i32
      %add3A_270 = arith.addi %add3A_256, %add3A_269 : i32
      %lt3A_271 = arith.constant 125 : i32
      %lt3A_272 = arith.cmpi slt, %add3A_270, %lt3A_271 : i32
      %convert_element_type3A_273 = arith.extui %lt3A_272 : i1 to i32
      %cond3A_274 = arith.constant 0 : i32
      %cond3A_275 = arith.cmpi ne, %convert_element_type3A_273, %cond3A_274 : i32
      scf.if %cond3A_275 {
        %add3A_514 = arith.constant 1 : i32
        %add3A_515 = arith.addi %add3A_256, %add3A_514 : i32
        %mul3A_516 = arith.constant 80 : i32
        %mul3A_517 = arith.muli %add3A_515, %mul3A_516 : i32
        %add3A_518 = arith.addi %mul3A_5, %mul3A_517 : i32
        %dma_wait3A_519 = tpu.memref_slice %arg3[%add3A_518] : memref<320000xi32, #tpu.memory_space<hbm>> -> memref<80xi32, #tpu.memory_space<hbm>>
        %dma_wait3A_520 = tpu.memref_slice %arg3[%add3A_518] : memref<320000xi32, #tpu.memory_space<hbm>> -> memref<80xi32, #tpu.memory_space<hbm>>
        tpu.wait_dma2 semaphore(%arg22 : memref<!tpu.dma_semaphore, #tpu.memory_space<semaphore_mem>>) src(%dma_wait3A_520 : memref<80xi32, #tpu.memory_space<hbm>>) dst(%arg11 : memref<80xi32, #tpu.memory_space<vmem>>)
        %mul3A_521 = arith.constant 80 : i32
        %mul3A_522 = arith.muli %add3A_515, %mul3A_521 : i32
        %add3A_523 = arith.addi %mul3A_5, %mul3A_522 : i32
        %dma_wait3A_524 = tpu.memref_slice %arg4[%add3A_523] : memref<320000xi32, #tpu.memory_space<hbm>> -> memref<80xi32, #tpu.memory_space<hbm>>
        %dma_wait3A_525 = tpu.memref_slice %arg4[%add3A_523] : memref<320000xi32, #tpu.memory_space<hbm>> -> memref<80xi32, #tpu.memory_space<hbm>>
        tpu.wait_dma2 semaphore(%arg22 : memref<!tpu.dma_semaphore, #tpu.memory_space<semaphore_mem>>) src(%dma_wait3A_525 : memref<80xi32, #tpu.memory_space<hbm>>) dst(%arg15 : memref<80xi32, #tpu.memory_space<vmem>>)
        %dma_start3A_526 = arith.constant 0 : i32
        %dma_start3A_527 = arith.constant 0 : i32
        %dma_start3A_528 = tpu.memref_slice %arg2[%dma_start3A_526, %dma_start3A_527] : memref<10000x128xf32, #tpu.memory_space<hbm>> -> memref<10000x128xf32, #tpu.memory_space<hbm>>
        tpu.enqueue_indirect_dma source(%dma_start3A_528 : memref<10000x128xf32, #tpu.memory_space<hbm>>) target(%arg9 : memref<80x128xf32, #tpu.memory_space<vmem>>) offsets(%arg11 : memref<80xi32, #tpu.memory_space<vmem>>) semaphore(%arg20 : memref<!tpu.dma_semaphore, #tpu.memory_space<semaphore_mem>>)
      } else {
      }
      %dma_wait3A_276 = arith.constant 0 : i32
      %dma_wait3A_277 = arith.constant 0 : i32
      %dma_wait3A_278 = tpu.memref_slice %arg2[%dma_wait3A_276, %dma_wait3A_277] : memref<10000x128xf32, #tpu.memory_space<hbm>> -> memref<10000x128xf32, #tpu.memory_space<hbm>>
      tpu.wait_indirect_dma semaphore(%arg19 : memref<!tpu.dma_semaphore, #tpu.memory_space<semaphore_mem>>) src(%dma_wait3A_278 : memref<10000x128xf32, #tpu.memory_space<hbm>>) dst(%arg8 : memref<80x128xf32, #tpu.memory_space<vmem>>)
      %dma_start3A_279 = arith.constant 0 : i32
      %dma_start3A_280 = arith.constant 0 : i32
      %dma_start3A_281 = tpu.memref_slice %arg7[%dma_start3A_279, %dma_start3A_280] : memref<10000x128xf32, #tpu.memory_space<vmem_shared>> -> memref<10000x128xf32, #tpu.memory_space<vmem_shared>>
      tpu.enqueue_indirect_dma source(%arg8 : memref<80x128xf32, #tpu.memory_space<vmem>>) target(%dma_start3A_281 : memref<10000x128xf32, #tpu.memory_space<vmem_shared>>) offsets(%arg18 : memref<80xi32, #tpu.memory_space<vmem>>) semaphore(%arg27 : memref<!tpu.dma_semaphore, #tpu.memory_space<semaphore_mem>>) {add = true}
      %mul3A_282 = arith.constant 12 : i32
      %mul3A_283 = arith.muli %scan3A_167, %mul3A_282 : i32
      %add3A_284 = arith.constant 4 : i32
      %add3A_285 = arith.addi %mul3A_283, %add3A_284 : i32
      %ge3A_286 = arith.constant 2 : i32
      %ge3A_287 = arith.cmpi sge, %add3A_285, %ge3A_286 : i32
      %convert_element_type3A_288 = arith.extui %ge3A_287 : i1 to i32
      %cond3A_289 = arith.constant 0 : i32
      %cond3A_290 = arith.cmpi ne, %convert_element_type3A_288, %cond3A_289 : i32
      scf.if %cond3A_290 {
        %dma_wait3A_514 = arith.constant 0 : i32
        %dma_wait3A_515 = arith.constant 0 : i32
        %dma_wait3A_516 = tpu.memref_slice %arg7[%dma_wait3A_514, %dma_wait3A_515] : memref<10000x128xf32, #tpu.memory_space<vmem_shared>> -> memref<10000x128xf32, #tpu.memory_space<vmem_shared>>
        tpu.wait_indirect_dma semaphore(%arg26 : memref<!tpu.dma_semaphore, #tpu.memory_space<semaphore_mem>>) src(%arg10 : memref<80x128xf32, #tpu.memory_space<vmem>>) dst(%dma_wait3A_516 : memref<10000x128xf32, #tpu.memory_space<vmem_shared>>)
      } else {
      }
      %add3A_291 = arith.constant 2 : i32
      %add3A_292 = arith.addi %add3A_285, %add3A_291 : i32
      %lt3A_293 = arith.constant 125 : i32
      %lt3A_294 = arith.cmpi slt, %add3A_292, %lt3A_293 : i32
      %convert_element_type3A_295 = arith.extui %lt3A_294 : i1 to i32
      %cond3A_296 = arith.constant 0 : i32
      %cond3A_297 = arith.cmpi ne, %convert_element_type3A_295, %cond3A_296 : i32
      scf.if %cond3A_297 {
        %add3A_514 = arith.constant 2 : i32
        %add3A_515 = arith.addi %add3A_285, %add3A_514 : i32
        %mul3A_516 = arith.constant 80 : i32
        %mul3A_517 = arith.muli %add3A_515, %mul3A_516 : i32
        %add3A_518 = arith.addi %mul3A_5, %mul3A_517 : i32
        %dma_start3A_519 = tpu.memref_slice %arg3[%add3A_518] : memref<320000xi32, #tpu.memory_space<hbm>> -> memref<80xi32, #tpu.memory_space<hbm>>
        %dma_start3A_520 = tpu.memref_slice %arg3[%add3A_518] : memref<320000xi32, #tpu.memory_space<hbm>> -> memref<80xi32, #tpu.memory_space<hbm>>
        tpu.enqueue_dma source(%dma_start3A_520 : memref<80xi32, #tpu.memory_space<hbm>>) target(%arg13 : memref<80xi32, #tpu.memory_space<vmem>>) target_semaphore(%arg24 : memref<!tpu.dma_semaphore, #tpu.memory_space<semaphore_mem>>)
        %mul3A_521 = arith.constant 80 : i32
        %mul3A_522 = arith.muli %add3A_515, %mul3A_521 : i32
        %add3A_523 = arith.addi %mul3A_5, %mul3A_522 : i32
        %dma_start3A_524 = tpu.memref_slice %arg4[%add3A_523] : memref<320000xi32, #tpu.memory_space<hbm>> -> memref<80xi32, #tpu.memory_space<hbm>>
        %dma_start3A_525 = tpu.memref_slice %arg4[%add3A_523] : memref<320000xi32, #tpu.memory_space<hbm>> -> memref<80xi32, #tpu.memory_space<hbm>>
        tpu.enqueue_dma source(%dma_start3A_525 : memref<80xi32, #tpu.memory_space<hbm>>) target(%arg17 : memref<80xi32, #tpu.memory_space<vmem>>) target_semaphore(%arg24 : memref<!tpu.dma_semaphore, #tpu.memory_space<semaphore_mem>>)
      } else {
      }
      %add3A_298 = arith.constant 1 : i32
      %add3A_299 = arith.addi %add3A_285, %add3A_298 : i32
      %lt3A_300 = arith.constant 125 : i32
      %lt3A_301 = arith.cmpi slt, %add3A_299, %lt3A_300 : i32
      %convert_element_type3A_302 = arith.extui %lt3A_301 : i1 to i32
      %cond3A_303 = arith.constant 0 : i32
      %cond3A_304 = arith.cmpi ne, %convert_element_type3A_302, %cond3A_303 : i32
      scf.if %cond3A_304 {
        %add3A_514 = arith.constant 1 : i32
        %add3A_515 = arith.addi %add3A_285, %add3A_514 : i32
        %mul3A_516 = arith.constant 80 : i32
        %mul3A_517 = arith.muli %add3A_515, %mul3A_516 : i32
        %add3A_518 = arith.addi %mul3A_5, %mul3A_517 : i32
        %dma_wait3A_519 = tpu.memref_slice %arg3[%add3A_518] : memref<320000xi32, #tpu.memory_space<hbm>> -> memref<80xi32, #tpu.memory_space<hbm>>
        %dma_wait3A_520 = tpu.memref_slice %arg3[%add3A_518] : memref<320000xi32, #tpu.memory_space<hbm>> -> memref<80xi32, #tpu.memory_space<hbm>>
        tpu.wait_dma2 semaphore(%arg23 : memref<!tpu.dma_semaphore, #tpu.memory_space<semaphore_mem>>) src(%dma_wait3A_520 : memref<80xi32, #tpu.memory_space<hbm>>) dst(%arg12 : memref<80xi32, #tpu.memory_space<vmem>>)
        %mul3A_521 = arith.constant 80 : i32
        %mul3A_522 = arith.muli %add3A_515, %mul3A_521 : i32
        %add3A_523 = arith.addi %mul3A_5, %mul3A_522 : i32
        %dma_wait3A_524 = tpu.memref_slice %arg4[%add3A_523] : memref<320000xi32, #tpu.memory_space<hbm>> -> memref<80xi32, #tpu.memory_space<hbm>>
        %dma_wait3A_525 = tpu.memref_slice %arg4[%add3A_523] : memref<320000xi32, #tpu.memory_space<hbm>> -> memref<80xi32, #tpu.memory_space<hbm>>
        tpu.wait_dma2 semaphore(%arg23 : memref<!tpu.dma_semaphore, #tpu.memory_space<semaphore_mem>>) src(%dma_wait3A_525 : memref<80xi32, #tpu.memory_space<hbm>>) dst(%arg16 : memref<80xi32, #tpu.memory_space<vmem>>)
        %dma_start3A_526 = arith.constant 0 : i32
        %dma_start3A_527 = arith.constant 0 : i32
        %dma_start3A_528 = tpu.memref_slice %arg2[%dma_start3A_526, %dma_start3A_527] : memref<10000x128xf32, #tpu.memory_space<hbm>> -> memref<10000x128xf32, #tpu.memory_space<hbm>>
        tpu.enqueue_indirect_dma source(%dma_start3A_528 : memref<10000x128xf32, #tpu.memory_space<hbm>>) target(%arg10 : memref<80x128xf32, #tpu.memory_space<vmem>>) offsets(%arg12 : memref<80xi32, #tpu.memory_space<vmem>>) semaphore(%arg21 : memref<!tpu.dma_semaphore, #tpu.memory_space<semaphore_mem>>)
      } else {
      }
      %dma_wait3A_305 = arith.constant 0 : i32
      %dma_wait3A_306 = arith.constant 0 : i32
      %dma_wait3A_307 = tpu.memref_slice %arg2[%dma_wait3A_305, %dma_wait3A_306] : memref<10000x128xf32, #tpu.memory_space<hbm>> -> memref<10000x128xf32, #tpu.memory_space<hbm>>
      tpu.wait_indirect_dma semaphore(%arg20 : memref<!tpu.dma_semaphore, #tpu.memory_space<semaphore_mem>>) src(%dma_wait3A_307 : memref<10000x128xf32, #tpu.memory_space<hbm>>) dst(%arg9 : memref<80x128xf32, #tpu.memory_space<vmem>>)
      %dma_start3A_308 = arith.constant 0 : i32
      %dma_start3A_309 = arith.constant 0 : i32
      %dma_start3A_310 = tpu.memref_slice %arg7[%dma_start3A_308, %dma_start3A_309] : memref<10000x128xf32, #tpu.memory_space<vmem_shared>> -> memref<10000x128xf32, #tpu.memory_space<vmem_shared>>
      tpu.enqueue_indirect_dma source(%arg9 : memref<80x128xf32, #tpu.memory_space<vmem>>) target(%dma_start3A_310 : memref<10000x128xf32, #tpu.memory_space<vmem_shared>>) offsets(%arg15 : memref<80xi32, #tpu.memory_space<vmem>>) semaphore(%arg26 : memref<!tpu.dma_semaphore, #tpu.memory_space<semaphore_mem>>) {add = true}
      %mul3A_311 = arith.constant 12 : i32
      %mul3A_312 = arith.muli %scan3A_167, %mul3A_311 : i32
      %add3A_313 = arith.constant 5 : i32
      %add3A_314 = arith.addi %mul3A_312, %add3A_313 : i32
      %ge3A_315 = arith.constant 2 : i32
      %ge3A_316 = arith.cmpi sge, %add3A_314, %ge3A_315 : i32
      %convert_element_type3A_317 = arith.extui %ge3A_316 : i1 to i32
      %cond3A_318 = arith.constant 0 : i32
      %cond3A_319 = arith.cmpi ne, %convert_element_type3A_317, %cond3A_318 : i32
      scf.if %cond3A_319 {
        %dma_wait3A_514 = arith.constant 0 : i32
        %dma_wait3A_515 = arith.constant 0 : i32
        %dma_wait3A_516 = tpu.memref_slice %arg7[%dma_wait3A_514, %dma_wait3A_515] : memref<10000x128xf32, #tpu.memory_space<vmem_shared>> -> memref<10000x128xf32, #tpu.memory_space<vmem_shared>>
        tpu.wait_indirect_dma semaphore(%arg27 : memref<!tpu.dma_semaphore, #tpu.memory_space<semaphore_mem>>) src(%arg8 : memref<80x128xf32, #tpu.memory_space<vmem>>) dst(%dma_wait3A_516 : memref<10000x128xf32, #tpu.memory_space<vmem_shared>>)
      } else {
      }
      %add3A_320 = arith.constant 2 : i32
      %add3A_321 = arith.addi %add3A_314, %add3A_320 : i32
      %lt3A_322 = arith.constant 125 : i32
      %lt3A_323 = arith.cmpi slt, %add3A_321, %lt3A_322 : i32
      %convert_element_type3A_324 = arith.extui %lt3A_323 : i1 to i32
      %cond3A_325 = arith.constant 0 : i32
      %cond3A_326 = arith.cmpi ne, %convert_element_type3A_324, %cond3A_325 : i32
      scf.if %cond3A_326 {
        %add3A_514 = arith.constant 2 : i32
        %add3A_515 = arith.addi %add3A_314, %add3A_514 : i32
        %mul3A_516 = arith.constant 80 : i32
        %mul3A_517 = arith.muli %add3A_515, %mul3A_516 : i32
        %add3A_518 = arith.addi %mul3A_5, %mul3A_517 : i32
        %dma_start3A_519 = tpu.memref_slice %arg3[%add3A_518] : memref<320000xi32, #tpu.memory_space<hbm>> -> memref<80xi32, #tpu.memory_space<hbm>>
        %dma_start3A_520 = tpu.memref_slice %arg3[%add3A_518] : memref<320000xi32, #tpu.memory_space<hbm>> -> memref<80xi32, #tpu.memory_space<hbm>>
        tpu.enqueue_dma source(%dma_start3A_520 : memref<80xi32, #tpu.memory_space<hbm>>) target(%arg14 : memref<80xi32, #tpu.memory_space<vmem>>) target_semaphore(%arg25 : memref<!tpu.dma_semaphore, #tpu.memory_space<semaphore_mem>>)
        %mul3A_521 = arith.constant 80 : i32
        %mul3A_522 = arith.muli %add3A_515, %mul3A_521 : i32
        %add3A_523 = arith.addi %mul3A_5, %mul3A_522 : i32
        %dma_start3A_524 = tpu.memref_slice %arg4[%add3A_523] : memref<320000xi32, #tpu.memory_space<hbm>> -> memref<80xi32, #tpu.memory_space<hbm>>
        %dma_start3A_525 = tpu.memref_slice %arg4[%add3A_523] : memref<320000xi32, #tpu.memory_space<hbm>> -> memref<80xi32, #tpu.memory_space<hbm>>
        tpu.enqueue_dma source(%dma_start3A_525 : memref<80xi32, #tpu.memory_space<hbm>>) target(%arg18 : memref<80xi32, #tpu.memory_space<vmem>>) target_semaphore(%arg25 : memref<!tpu.dma_semaphore, #tpu.memory_space<semaphore_mem>>)
      } else {
      }
      %add3A_327 = arith.constant 1 : i32
      %add3A_328 = arith.addi %add3A_314, %add3A_327 : i32
      %lt3A_329 = arith.constant 125 : i32
      %lt3A_330 = arith.cmpi slt, %add3A_328, %lt3A_329 : i32
      %convert_element_type3A_331 = arith.extui %lt3A_330 : i1 to i32
      %cond3A_332 = arith.constant 0 : i32
      %cond3A_333 = arith.cmpi ne, %convert_element_type3A_331, %cond3A_332 : i32
      scf.if %cond3A_333 {
        %add3A_514 = arith.constant 1 : i32
        %add3A_515 = arith.addi %add3A_314, %add3A_514 : i32
        %mul3A_516 = arith.constant 80 : i32
        %mul3A_517 = arith.muli %add3A_515, %mul3A_516 : i32
        %add3A_518 = arith.addi %mul3A_5, %mul3A_517 : i32
        %dma_wait3A_519 = tpu.memref_slice %arg3[%add3A_518] : memref<320000xi32, #tpu.memory_space<hbm>> -> memref<80xi32, #tpu.memory_space<hbm>>
        %dma_wait3A_520 = tpu.memref_slice %arg3[%add3A_518] : memref<320000xi32, #tpu.memory_space<hbm>> -> memref<80xi32, #tpu.memory_space<hbm>>
        tpu.wait_dma2 semaphore(%arg24 : memref<!tpu.dma_semaphore, #tpu.memory_space<semaphore_mem>>) src(%dma_wait3A_520 : memref<80xi32, #tpu.memory_space<hbm>>) dst(%arg13 : memref<80xi32, #tpu.memory_space<vmem>>)
        %mul3A_521 = arith.constant 80 : i32
        %mul3A_522 = arith.muli %add3A_515, %mul3A_521 : i32
        %add3A_523 = arith.addi %mul3A_5, %mul3A_522 : i32
        %dma_wait3A_524 = tpu.memref_slice %arg4[%add3A_523] : memref<320000xi32, #tpu.memory_space<hbm>> -> memref<80xi32, #tpu.memory_space<hbm>>
        %dma_wait3A_525 = tpu.memref_slice %arg4[%add3A_523] : memref<320000xi32, #tpu.memory_space<hbm>> -> memref<80xi32, #tpu.memory_space<hbm>>
        tpu.wait_dma2 semaphore(%arg24 : memref<!tpu.dma_semaphore, #tpu.memory_space<semaphore_mem>>) src(%dma_wait3A_525 : memref<80xi32, #tpu.memory_space<hbm>>) dst(%arg17 : memref<80xi32, #tpu.memory_space<vmem>>)
        %dma_start3A_526 = arith.constant 0 : i32
        %dma_start3A_527 = arith.constant 0 : i32
        %dma_start3A_528 = tpu.memref_slice %arg2[%dma_start3A_526, %dma_start3A_527] : memref<10000x128xf32, #tpu.memory_space<hbm>> -> memref<10000x128xf32, #tpu.memory_space<hbm>>
        tpu.enqueue_indirect_dma source(%dma_start3A_528 : memref<10000x128xf32, #tpu.memory_space<hbm>>) target(%arg8 : memref<80x128xf32, #tpu.memory_space<vmem>>) offsets(%arg13 : memref<80xi32, #tpu.memory_space<vmem>>) semaphore(%arg19 : memref<!tpu.dma_semaphore, #tpu.memory_space<semaphore_mem>>)
      } else {
      }
      %dma_wait3A_334 = arith.constant 0 : i32
      %dma_wait3A_335 = arith.constant 0 : i32
      %dma_wait3A_336 = tpu.memref_slice %arg2[%dma_wait3A_334, %dma_wait3A_335] : memref<10000x128xf32, #tpu.memory_space<hbm>> -> memref<10000x128xf32, #tpu.memory_space<hbm>>
      tpu.wait_indirect_dma semaphore(%arg21 : memref<!tpu.dma_semaphore, #tpu.memory_space<semaphore_mem>>) src(%dma_wait3A_336 : memref<10000x128xf32, #tpu.memory_space<hbm>>) dst(%arg10 : memref<80x128xf32, #tpu.memory_space<vmem>>)
      %dma_start3A_337 = arith.constant 0 : i32
      %dma_start3A_338 = arith.constant 0 : i32
      %dma_start3A_339 = tpu.memref_slice %arg7[%dma_start3A_337, %dma_start3A_338] : memref<10000x128xf32, #tpu.memory_space<vmem_shared>> -> memref<10000x128xf32, #tpu.memory_space<vmem_shared>>
      tpu.enqueue_indirect_dma source(%arg10 : memref<80x128xf32, #tpu.memory_space<vmem>>) target(%dma_start3A_339 : memref<10000x128xf32, #tpu.memory_space<vmem_shared>>) offsets(%arg16 : memref<80xi32, #tpu.memory_space<vmem>>) semaphore(%arg27 : memref<!tpu.dma_semaphore, #tpu.memory_space<semaphore_mem>>) {add = true}
      %mul3A_340 = arith.constant 12 : i32
      %mul3A_341 = arith.muli %scan3A_167, %mul3A_340 : i32
      %add3A_342 = arith.constant 6 : i32
      %add3A_343 = arith.addi %mul3A_341, %add3A_342 : i32
      %ge3A_344 = arith.constant 2 : i32
      %ge3A_345 = arith.cmpi sge, %add3A_343, %ge3A_344 : i32
      %convert_element_type3A_346 = arith.extui %ge3A_345 : i1 to i32
      %cond3A_347 = arith.constant 0 : i32
      %cond3A_348 = arith.cmpi ne, %convert_element_type3A_346, %cond3A_347 : i32
      scf.if %cond3A_348 {
        %dma_wait3A_514 = arith.constant 0 : i32
        %dma_wait3A_515 = arith.constant 0 : i32
        %dma_wait3A_516 = tpu.memref_slice %arg7[%dma_wait3A_514, %dma_wait3A_515] : memref<10000x128xf32, #tpu.memory_space<vmem_shared>> -> memref<10000x128xf32, #tpu.memory_space<vmem_shared>>
        tpu.wait_indirect_dma semaphore(%arg26 : memref<!tpu.dma_semaphore, #tpu.memory_space<semaphore_mem>>) src(%arg9 : memref<80x128xf32, #tpu.memory_space<vmem>>) dst(%dma_wait3A_516 : memref<10000x128xf32, #tpu.memory_space<vmem_shared>>)
      } else {
      }
      %add3A_349 = arith.constant 2 : i32
      %add3A_350 = arith.addi %add3A_343, %add3A_349 : i32
      %lt3A_351 = arith.constant 125 : i32
      %lt3A_352 = arith.cmpi slt, %add3A_350, %lt3A_351 : i32
      %convert_element_type3A_353 = arith.extui %lt3A_352 : i1 to i32
      %cond3A_354 = arith.constant 0 : i32
      %cond3A_355 = arith.cmpi ne, %convert_element_type3A_353, %cond3A_354 : i32
      scf.if %cond3A_355 {
        %add3A_514 = arith.constant 2 : i32
        %add3A_515 = arith.addi %add3A_343, %add3A_514 : i32
        %mul3A_516 = arith.constant 80 : i32
        %mul3A_517 = arith.muli %add3A_515, %mul3A_516 : i32
        %add3A_518 = arith.addi %mul3A_5, %mul3A_517 : i32
        %dma_start3A_519 = tpu.memref_slice %arg3[%add3A_518] : memref<320000xi32, #tpu.memory_space<hbm>> -> memref<80xi32, #tpu.memory_space<hbm>>
        %dma_start3A_520 = tpu.memref_slice %arg3[%add3A_518] : memref<320000xi32, #tpu.memory_space<hbm>> -> memref<80xi32, #tpu.memory_space<hbm>>
        tpu.enqueue_dma source(%dma_start3A_520 : memref<80xi32, #tpu.memory_space<hbm>>) target(%arg11 : memref<80xi32, #tpu.memory_space<vmem>>) target_semaphore(%arg22 : memref<!tpu.dma_semaphore, #tpu.memory_space<semaphore_mem>>)
        %mul3A_521 = arith.constant 80 : i32
        %mul3A_522 = arith.muli %add3A_515, %mul3A_521 : i32
        %add3A_523 = arith.addi %mul3A_5, %mul3A_522 : i32
        %dma_start3A_524 = tpu.memref_slice %arg4[%add3A_523] : memref<320000xi32, #tpu.memory_space<hbm>> -> memref<80xi32, #tpu.memory_space<hbm>>
        %dma_start3A_525 = tpu.memref_slice %arg4[%add3A_523] : memref<320000xi32, #tpu.memory_space<hbm>> -> memref<80xi32, #tpu.memory_space<hbm>>
        tpu.enqueue_dma source(%dma_start3A_525 : memref<80xi32, #tpu.memory_space<hbm>>) target(%arg15 : memref<80xi32, #tpu.memory_space<vmem>>) target_semaphore(%arg22 : memref<!tpu.dma_semaphore, #tpu.memory_space<semaphore_mem>>)
      } else {
      }
      %add3A_356 = arith.constant 1 : i32
      %add3A_357 = arith.addi %add3A_343, %add3A_356 : i32
      %lt3A_358 = arith.constant 125 : i32
      %lt3A_359 = arith.cmpi slt, %add3A_357, %lt3A_358 : i32
      %convert_element_type3A_360 = arith.extui %lt3A_359 : i1 to i32
      %cond3A_361 = arith.constant 0 : i32
      %cond3A_362 = arith.cmpi ne, %convert_element_type3A_360, %cond3A_361 : i32
      scf.if %cond3A_362 {
        %add3A_514 = arith.constant 1 : i32
        %add3A_515 = arith.addi %add3A_343, %add3A_514 : i32
        %mul3A_516 = arith.constant 80 : i32
        %mul3A_517 = arith.muli %add3A_515, %mul3A_516 : i32
        %add3A_518 = arith.addi %mul3A_5, %mul3A_517 : i32
        %dma_wait3A_519 = tpu.memref_slice %arg3[%add3A_518] : memref<320000xi32, #tpu.memory_space<hbm>> -> memref<80xi32, #tpu.memory_space<hbm>>
        %dma_wait3A_520 = tpu.memref_slice %arg3[%add3A_518] : memref<320000xi32, #tpu.memory_space<hbm>> -> memref<80xi32, #tpu.memory_space<hbm>>
        tpu.wait_dma2 semaphore(%arg25 : memref<!tpu.dma_semaphore, #tpu.memory_space<semaphore_mem>>) src(%dma_wait3A_520 : memref<80xi32, #tpu.memory_space<hbm>>) dst(%arg14 : memref<80xi32, #tpu.memory_space<vmem>>)
        %mul3A_521 = arith.constant 80 : i32
        %mul3A_522 = arith.muli %add3A_515, %mul3A_521 : i32
        %add3A_523 = arith.addi %mul3A_5, %mul3A_522 : i32
        %dma_wait3A_524 = tpu.memref_slice %arg4[%add3A_523] : memref<320000xi32, #tpu.memory_space<hbm>> -> memref<80xi32, #tpu.memory_space<hbm>>
        %dma_wait3A_525 = tpu.memref_slice %arg4[%add3A_523] : memref<320000xi32, #tpu.memory_space<hbm>> -> memref<80xi32, #tpu.memory_space<hbm>>
        tpu.wait_dma2 semaphore(%arg25 : memref<!tpu.dma_semaphore, #tpu.memory_space<semaphore_mem>>) src(%dma_wait3A_525 : memref<80xi32, #tpu.memory_space<hbm>>) dst(%arg18 : memref<80xi32, #tpu.memory_space<vmem>>)
        %dma_start3A_526 = arith.constant 0 : i32
        %dma_start3A_527 = arith.constant 0 : i32
        %dma_start3A_528 = tpu.memref_slice %arg2[%dma_start3A_526, %dma_start3A_527] : memref<10000x128xf32, #tpu.memory_space<hbm>> -> memref<10000x128xf32, #tpu.memory_space<hbm>>
        tpu.enqueue_indirect_dma source(%dma_start3A_528 : memref<10000x128xf32, #tpu.memory_space<hbm>>) target(%arg9 : memref<80x128xf32, #tpu.memory_space<vmem>>) offsets(%arg14 : memref<80xi32, #tpu.memory_space<vmem>>) semaphore(%arg20 : memref<!tpu.dma_semaphore, #tpu.memory_space<semaphore_mem>>)
      } else {
      }
      %dma_wait3A_363 = arith.constant 0 : i32
      %dma_wait3A_364 = arith.constant 0 : i32
      %dma_wait3A_365 = tpu.memref_slice %arg2[%dma_wait3A_363, %dma_wait3A_364] : memref<10000x128xf32, #tpu.memory_space<hbm>> -> memref<10000x128xf32, #tpu.memory_space<hbm>>
      tpu.wait_indirect_dma semaphore(%arg19 : memref<!tpu.dma_semaphore, #tpu.memory_space<semaphore_mem>>) src(%dma_wait3A_365 : memref<10000x128xf32, #tpu.memory_space<hbm>>) dst(%arg8 : memref<80x128xf32, #tpu.memory_space<vmem>>)
      %dma_start3A_366 = arith.constant 0 : i32
      %dma_start3A_367 = arith.constant 0 : i32
      %dma_start3A_368 = tpu.memref_slice %arg7[%dma_start3A_366, %dma_start3A_367] : memref<10000x128xf32, #tpu.memory_space<vmem_shared>> -> memref<10000x128xf32, #tpu.memory_space<vmem_shared>>
      tpu.enqueue_indirect_dma source(%arg8 : memref<80x128xf32, #tpu.memory_space<vmem>>) target(%dma_start3A_368 : memref<10000x128xf32, #tpu.memory_space<vmem_shared>>) offsets(%arg17 : memref<80xi32, #tpu.memory_space<vmem>>) semaphore(%arg26 : memref<!tpu.dma_semaphore, #tpu.memory_space<semaphore_mem>>) {add = true}
      %mul3A_369 = arith.constant 12 : i32
      %mul3A_370 = arith.muli %scan3A_167, %mul3A_369 : i32
      %add3A_371 = arith.constant 7 : i32
      %add3A_372 = arith.addi %mul3A_370, %add3A_371 : i32
      %ge3A_373 = arith.constant 2 : i32
      %ge3A_374 = arith.cmpi sge, %add3A_372, %ge3A_373 : i32
      %convert_element_type3A_375 = arith.extui %ge3A_374 : i1 to i32
      %cond3A_376 = arith.constant 0 : i32
      %cond3A_377 = arith.cmpi ne, %convert_element_type3A_375, %cond3A_376 : i32
      scf.if %cond3A_377 {
        %dma_wait3A_514 = arith.constant 0 : i32
        %dma_wait3A_515 = arith.constant 0 : i32
        %dma_wait3A_516 = tpu.memref_slice %arg7[%dma_wait3A_514, %dma_wait3A_515] : memref<10000x128xf32, #tpu.memory_space<vmem_shared>> -> memref<10000x128xf32, #tpu.memory_space<vmem_shared>>
        tpu.wait_indirect_dma semaphore(%arg27 : memref<!tpu.dma_semaphore, #tpu.memory_space<semaphore_mem>>) src(%arg10 : memref<80x128xf32, #tpu.memory_space<vmem>>) dst(%dma_wait3A_516 : memref<10000x128xf32, #tpu.memory_space<vmem_shared>>)
      } else {
      }
      %add3A_378 = arith.constant 2 : i32
      %add3A_379 = arith.addi %add3A_372, %add3A_378 : i32
      %lt3A_380 = arith.constant 125 : i32
      %lt3A_381 = arith.cmpi slt, %add3A_379, %lt3A_380 : i32
      %convert_element_type3A_382 = arith.extui %lt3A_381 : i1 to i32
      %cond3A_383 = arith.constant 0 : i32
      %cond3A_384 = arith.cmpi ne, %convert_element_type3A_382, %cond3A_383 : i32
      scf.if %cond3A_384 {
        %add3A_514 = arith.constant 2 : i32
        %add3A_515 = arith.addi %add3A_372, %add3A_514 : i32
        %mul3A_516 = arith.constant 80 : i32
        %mul3A_517 = arith.muli %add3A_515, %mul3A_516 : i32
        %add3A_518 = arith.addi %mul3A_5, %mul3A_517 : i32
        %dma_start3A_519 = tpu.memref_slice %arg3[%add3A_518] : memref<320000xi32, #tpu.memory_space<hbm>> -> memref<80xi32, #tpu.memory_space<hbm>>
        %dma_start3A_520 = tpu.memref_slice %arg3[%add3A_518] : memref<320000xi32, #tpu.memory_space<hbm>> -> memref<80xi32, #tpu.memory_space<hbm>>
        tpu.enqueue_dma source(%dma_start3A_520 : memref<80xi32, #tpu.memory_space<hbm>>) target(%arg12 : memref<80xi32, #tpu.memory_space<vmem>>) target_semaphore(%arg23 : memref<!tpu.dma_semaphore, #tpu.memory_space<semaphore_mem>>)
        %mul3A_521 = arith.constant 80 : i32
        %mul3A_522 = arith.muli %add3A_515, %mul3A_521 : i32
        %add3A_523 = arith.addi %mul3A_5, %mul3A_522 : i32
        %dma_start3A_524 = tpu.memref_slice %arg4[%add3A_523] : memref<320000xi32, #tpu.memory_space<hbm>> -> memref<80xi32, #tpu.memory_space<hbm>>
        %dma_start3A_525 = tpu.memref_slice %arg4[%add3A_523] : memref<320000xi32, #tpu.memory_space<hbm>> -> memref<80xi32, #tpu.memory_space<hbm>>
        tpu.enqueue_dma source(%dma_start3A_525 : memref<80xi32, #tpu.memory_space<hbm>>) target(%arg16 : memref<80xi32, #tpu.memory_space<vmem>>) target_semaphore(%arg23 : memref<!tpu.dma_semaphore, #tpu.memory_space<semaphore_mem>>)
      } else {
      }
      %add3A_385 = arith.constant 1 : i32
      %add3A_386 = arith.addi %add3A_372, %add3A_385 : i32
      %lt3A_387 = arith.constant 125 : i32
      %lt3A_388 = arith.cmpi slt, %add3A_386, %lt3A_387 : i32
      %convert_element_type3A_389 = arith.extui %lt3A_388 : i1 to i32
      %cond3A_390 = arith.constant 0 : i32
      %cond3A_391 = arith.cmpi ne, %convert_element_type3A_389, %cond3A_390 : i32
      scf.if %cond3A_391 {
        %add3A_514 = arith.constant 1 : i32
        %add3A_515 = arith.addi %add3A_372, %add3A_514 : i32
        %mul3A_516 = arith.constant 80 : i32
        %mul3A_517 = arith.muli %add3A_515, %mul3A_516 : i32
        %add3A_518 = arith.addi %mul3A_5, %mul3A_517 : i32
        %dma_wait3A_519 = tpu.memref_slice %arg3[%add3A_518] : memref<320000xi32, #tpu.memory_space<hbm>> -> memref<80xi32, #tpu.memory_space<hbm>>
        %dma_wait3A_520 = tpu.memref_slice %arg3[%add3A_518] : memref<320000xi32, #tpu.memory_space<hbm>> -> memref<80xi32, #tpu.memory_space<hbm>>
        tpu.wait_dma2 semaphore(%arg22 : memref<!tpu.dma_semaphore, #tpu.memory_space<semaphore_mem>>) src(%dma_wait3A_520 : memref<80xi32, #tpu.memory_space<hbm>>) dst(%arg11 : memref<80xi32, #tpu.memory_space<vmem>>)
        %mul3A_521 = arith.constant 80 : i32
        %mul3A_522 = arith.muli %add3A_515, %mul3A_521 : i32
        %add3A_523 = arith.addi %mul3A_5, %mul3A_522 : i32
        %dma_wait3A_524 = tpu.memref_slice %arg4[%add3A_523] : memref<320000xi32, #tpu.memory_space<hbm>> -> memref<80xi32, #tpu.memory_space<hbm>>
        %dma_wait3A_525 = tpu.memref_slice %arg4[%add3A_523] : memref<320000xi32, #tpu.memory_space<hbm>> -> memref<80xi32, #tpu.memory_space<hbm>>
        tpu.wait_dma2 semaphore(%arg22 : memref<!tpu.dma_semaphore, #tpu.memory_space<semaphore_mem>>) src(%dma_wait3A_525 : memref<80xi32, #tpu.memory_space<hbm>>) dst(%arg15 : memref<80xi32, #tpu.memory_space<vmem>>)
        %dma_start3A_526 = arith.constant 0 : i32
        %dma_start3A_527 = arith.constant 0 : i32
        %dma_start3A_528 = tpu.memref_slice %arg2[%dma_start3A_526, %dma_start3A_527] : memref<10000x128xf32, #tpu.memory_space<hbm>> -> memref<10000x128xf32, #tpu.memory_space<hbm>>
        tpu.enqueue_indirect_dma source(%dma_start3A_528 : memref<10000x128xf32, #tpu.memory_space<hbm>>) target(%arg10 : memref<80x128xf32, #tpu.memory_space<vmem>>) offsets(%arg11 : memref<80xi32, #tpu.memory_space<vmem>>) semaphore(%arg21 : memref<!tpu.dma_semaphore, #tpu.memory_space<semaphore_mem>>)
      } else {
      }
      %dma_wait3A_392 = arith.constant 0 : i32
      %dma_wait3A_393 = arith.constant 0 : i32
      %dma_wait3A_394 = tpu.memref_slice %arg2[%dma_wait3A_392, %dma_wait3A_393] : memref<10000x128xf32, #tpu.memory_space<hbm>> -> memref<10000x128xf32, #tpu.memory_space<hbm>>
      tpu.wait_indirect_dma semaphore(%arg20 : memref<!tpu.dma_semaphore, #tpu.memory_space<semaphore_mem>>) src(%dma_wait3A_394 : memref<10000x128xf32, #tpu.memory_space<hbm>>) dst(%arg9 : memref<80x128xf32, #tpu.memory_space<vmem>>)
      %dma_start3A_395 = arith.constant 0 : i32
      %dma_start3A_396 = arith.constant 0 : i32
      %dma_start3A_397 = tpu.memref_slice %arg7[%dma_start3A_395, %dma_start3A_396] : memref<10000x128xf32, #tpu.memory_space<vmem_shared>> -> memref<10000x128xf32, #tpu.memory_space<vmem_shared>>
      tpu.enqueue_indirect_dma source(%arg9 : memref<80x128xf32, #tpu.memory_space<vmem>>) target(%dma_start3A_397 : memref<10000x128xf32, #tpu.memory_space<vmem_shared>>) offsets(%arg18 : memref<80xi32, #tpu.memory_space<vmem>>) semaphore(%arg27 : memref<!tpu.dma_semaphore, #tpu.memory_space<semaphore_mem>>) {add = true}
      %mul3A_398 = arith.constant 12 : i32
      %mul3A_399 = arith.muli %scan3A_167, %mul3A_398 : i32
      %add3A_400 = arith.constant 8 : i32
      %add3A_401 = arith.addi %mul3A_399, %add3A_400 : i32
      %ge3A_402 = arith.constant 2 : i32
      %ge3A_403 = arith.cmpi sge, %add3A_401, %ge3A_402 : i32
      %convert_element_type3A_404 = arith.extui %ge3A_403 : i1 to i32
      %cond3A_405 = arith.constant 0 : i32
      %cond3A_406 = arith.cmpi ne, %convert_element_type3A_404, %cond3A_405 : i32
      scf.if %cond3A_406 {
        %dma_wait3A_514 = arith.constant 0 : i32
        %dma_wait3A_515 = arith.constant 0 : i32
        %dma_wait3A_516 = tpu.memref_slice %arg7[%dma_wait3A_514, %dma_wait3A_515] : memref<10000x128xf32, #tpu.memory_space<vmem_shared>> -> memref<10000x128xf32, #tpu.memory_space<vmem_shared>>
        tpu.wait_indirect_dma semaphore(%arg26 : memref<!tpu.dma_semaphore, #tpu.memory_space<semaphore_mem>>) src(%arg8 : memref<80x128xf32, #tpu.memory_space<vmem>>) dst(%dma_wait3A_516 : memref<10000x128xf32, #tpu.memory_space<vmem_shared>>)
      } else {
      }
      %add3A_407 = arith.constant 2 : i32
      %add3A_408 = arith.addi %add3A_401, %add3A_407 : i32
      %lt3A_409 = arith.constant 125 : i32
      %lt3A_410 = arith.cmpi slt, %add3A_408, %lt3A_409 : i32
      %convert_element_type3A_411 = arith.extui %lt3A_410 : i1 to i32
      %cond3A_412 = arith.constant 0 : i32
      %cond3A_413 = arith.cmpi ne, %convert_element_type3A_411, %cond3A_412 : i32
      scf.if %cond3A_413 {
        %add3A_514 = arith.constant 2 : i32
        %add3A_515 = arith.addi %add3A_401, %add3A_514 : i32
        %mul3A_516 = arith.constant 80 : i32
        %mul3A_517 = arith.muli %add3A_515, %mul3A_516 : i32
        %add3A_518 = arith.addi %mul3A_5, %mul3A_517 : i32
        %dma_start3A_519 = tpu.memref_slice %arg3[%add3A_518] : memref<320000xi32, #tpu.memory_space<hbm>> -> memref<80xi32, #tpu.memory_space<hbm>>
        %dma_start3A_520 = tpu.memref_slice %arg3[%add3A_518] : memref<320000xi32, #tpu.memory_space<hbm>> -> memref<80xi32, #tpu.memory_space<hbm>>
        tpu.enqueue_dma source(%dma_start3A_520 : memref<80xi32, #tpu.memory_space<hbm>>) target(%arg13 : memref<80xi32, #tpu.memory_space<vmem>>) target_semaphore(%arg24 : memref<!tpu.dma_semaphore, #tpu.memory_space<semaphore_mem>>)
        %mul3A_521 = arith.constant 80 : i32
        %mul3A_522 = arith.muli %add3A_515, %mul3A_521 : i32
        %add3A_523 = arith.addi %mul3A_5, %mul3A_522 : i32
        %dma_start3A_524 = tpu.memref_slice %arg4[%add3A_523] : memref<320000xi32, #tpu.memory_space<hbm>> -> memref<80xi32, #tpu.memory_space<hbm>>
        %dma_start3A_525 = tpu.memref_slice %arg4[%add3A_523] : memref<320000xi32, #tpu.memory_space<hbm>> -> memref<80xi32, #tpu.memory_space<hbm>>
        tpu.enqueue_dma source(%dma_start3A_525 : memref<80xi32, #tpu.memory_space<hbm>>) target(%arg17 : memref<80xi32, #tpu.memory_space<vmem>>) target_semaphore(%arg24 : memref<!tpu.dma_semaphore, #tpu.memory_space<semaphore_mem>>)
      } else {
      }
      %add3A_414 = arith.constant 1 : i32
      %add3A_415 = arith.addi %add3A_401, %add3A_414 : i32
      %lt3A_416 = arith.constant 125 : i32
      %lt3A_417 = arith.cmpi slt, %add3A_415, %lt3A_416 : i32
      %convert_element_type3A_418 = arith.extui %lt3A_417 : i1 to i32
      %cond3A_419 = arith.constant 0 : i32
      %cond3A_420 = arith.cmpi ne, %convert_element_type3A_418, %cond3A_419 : i32
      scf.if %cond3A_420 {
        %add3A_514 = arith.constant 1 : i32
        %add3A_515 = arith.addi %add3A_401, %add3A_514 : i32
        %mul3A_516 = arith.constant 80 : i32
        %mul3A_517 = arith.muli %add3A_515, %mul3A_516 : i32
        %add3A_518 = arith.addi %mul3A_5, %mul3A_517 : i32
        %dma_wait3A_519 = tpu.memref_slice %arg3[%add3A_518] : memref<320000xi32, #tpu.memory_space<hbm>> -> memref<80xi32, #tpu.memory_space<hbm>>
        %dma_wait3A_520 = tpu.memref_slice %arg3[%add3A_518] : memref<320000xi32, #tpu.memory_space<hbm>> -> memref<80xi32, #tpu.memory_space<hbm>>
        tpu.wait_dma2 semaphore(%arg23 : memref<!tpu.dma_semaphore, #tpu.memory_space<semaphore_mem>>) src(%dma_wait3A_520 : memref<80xi32, #tpu.memory_space<hbm>>) dst(%arg12 : memref<80xi32, #tpu.memory_space<vmem>>)
        %mul3A_521 = arith.constant 80 : i32
        %mul3A_522 = arith.muli %add3A_515, %mul3A_521 : i32
        %add3A_523 = arith.addi %mul3A_5, %mul3A_522 : i32
        %dma_wait3A_524 = tpu.memref_slice %arg4[%add3A_523] : memref<320000xi32, #tpu.memory_space<hbm>> -> memref<80xi32, #tpu.memory_space<hbm>>
        %dma_wait3A_525 = tpu.memref_slice %arg4[%add3A_523] : memref<320000xi32, #tpu.memory_space<hbm>> -> memref<80xi32, #tpu.memory_space<hbm>>
        tpu.wait_dma2 semaphore(%arg23 : memref<!tpu.dma_semaphore, #tpu.memory_space<semaphore_mem>>) src(%dma_wait3A_525 : memref<80xi32, #tpu.memory_space<hbm>>) dst(%arg16 : memref<80xi32, #tpu.memory_space<vmem>>)
        %dma_start3A_526 = arith.constant 0 : i32
        %dma_start3A_527 = arith.constant 0 : i32
        %dma_start3A_528 = tpu.memref_slice %arg2[%dma_start3A_526, %dma_start3A_527] : memref<10000x128xf32, #tpu.memory_space<hbm>> -> memref<10000x128xf32, #tpu.memory_space<hbm>>
        tpu.enqueue_indirect_dma source(%dma_start3A_528 : memref<10000x128xf32, #tpu.memory_space<hbm>>) target(%arg8 : memref<80x128xf32, #tpu.memory_space<vmem>>) offsets(%arg12 : memref<80xi32, #tpu.memory_space<vmem>>) semaphore(%arg19 : memref<!tpu.dma_semaphore, #tpu.memory_space<semaphore_mem>>)
      } else {
      }
      %dma_wait3A_421 = arith.constant 0 : i32
      %dma_wait3A_422 = arith.constant 0 : i32
      %dma_wait3A_423 = tpu.memref_slice %arg2[%dma_wait3A_421, %dma_wait3A_422] : memref<10000x128xf32, #tpu.memory_space<hbm>> -> memref<10000x128xf32, #tpu.memory_space<hbm>>
      tpu.wait_indirect_dma semaphore(%arg21 : memref<!tpu.dma_semaphore, #tpu.memory_space<semaphore_mem>>) src(%dma_wait3A_423 : memref<10000x128xf32, #tpu.memory_space<hbm>>) dst(%arg10 : memref<80x128xf32, #tpu.memory_space<vmem>>)
      %dma_start3A_424 = arith.constant 0 : i32
      %dma_start3A_425 = arith.constant 0 : i32
      %dma_start3A_426 = tpu.memref_slice %arg7[%dma_start3A_424, %dma_start3A_425] : memref<10000x128xf32, #tpu.memory_space<vmem_shared>> -> memref<10000x128xf32, #tpu.memory_space<vmem_shared>>
      tpu.enqueue_indirect_dma source(%arg10 : memref<80x128xf32, #tpu.memory_space<vmem>>) target(%dma_start3A_426 : memref<10000x128xf32, #tpu.memory_space<vmem_shared>>) offsets(%arg15 : memref<80xi32, #tpu.memory_space<vmem>>) semaphore(%arg26 : memref<!tpu.dma_semaphore, #tpu.memory_space<semaphore_mem>>) {add = true}
      %mul3A_427 = arith.constant 12 : i32
      %mul3A_428 = arith.muli %scan3A_167, %mul3A_427 : i32
      %add3A_429 = arith.constant 9 : i32
      %add3A_430 = arith.addi %mul3A_428, %add3A_429 : i32
      %ge3A_431 = arith.constant 2 : i32
      %ge3A_432 = arith.cmpi sge, %add3A_430, %ge3A_431 : i32
      %convert_element_type3A_433 = arith.extui %ge3A_432 : i1 to i32
      %cond3A_434 = arith.constant 0 : i32
      %cond3A_435 = arith.cmpi ne, %convert_element_type3A_433, %cond3A_434 : i32
      scf.if %cond3A_435 {
        %dma_wait3A_514 = arith.constant 0 : i32
        %dma_wait3A_515 = arith.constant 0 : i32
        %dma_wait3A_516 = tpu.memref_slice %arg7[%dma_wait3A_514, %dma_wait3A_515] : memref<10000x128xf32, #tpu.memory_space<vmem_shared>> -> memref<10000x128xf32, #tpu.memory_space<vmem_shared>>
        tpu.wait_indirect_dma semaphore(%arg27 : memref<!tpu.dma_semaphore, #tpu.memory_space<semaphore_mem>>) src(%arg9 : memref<80x128xf32, #tpu.memory_space<vmem>>) dst(%dma_wait3A_516 : memref<10000x128xf32, #tpu.memory_space<vmem_shared>>)
      } else {
      }
      %add3A_436 = arith.constant 2 : i32
      %add3A_437 = arith.addi %add3A_430, %add3A_436 : i32
      %lt3A_438 = arith.constant 125 : i32
      %lt3A_439 = arith.cmpi slt, %add3A_437, %lt3A_438 : i32
      %convert_element_type3A_440 = arith.extui %lt3A_439 : i1 to i32
      %cond3A_441 = arith.constant 0 : i32
      %cond3A_442 = arith.cmpi ne, %convert_element_type3A_440, %cond3A_441 : i32
      scf.if %cond3A_442 {
        %add3A_514 = arith.constant 2 : i32
        %add3A_515 = arith.addi %add3A_430, %add3A_514 : i32
        %mul3A_516 = arith.constant 80 : i32
        %mul3A_517 = arith.muli %add3A_515, %mul3A_516 : i32
        %add3A_518 = arith.addi %mul3A_5, %mul3A_517 : i32
        %dma_start3A_519 = tpu.memref_slice %arg3[%add3A_518] : memref<320000xi32, #tpu.memory_space<hbm>> -> memref<80xi32, #tpu.memory_space<hbm>>
        %dma_start3A_520 = tpu.memref_slice %arg3[%add3A_518] : memref<320000xi32, #tpu.memory_space<hbm>> -> memref<80xi32, #tpu.memory_space<hbm>>
        tpu.enqueue_dma source(%dma_start3A_520 : memref<80xi32, #tpu.memory_space<hbm>>) target(%arg14 : memref<80xi32, #tpu.memory_space<vmem>>) target_semaphore(%arg25 : memref<!tpu.dma_semaphore, #tpu.memory_space<semaphore_mem>>)
        %mul3A_521 = arith.constant 80 : i32
        %mul3A_522 = arith.muli %add3A_515, %mul3A_521 : i32
        %add3A_523 = arith.addi %mul3A_5, %mul3A_522 : i32
        %dma_start3A_524 = tpu.memref_slice %arg4[%add3A_523] : memref<320000xi32, #tpu.memory_space<hbm>> -> memref<80xi32, #tpu.memory_space<hbm>>
        %dma_start3A_525 = tpu.memref_slice %arg4[%add3A_523] : memref<320000xi32, #tpu.memory_space<hbm>> -> memref<80xi32, #tpu.memory_space<hbm>>
        tpu.enqueue_dma source(%dma_start3A_525 : memref<80xi32, #tpu.memory_space<hbm>>) target(%arg18 : memref<80xi32, #tpu.memory_space<vmem>>) target_semaphore(%arg25 : memref<!tpu.dma_semaphore, #tpu.memory_space<semaphore_mem>>)
      } else {
      }
      %add3A_443 = arith.constant 1 : i32
      %add3A_444 = arith.addi %add3A_430, %add3A_443 : i32
      %lt3A_445 = arith.constant 125 : i32
      %lt3A_446 = arith.cmpi slt, %add3A_444, %lt3A_445 : i32
      %convert_element_type3A_447 = arith.extui %lt3A_446 : i1 to i32
      %cond3A_448 = arith.constant 0 : i32
      %cond3A_449 = arith.cmpi ne, %convert_element_type3A_447, %cond3A_448 : i32
      scf.if %cond3A_449 {
        %add3A_514 = arith.constant 1 : i32
        %add3A_515 = arith.addi %add3A_430, %add3A_514 : i32
        %mul3A_516 = arith.constant 80 : i32
        %mul3A_517 = arith.muli %add3A_515, %mul3A_516 : i32
        %add3A_518 = arith.addi %mul3A_5, %mul3A_517 : i32
        %dma_wait3A_519 = tpu.memref_slice %arg3[%add3A_518] : memref<320000xi32, #tpu.memory_space<hbm>> -> memref<80xi32, #tpu.memory_space<hbm>>
        %dma_wait3A_520 = tpu.memref_slice %arg3[%add3A_518] : memref<320000xi32, #tpu.memory_space<hbm>> -> memref<80xi32, #tpu.memory_space<hbm>>
        tpu.wait_dma2 semaphore(%arg24 : memref<!tpu.dma_semaphore, #tpu.memory_space<semaphore_mem>>) src(%dma_wait3A_520 : memref<80xi32, #tpu.memory_space<hbm>>) dst(%arg13 : memref<80xi32, #tpu.memory_space<vmem>>)
        %mul3A_521 = arith.constant 80 : i32
        %mul3A_522 = arith.muli %add3A_515, %mul3A_521 : i32
        %add3A_523 = arith.addi %mul3A_5, %mul3A_522 : i32
        %dma_wait3A_524 = tpu.memref_slice %arg4[%add3A_523] : memref<320000xi32, #tpu.memory_space<hbm>> -> memref<80xi32, #tpu.memory_space<hbm>>
        %dma_wait3A_525 = tpu.memref_slice %arg4[%add3A_523] : memref<320000xi32, #tpu.memory_space<hbm>> -> memref<80xi32, #tpu.memory_space<hbm>>
        tpu.wait_dma2 semaphore(%arg24 : memref<!tpu.dma_semaphore, #tpu.memory_space<semaphore_mem>>) src(%dma_wait3A_525 : memref<80xi32, #tpu.memory_space<hbm>>) dst(%arg17 : memref<80xi32, #tpu.memory_space<vmem>>)
        %dma_start3A_526 = arith.constant 0 : i32
        %dma_start3A_527 = arith.constant 0 : i32
        %dma_start3A_528 = tpu.memref_slice %arg2[%dma_start3A_526, %dma_start3A_527] : memref<10000x128xf32, #tpu.memory_space<hbm>> -> memref<10000x128xf32, #tpu.memory_space<hbm>>
        tpu.enqueue_indirect_dma source(%dma_start3A_528 : memref<10000x128xf32, #tpu.memory_space<hbm>>) target(%arg9 : memref<80x128xf32, #tpu.memory_space<vmem>>) offsets(%arg13 : memref<80xi32, #tpu.memory_space<vmem>>) semaphore(%arg20 : memref<!tpu.dma_semaphore, #tpu.memory_space<semaphore_mem>>)
      } else {
      }
      %dma_wait3A_450 = arith.constant 0 : i32
      %dma_wait3A_451 = arith.constant 0 : i32
      %dma_wait3A_452 = tpu.memref_slice %arg2[%dma_wait3A_450, %dma_wait3A_451] : memref<10000x128xf32, #tpu.memory_space<hbm>> -> memref<10000x128xf32, #tpu.memory_space<hbm>>
      tpu.wait_indirect_dma semaphore(%arg19 : memref<!tpu.dma_semaphore, #tpu.memory_space<semaphore_mem>>) src(%dma_wait3A_452 : memref<10000x128xf32, #tpu.memory_space<hbm>>) dst(%arg8 : memref<80x128xf32, #tpu.memory_space<vmem>>)
      %dma_start3A_453 = arith.constant 0 : i32
      %dma_start3A_454 = arith.constant 0 : i32
      %dma_start3A_455 = tpu.memref_slice %arg7[%dma_start3A_453, %dma_start3A_454] : memref<10000x128xf32, #tpu.memory_space<vmem_shared>> -> memref<10000x128xf32, #tpu.memory_space<vmem_shared>>
      tpu.enqueue_indirect_dma source(%arg8 : memref<80x128xf32, #tpu.memory_space<vmem>>) target(%dma_start3A_455 : memref<10000x128xf32, #tpu.memory_space<vmem_shared>>) offsets(%arg16 : memref<80xi32, #tpu.memory_space<vmem>>) semaphore(%arg27 : memref<!tpu.dma_semaphore, #tpu.memory_space<semaphore_mem>>) {add = true}
      %mul3A_456 = arith.constant 12 : i32
      %mul3A_457 = arith.muli %scan3A_167, %mul3A_456 : i32
      %add3A_458 = arith.constant 10 : i32
      %add3A_459 = arith.addi %mul3A_457, %add3A_458 : i32
      %ge3A_460 = arith.constant 2 : i32
      %ge3A_461 = arith.cmpi sge, %add3A_459, %ge3A_460 : i32
      %convert_element_type3A_462 = arith.extui %ge3A_461 : i1 to i32
      %cond3A_463 = arith.constant 0 : i32
      %cond3A_464 = arith.cmpi ne, %convert_element_type3A_462, %cond3A_463 : i32
      scf.if %cond3A_464 {
        %dma_wait3A_514 = arith.constant 0 : i32
        %dma_wait3A_515 = arith.constant 0 : i32
        %dma_wait3A_516 = tpu.memref_slice %arg7[%dma_wait3A_514, %dma_wait3A_515] : memref<10000x128xf32, #tpu.memory_space<vmem_shared>> -> memref<10000x128xf32, #tpu.memory_space<vmem_shared>>
        tpu.wait_indirect_dma semaphore(%arg26 : memref<!tpu.dma_semaphore, #tpu.memory_space<semaphore_mem>>) src(%arg10 : memref<80x128xf32, #tpu.memory_space<vmem>>) dst(%dma_wait3A_516 : memref<10000x128xf32, #tpu.memory_space<vmem_shared>>)
      } else {
      }
      %add3A_465 = arith.constant 2 : i32
      %add3A_466 = arith.addi %add3A_459, %add3A_465 : i32
      %lt3A_467 = arith.constant 125 : i32
      %lt3A_468 = arith.cmpi slt, %add3A_466, %lt3A_467 : i32
      %convert_element_type3A_469 = arith.extui %lt3A_468 : i1 to i32
      %cond3A_470 = arith.constant 0 : i32
      %cond3A_471 = arith.cmpi ne, %convert_element_type3A_469, %cond3A_470 : i32
      scf.if %cond3A_471 {
        %add3A_514 = arith.constant 2 : i32
        %add3A_515 = arith.addi %add3A_459, %add3A_514 : i32
        %mul3A_516 = arith.constant 80 : i32
        %mul3A_517 = arith.muli %add3A_515, %mul3A_516 : i32
        %add3A_518 = arith.addi %mul3A_5, %mul3A_517 : i32
        %dma_start3A_519 = tpu.memref_slice %arg3[%add3A_518] : memref<320000xi32, #tpu.memory_space<hbm>> -> memref<80xi32, #tpu.memory_space<hbm>>
        %dma_start3A_520 = tpu.memref_slice %arg3[%add3A_518] : memref<320000xi32, #tpu.memory_space<hbm>> -> memref<80xi32, #tpu.memory_space<hbm>>
        tpu.enqueue_dma source(%dma_start3A_520 : memref<80xi32, #tpu.memory_space<hbm>>) target(%arg11 : memref<80xi32, #tpu.memory_space<vmem>>) target_semaphore(%arg22 : memref<!tpu.dma_semaphore, #tpu.memory_space<semaphore_mem>>)
        %mul3A_521 = arith.constant 80 : i32
        %mul3A_522 = arith.muli %add3A_515, %mul3A_521 : i32
        %add3A_523 = arith.addi %mul3A_5, %mul3A_522 : i32
        %dma_start3A_524 = tpu.memref_slice %arg4[%add3A_523] : memref<320000xi32, #tpu.memory_space<hbm>> -> memref<80xi32, #tpu.memory_space<hbm>>
        %dma_start3A_525 = tpu.memref_slice %arg4[%add3A_523] : memref<320000xi32, #tpu.memory_space<hbm>> -> memref<80xi32, #tpu.memory_space<hbm>>
        tpu.enqueue_dma source(%dma_start3A_525 : memref<80xi32, #tpu.memory_space<hbm>>) target(%arg15 : memref<80xi32, #tpu.memory_space<vmem>>) target_semaphore(%arg22 : memref<!tpu.dma_semaphore, #tpu.memory_space<semaphore_mem>>)
      } else {
      }
      %add3A_472 = arith.constant 1 : i32
      %add3A_473 = arith.addi %add3A_459, %add3A_472 : i32
      %lt3A_474 = arith.constant 125 : i32
      %lt3A_475 = arith.cmpi slt, %add3A_473, %lt3A_474 : i32
      %convert_element_type3A_476 = arith.extui %lt3A_475 : i1 to i32
      %cond3A_477 = arith.constant 0 : i32
      %cond3A_478 = arith.cmpi ne, %convert_element_type3A_476, %cond3A_477 : i32
      scf.if %cond3A_478 {
        %add3A_514 = arith.constant 1 : i32
        %add3A_515 = arith.addi %add3A_459, %add3A_514 : i32
        %mul3A_516 = arith.constant 80 : i32
        %mul3A_517 = arith.muli %add3A_515, %mul3A_516 : i32
        %add3A_518 = arith.addi %mul3A_5, %mul3A_517 : i32
        %dma_wait3A_519 = tpu.memref_slice %arg3[%add3A_518] : memref<320000xi32, #tpu.memory_space<hbm>> -> memref<80xi32, #tpu.memory_space<hbm>>
        %dma_wait3A_520 = tpu.memref_slice %arg3[%add3A_518] : memref<320000xi32, #tpu.memory_space<hbm>> -> memref<80xi32, #tpu.memory_space<hbm>>
        tpu.wait_dma2 semaphore(%arg25 : memref<!tpu.dma_semaphore, #tpu.memory_space<semaphore_mem>>) src(%dma_wait3A_520 : memref<80xi32, #tpu.memory_space<hbm>>) dst(%arg14 : memref<80xi32, #tpu.memory_space<vmem>>)
        %mul3A_521 = arith.constant 80 : i32
        %mul3A_522 = arith.muli %add3A_515, %mul3A_521 : i32
        %add3A_523 = arith.addi %mul3A_5, %mul3A_522 : i32
        %dma_wait3A_524 = tpu.memref_slice %arg4[%add3A_523] : memref<320000xi32, #tpu.memory_space<hbm>> -> memref<80xi32, #tpu.memory_space<hbm>>
        %dma_wait3A_525 = tpu.memref_slice %arg4[%add3A_523] : memref<320000xi32, #tpu.memory_space<hbm>> -> memref<80xi32, #tpu.memory_space<hbm>>
        tpu.wait_dma2 semaphore(%arg25 : memref<!tpu.dma_semaphore, #tpu.memory_space<semaphore_mem>>) src(%dma_wait3A_525 : memref<80xi32, #tpu.memory_space<hbm>>) dst(%arg18 : memref<80xi32, #tpu.memory_space<vmem>>)
        %dma_start3A_526 = arith.constant 0 : i32
        %dma_start3A_527 = arith.constant 0 : i32
        %dma_start3A_528 = tpu.memref_slice %arg2[%dma_start3A_526, %dma_start3A_527] : memref<10000x128xf32, #tpu.memory_space<hbm>> -> memref<10000x128xf32, #tpu.memory_space<hbm>>
        tpu.enqueue_indirect_dma source(%dma_start3A_528 : memref<10000x128xf32, #tpu.memory_space<hbm>>) target(%arg10 : memref<80x128xf32, #tpu.memory_space<vmem>>) offsets(%arg14 : memref<80xi32, #tpu.memory_space<vmem>>) semaphore(%arg21 : memref<!tpu.dma_semaphore, #tpu.memory_space<semaphore_mem>>)
      } else {
      }
      %dma_wait3A_479 = arith.constant 0 : i32
      %dma_wait3A_480 = arith.constant 0 : i32
      %dma_wait3A_481 = tpu.memref_slice %arg2[%dma_wait3A_479, %dma_wait3A_480] : memref<10000x128xf32, #tpu.memory_space<hbm>> -> memref<10000x128xf32, #tpu.memory_space<hbm>>
      tpu.wait_indirect_dma semaphore(%arg20 : memref<!tpu.dma_semaphore, #tpu.memory_space<semaphore_mem>>) src(%dma_wait3A_481 : memref<10000x128xf32, #tpu.memory_space<hbm>>) dst(%arg9 : memref<80x128xf32, #tpu.memory_space<vmem>>)
      %dma_start3A_482 = arith.constant 0 : i32
      %dma_start3A_483 = arith.constant 0 : i32
      %dma_start3A_484 = tpu.memref_slice %arg7[%dma_start3A_482, %dma_start3A_483] : memref<10000x128xf32, #tpu.memory_space<vmem_shared>> -> memref<10000x128xf32, #tpu.memory_space<vmem_shared>>
      tpu.enqueue_indirect_dma source(%arg9 : memref<80x128xf32, #tpu.memory_space<vmem>>) target(%dma_start3A_484 : memref<10000x128xf32, #tpu.memory_space<vmem_shared>>) offsets(%arg17 : memref<80xi32, #tpu.memory_space<vmem>>) semaphore(%arg26 : memref<!tpu.dma_semaphore, #tpu.memory_space<semaphore_mem>>) {add = true}
      %mul3A_485 = arith.constant 12 : i32
      %mul3A_486 = arith.muli %scan3A_167, %mul3A_485 : i32
      %add3A_487 = arith.constant 11 : i32
      %add3A_488 = arith.addi %mul3A_486, %add3A_487 : i32
      %ge3A_489 = arith.constant 2 : i32
      %ge3A_490 = arith.cmpi sge, %add3A_488, %ge3A_489 : i32
      %convert_element_type3A_491 = arith.extui %ge3A_490 : i1 to i32
      %cond3A_492 = arith.constant 0 : i32
      %cond3A_493 = arith.cmpi ne, %convert_element_type3A_491, %cond3A_492 : i32
      scf.if %cond3A_493 {
        %dma_wait3A_514 = arith.constant 0 : i32
        %dma_wait3A_515 = arith.constant 0 : i32
        %dma_wait3A_516 = tpu.memref_slice %arg7[%dma_wait3A_514, %dma_wait3A_515] : memref<10000x128xf32, #tpu.memory_space<vmem_shared>> -> memref<10000x128xf32, #tpu.memory_space<vmem_shared>>
        tpu.wait_indirect_dma semaphore(%arg27 : memref<!tpu.dma_semaphore, #tpu.memory_space<semaphore_mem>>) src(%arg8 : memref<80x128xf32, #tpu.memory_space<vmem>>) dst(%dma_wait3A_516 : memref<10000x128xf32, #tpu.memory_space<vmem_shared>>)
      } else {
      }
      %add3A_494 = arith.constant 2 : i32
      %add3A_495 = arith.addi %add3A_488, %add3A_494 : i32
      %lt3A_496 = arith.constant 125 : i32
      %lt3A_497 = arith.cmpi slt, %add3A_495, %lt3A_496 : i32
      %convert_element_type3A_498 = arith.extui %lt3A_497 : i1 to i32
      %cond3A_499 = arith.constant 0 : i32
      %cond3A_500 = arith.cmpi ne, %convert_element_type3A_498, %cond3A_499 : i32
      scf.if %cond3A_500 {
        %add3A_514 = arith.constant 2 : i32
        %add3A_515 = arith.addi %add3A_488, %add3A_514 : i32
        %mul3A_516 = arith.constant 80 : i32
        %mul3A_517 = arith.muli %add3A_515, %mul3A_516 : i32
        %add3A_518 = arith.addi %mul3A_5, %mul3A_517 : i32
        %dma_start3A_519 = tpu.memref_slice %arg3[%add3A_518] : memref<320000xi32, #tpu.memory_space<hbm>> -> memref<80xi32, #tpu.memory_space<hbm>>
        %dma_start3A_520 = tpu.memref_slice %arg3[%add3A_518] : memref<320000xi32, #tpu.memory_space<hbm>> -> memref<80xi32, #tpu.memory_space<hbm>>
        tpu.enqueue_dma source(%dma_start3A_520 : memref<80xi32, #tpu.memory_space<hbm>>) target(%arg12 : memref<80xi32, #tpu.memory_space<vmem>>) target_semaphore(%arg23 : memref<!tpu.dma_semaphore, #tpu.memory_space<semaphore_mem>>)
        %mul3A_521 = arith.constant 80 : i32
        %mul3A_522 = arith.muli %add3A_515, %mul3A_521 : i32
        %add3A_523 = arith.addi %mul3A_5, %mul3A_522 : i32
        %dma_start3A_524 = tpu.memref_slice %arg4[%add3A_523] : memref<320000xi32, #tpu.memory_space<hbm>> -> memref<80xi32, #tpu.memory_space<hbm>>
        %dma_start3A_525 = tpu.memref_slice %arg4[%add3A_523] : memref<320000xi32, #tpu.memory_space<hbm>> -> memref<80xi32, #tpu.memory_space<hbm>>
        tpu.enqueue_dma source(%dma_start3A_525 : memref<80xi32, #tpu.memory_space<hbm>>) target(%arg16 : memref<80xi32, #tpu.memory_space<vmem>>) target_semaphore(%arg23 : memref<!tpu.dma_semaphore, #tpu.memory_space<semaphore_mem>>)
      } else {
      }
      %add3A_501 = arith.constant 1 : i32
      %add3A_502 = arith.addi %add3A_488, %add3A_501 : i32
      %lt3A_503 = arith.constant 125 : i32
      %lt3A_504 = arith.cmpi slt, %add3A_502, %lt3A_503 : i32
      %convert_element_type3A_505 = arith.extui %lt3A_504 : i1 to i32
      %cond3A_506 = arith.constant 0 : i32
      %cond3A_507 = arith.cmpi ne, %convert_element_type3A_505, %cond3A_506 : i32
      scf.if %cond3A_507 {
        %add3A_514 = arith.constant 1 : i32
        %add3A_515 = arith.addi %add3A_488, %add3A_514 : i32
        %mul3A_516 = arith.constant 80 : i32
        %mul3A_517 = arith.muli %add3A_515, %mul3A_516 : i32
        %add3A_518 = arith.addi %mul3A_5, %mul3A_517 : i32
        %dma_wait3A_519 = tpu.memref_slice %arg3[%add3A_518] : memref<320000xi32, #tpu.memory_space<hbm>> -> memref<80xi32, #tpu.memory_space<hbm>>
        %dma_wait3A_520 = tpu.memref_slice %arg3[%add3A_518] : memref<320000xi32, #tpu.memory_space<hbm>> -> memref<80xi32, #tpu.memory_space<hbm>>
        tpu.wait_dma2 semaphore(%arg22 : memref<!tpu.dma_semaphore, #tpu.memory_space<semaphore_mem>>) src(%dma_wait3A_520 : memref<80xi32, #tpu.memory_space<hbm>>) dst(%arg11 : memref<80xi32, #tpu.memory_space<vmem>>)
        %mul3A_521 = arith.constant 80 : i32
        %mul3A_522 = arith.muli %add3A_515, %mul3A_521 : i32
        %add3A_523 = arith.addi %mul3A_5, %mul3A_522 : i32
        %dma_wait3A_524 = tpu.memref_slice %arg4[%add3A_523] : memref<320000xi32, #tpu.memory_space<hbm>> -> memref<80xi32, #tpu.memory_space<hbm>>
        %dma_wait3A_525 = tpu.memref_slice %arg4[%add3A_523] : memref<320000xi32, #tpu.memory_space<hbm>> -> memref<80xi32, #tpu.memory_space<hbm>>
        tpu.wait_dma2 semaphore(%arg22 : memref<!tpu.dma_semaphore, #tpu.memory_space<semaphore_mem>>) src(%dma_wait3A_525 : memref<80xi32, #tpu.memory_space<hbm>>) dst(%arg15 : memref<80xi32, #tpu.memory_space<vmem>>)
        %dma_start3A_526 = arith.constant 0 : i32
        %dma_start3A_527 = arith.constant 0 : i32
        %dma_start3A_528 = tpu.memref_slice %arg2[%dma_start3A_526, %dma_start3A_527] : memref<10000x128xf32, #tpu.memory_space<hbm>> -> memref<10000x128xf32, #tpu.memory_space<hbm>>
        tpu.enqueue_indirect_dma source(%dma_start3A_528 : memref<10000x128xf32, #tpu.memory_space<hbm>>) target(%arg8 : memref<80x128xf32, #tpu.memory_space<vmem>>) offsets(%arg11 : memref<80xi32, #tpu.memory_space<vmem>>) semaphore(%arg19 : memref<!tpu.dma_semaphore, #tpu.memory_space<semaphore_mem>>)
      } else {
      }
      %dma_wait3A_508 = arith.constant 0 : i32
      %dma_wait3A_509 = arith.constant 0 : i32
      %dma_wait3A_510 = tpu.memref_slice %arg2[%dma_wait3A_508, %dma_wait3A_509] : memref<10000x128xf32, #tpu.memory_space<hbm>> -> memref<10000x128xf32, #tpu.memory_space<hbm>>
      tpu.wait_indirect_dma semaphore(%arg21 : memref<!tpu.dma_semaphore, #tpu.memory_space<semaphore_mem>>) src(%dma_wait3A_510 : memref<10000x128xf32, #tpu.memory_space<hbm>>) dst(%arg10 : memref<80x128xf32, #tpu.memory_space<vmem>>)
      %dma_start3A_511 = arith.constant 0 : i32
      %dma_start3A_512 = arith.constant 0 : i32
      %dma_start3A_513 = tpu.memref_slice %arg7[%dma_start3A_511, %dma_start3A_512] : memref<10000x128xf32, #tpu.memory_space<vmem_shared>> -> memref<10000x128xf32, #tpu.memory_space<vmem_shared>>
      tpu.enqueue_indirect_dma source(%arg10 : memref<80x128xf32, #tpu.memory_space<vmem>>) target(%dma_start3A_513 : memref<10000x128xf32, #tpu.memory_space<vmem_shared>>) offsets(%arg18 : memref<80xi32, #tpu.memory_space<vmem>>) semaphore(%arg27 : memref<!tpu.dma_semaphore, #tpu.memory_space<semaphore_mem>>) {add = true}
    }
    %scan3A_39 = arith.constant 10 : i32
    %dma_wait3A_40 = arith.constant 0 : i32
    %dma_wait3A_41 = arith.constant 0 : i32
    %dma_wait3A_42 = tpu.memref_slice %arg7[%dma_wait3A_40, %dma_wait3A_41] : memref<10000x128xf32, #tpu.memory_space<vmem_shared>> -> memref<10000x128xf32, #tpu.memory_space<vmem_shared>>
    tpu.wait_indirect_dma semaphore(%arg26 : memref<!tpu.dma_semaphore, #tpu.memory_space<semaphore_mem>>) src(%arg9 : memref<80x128xf32, #tpu.memory_space<vmem>>) dst(%dma_wait3A_42 : memref<10000x128xf32, #tpu.memory_space<vmem_shared>>)
    %add3A_43 = arith.constant 9760 : i32
    %add3A_44 = arith.addi %mul3A_5, %add3A_43 : i32
    %dma_start3A_45 = tpu.memref_slice %arg3[%add3A_44] : memref<320000xi32, #tpu.memory_space<hbm>> -> memref<80xi32, #tpu.memory_space<hbm>>
    %dma_start3A_46 = tpu.memref_slice %arg3[%add3A_44] : memref<320000xi32, #tpu.memory_space<hbm>> -> memref<80xi32, #tpu.memory_space<hbm>>
    tpu.enqueue_dma source(%dma_start3A_46 : memref<80xi32, #tpu.memory_space<hbm>>) target(%arg13 : memref<80xi32, #tpu.memory_space<vmem>>) target_semaphore(%arg24 : memref<!tpu.dma_semaphore, #tpu.memory_space<semaphore_mem>>)
    %add3A_47 = arith.constant 9760 : i32
    %add3A_48 = arith.addi %mul3A_5, %add3A_47 : i32
    %dma_start3A_49 = tpu.memref_slice %arg4[%add3A_48] : memref<320000xi32, #tpu.memory_space<hbm>> -> memref<80xi32, #tpu.memory_space<hbm>>
    %dma_start3A_50 = tpu.memref_slice %arg4[%add3A_48] : memref<320000xi32, #tpu.memory_space<hbm>> -> memref<80xi32, #tpu.memory_space<hbm>>
    tpu.enqueue_dma source(%dma_start3A_50 : memref<80xi32, #tpu.memory_space<hbm>>) target(%arg17 : memref<80xi32, #tpu.memory_space<vmem>>) target_semaphore(%arg24 : memref<!tpu.dma_semaphore, #tpu.memory_space<semaphore_mem>>)
    %add3A_51 = arith.constant 9680 : i32
    %add3A_52 = arith.addi %mul3A_5, %add3A_51 : i32
    %dma_wait3A_53 = tpu.memref_slice %arg3[%add3A_52] : memref<320000xi32, #tpu.memory_space<hbm>> -> memref<80xi32, #tpu.memory_space<hbm>>
    %dma_wait3A_54 = tpu.memref_slice %arg3[%add3A_52] : memref<320000xi32, #tpu.memory_space<hbm>> -> memref<80xi32, #tpu.memory_space<hbm>>
    tpu.wait_dma2 semaphore(%arg23 : memref<!tpu.dma_semaphore, #tpu.memory_space<semaphore_mem>>) src(%dma_wait3A_54 : memref<80xi32, #tpu.memory_space<hbm>>) dst(%arg12 : memref<80xi32, #tpu.memory_space<vmem>>)
    %add3A_55 = arith.constant 9680 : i32
    %add3A_56 = arith.addi %mul3A_5, %add3A_55 : i32
    %dma_wait3A_57 = tpu.memref_slice %arg4[%add3A_56] : memref<320000xi32, #tpu.memory_space<hbm>> -> memref<80xi32, #tpu.memory_space<hbm>>
    %dma_wait3A_58 = tpu.memref_slice %arg4[%add3A_56] : memref<320000xi32, #tpu.memory_space<hbm>> -> memref<80xi32, #tpu.memory_space<hbm>>
    tpu.wait_dma2 semaphore(%arg23 : memref<!tpu.dma_semaphore, #tpu.memory_space<semaphore_mem>>) src(%dma_wait3A_58 : memref<80xi32, #tpu.memory_space<hbm>>) dst(%arg16 : memref<80xi32, #tpu.memory_space<vmem>>)
    %dma_start3A_59 = arith.constant 0 : i32
    %dma_start3A_60 = arith.constant 0 : i32
    %dma_start3A_61 = tpu.memref_slice %arg2[%dma_start3A_59, %dma_start3A_60] : memref<10000x128xf32, #tpu.memory_space<hbm>> -> memref<10000x128xf32, #tpu.memory_space<hbm>>
    tpu.enqueue_indirect_dma source(%dma_start3A_61 : memref<10000x128xf32, #tpu.memory_space<hbm>>) target(%arg9 : memref<80x128xf32, #tpu.memory_space<vmem>>) offsets(%arg12 : memref<80xi32, #tpu.memory_space<vmem>>) semaphore(%arg20 : memref<!tpu.dma_semaphore, #tpu.memory_space<semaphore_mem>>)
    %dma_wait3A_62 = arith.constant 0 : i32
    %dma_wait3A_63 = arith.constant 0 : i32
    %dma_wait3A_64 = tpu.memref_slice %arg2[%dma_wait3A_62, %dma_wait3A_63] : memref<10000x128xf32, #tpu.memory_space<hbm>> -> memref<10000x128xf32, #tpu.memory_space<hbm>>
    tpu.wait_indirect_dma semaphore(%arg19 : memref<!tpu.dma_semaphore, #tpu.memory_space<semaphore_mem>>) src(%dma_wait3A_64 : memref<10000x128xf32, #tpu.memory_space<hbm>>) dst(%arg8 : memref<80x128xf32, #tpu.memory_space<vmem>>)
    %dma_start3A_65 = arith.constant 0 : i32
    %dma_start3A_66 = arith.constant 0 : i32
    %dma_start3A_67 = tpu.memref_slice %arg7[%dma_start3A_65, %dma_start3A_66] : memref<10000x128xf32, #tpu.memory_space<vmem_shared>> -> memref<10000x128xf32, #tpu.memory_space<vmem_shared>>
    tpu.enqueue_indirect_dma source(%arg8 : memref<80x128xf32, #tpu.memory_space<vmem>>) target(%dma_start3A_67 : memref<10000x128xf32, #tpu.memory_space<vmem_shared>>) offsets(%arg15 : memref<80xi32, #tpu.memory_space<vmem>>) semaphore(%arg26 : memref<!tpu.dma_semaphore, #tpu.memory_space<semaphore_mem>>) {add = true}
    %dma_wait3A_68 = arith.constant 0 : i32
    %dma_wait3A_69 = arith.constant 0 : i32
    %dma_wait3A_70 = tpu.memref_slice %arg7[%dma_wait3A_68, %dma_wait3A_69] : memref<10000x128xf32, #tpu.memory_space<vmem_shared>> -> memref<10000x128xf32, #tpu.memory_space<vmem_shared>>
    tpu.wait_indirect_dma semaphore(%arg27 : memref<!tpu.dma_semaphore, #tpu.memory_space<semaphore_mem>>) src(%arg10 : memref<80x128xf32, #tpu.memory_space<vmem>>) dst(%dma_wait3A_70 : memref<10000x128xf32, #tpu.memory_space<vmem_shared>>)
    %add3A_71 = arith.constant 9840 : i32
    %add3A_72 = arith.addi %mul3A_5, %add3A_71 : i32
    %dma_start3A_73 = tpu.memref_slice %arg3[%add3A_72] : memref<320000xi32, #tpu.memory_space<hbm>> -> memref<80xi32, #tpu.memory_space<hbm>>
    %dma_start3A_74 = tpu.memref_slice %arg3[%add3A_72] : memref<320000xi32, #tpu.memory_space<hbm>> -> memref<80xi32, #tpu.memory_space<hbm>>
    tpu.enqueue_dma source(%dma_start3A_74 : memref<80xi32, #tpu.memory_space<hbm>>) target(%arg14 : memref<80xi32, #tpu.memory_space<vmem>>) target_semaphore(%arg25 : memref<!tpu.dma_semaphore, #tpu.memory_space<semaphore_mem>>)
    %add3A_75 = arith.constant 9840 : i32
    %add3A_76 = arith.addi %mul3A_5, %add3A_75 : i32
    %dma_start3A_77 = tpu.memref_slice %arg4[%add3A_76] : memref<320000xi32, #tpu.memory_space<hbm>> -> memref<80xi32, #tpu.memory_space<hbm>>
    %dma_start3A_78 = tpu.memref_slice %arg4[%add3A_76] : memref<320000xi32, #tpu.memory_space<hbm>> -> memref<80xi32, #tpu.memory_space<hbm>>
    tpu.enqueue_dma source(%dma_start3A_78 : memref<80xi32, #tpu.memory_space<hbm>>) target(%arg18 : memref<80xi32, #tpu.memory_space<vmem>>) target_semaphore(%arg25 : memref<!tpu.dma_semaphore, #tpu.memory_space<semaphore_mem>>)
    %add3A_79 = arith.constant 9760 : i32
    %add3A_80 = arith.addi %mul3A_5, %add3A_79 : i32
    %dma_wait3A_81 = tpu.memref_slice %arg3[%add3A_80] : memref<320000xi32, #tpu.memory_space<hbm>> -> memref<80xi32, #tpu.memory_space<hbm>>
    %dma_wait3A_82 = tpu.memref_slice %arg3[%add3A_80] : memref<320000xi32, #tpu.memory_space<hbm>> -> memref<80xi32, #tpu.memory_space<hbm>>
    tpu.wait_dma2 semaphore(%arg24 : memref<!tpu.dma_semaphore, #tpu.memory_space<semaphore_mem>>) src(%dma_wait3A_82 : memref<80xi32, #tpu.memory_space<hbm>>) dst(%arg13 : memref<80xi32, #tpu.memory_space<vmem>>)
    %add3A_83 = arith.constant 9760 : i32
    %add3A_84 = arith.addi %mul3A_5, %add3A_83 : i32
    %dma_wait3A_85 = tpu.memref_slice %arg4[%add3A_84] : memref<320000xi32, #tpu.memory_space<hbm>> -> memref<80xi32, #tpu.memory_space<hbm>>
    %dma_wait3A_86 = tpu.memref_slice %arg4[%add3A_84] : memref<320000xi32, #tpu.memory_space<hbm>> -> memref<80xi32, #tpu.memory_space<hbm>>
    tpu.wait_dma2 semaphore(%arg24 : memref<!tpu.dma_semaphore, #tpu.memory_space<semaphore_mem>>) src(%dma_wait3A_86 : memref<80xi32, #tpu.memory_space<hbm>>) dst(%arg17 : memref<80xi32, #tpu.memory_space<vmem>>)
    %dma_start3A_87 = arith.constant 0 : i32
    %dma_start3A_88 = arith.constant 0 : i32
    %dma_start3A_89 = tpu.memref_slice %arg2[%dma_start3A_87, %dma_start3A_88] : memref<10000x128xf32, #tpu.memory_space<hbm>> -> memref<10000x128xf32, #tpu.memory_space<hbm>>
    tpu.enqueue_indirect_dma source(%dma_start3A_89 : memref<10000x128xf32, #tpu.memory_space<hbm>>) target(%arg10 : memref<80x128xf32, #tpu.memory_space<vmem>>) offsets(%arg13 : memref<80xi32, #tpu.memory_space<vmem>>) semaphore(%arg21 : memref<!tpu.dma_semaphore, #tpu.memory_space<semaphore_mem>>)
    %dma_wait3A_90 = arith.constant 0 : i32
    %dma_wait3A_91 = arith.constant 0 : i32
    %dma_wait3A_92 = tpu.memref_slice %arg2[%dma_wait3A_90, %dma_wait3A_91] : memref<10000x128xf32, #tpu.memory_space<hbm>> -> memref<10000x128xf32, #tpu.memory_space<hbm>>
    tpu.wait_indirect_dma semaphore(%arg20 : memref<!tpu.dma_semaphore, #tpu.memory_space<semaphore_mem>>) src(%dma_wait3A_92 : memref<10000x128xf32, #tpu.memory_space<hbm>>) dst(%arg9 : memref<80x128xf32, #tpu.memory_space<vmem>>)
    %dma_start3A_93 = arith.constant 0 : i32
    %dma_start3A_94 = arith.constant 0 : i32
    %dma_start3A_95 = tpu.memref_slice %arg7[%dma_start3A_93, %dma_start3A_94] : memref<10000x128xf32, #tpu.memory_space<vmem_shared>> -> memref<10000x128xf32, #tpu.memory_space<vmem_shared>>
    tpu.enqueue_indirect_dma source(%arg9 : memref<80x128xf32, #tpu.memory_space<vmem>>) target(%dma_start3A_95 : memref<10000x128xf32, #tpu.memory_space<vmem_shared>>) offsets(%arg16 : memref<80xi32, #tpu.memory_space<vmem>>) semaphore(%arg27 : memref<!tpu.dma_semaphore, #tpu.memory_space<semaphore_mem>>) {add = true}
    %dma_wait3A_96 = arith.constant 0 : i32
    %dma_wait3A_97 = arith.constant 0 : i32
    %dma_wait3A_98 = tpu.memref_slice %arg7[%dma_wait3A_96, %dma_wait3A_97] : memref<10000x128xf32, #tpu.memory_space<vmem_shared>> -> memref<10000x128xf32, #tpu.memory_space<vmem_shared>>
    tpu.wait_indirect_dma semaphore(%arg26 : memref<!tpu.dma_semaphore, #tpu.memory_space<semaphore_mem>>) src(%arg8 : memref<80x128xf32, #tpu.memory_space<vmem>>) dst(%dma_wait3A_98 : memref<10000x128xf32, #tpu.memory_space<vmem_shared>>)
    %add3A_99 = arith.constant 9920 : i32
    %add3A_100 = arith.addi %mul3A_5, %add3A_99 : i32
    %dma_start3A_101 = tpu.memref_slice %arg3[%add3A_100] : memref<320000xi32, #tpu.memory_space<hbm>> -> memref<80xi32, #tpu.memory_space<hbm>>
    %dma_start3A_102 = tpu.memref_slice %arg3[%add3A_100] : memref<320000xi32, #tpu.memory_space<hbm>> -> memref<80xi32, #tpu.memory_space<hbm>>
    tpu.enqueue_dma source(%dma_start3A_102 : memref<80xi32, #tpu.memory_space<hbm>>) target(%arg11 : memref<80xi32, #tpu.memory_space<vmem>>) target_semaphore(%arg22 : memref<!tpu.dma_semaphore, #tpu.memory_space<semaphore_mem>>)
    %add3A_103 = arith.constant 9920 : i32
    %add3A_104 = arith.addi %mul3A_5, %add3A_103 : i32
    %dma_start3A_105 = tpu.memref_slice %arg4[%add3A_104] : memref<320000xi32, #tpu.memory_space<hbm>> -> memref<80xi32, #tpu.memory_space<hbm>>
    %dma_start3A_106 = tpu.memref_slice %arg4[%add3A_104] : memref<320000xi32, #tpu.memory_space<hbm>> -> memref<80xi32, #tpu.memory_space<hbm>>
    tpu.enqueue_dma source(%dma_start3A_106 : memref<80xi32, #tpu.memory_space<hbm>>) target(%arg15 : memref<80xi32, #tpu.memory_space<vmem>>) target_semaphore(%arg22 : memref<!tpu.dma_semaphore, #tpu.memory_space<semaphore_mem>>)
    %add3A_107 = arith.constant 9840 : i32
    %add3A_108 = arith.addi %mul3A_5, %add3A_107 : i32
    %dma_wait3A_109 = tpu.memref_slice %arg3[%add3A_108] : memref<320000xi32, #tpu.memory_space<hbm>> -> memref<80xi32, #tpu.memory_space<hbm>>
    %dma_wait3A_110 = tpu.memref_slice %arg3[%add3A_108] : memref<320000xi32, #tpu.memory_space<hbm>> -> memref<80xi32, #tpu.memory_space<hbm>>
    tpu.wait_dma2 semaphore(%arg25 : memref<!tpu.dma_semaphore, #tpu.memory_space<semaphore_mem>>) src(%dma_wait3A_110 : memref<80xi32, #tpu.memory_space<hbm>>) dst(%arg14 : memref<80xi32, #tpu.memory_space<vmem>>)
    %add3A_111 = arith.constant 9840 : i32
    %add3A_112 = arith.addi %mul3A_5, %add3A_111 : i32
    %dma_wait3A_113 = tpu.memref_slice %arg4[%add3A_112] : memref<320000xi32, #tpu.memory_space<hbm>> -> memref<80xi32, #tpu.memory_space<hbm>>
    %dma_wait3A_114 = tpu.memref_slice %arg4[%add3A_112] : memref<320000xi32, #tpu.memory_space<hbm>> -> memref<80xi32, #tpu.memory_space<hbm>>
    tpu.wait_dma2 semaphore(%arg25 : memref<!tpu.dma_semaphore, #tpu.memory_space<semaphore_mem>>) src(%dma_wait3A_114 : memref<80xi32, #tpu.memory_space<hbm>>) dst(%arg18 : memref<80xi32, #tpu.memory_space<vmem>>)
    %dma_start3A_115 = arith.constant 0 : i32
    %dma_start3A_116 = arith.constant 0 : i32
    %dma_start3A_117 = tpu.memref_slice %arg2[%dma_start3A_115, %dma_start3A_116] : memref<10000x128xf32, #tpu.memory_space<hbm>> -> memref<10000x128xf32, #tpu.memory_space<hbm>>
    tpu.enqueue_indirect_dma source(%dma_start3A_117 : memref<10000x128xf32, #tpu.memory_space<hbm>>) target(%arg8 : memref<80x128xf32, #tpu.memory_space<vmem>>) offsets(%arg14 : memref<80xi32, #tpu.memory_space<vmem>>) semaphore(%arg19 : memref<!tpu.dma_semaphore, #tpu.memory_space<semaphore_mem>>)
    %dma_wait3A_118 = arith.constant 0 : i32
    %dma_wait3A_119 = arith.constant 0 : i32
    %dma_wait3A_120 = tpu.memref_slice %arg2[%dma_wait3A_118, %dma_wait3A_119] : memref<10000x128xf32, #tpu.memory_space<hbm>> -> memref<10000x128xf32, #tpu.memory_space<hbm>>
    tpu.wait_indirect_dma semaphore(%arg21 : memref<!tpu.dma_semaphore, #tpu.memory_space<semaphore_mem>>) src(%dma_wait3A_120 : memref<10000x128xf32, #tpu.memory_space<hbm>>) dst(%arg10 : memref<80x128xf32, #tpu.memory_space<vmem>>)
    %dma_start3A_121 = arith.constant 0 : i32
    %dma_start3A_122 = arith.constant 0 : i32
    %dma_start3A_123 = tpu.memref_slice %arg7[%dma_start3A_121, %dma_start3A_122] : memref<10000x128xf32, #tpu.memory_space<vmem_shared>> -> memref<10000x128xf32, #tpu.memory_space<vmem_shared>>
    tpu.enqueue_indirect_dma source(%arg10 : memref<80x128xf32, #tpu.memory_space<vmem>>) target(%dma_start3A_123 : memref<10000x128xf32, #tpu.memory_space<vmem_shared>>) offsets(%arg17 : memref<80xi32, #tpu.memory_space<vmem>>) semaphore(%arg26 : memref<!tpu.dma_semaphore, #tpu.memory_space<semaphore_mem>>) {add = true}
    %dma_wait3A_124 = arith.constant 0 : i32
    %dma_wait3A_125 = arith.constant 0 : i32
    %dma_wait3A_126 = tpu.memref_slice %arg7[%dma_wait3A_124, %dma_wait3A_125] : memref<10000x128xf32, #tpu.memory_space<vmem_shared>> -> memref<10000x128xf32, #tpu.memory_space<vmem_shared>>
    tpu.wait_indirect_dma semaphore(%arg27 : memref<!tpu.dma_semaphore, #tpu.memory_space<semaphore_mem>>) src(%arg9 : memref<80x128xf32, #tpu.memory_space<vmem>>) dst(%dma_wait3A_126 : memref<10000x128xf32, #tpu.memory_space<vmem_shared>>)
    %add3A_127 = arith.constant 9920 : i32
    %add3A_128 = arith.addi %mul3A_5, %add3A_127 : i32
    %dma_wait3A_129 = tpu.memref_slice %arg3[%add3A_128] : memref<320000xi32, #tpu.memory_space<hbm>> -> memref<80xi32, #tpu.memory_space<hbm>>
    %dma_wait3A_130 = tpu.memref_slice %arg3[%add3A_128] : memref<320000xi32, #tpu.memory_space<hbm>> -> memref<80xi32, #tpu.memory_space<hbm>>
    tpu.wait_dma2 semaphore(%arg22 : memref<!tpu.dma_semaphore, #tpu.memory_space<semaphore_mem>>) src(%dma_wait3A_130 : memref<80xi32, #tpu.memory_space<hbm>>) dst(%arg11 : memref<80xi32, #tpu.memory_space<vmem>>)
    %add3A_131 = arith.constant 9920 : i32
    %add3A_132 = arith.addi %mul3A_5, %add3A_131 : i32
    %dma_wait3A_133 = tpu.memref_slice %arg4[%add3A_132] : memref<320000xi32, #tpu.memory_space<hbm>> -> memref<80xi32, #tpu.memory_space<hbm>>
    %dma_wait3A_134 = tpu.memref_slice %arg4[%add3A_132] : memref<320000xi32, #tpu.memory_space<hbm>> -> memref<80xi32, #tpu.memory_space<hbm>>
    tpu.wait_dma2 semaphore(%arg22 : memref<!tpu.dma_semaphore, #tpu.memory_space<semaphore_mem>>) src(%dma_wait3A_134 : memref<80xi32, #tpu.memory_space<hbm>>) dst(%arg15 : memref<80xi32, #tpu.memory_space<vmem>>)
    %dma_start3A_135 = arith.constant 0 : i32
    %dma_start3A_136 = arith.constant 0 : i32
    %dma_start3A_137 = tpu.memref_slice %arg2[%dma_start3A_135, %dma_start3A_136] : memref<10000x128xf32, #tpu.memory_space<hbm>> -> memref<10000x128xf32, #tpu.memory_space<hbm>>
    tpu.enqueue_indirect_dma source(%dma_start3A_137 : memref<10000x128xf32, #tpu.memory_space<hbm>>) target(%arg9 : memref<80x128xf32, #tpu.memory_space<vmem>>) offsets(%arg11 : memref<80xi32, #tpu.memory_space<vmem>>) semaphore(%arg20 : memref<!tpu.dma_semaphore, #tpu.memory_space<semaphore_mem>>)
    %dma_wait3A_138 = arith.constant 0 : i32
    %dma_wait3A_139 = arith.constant 0 : i32
    %dma_wait3A_140 = tpu.memref_slice %arg2[%dma_wait3A_138, %dma_wait3A_139] : memref<10000x128xf32, #tpu.memory_space<hbm>> -> memref<10000x128xf32, #tpu.memory_space<hbm>>
    tpu.wait_indirect_dma semaphore(%arg19 : memref<!tpu.dma_semaphore, #tpu.memory_space<semaphore_mem>>) src(%dma_wait3A_140 : memref<10000x128xf32, #tpu.memory_space<hbm>>) dst(%arg8 : memref<80x128xf32, #tpu.memory_space<vmem>>)
    %dma_start3A_141 = arith.constant 0 : i32
    %dma_start3A_142 = arith.constant 0 : i32
    %dma_start3A_143 = tpu.memref_slice %arg7[%dma_start3A_141, %dma_start3A_142] : memref<10000x128xf32, #tpu.memory_space<vmem_shared>> -> memref<10000x128xf32, #tpu.memory_space<vmem_shared>>
    tpu.enqueue_indirect_dma source(%arg8 : memref<80x128xf32, #tpu.memory_space<vmem>>) target(%dma_start3A_143 : memref<10000x128xf32, #tpu.memory_space<vmem_shared>>) offsets(%arg18 : memref<80xi32, #tpu.memory_space<vmem>>) semaphore(%arg27 : memref<!tpu.dma_semaphore, #tpu.memory_space<semaphore_mem>>) {add = true}
    %dma_wait3A_144 = arith.constant 0 : i32
    %dma_wait3A_145 = arith.constant 0 : i32
    %dma_wait3A_146 = tpu.memref_slice %arg7[%dma_wait3A_144, %dma_wait3A_145] : memref<10000x128xf32, #tpu.memory_space<vmem_shared>> -> memref<10000x128xf32, #tpu.memory_space<vmem_shared>>
    tpu.wait_indirect_dma semaphore(%arg26 : memref<!tpu.dma_semaphore, #tpu.memory_space<semaphore_mem>>) src(%arg10 : memref<80x128xf32, #tpu.memory_space<vmem>>) dst(%dma_wait3A_146 : memref<10000x128xf32, #tpu.memory_space<vmem_shared>>)
    %dma_wait3A_147 = arith.constant 0 : i32
    %dma_wait3A_148 = arith.constant 0 : i32
    %dma_wait3A_149 = tpu.memref_slice %arg2[%dma_wait3A_147, %dma_wait3A_148] : memref<10000x128xf32, #tpu.memory_space<hbm>> -> memref<10000x128xf32, #tpu.memory_space<hbm>>
    tpu.wait_indirect_dma semaphore(%arg20 : memref<!tpu.dma_semaphore, #tpu.memory_space<semaphore_mem>>) src(%dma_wait3A_149 : memref<10000x128xf32, #tpu.memory_space<hbm>>) dst(%arg9 : memref<80x128xf32, #tpu.memory_space<vmem>>)
    %dma_start3A_150 = arith.constant 0 : i32
    %dma_start3A_151 = arith.constant 0 : i32
    %dma_start3A_152 = tpu.memref_slice %arg7[%dma_start3A_150, %dma_start3A_151] : memref<10000x128xf32, #tpu.memory_space<vmem_shared>> -> memref<10000x128xf32, #tpu.memory_space<vmem_shared>>
    tpu.enqueue_indirect_dma source(%arg9 : memref<80x128xf32, #tpu.memory_space<vmem>>) target(%dma_start3A_152 : memref<10000x128xf32, #tpu.memory_space<vmem_shared>>) offsets(%arg15 : memref<80xi32, #tpu.memory_space<vmem>>) semaphore(%arg26 : memref<!tpu.dma_semaphore, #tpu.memory_space<semaphore_mem>>) {add = true}
    %dma_wait3A_153 = arith.constant 0 : i32
    %dma_wait3A_154 = arith.constant 0 : i32
    %dma_wait3A_155 = tpu.memref_slice %arg7[%dma_wait3A_153, %dma_wait3A_154] : memref<10000x128xf32, #tpu.memory_space<vmem_shared>> -> memref<10000x128xf32, #tpu.memory_space<vmem_shared>>
    tpu.wait_indirect_dma semaphore(%arg27 : memref<!tpu.dma_semaphore, #tpu.memory_space<semaphore_mem>>) src(%arg8 : memref<80x128xf32, #tpu.memory_space<vmem>>) dst(%dma_wait3A_155 : memref<10000x128xf32, #tpu.memory_space<vmem_shared>>)
    %dma_wait3A_156 = arith.constant 0 : i32
    %dma_wait3A_157 = arith.constant 0 : i32
    %dma_wait3A_158 = tpu.memref_slice %arg7[%dma_wait3A_156, %dma_wait3A_157] : memref<10000x128xf32, #tpu.memory_space<vmem_shared>> -> memref<10000x128xf32, #tpu.memory_space<vmem_shared>>
    tpu.wait_indirect_dma semaphore(%arg26 : memref<!tpu.dma_semaphore, #tpu.memory_space<semaphore_mem>>) src(%arg9 : memref<80x128xf32, #tpu.memory_space<vmem>>) dst(%dma_wait3A_158 : memref<10000x128xf32, #tpu.memory_space<vmem_shared>>)
    %barrier3A_159 = arith.constant 0 : index
    tpu.barrier barrier_id(%barrier3A_159)
    %mul3A_160 = arith.constant 624 : i32
    %mul3A_161 = arith.muli %arg1, %mul3A_160 : i32
    "tpu.region"() ({
      %run_scoped3A = tpu.sem_alloc : memref<!tpu.dma_semaphore, #tpu.memory_space<semaphore_mem>>
      %dma_start3A_167 = arith.constant 0 : i32
      %dma_start3A_168 = tpu.memref_slice %arg6[%arg0, %mul3A_161, %dma_start3A_167] : memref<2x10000x128xf32, #tpu.memory_space<hbm>> -> memref<1x624x128xf32, #tpu.memory_space<hbm>>
      %dma_start3A_169 = tpu.memref_squeeze %dma_start3A_168 : memref<1x624x128xf32, #tpu.memory_space<hbm>> -> memref<624x128xf32, #tpu.memory_space<hbm>>
      %dma_start3A_170 = arith.constant 0 : i32
      %dma_start3A_171 = tpu.memref_slice %arg7[%mul3A_161, %dma_start3A_170] : memref<10000x128xf32, #tpu.memory_space<vmem_shared>> -> memref<624x128xf32, #tpu.memory_space<vmem_shared>>
      tpu.enqueue_dma source(%dma_start3A_171 : memref<624x128xf32, #tpu.memory_space<vmem_shared>>) target(%dma_start3A_169 : memref<624x128xf32, #tpu.memory_space<hbm>>) target_semaphore(%run_scoped3A : memref<!tpu.dma_semaphore, #tpu.memory_space<semaphore_mem>>)
      %dma_wait3A_172 = arith.constant 0 : i32
      %dma_wait3A_173 = tpu.memref_slice %arg6[%arg0, %mul3A_161, %dma_wait3A_172] : memref<2x10000x128xf32, #tpu.memory_space<hbm>> -> memref<1x624x128xf32, #tpu.memory_space<hbm>>
      %dma_wait3A_174 = tpu.memref_squeeze %dma_wait3A_173 : memref<1x624x128xf32, #tpu.memory_space<hbm>> -> memref<624x128xf32, #tpu.memory_space<hbm>>
      %dma_wait3A_175 = arith.constant 0 : i32
      %dma_wait3A_176 = tpu.memref_slice %arg7[%mul3A_161, %dma_wait3A_175] : memref<10000x128xf32, #tpu.memory_space<vmem_shared>> -> memref<624x128xf32, #tpu.memory_space<vmem_shared>>
      tpu.wait_dma2 semaphore(%run_scoped3A : memref<!tpu.dma_semaphore, #tpu.memory_space<semaphore_mem>>) src(%dma_wait3A_176 : memref<624x128xf32, #tpu.memory_space<vmem_shared>>) dst(%dma_wait3A_174 : memref<624x128xf32, #tpu.memory_space<hbm>>)
      tpu.yield
    }) : () -> ()
    %eq3A_162 = arith.constant 0 : i32
    %eq3A_163 = arith.cmpi eq, %arg1, %eq3A_162 : i32
    %convert_element_type3A_164 = arith.extui %eq3A_163 : i1 to i32
    %cond3A_165 = arith.constant 0 : i32
    %cond3A_166 = arith.cmpi ne, %convert_element_type3A_164, %cond3A_165 : i32
    scf.if %cond3A_166 {
      "tpu.region"() ({
        %run_scoped3A = tpu.sem_alloc : memref<!tpu.dma_semaphore, #tpu.memory_space<semaphore_mem>>
        %dma_start3A_167 = arith.constant 9984 : i32
        %dma_start3A_168 = arith.constant 0 : i32
        %dma_start3A_169 = tpu.memref_slice %arg6[%arg0, %dma_start3A_167, %dma_start3A_168] : memref<2x10000x128xf32, #tpu.memory_space<hbm>> -> memref<1x16x128xf32, #tpu.memory_space<hbm>>
        %dma_start3A_170 = tpu.memref_squeeze %dma_start3A_169 : memref<1x16x128xf32, #tpu.memory_space<hbm>> -> memref<16x128xf32, #tpu.memory_space<hbm>>
        %dma_start3A_171 = arith.constant 9984 : i32
        %dma_start3A_172 = arith.constant 0 : i32
        %dma_start3A_173 = tpu.memref_slice %arg7[%dma_start3A_171, %dma_start3A_172] : memref<10000x128xf32, #tpu.memory_space<vmem_shared>> -> memref<16x128xf32, #tpu.memory_space<vmem_shared>>
        tpu.enqueue_dma source(%dma_start3A_173 : memref<16x128xf32, #tpu.memory_space<vmem_shared>>) target(%dma_start3A_170 : memref<16x128xf32, #tpu.memory_space<hbm>>) target_semaphore(%run_scoped3A : memref<!tpu.dma_semaphore, #tpu.memory_space<semaphore_mem>>)
        %dma_wait3A_174 = arith.constant 9984 : i32
        %dma_wait3A_175 = arith.constant 0 : i32
        %dma_wait3A_176 = tpu.memref_slice %arg6[%arg0, %dma_wait3A_174, %dma_wait3A_175] : memref<2x10000x128xf32, #tpu.memory_space<hbm>> -> memref<1x16x128xf32, #tpu.memory_space<hbm>>
        %dma_wait3A_177 = tpu.memref_squeeze %dma_wait3A_176 : memref<1x16x128xf32, #tpu.memory_space<hbm>> -> memref<16x128xf32, #tpu.memory_space<hbm>>
        %dma_wait3A_178 = arith.constant 9984 : i32
        %dma_wait3A_179 = arith.constant 0 : i32
        %dma_wait3A_180 = tpu.memref_slice %arg7[%dma_wait3A_178, %dma_wait3A_179] : memref<10000x128xf32, #tpu.memory_space<vmem_shared>> -> memref<16x128xf32, #tpu.memory_space<vmem_shared>>
        tpu.wait_dma2 semaphore(%run_scoped3A : memref<!tpu.dma_semaphore, #tpu.memory_space<semaphore_mem>>) src(%dma_wait3A_180 : memref<16x128xf32, #tpu.memory_space<vmem_shared>>) dst(%dma_wait3A_177 : memref<16x128xf32, #tpu.memory_space<hbm>>)
        tpu.yield
      }) : () -> ()
    } else {
    }
    return
  }
}

#map = affine_map<(d0, d1) -> (0)>
#map1 = affine_map<(d0, d1) -> (0, 0, 0)>
module attributes {stable_mosaic.version = 14 : i64} {
  func.func @_sc_score_body(%arg0: i32, %arg1: i32, %arg2: memref<20000xf32, #tpu.memory_space<hbm>>, %arg3: memref<20000xf32, #tpu.memory_space<hbm>>, %arg4: memref<32x125x80xi32, #tpu.memory_space<hbm>>, %arg5: memref<32x125x80xi32, #tpu.memory_space<hbm>>, %arg6: memref<640000xf32, #tpu.memory_space<hbm>>, %arg7: memref<20000xf32, #tpu.memory_space<vmem>>, %arg8: memref<20000xf32, #tpu.memory_space<vmem>>, %arg9: memref<125x80xi32, #tpu.memory_space<vmem>>, %arg10: memref<125x80xi32, #tpu.memory_space<vmem>>, %arg11: memref<20000xf32, #tpu.memory_space<vmem>>) attributes {dimension_semantics = [#tpu.dimension_semantics<core_parallel>, #tpu.dimension_semantics<subcore_parallel>], iteration_bounds = array<i64: 2, 16>, scalar_prefetch = 0 : i64, scratch_operands = 5 : i64, tpu.core_type = #tpu.core_type<sc_vector_subcore>, window_params = [{transform_indices = #map}, {transform_indices = #map}, {transform_indices = #map1}, {transform_indices = #map1}, {transform_indices = #map}]} {
    %mul3A = arith.constant 16 : i32
    %mul3A_0 = arith.muli %arg0, %mul3A : i32
    %add3A = arith.addi %mul3A_0, %arg1 : i32
    "tpu.region"() ({
      %run_scoped3A = tpu.sem_alloc : memref<!tpu.dma_semaphore, #tpu.memory_space<semaphore_mem>>
      tpu.enqueue_dma source(%arg2 : memref<20000xf32, #tpu.memory_space<hbm>>) target(%arg7 : memref<20000xf32, #tpu.memory_space<vmem>>) target_semaphore(%run_scoped3A : memref<!tpu.dma_semaphore, #tpu.memory_space<semaphore_mem>>)
      tpu.wait_dma2 semaphore(%run_scoped3A : memref<!tpu.dma_semaphore, #tpu.memory_space<semaphore_mem>>) src(%arg2 : memref<20000xf32, #tpu.memory_space<hbm>>) dst(%arg7 : memref<20000xf32, #tpu.memory_space<vmem>>)
      tpu.yield
    }) : () -> ()
    "tpu.region"() ({
      %run_scoped3A = tpu.sem_alloc : memref<!tpu.dma_semaphore, #tpu.memory_space<semaphore_mem>>
      tpu.enqueue_dma source(%arg3 : memref<20000xf32, #tpu.memory_space<hbm>>) target(%arg8 : memref<20000xf32, #tpu.memory_space<vmem>>) target_semaphore(%run_scoped3A : memref<!tpu.dma_semaphore, #tpu.memory_space<semaphore_mem>>)
      tpu.wait_dma2 semaphore(%run_scoped3A : memref<!tpu.dma_semaphore, #tpu.memory_space<semaphore_mem>>) src(%arg3 : memref<20000xf32, #tpu.memory_space<hbm>>) dst(%arg8 : memref<20000xf32, #tpu.memory_space<vmem>>)
      tpu.yield
    }) : () -> ()
    "tpu.region"() ({
      %run_scoped3A = tpu.sem_alloc : memref<!tpu.dma_semaphore, #tpu.memory_space<semaphore_mem>>
      %dma_start3A = arith.constant 0 : i32
      %dma_start3A_10 = arith.constant 0 : i32
      %dma_start3A_11 = tpu.memref_slice %arg4[%add3A, %dma_start3A, %dma_start3A_10] : memref<32x125x80xi32, #tpu.memory_space<hbm>> -> memref<1x125x80xi32, #tpu.memory_space<hbm>>
      %dma_start3A_12 = tpu.memref_squeeze %dma_start3A_11 : memref<1x125x80xi32, #tpu.memory_space<hbm>> -> memref<125x80xi32, #tpu.memory_space<hbm>>
      %dma_start3A_13 = arith.constant 0 : i32
      %dma_start3A_14 = arith.constant 0 : i32
      %dma_start3A_15 = tpu.memref_slice %arg4[%add3A, %dma_start3A_13, %dma_start3A_14] : memref<32x125x80xi32, #tpu.memory_space<hbm>> -> memref<1x125x80xi32, #tpu.memory_space<hbm>>
      %dma_start3A_16 = tpu.memref_squeeze %dma_start3A_15 : memref<1x125x80xi32, #tpu.memory_space<hbm>> -> memref<125x80xi32, #tpu.memory_space<hbm>>
      tpu.enqueue_dma source(%dma_start3A_16 : memref<125x80xi32, #tpu.memory_space<hbm>>) target(%arg9 : memref<125x80xi32, #tpu.memory_space<vmem>>) target_semaphore(%run_scoped3A : memref<!tpu.dma_semaphore, #tpu.memory_space<semaphore_mem>>)
      %dma_wait3A = arith.constant 0 : i32
      %dma_wait3A_17 = arith.constant 0 : i32
      %dma_wait3A_18 = tpu.memref_slice %arg4[%add3A, %dma_wait3A, %dma_wait3A_17] : memref<32x125x80xi32, #tpu.memory_space<hbm>> -> memref<1x125x80xi32, #tpu.memory_space<hbm>>
      %dma_wait3A_19 = tpu.memref_squeeze %dma_wait3A_18 : memref<1x125x80xi32, #tpu.memory_space<hbm>> -> memref<125x80xi32, #tpu.memory_space<hbm>>
      %dma_wait3A_20 = arith.constant 0 : i32
      %dma_wait3A_21 = arith.constant 0 : i32
      %dma_wait3A_22 = tpu.memref_slice %arg4[%add3A, %dma_wait3A_20, %dma_wait3A_21] : memref<32x125x80xi32, #tpu.memory_space<hbm>> -> memref<1x125x80xi32, #tpu.memory_space<hbm>>
      %dma_wait3A_23 = tpu.memref_squeeze %dma_wait3A_22 : memref<1x125x80xi32, #tpu.memory_space<hbm>> -> memref<125x80xi32, #tpu.memory_space<hbm>>
      tpu.wait_dma2 semaphore(%run_scoped3A : memref<!tpu.dma_semaphore, #tpu.memory_space<semaphore_mem>>) src(%dma_wait3A_23 : memref<125x80xi32, #tpu.memory_space<hbm>>) dst(%arg9 : memref<125x80xi32, #tpu.memory_space<vmem>>)
      tpu.yield
    }) : () -> ()
    "tpu.region"() ({
      %run_scoped3A = tpu.sem_alloc : memref<!tpu.dma_semaphore, #tpu.memory_space<semaphore_mem>>
      %dma_start3A = arith.constant 0 : i32
      %dma_start3A_10 = arith.constant 0 : i32
      %dma_start3A_11 = tpu.memref_slice %arg5[%add3A, %dma_start3A, %dma_start3A_10] : memref<32x125x80xi32, #tpu.memory_space<hbm>> -> memref<1x125x80xi32, #tpu.memory_space<hbm>>
      %dma_start3A_12 = tpu.memref_squeeze %dma_start3A_11 : memref<1x125x80xi32, #tpu.memory_space<hbm>> -> memref<125x80xi32, #tpu.memory_space<hbm>>
      %dma_start3A_13 = arith.constant 0 : i32
      %dma_start3A_14 = arith.constant 0 : i32
      %dma_start3A_15 = tpu.memref_slice %arg5[%add3A, %dma_start3A_13, %dma_start3A_14] : memref<32x125x80xi32, #tpu.memory_space<hbm>> -> memref<1x125x80xi32, #tpu.memory_space<hbm>>
      %dma_start3A_16 = tpu.memref_squeeze %dma_start3A_15 : memref<1x125x80xi32, #tpu.memory_space<hbm>> -> memref<125x80xi32, #tpu.memory_space<hbm>>
      tpu.enqueue_dma source(%dma_start3A_16 : memref<125x80xi32, #tpu.memory_space<hbm>>) target(%arg10 : memref<125x80xi32, #tpu.memory_space<vmem>>) target_semaphore(%run_scoped3A : memref<!tpu.dma_semaphore, #tpu.memory_space<semaphore_mem>>)
      %dma_wait3A = arith.constant 0 : i32
      %dma_wait3A_17 = arith.constant 0 : i32
      %dma_wait3A_18 = tpu.memref_slice %arg5[%add3A, %dma_wait3A, %dma_wait3A_17] : memref<32x125x80xi32, #tpu.memory_space<hbm>> -> memref<1x125x80xi32, #tpu.memory_space<hbm>>
      %dma_wait3A_19 = tpu.memref_squeeze %dma_wait3A_18 : memref<1x125x80xi32, #tpu.memory_space<hbm>> -> memref<125x80xi32, #tpu.memory_space<hbm>>
      %dma_wait3A_20 = arith.constant 0 : i32
      %dma_wait3A_21 = arith.constant 0 : i32
      %dma_wait3A_22 = tpu.memref_slice %arg5[%add3A, %dma_wait3A_20, %dma_wait3A_21] : memref<32x125x80xi32, #tpu.memory_space<hbm>> -> memref<1x125x80xi32, #tpu.memory_space<hbm>>
      %dma_wait3A_23 = tpu.memref_squeeze %dma_wait3A_22 : memref<1x125x80xi32, #tpu.memory_space<hbm>> -> memref<125x80xi32, #tpu.memory_space<hbm>>
      tpu.wait_dma2 semaphore(%run_scoped3A : memref<!tpu.dma_semaphore, #tpu.memory_space<semaphore_mem>>) src(%dma_wait3A_23 : memref<125x80xi32, #tpu.memory_space<hbm>>) dst(%arg10 : memref<125x80xi32, #tpu.memory_space<vmem>>)
      tpu.yield
    }) : () -> ()
    %iota3A = tpu.iota {dimensions = array<i32: 0>} : vector<16xi32>
    %scan3A = arith.constant 0 : i32
    %scan3A_1 = arith.constant 0 : i32
    %scan3A_2 = arith.constant 125 : i32
    %scan3A_3 = arith.addi %scan3A_1, %scan3A_2 : i32
    %scan3A_4 = arith.constant 1 : i32
    scf.for %scan3A_10 = %scan3A_1 to %scan3A_3 step %scan3A_4  : i32 {
      %get3A = arith.index_cast %scan3A_10 : i32 to index
      %get3A_11 = arith.constant 0 : index
      %get3A_12 = tpu.vector_load %arg9[%get3A, %get3A_11] {strides = array<i32>} : memref<125x80xi32, #tpu.memory_space<vmem>>, vector<16xi32>,
      %mul3A_13 = arith.constant 2 : i32
      %mul3A_14 = vector.broadcast %mul3A_13 : i32 to vector<16xi32>
      %mul3A_15 = arith.muli %get3A_12, %mul3A_14 : vector<16xi32>
      %get3A_16 = arith.index_cast %scan3A_10 : i32 to index
      %get3A_17 = arith.constant 0 : index
      %get3A_18 = tpu.vector_load %arg10[%get3A_16, %get3A_17] {strides = array<i32>} : memref<125x80xi32, #tpu.memory_space<vmem>>, vector<16xi32>,
      %mul3A_19 = arith.constant 2 : i32
      %mul3A_20 = vector.broadcast %mul3A_19 : i32 to vector<16xi32>
      %mul3A_21 = arith.muli %get3A_18, %mul3A_20 : vector<16xi32>
      %gather3A = tpu.vector_load_idx %arg7[%mul3A_15] : memref<20000xf32, #tpu.memory_space<vmem>>[vector<16xi32>], vector<16xf32>,
      %add3A_22 = arith.constant 1 : i32
      %add3A_23 = vector.broadcast %add3A_22 : i32 to vector<16xi32>
      %add3A_24 = arith.addi %mul3A_15, %add3A_23 : vector<16xi32>
      %gather3A_25 = tpu.vector_load_idx %arg7[%add3A_24] : memref<20000xf32, #tpu.memory_space<vmem>>[vector<16xi32>], vector<16xf32>,
      %gather3A_26 = tpu.vector_load_idx %arg8[%mul3A_21] : memref<20000xf32, #tpu.memory_space<vmem>>[vector<16xi32>], vector<16xf32>,
      %add3A_27 = arith.constant 1 : i32
      %add3A_28 = vector.broadcast %add3A_27 : i32 to vector<16xi32>
      %add3A_29 = arith.addi %mul3A_21, %add3A_28 : vector<16xi32>
      %gather3A_30 = tpu.vector_load_idx %arg8[%add3A_29] : memref<20000xf32, #tpu.memory_space<vmem>>[vector<16xi32>], vector<16xf32>,
      %mul3A_31 = arith.constant 80 : i32
      %mul3A_32 = arith.muli %scan3A_10, %mul3A_31 : i32
      %add3A_33 = vector.broadcast %mul3A_32 : i32 to vector<16xi32>
      %add3A_34 = arith.addi %iota3A, %add3A_33 : vector<16xi32>
      %add3A_35 = arith.constant 0 : i32
      %add3A_36 = vector.broadcast %add3A_35 : i32 to vector<16xi32>
      %add3A_37 = arith.addi %add3A_34, %add3A_36 : vector<16xi32>
      %mul3A_38 = arith.constant 2 : i32
      %mul3A_39 = vector.broadcast %mul3A_38 : i32 to vector<16xi32>
      %mul3A_40 = arith.muli %add3A_37, %mul3A_39 : vector<16xi32>
      %add3A_41 = arith.addf %gather3A, %gather3A_26 : vector<16xf32>
      tpu.vector_store_idx %arg11[%mul3A_40], %add3A_41 : memref<20000xf32, #tpu.memory_space<vmem>>[vector<16xi32>], vector<16xf32>,
      %add3A_42 = arith.constant 1 : i32
      %add3A_43 = vector.broadcast %add3A_42 : i32 to vector<16xi32>
      %add3A_44 = arith.addi %mul3A_40, %add3A_43 : vector<16xi32>
      %add3A_45 = arith.addf %gather3A_25, %gather3A_30 : vector<16xf32>
      tpu.vector_store_idx %arg11[%add3A_44], %add3A_45 : memref<20000xf32, #tpu.memory_space<vmem>>[vector<16xi32>], vector<16xf32>,
      %get3A_46 = arith.index_cast %scan3A_10 : i32 to index
      %get3A_47 = arith.constant 16 : index
      %get3A_48 = tpu.vector_load %arg9[%get3A_46, %get3A_47] {strides = array<i32>} : memref<125x80xi32, #tpu.memory_space<vmem>>, vector<16xi32>,
      %mul3A_49 = arith.constant 2 : i32
      %mul3A_50 = vector.broadcast %mul3A_49 : i32 to vector<16xi32>
      %mul3A_51 = arith.muli %get3A_48, %mul3A_50 : vector<16xi32>
      %get3A_52 = arith.index_cast %scan3A_10 : i32 to index
      %get3A_53 = arith.constant 16 : index
      %get3A_54 = tpu.vector_load %arg10[%get3A_52, %get3A_53] {strides = array<i32>} : memref<125x80xi32, #tpu.memory_space<vmem>>, vector<16xi32>,
      %mul3A_55 = arith.constant 2 : i32
      %mul3A_56 = vector.broadcast %mul3A_55 : i32 to vector<16xi32>
      %mul3A_57 = arith.muli %get3A_54, %mul3A_56 : vector<16xi32>
      %gather3A_58 = tpu.vector_load_idx %arg7[%mul3A_51] : memref<20000xf32, #tpu.memory_space<vmem>>[vector<16xi32>], vector<16xf32>,
      %add3A_59 = arith.constant 1 : i32
      %add3A_60 = vector.broadcast %add3A_59 : i32 to vector<16xi32>
      %add3A_61 = arith.addi %mul3A_51, %add3A_60 : vector<16xi32>
      %gather3A_62 = tpu.vector_load_idx %arg7[%add3A_61] : memref<20000xf32, #tpu.memory_space<vmem>>[vector<16xi32>], vector<16xf32>,
      %gather3A_63 = tpu.vector_load_idx %arg8[%mul3A_57] : memref<20000xf32, #tpu.memory_space<vmem>>[vector<16xi32>], vector<16xf32>,
      %add3A_64 = arith.constant 1 : i32
      %add3A_65 = vector.broadcast %add3A_64 : i32 to vector<16xi32>
      %add3A_66 = arith.addi %mul3A_57, %add3A_65 : vector<16xi32>
      %gather3A_67 = tpu.vector_load_idx %arg8[%add3A_66] : memref<20000xf32, #tpu.memory_space<vmem>>[vector<16xi32>], vector<16xf32>,
      %mul3A_68 = arith.constant 80 : i32
      %mul3A_69 = arith.muli %scan3A_10, %mul3A_68 : i32
      %add3A_70 = vector.broadcast %mul3A_69 : i32 to vector<16xi32>
      %add3A_71 = arith.addi %iota3A, %add3A_70 : vector<16xi32>
      %add3A_72 = arith.constant 16 : i32
      %add3A_73 = vector.broadcast %add3A_72 : i32 to vector<16xi32>
      %add3A_74 = arith.addi %add3A_71, %add3A_73 : vector<16xi32>
      %mul3A_75 = arith.constant 2 : i32
      %mul3A_76 = vector.broadcast %mul3A_75 : i32 to vector<16xi32>
      %mul3A_77 = arith.muli %add3A_74, %mul3A_76 : vector<16xi32>
      %add3A_78 = arith.addf %gather3A_58, %gather3A_63 : vector<16xf32>
      tpu.vector_store_idx %arg11[%mul3A_77], %add3A_78 : memref<20000xf32, #tpu.memory_space<vmem>>[vector<16xi32>], vector<16xf32>,
      %add3A_79 = arith.constant 1 : i32
      %add3A_80 = vector.broadcast %add3A_79 : i32 to vector<16xi32>
      %add3A_81 = arith.addi %mul3A_77, %add3A_80 : vector<16xi32>
      %add3A_82 = arith.addf %gather3A_62, %gather3A_67 : vector<16xf32>
      tpu.vector_store_idx %arg11[%add3A_81], %add3A_82 : memref<20000xf32, #tpu.memory_space<vmem>>[vector<16xi32>], vector<16xf32>,
      %get3A_83 = arith.index_cast %scan3A_10 : i32 to index
      %get3A_84 = arith.constant 32 : index
      %get3A_85 = tpu.vector_load %arg9[%get3A_83, %get3A_84] {strides = array<i32>} : memref<125x80xi32, #tpu.memory_space<vmem>>, vector<16xi32>,
      %mul3A_86 = arith.constant 2 : i32
      %mul3A_87 = vector.broadcast %mul3A_86 : i32 to vector<16xi32>
      %mul3A_88 = arith.muli %get3A_85, %mul3A_87 : vector<16xi32>
      %get3A_89 = arith.index_cast %scan3A_10 : i32 to index
      %get3A_90 = arith.constant 32 : index
      %get3A_91 = tpu.vector_load %arg10[%get3A_89, %get3A_90] {strides = array<i32>} : memref<125x80xi32, #tpu.memory_space<vmem>>, vector<16xi32>,
      %mul3A_92 = arith.constant 2 : i32
      %mul3A_93 = vector.broadcast %mul3A_92 : i32 to vector<16xi32>
      %mul3A_94 = arith.muli %get3A_91, %mul3A_93 : vector<16xi32>
      %gather3A_95 = tpu.vector_load_idx %arg7[%mul3A_88] : memref<20000xf32, #tpu.memory_space<vmem>>[vector<16xi32>], vector<16xf32>,
      %add3A_96 = arith.constant 1 : i32
      %add3A_97 = vector.broadcast %add3A_96 : i32 to vector<16xi32>
      %add3A_98 = arith.addi %mul3A_88, %add3A_97 : vector<16xi32>
      %gather3A_99 = tpu.vector_load_idx %arg7[%add3A_98] : memref<20000xf32, #tpu.memory_space<vmem>>[vector<16xi32>], vector<16xf32>,
      %gather3A_100 = tpu.vector_load_idx %arg8[%mul3A_94] : memref<20000xf32, #tpu.memory_space<vmem>>[vector<16xi32>], vector<16xf32>,
      %add3A_101 = arith.constant 1 : i32
      %add3A_102 = vector.broadcast %add3A_101 : i32 to vector<16xi32>
      %add3A_103 = arith.addi %mul3A_94, %add3A_102 : vector<16xi32>
      %gather3A_104 = tpu.vector_load_idx %arg8[%add3A_103] : memref<20000xf32, #tpu.memory_space<vmem>>[vector<16xi32>], vector<16xf32>,
      %mul3A_105 = arith.constant 80 : i32
      %mul3A_106 = arith.muli %scan3A_10, %mul3A_105 : i32
      %add3A_107 = vector.broadcast %mul3A_106 : i32 to vector<16xi32>
      %add3A_108 = arith.addi %iota3A, %add3A_107 : vector<16xi32>
      %add3A_109 = arith.constant 32 : i32
      %add3A_110 = vector.broadcast %add3A_109 : i32 to vector<16xi32>
      %add3A_111 = arith.addi %add3A_108, %add3A_110 : vector<16xi32>
      %mul3A_112 = arith.constant 2 : i32
      %mul3A_113 = vector.broadcast %mul3A_112 : i32 to vector<16xi32>
      %mul3A_114 = arith.muli %add3A_111, %mul3A_113 : vector<16xi32>
      %add3A_115 = arith.addf %gather3A_95, %gather3A_100 : vector<16xf32>
      tpu.vector_store_idx %arg11[%mul3A_114], %add3A_115 : memref<20000xf32, #tpu.memory_space<vmem>>[vector<16xi32>], vector<16xf32>,
      %add3A_116 = arith.constant 1 : i32
      %add3A_117 = vector.broadcast %add3A_116 : i32 to vector<16xi32>
      %add3A_118 = arith.addi %mul3A_114, %add3A_117 : vector<16xi32>
      %add3A_119 = arith.addf %gather3A_99, %gather3A_104 : vector<16xf32>
      tpu.vector_store_idx %arg11[%add3A_118], %add3A_119 : memref<20000xf32, #tpu.memory_space<vmem>>[vector<16xi32>], vector<16xf32>,
      %get3A_120 = arith.index_cast %scan3A_10 : i32 to index
      %get3A_121 = arith.constant 48 : index
      %get3A_122 = tpu.vector_load %arg9[%get3A_120, %get3A_121] {strides = array<i32>} : memref<125x80xi32, #tpu.memory_space<vmem>>, vector<16xi32>,
      %mul3A_123 = arith.constant 2 : i32
      %mul3A_124 = vector.broadcast %mul3A_123 : i32 to vector<16xi32>
      %mul3A_125 = arith.muli %get3A_122, %mul3A_124 : vector<16xi32>
      %get3A_126 = arith.index_cast %scan3A_10 : i32 to index
      %get3A_127 = arith.constant 48 : index
      %get3A_128 = tpu.vector_load %arg10[%get3A_126, %get3A_127] {strides = array<i32>} : memref<125x80xi32, #tpu.memory_space<vmem>>, vector<16xi32>,
      %mul3A_129 = arith.constant 2 : i32
      %mul3A_130 = vector.broadcast %mul3A_129 : i32 to vector<16xi32>
      %mul3A_131 = arith.muli %get3A_128, %mul3A_130 : vector<16xi32>
      %gather3A_132 = tpu.vector_load_idx %arg7[%mul3A_125] : memref<20000xf32, #tpu.memory_space<vmem>>[vector<16xi32>], vector<16xf32>,
      %add3A_133 = arith.constant 1 : i32
      %add3A_134 = vector.broadcast %add3A_133 : i32 to vector<16xi32>
      %add3A_135 = arith.addi %mul3A_125, %add3A_134 : vector<16xi32>
      %gather3A_136 = tpu.vector_load_idx %arg7[%add3A_135] : memref<20000xf32, #tpu.memory_space<vmem>>[vector<16xi32>], vector<16xf32>,
      %gather3A_137 = tpu.vector_load_idx %arg8[%mul3A_131] : memref<20000xf32, #tpu.memory_space<vmem>>[vector<16xi32>], vector<16xf32>,
      %add3A_138 = arith.constant 1 : i32
      %add3A_139 = vector.broadcast %add3A_138 : i32 to vector<16xi32>
      %add3A_140 = arith.addi %mul3A_131, %add3A_139 : vector<16xi32>
      %gather3A_141 = tpu.vector_load_idx %arg8[%add3A_140] : memref<20000xf32, #tpu.memory_space<vmem>>[vector<16xi32>], vector<16xf32>,
      %mul3A_142 = arith.constant 80 : i32
      %mul3A_143 = arith.muli %scan3A_10, %mul3A_142 : i32
      %add3A_144 = vector.broadcast %mul3A_143 : i32 to vector<16xi32>
      %add3A_145 = arith.addi %iota3A, %add3A_144 : vector<16xi32>
      %add3A_146 = arith.constant 48 : i32
      %add3A_147 = vector.broadcast %add3A_146 : i32 to vector<16xi32>
      %add3A_148 = arith.addi %add3A_145, %add3A_147 : vector<16xi32>
      %mul3A_149 = arith.constant 2 : i32
      %mul3A_150 = vector.broadcast %mul3A_149 : i32 to vector<16xi32>
      %mul3A_151 = arith.muli %add3A_148, %mul3A_150 : vector<16xi32>
      %add3A_152 = arith.addf %gather3A_132, %gather3A_137 : vector<16xf32>
      tpu.vector_store_idx %arg11[%mul3A_151], %add3A_152 : memref<20000xf32, #tpu.memory_space<vmem>>[vector<16xi32>], vector<16xf32>,
      %add3A_153 = arith.constant 1 : i32
      %add3A_154 = vector.broadcast %add3A_153 : i32 to vector<16xi32>
      %add3A_155 = arith.addi %mul3A_151, %add3A_154 : vector<16xi32>
      %add3A_156 = arith.addf %gather3A_136, %gather3A_141 : vector<16xf32>
      tpu.vector_store_idx %arg11[%add3A_155], %add3A_156 : memref<20000xf32, #tpu.memory_space<vmem>>[vector<16xi32>], vector<16xf32>,
      %get3A_157 = arith.index_cast %scan3A_10 : i32 to index
      %get3A_158 = arith.constant 64 : index
      %get3A_159 = tpu.vector_load %arg9[%get3A_157, %get3A_158] {strides = array<i32>} : memref<125x80xi32, #tpu.memory_space<vmem>>, vector<16xi32>,
      %mul3A_160 = arith.constant 2 : i32
      %mul3A_161 = vector.broadcast %mul3A_160 : i32 to vector<16xi32>
      %mul3A_162 = arith.muli %get3A_159, %mul3A_161 : vector<16xi32>
      %get3A_163 = arith.index_cast %scan3A_10 : i32 to index
      %get3A_164 = arith.constant 64 : index
      %get3A_165 = tpu.vector_load %arg10[%get3A_163, %get3A_164] {strides = array<i32>} : memref<125x80xi32, #tpu.memory_space<vmem>>, vector<16xi32>,
      %mul3A_166 = arith.constant 2 : i32
      %mul3A_167 = vector.broadcast %mul3A_166 : i32 to vector<16xi32>
      %mul3A_168 = arith.muli %get3A_165, %mul3A_167 : vector<16xi32>
      %gather3A_169 = tpu.vector_load_idx %arg7[%mul3A_162] : memref<20000xf32, #tpu.memory_space<vmem>>[vector<16xi32>], vector<16xf32>,
      %add3A_170 = arith.constant 1 : i32
      %add3A_171 = vector.broadcast %add3A_170 : i32 to vector<16xi32>
      %add3A_172 = arith.addi %mul3A_162, %add3A_171 : vector<16xi32>
      %gather3A_173 = tpu.vector_load_idx %arg7[%add3A_172] : memref<20000xf32, #tpu.memory_space<vmem>>[vector<16xi32>], vector<16xf32>,
      %gather3A_174 = tpu.vector_load_idx %arg8[%mul3A_168] : memref<20000xf32, #tpu.memory_space<vmem>>[vector<16xi32>], vector<16xf32>,
      %add3A_175 = arith.constant 1 : i32
      %add3A_176 = vector.broadcast %add3A_175 : i32 to vector<16xi32>
      %add3A_177 = arith.addi %mul3A_168, %add3A_176 : vector<16xi32>
      %gather3A_178 = tpu.vector_load_idx %arg8[%add3A_177] : memref<20000xf32, #tpu.memory_space<vmem>>[vector<16xi32>], vector<16xf32>,
      %mul3A_179 = arith.constant 80 : i32
      %mul3A_180 = arith.muli %scan3A_10, %mul3A_179 : i32
      %add3A_181 = vector.broadcast %mul3A_180 : i32 to vector<16xi32>
      %add3A_182 = arith.addi %iota3A, %add3A_181 : vector<16xi32>
      %add3A_183 = arith.constant 64 : i32
      %add3A_184 = vector.broadcast %add3A_183 : i32 to vector<16xi32>
      %add3A_185 = arith.addi %add3A_182, %add3A_184 : vector<16xi32>
      %mul3A_186 = arith.constant 2 : i32
      %mul3A_187 = vector.broadcast %mul3A_186 : i32 to vector<16xi32>
      %mul3A_188 = arith.muli %add3A_185, %mul3A_187 : vector<16xi32>
      %add3A_189 = arith.addf %gather3A_169, %gather3A_174 : vector<16xf32>
      tpu.vector_store_idx %arg11[%mul3A_188], %add3A_189 : memref<20000xf32, #tpu.memory_space<vmem>>[vector<16xi32>], vector<16xf32>,
      %add3A_190 = arith.constant 1 : i32
      %add3A_191 = vector.broadcast %add3A_190 : i32 to vector<16xi32>
      %add3A_192 = arith.addi %mul3A_188, %add3A_191 : vector<16xi32>
      %add3A_193 = arith.addf %gather3A_173, %gather3A_178 : vector<16xf32>
      tpu.vector_store_idx %arg11[%add3A_192], %add3A_193 : memref<20000xf32, #tpu.memory_space<vmem>>[vector<16xi32>], vector<16xf32>,
    }
    %scan3A_5 = arith.constant 125 : i32
    %mul3A_6 = arith.constant 2 : i32
    %mul3A_7 = arith.muli %add3A, %mul3A_6 : i32
    %mul3A_8 = arith.constant 10000 : i32
    %mul3A_9 = arith.muli %mul3A_7, %mul3A_8 : i32
    "tpu.region"() ({
      %run_scoped3A = tpu.sem_alloc : memref<!tpu.dma_semaphore, #tpu.memory_space<semaphore_mem>>
      %dma_start3A = tpu.memref_slice %arg6[%mul3A_9] : memref<640000xf32, #tpu.memory_space<hbm>> -> memref<20000xf32, #tpu.memory_space<hbm>>
      %dma_start3A_10 = tpu.memref_slice %arg6[%mul3A_9] : memref<640000xf32, #tpu.memory_space<hbm>> -> memref<20000xf32, #tpu.memory_space<hbm>>
      tpu.enqueue_dma source(%arg11 : memref<20000xf32, #tpu.memory_space<vmem>>) target(%dma_start3A_10 : memref<20000xf32, #tpu.memory_space<hbm>>) target_semaphore(%run_scoped3A : memref<!tpu.dma_semaphore, #tpu.memory_space<semaphore_mem>>)
      %dma_wait3A = tpu.memref_slice %arg6[%mul3A_9] : memref<640000xf32, #tpu.memory_space<hbm>> -> memref<20000xf32, #tpu.memory_space<hbm>>
      %dma_wait3A_11 = tpu.memref_slice %arg6[%mul3A_9] : memref<640000xf32, #tpu.memory_space<hbm>> -> memref<20000xf32, #tpu.memory_space<hbm>>
      tpu.wait_dma2 semaphore(%run_scoped3A : memref<!tpu.dma_semaphore, #tpu.memory_space<semaphore_mem>>) src(%arg11 : memref<20000xf32, #tpu.memory_space<vmem>>) dst(%dma_wait3A_11 : memref<20000xf32, #tpu.memory_space<hbm>>)
      tpu.yield
    }) : () -> ()
    return
  }
}

module attributes {stable_mosaic.version = 14 : i64} {
  func.func @_tc_layer1_body(%arg0: i32, %arg1: memref<1000x128xf32, #tpu.memory_space<vmem>>, %arg2: memref<1000x128xf32, #tpu.memory_space<vmem>>, %arg3: memref<1000x128xf32, #tpu.memory_space<vmem>>, %arg4: memref<1000x32xf32, #tpu.memory_space<vmem>>, %arg5: memref<128x256xf32, #tpu.memory_space<vmem>>, %arg6: memref<128x256xf32, #tpu.memory_space<vmem>>, %arg7: memref<1x256xf32, #tpu.memory_space<vmem>>, %arg8: memref<256x128xf32, #tpu.memory_space<vmem>>, %arg9: memref<1000x256xf32, #tpu.memory_space<vmem>>, %arg10: memref<1000x128xf32, #tpu.memory_space<vmem>>, %arg11: memref<1000x1xf32, #tpu.memory_space<vmem>>) attributes {dimension_semantics = [#tpu.dimension_semantics<arbitrary>], iteration_bounds = array<i64: 10>, scalar_prefetch = 0 : i64, scratch_operands = 0 : i64, tpu.core_type = #tpu.core_type<tc>, window_params = [{transform_indices = @transform_0, window_bounds = array<i64: 1000, 128>}, {transform_indices = @transform_1, window_bounds = array<i64: 1000, 128>}, {transform_indices = @transform_2, window_bounds = array<i64: 1000, 128>}, {transform_indices = @transform_3, window_bounds = array<i64: 1000, 32>}, {pipeline_mode = #tpu.pipeline_mode<synchronous>, transform_indices = @transform_4, window_bounds = array<i64: 128, 256>}, {pipeline_mode = #tpu.pipeline_mode<synchronous>, transform_indices = @transform_5, window_bounds = array<i64: 128, 256>}, {pipeline_mode = #tpu.pipeline_mode<synchronous>, transform_indices = @transform_6, window_bounds = array<i64: 1, 256>}, {pipeline_mode = #tpu.pipeline_mode<synchronous>, transform_indices = @transform_7, window_bounds = array<i64: 256, 128>}, {transform_indices = @transform_8, window_bounds = array<i64: 1000, 256>}, {transform_indices = @transform_9, window_bounds = array<i64: 1000, 128>}, {transform_indices = @transform_10, window_bounds = array<i64: 1000, 1>}]} {
    %get3A = arith.constant 0 : index
    %get3A_0 = arith.constant 0 : index
    %get3A_1 = vector.load %arg4[%get3A, %get3A_0] : memref<1000x32xf32, #tpu.memory_space<vmem>>, vector<1000x32xf32>
    %reduce_sum3A = arith.constant dense<0.000000e+00> : vector<1000xf32>
    %reduce_sum3A_2 = vector.multi_reduction <add>, %get3A_1, %reduce_sum3A [1] : vector<1000x32xf32> to vector<1000xf32>
    %broadcast_in_dim3A = vector.shape_cast %reduce_sum3A_2 : vector<1000xf32> to vector<1000x1xf32>
    %max3A = arith.constant 1.000000e+00 : f32
    %max3A_3 = vector.broadcast %max3A : f32 to vector<1000x1xf32>
    %max3A_4 = arith.maximumf %broadcast_in_dim3A, %max3A_3 : vector<1000x1xf32>
    %div3A = arith.constant 1.000000e+00 : f32
    %div3A_5 = vector.broadcast %div3A : f32 to vector<1000x1xf32>
    %div3A_6 = arith.divf %div3A_5, %max3A_4 : vector<1000x1xf32>
    %get3A_7 = arith.constant 0 : index
    %get3A_8 = arith.constant 0 : index
    %get3A_9 = vector.load %arg2[%get3A_7, %get3A_8] : memref<1000x128xf32, #tpu.memory_space<vmem>>, vector<1000x128xf32>
    %get3A_10 = arith.constant 0 : index
    %get3A_11 = arith.constant 0 : index
    %get3A_12 = vector.load %arg3[%get3A_10, %get3A_11] : memref<1000x128xf32, #tpu.memory_space<vmem>>, vector<1000x128xf32>
    %add3A = arith.addf %get3A_9, %get3A_12 : vector<1000x128xf32>
    %mul3A = vector.broadcast %div3A_6 : vector<1000x1xf32> to vector<1000x128xf32>
    %mul3A_13 = arith.mulf %add3A, %mul3A : vector<1000x128xf32>
    %get3A_14 = arith.constant 0 : index
    %get3A_15 = arith.constant 0 : index
    %get3A_16 = vector.load %arg1[%get3A_14, %get3A_15] : memref<1000x128xf32, #tpu.memory_space<vmem>>, vector<1000x128xf32>
    %get3A_17 = arith.constant 0 : index
    %get3A_18 = arith.constant 0 : index
    %get3A_19 = vector.load %arg5[%get3A_17, %get3A_18] : memref<128x256xf32, #tpu.memory_space<vmem>>, vector<128x256xf32>
    %dot_general3A = arith.constant dense<0.000000e+00> : vector<1000x256xf32>
    %dot_general3A_20 = tpu.matmul %get3A_16, %get3A_19, %dot_general3A {dimension_numbers = #tpu.dot_dimension_numbers<[1], [0], [0], [1], [0, 0, 1, 1], [], []>, transpose_lhs_hint = false} : vector<1000x128xf32>, vector<128x256xf32>, vector<1000x256xf32> -> vector<1000x256xf32>
    %get3A_21 = arith.constant 0 : index
    %get3A_22 = arith.constant 0 : index
    %get3A_23 = vector.load %arg6[%get3A_21, %get3A_22] : memref<128x256xf32, #tpu.memory_space<vmem>>, vector<128x256xf32>
    %dot_general3A_24 = arith.constant dense<0.000000e+00> : vector<1000x256xf32>
    %dot_general3A_25 = tpu.matmul %mul3A_13, %get3A_23, %dot_general3A_24 {dimension_numbers = #tpu.dot_dimension_numbers<[1], [0], [0], [1], [0, 0, 1, 1], [], []>, transpose_lhs_hint = false} : vector<1000x128xf32>, vector<128x256xf32>, vector<1000x256xf32> -> vector<1000x256xf32>
    %add3A_26 = arith.addf %dot_general3A_20, %dot_general3A_25 : vector<1000x256xf32>
    %get3A_27 = arith.constant 0 : index
    %get3A_28 = arith.constant 0 : index
    %get3A_29 = vector.load %arg7[%get3A_27, %get3A_28] : memref<1x256xf32, #tpu.memory_space<vmem>>, vector<1x256xf32>
    %add3A_30 = vector.broadcast %get3A_29 : vector<1x256xf32> to vector<1000x256xf32>
    %add3A_31 = arith.addf %add3A_26, %add3A_30 : vector<1000x256xf32>
    %max3A_32 = arith.constant 0.000000e+00 : f32
    %max3A_33 = vector.broadcast %max3A_32 : f32 to vector<1000x256xf32>
    %max3A_34 = arith.maximumf %add3A_31, %max3A_33 : vector<1000x256xf32>
    %swap3A = arith.constant 0 : index
    %swap3A_35 = arith.constant 0 : index
    %swap3A_36 = vector.load %arg9[%swap3A, %swap3A_35] : memref<1000x256xf32, #tpu.memory_space<vmem>>, vector<1000x256xf32>
    tpu.vector_store %arg9[%swap3A, %swap3A_35], %max3A_34 {strides = array<i32>} : memref<1000x256xf32, #tpu.memory_space<vmem>>, vector<1000x256xf32>,
    %get3A_37 = arith.constant 0 : index
    %get3A_38 = arith.constant 0 : index
    %get3A_39 = vector.load %arg8[%get3A_37, %get3A_38] : memref<256x128xf32, #tpu.memory_space<vmem>>, vector<256x128xf32>
    %dot_general3A_40 = arith.constant dense<0.000000e+00> : vector<1000x128xf32>
    %dot_general3A_41 = tpu.matmul %max3A_34, %get3A_39, %dot_general3A_40 {dimension_numbers = #tpu.dot_dimension_numbers<[1], [0], [0], [1], [0, 0, 1, 1], [], []>, transpose_lhs_hint = false} : vector<1000x256xf32>, vector<256x128xf32>, vector<1000x128xf32> -> vector<1000x128xf32>
    %swap3A_42 = arith.constant 0 : index
    %swap3A_43 = arith.constant 0 : index
    %swap3A_44 = vector.load %arg10[%swap3A_42, %swap3A_43] : memref<1000x128xf32, #tpu.memory_space<vmem>>, vector<1000x128xf32>
    tpu.vector_store %arg10[%swap3A_42, %swap3A_43], %dot_general3A_41 {strides = array<i32>} : memref<1000x128xf32, #tpu.memory_space<vmem>>, vector<1000x128xf32>,
    %swap3A_45 = arith.constant 0 : index
    %swap3A_46 = arith.constant 0 : index
    %swap3A_47 = vector.load %arg11[%swap3A_45, %swap3A_46] : memref<1000x1xf32, #tpu.memory_space<vmem>>, vector<1000x1xf32>
    tpu.vector_store %arg11[%swap3A_45, %swap3A_46], %div3A_6 {strides = array<i32>} : memref<1000x1xf32, #tpu.memory_space<vmem>>, vector<1000x1xf32>,
    return
  }
  func.func @transform_0(%arg0: i32) -> (i32, i32) {
    %c0_i32 = arith.constant 0 : i32
    %c0_i32_0 = arith.constant 0 : i32
    return %arg0, %c0_i32 : i32, i32
  }
  func.func @transform_1(%arg0: i32) -> (i32, i32) {
    %c0_i32 = arith.constant 0 : i32
    %c0_i32_0 = arith.constant 0 : i32
    return %arg0, %c0_i32 : i32, i32
  }
  func.func @transform_2(%arg0: i32) -> (i32, i32) {
    %c0_i32 = arith.constant 0 : i32
    %c0_i32_0 = arith.constant 0 : i32
    return %arg0, %c0_i32 : i32, i32
  }
  func.func @transform_3(%arg0: i32) -> (i32, i32) {
    %c0_i32 = arith.constant 0 : i32
    %c0_i32_0 = arith.constant 0 : i32
    return %arg0, %c0_i32 : i32, i32
  }
  func.func @transform_4(%arg0: i32) -> (i32, i32) {
    %c0_i32 = arith.constant 0 : i32
    %c0_i32_0 = arith.constant 0 : i32
    %c0_i32_1 = arith.constant 0 : i32
    return %c0_i32, %c0_i32_0 : i32, i32
  }
  func.func @transform_5(%arg0: i32) -> (i32, i32) {
    %c0_i32 = arith.constant 0 : i32
    %c0_i32_0 = arith.constant 0 : i32
    %c0_i32_1 = arith.constant 0 : i32
    return %c0_i32, %c0_i32_0 : i32, i32
  }
  func.func @transform_6(%arg0: i32) -> (i32, i32) {
    %c0_i32 = arith.constant 0 : i32
    %c0_i32_0 = arith.constant 0 : i32
    %c0_i32_1 = arith.constant 0 : i32
    return %c0_i32, %c0_i32_0 : i32, i32
  }
  func.func @transform_7(%arg0: i32) -> (i32, i32) {
    %c0_i32 = arith.constant 0 : i32
    %c0_i32_0 = arith.constant 0 : i32
    %c0_i32_1 = arith.constant 0 : i32
    return %c0_i32, %c0_i32_0 : i32, i32
  }
  func.func @transform_8(%arg0: i32) -> (i32, i32) {
    %c0_i32 = arith.constant 0 : i32
    %c0_i32_0 = arith.constant 0 : i32
    return %arg0, %c0_i32 : i32, i32
  }
  func.func @transform_9(%arg0: i32) -> (i32, i32) {
    %c0_i32 = arith.constant 0 : i32
    %c0_i32_0 = arith.constant 0 : i32
    return %arg0, %c0_i32 : i32, i32
  }
  func.func @transform_10(%arg0: i32) -> (i32, i32) {
    %c0_i32 = arith.constant 0 : i32
    %c0_i32_0 = arith.constant 0 : i32
    return %arg0, %c0_i32 : i32, i32
  }
}

module attributes {stable_mosaic.version = 14 : i64} {
  func.func @_tc_layer2_body(%arg0: i32, %arg1: memref<1000x256xf32, #tpu.memory_space<vmem>>, %arg2: memref<1000x128xf32, #tpu.memory_space<vmem>>, %arg3: memref<1000x128xf32, #tpu.memory_space<vmem>>, %arg4: memref<1000x1xf32, #tpu.memory_space<vmem>>, %arg5: memref<256x128xf32, #tpu.memory_space<vmem>>, %arg6: memref<1x128xf32, #tpu.memory_space<vmem>>, %arg7: memref<128x2xf32, #tpu.memory_space<vmem>>, %arg8: memref<128x2xf32, #tpu.memory_space<vmem>>, %arg9: memref<1x2xf32, #tpu.memory_space<vmem>>, %arg10: memref<1000x2xf32, #tpu.memory_space<vmem>>, %arg11: memref<1000x2xf32, #tpu.memory_space<vmem>>) attributes {dimension_semantics = [#tpu.dimension_semantics<arbitrary>], iteration_bounds = array<i64: 10>, scalar_prefetch = 0 : i64, scratch_operands = 0 : i64, tpu.core_type = #tpu.core_type<tc>, window_params = [{transform_indices = @transform_0, window_bounds = array<i64: 1000, 256>}, {transform_indices = @transform_1, window_bounds = array<i64: 1000, 128>}, {transform_indices = @transform_2, window_bounds = array<i64: 1000, 128>}, {transform_indices = @transform_3, window_bounds = array<i64: 1000, 1>}, {pipeline_mode = #tpu.pipeline_mode<synchronous>, transform_indices = @transform_4, window_bounds = array<i64: 256, 128>}, {pipeline_mode = #tpu.pipeline_mode<synchronous>, transform_indices = @transform_5, window_bounds = array<i64: 1, 128>}, {pipeline_mode = #tpu.pipeline_mode<synchronous>, transform_indices = @transform_6, window_bounds = array<i64: 128, 2>}, {pipeline_mode = #tpu.pipeline_mode<synchronous>, transform_indices = @transform_7, window_bounds = array<i64: 128, 2>}, {pipeline_mode = #tpu.pipeline_mode<synchronous>, transform_indices = @transform_8, window_bounds = array<i64: 1, 2>}, {transform_indices = @transform_9, window_bounds = array<i64: 1000, 2>}, {transform_indices = @transform_10, window_bounds = array<i64: 1000, 2>}]} {
    %get3A = arith.constant 0 : index
    %get3A_0 = arith.constant 0 : index
    %get3A_1 = vector.load %arg1[%get3A, %get3A_0] : memref<1000x256xf32, #tpu.memory_space<vmem>>, vector<1000x256xf32>
    %get3A_2 = arith.constant 0 : index
    %get3A_3 = arith.constant 0 : index
    %get3A_4 = vector.load %arg5[%get3A_2, %get3A_3] : memref<256x128xf32, #tpu.memory_space<vmem>>, vector<256x128xf32>
    %dot_general3A = arith.constant dense<0.000000e+00> : vector<1000x128xf32>
    %dot_general3A_5 = tpu.matmul %get3A_1, %get3A_4, %dot_general3A {dimension_numbers = #tpu.dot_dimension_numbers<[1], [0], [0], [1], [0, 0, 1, 1], [], []>, transpose_lhs_hint = false} : vector<1000x256xf32>, vector<256x128xf32>, vector<1000x128xf32> -> vector<1000x128xf32>
    %get3A_6 = arith.constant 0 : index
    %get3A_7 = arith.constant 0 : index
    %get3A_8 = vector.load %arg2[%get3A_6, %get3A_7] : memref<1000x128xf32, #tpu.memory_space<vmem>>, vector<1000x128xf32>
    %get3A_9 = arith.constant 0 : index
    %get3A_10 = arith.constant 0 : index
    %get3A_11 = vector.load %arg3[%get3A_9, %get3A_10] : memref<1000x128xf32, #tpu.memory_space<vmem>>, vector<1000x128xf32>
    %add3A = arith.addf %get3A_8, %get3A_11 : vector<1000x128xf32>
    %get3A_12 = arith.constant 0 : index
    %get3A_13 = arith.constant 0 : index
    %get3A_14 = vector.load %arg4[%get3A_12, %get3A_13] : memref<1000x1xf32, #tpu.memory_space<vmem>>, vector<1000x1xf32>
    %mul3A = vector.broadcast %get3A_14 : vector<1000x1xf32> to vector<1000x128xf32>
    %mul3A_15 = arith.mulf %add3A, %mul3A : vector<1000x128xf32>
    %add3A_16 = arith.addf %dot_general3A_5, %mul3A_15 : vector<1000x128xf32>
    %get3A_17 = arith.constant 0 : index
    %get3A_18 = arith.constant 0 : index
    %get3A_19 = vector.load %arg6[%get3A_17, %get3A_18] : memref<1x128xf32, #tpu.memory_space<vmem>>, vector<1x128xf32>
    %add3A_20 = vector.broadcast %get3A_19 : vector<1x128xf32> to vector<1000x128xf32>
    %add3A_21 = arith.addf %add3A_16, %add3A_20 : vector<1000x128xf32>
    %get3A_22 = arith.constant 0 : index
    %get3A_23 = arith.constant 0 : index
    %get3A_24 = vector.load %arg7[%get3A_22, %get3A_23] : memref<128x2xf32, #tpu.memory_space<vmem>>, vector<128x2xf32>
    %dot_general3A_25 = arith.constant dense<0.000000e+00> : vector<1000x2xf32>
    %dot_general3A_26 = tpu.matmul %add3A_21, %get3A_24, %dot_general3A_25 {dimension_numbers = #tpu.dot_dimension_numbers<[1], [0], [0], [1], [0, 0, 1, 1], [], []>, transpose_lhs_hint = false} : vector<1000x128xf32>, vector<128x2xf32>, vector<1000x2xf32> -> vector<1000x2xf32>
    %get3A_27 = arith.constant 0 : index
    %get3A_28 = arith.constant 0 : index
    %get3A_29 = vector.load %arg9[%get3A_27, %get3A_28] : memref<1x2xf32, #tpu.memory_space<vmem>>, vector<1x2xf32>
    %add3A_30 = vector.broadcast %get3A_29 : vector<1x2xf32> to vector<1000x2xf32>
    %add3A_31 = arith.addf %dot_general3A_26, %add3A_30 : vector<1000x2xf32>
    %swap3A = arith.constant 0 : index
    %swap3A_32 = arith.constant 0 : index
    %swap3A_33 = vector.load %arg10[%swap3A, %swap3A_32] : memref<1000x2xf32, #tpu.memory_space<vmem>>, vector<1000x2xf32>
    tpu.vector_store %arg10[%swap3A, %swap3A_32], %add3A_31 {strides = array<i32>} : memref<1000x2xf32, #tpu.memory_space<vmem>>, vector<1000x2xf32>,
    %get3A_34 = arith.constant 0 : index
    %get3A_35 = arith.constant 0 : index
    %get3A_36 = vector.load %arg8[%get3A_34, %get3A_35] : memref<128x2xf32, #tpu.memory_space<vmem>>, vector<128x2xf32>
    %dot_general3A_37 = arith.constant dense<0.000000e+00> : vector<1000x2xf32>
    %dot_general3A_38 = tpu.matmul %add3A_21, %get3A_36, %dot_general3A_37 {dimension_numbers = #tpu.dot_dimension_numbers<[1], [0], [0], [1], [0, 0, 1, 1], [], []>, transpose_lhs_hint = false} : vector<1000x128xf32>, vector<128x2xf32>, vector<1000x2xf32> -> vector<1000x2xf32>
    %swap3A_39 = arith.constant 0 : index
    %swap3A_40 = arith.constant 0 : index
    %swap3A_41 = vector.load %arg11[%swap3A_39, %swap3A_40] : memref<1000x2xf32, #tpu.memory_space<vmem>>, vector<1000x2xf32>
    tpu.vector_store %arg11[%swap3A_39, %swap3A_40], %dot_general3A_38 {strides = array<i32>} : memref<1000x2xf32, #tpu.memory_space<vmem>>, vector<1000x2xf32>,
    return
  }
  func.func @transform_0(%arg0: i32) -> (i32, i32) {
    %c0_i32 = arith.constant 0 : i32
    %c0_i32_0 = arith.constant 0 : i32
    return %arg0, %c0_i32 : i32, i32
  }
  func.func @transform_1(%arg0: i32) -> (i32, i32) {
    %c0_i32 = arith.constant 0 : i32
    %c0_i32_0 = arith.constant 0 : i32
    return %arg0, %c0_i32 : i32, i32
  }
  func.func @transform_2(%arg0: i32) -> (i32, i32) {
    %c0_i32 = arith.constant 0 : i32
    %c0_i32_0 = arith.constant 0 : i32
    return %arg0, %c0_i32 : i32, i32
  }
  func.func @transform_3(%arg0: i32) -> (i32, i32) {
    %c0_i32 = arith.constant 0 : i32
    %c0_i32_0 = arith.constant 0 : i32
    return %arg0, %c0_i32 : i32, i32
  }
  func.func @transform_4(%arg0: i32) -> (i32, i32) {
    %c0_i32 = arith.constant 0 : i32
    %c0_i32_0 = arith.constant 0 : i32
    %c0_i32_1 = arith.constant 0 : i32
    return %c0_i32, %c0_i32_0 : i32, i32
  }
  func.func @transform_5(%arg0: i32) -> (i32, i32) {
    %c0_i32 = arith.constant 0 : i32
    %c0_i32_0 = arith.constant 0 : i32
    %c0_i32_1 = arith.constant 0 : i32
    return %c0_i32, %c0_i32_0 : i32, i32
  }
  func.func @transform_6(%arg0: i32) -> (i32, i32) {
    %c0_i32 = arith.constant 0 : i32
    %c0_i32_0 = arith.constant 0 : i32
    %c0_i32_1 = arith.constant 0 : i32
    return %c0_i32, %c0_i32_0 : i32, i32
  }
  func.func @transform_7(%arg0: i32) -> (i32, i32) {
    %c0_i32 = arith.constant 0 : i32
    %c0_i32_0 = arith.constant 0 : i32
    %c0_i32_1 = arith.constant 0 : i32
    return %c0_i32, %c0_i32_0 : i32, i32
  }
  func.func @transform_8(%arg0: i32) -> (i32, i32) {
    %c0_i32 = arith.constant 0 : i32
    %c0_i32_0 = arith.constant 0 : i32
    %c0_i32_1 = arith.constant 0 : i32
    return %c0_i32, %c0_i32_0 : i32, i32
  }
  func.func @transform_9(%arg0: i32) -> (i32, i32) {
    %c0_i32 = arith.constant 0 : i32
    %c0_i32_0 = arith.constant 0 : i32
    return %arg0, %c0_i32 : i32, i32
  }
  func.func @transform_10(%arg0: i32) -> (i32, i32) {
    %c0_i32 = arith.constant 0 : i32
    %c0_i32_0 = arith.constant 0 : i32
    return %arg0, %c0_i32 : i32, i32
  }
}

</mosaic_0001>

<sc_bundles>
// kernel: kernel.10.cloned.1.call-start
scs
__scs_entry_jumppad:
0x0: {  	(pc) =	sbr.rel $0x88, $3  }
0x1: {  	(tag) =	ssettag $0x0;
	lr =	simm.s32 $0x1  }
0x2: {  	[smem:$0x3F97] =	sst lr;
	_ =	strace $0xD0000000  }
0x3: {  	_ = 	snop  }
0x4: {  	_ = 	snop  }
0x5: {  	_ = 	snop  }
0x6: {  	_ = 	snop  }
0x7: {  	_ = 	snop  }
__scs_overlays_trampoline_lowered:
0x8: {  	[smem:$0x3FA6] =	sst s0  }
0x9: {  	[smem:$0x3FA7] =	sst s1  }
0xa: {  	[smem:$0x3FA8] =	sst s2  }
0xb: {  	[smem:$0x3FA9] =	sst s3  }
0xc: {  	[smem:$0x3FAA] =	sst s4  }
0xd: {  	[smem:$0x3FAB] =	sst s5  }
0xe: {  	[smem:$0x3FAC] =	sst s6  }
0xf: {  	[smem:$0x3FAD] =	sst s7  }
0x10: {  	[smem:$0x3FAE] =	sst s8  }
0x11: {  	[smem:$0x3FAF] =	sst s9;
	s0 =	simm.s32 @!p0 $0x0  }
0x12: {  	s1 =	sld [smem:$0x3F95];
	s0 =	simm.s32 @p0 $0x1  }
0x13: {  	[smem:$0x3FB0] =	sst s0;
	s0 =	simm.s32 @!p1 $0x0  }
0x14: {  	s2 =	sld [smem:$0x3F94];
	s0 =	simm.s32 @p1 $0x1  }
0x15: {  	[smem:$0x3FB1] =	sst s0;
	s0 =	simm.s32 @!p2 $0x0  }
0x16: {  	s3 =	sld [smem:$0x3FDB];
	s0 =	simm.s32 @p2 $0x1  }
0x17: {  	s4 =	simm.s32 $0x1BF5;
	[smem:$0x3FB3] =	sst s0  }
0x18: {  	s0 =	sld [smem:$0x3F96];
	_ =	swait.ge [sflag:s4], $0x0  }
0x19: {  	s7 =	sld [smem:$0x3F97]  }
0x1a: {  	s8 =	sadd.s32 $0xFFFFE003, lr  }
0x1b: {  	s9 =	sadd.s32 $0xFFFFFEF7, lr;
	s5 =	simm.s32 $0xFFFFFFFF;
	p2 =	slt.u32 s8, $0xFFFFF086  }
0x1c: {  	p1 =	slt.u32 s9, $0xF7A;
	s5 =	simm.s32 @!p2 $0x0  }
0x1d: {  	s5 =	simm.s32 @p1 $0x1;
	p0 =	seq.s32 s7, s2  }
0x1e: {  	s7 =	smul.u32 @!p0 $0xF7A, s2;
	p2 =	seq.s32 @!p0 s5, $0x0  }
0x1f: {  	s9 =	smul.u32 $0xF7A, s1;
	s8 =	simm.s32 @!p0 $0x1BF5;
	p2 =	por !p2, p0  }
0x20: {  	[sflag:s8] =	ssyncset.s32 @!p0 $0xFFFFF086;
	s6 =	sadd.s32 @!p0 s3, s7;
	s7 =	simm.s32 @!p0 $0x108  }
0x21: {  	s3 =	sadd.s32 s3, s9;
	s6 =	sadd.s32 @!p0 $0x88, s6;
	s7 =	simm.s32 @p2 $0x1082  }
0x22: {  	[simem:s7], [sflag:s8] =	dma.local @!p0 [hbm:s6], $0xF7A  }
0x23: {  	s9 =	sor.u32 $0xD0000000, s2;
	s6 =	simm.s32 $0x108;
	_ =	swait.ge @!p0 [sflag:s8], $0x0  }
0x24: {  	s3 =	sadd.s32 $0x88, s3;
	s6 =	simm.s32 @!p1 $0x1082;
	[sflag:s4] =	ssyncset.s32 $0xFFFFF086  }
0x25: {  	[simem:s6], [sflag:s4] =	dma.local [hbm:s3], $0xF7A  }
0x26: {  	[smem:$0x3F97] =	sst s1;
	(tag) =	ssettag s2;
	_ =	strace s9  }
0x27: {  	s1 =	sld [smem:$0x3FA7]  }
0x28: {  	s2 =	sld [smem:$0x3FA8]  }
0x29: {  	s4 =	sld [smem:$0x3FAA]  }
0x2a: {  	p0 =	seq.s32 s5, $0x0;
	s5 =	sld [smem:$0x3FAB]  }
0x2b: {  	s6 =	sld [smem:$0x3FAC]  }
0x2c: {  	s7 =	sld [smem:$0x3FAD]  }
0x2d: {  	s3 =	simm.s32 $0x108;
	s8 =	sld [smem:$0x3FAE]  }
0x2e: {  	s3 =	simm.s32 @!p0 $0x1082;
	s9 =	sld [smem:$0x3FAF]  }
0x2f: {  	lr =	sadd.s32 s0, s3;
	s0 =	sld [smem:$0x3FA6]  }
0x30: {  	s3 =	sld [smem:$0x3FA9]  }
0x31: {  	[smem:$0x3FB2] =	sst s10  }
0x32: {  	s10 =	sld [smem:$0x3FB0];
	_ =	sdelay $0x3  }
0x33: {  	p0 =	seq.s32 s10, $0x1;
	s10 =	sld [smem:$0x3FB2];
	_ =	sdelay $0x3  }
0x34: {  	[smem:$0x3FB2] =	sst s10  }
0x35: {  	s10 =	sld [smem:$0x3FB1];
	_ =	sdelay $0x3  }
0x36: {  	p1 =	seq.s32 s10, $0x1;
	s10 =	sld [smem:$0x3FB2];
	_ =	sdelay $0x3  }
0x37: {  	[smem:$0x3FB2] =	sst s10  }
0x38: {  	s10 =	sld [smem:$0x3FB3]  }
0x39: {  	_ = 	snop;
	(pc) =	sbr.ind lr, $3  }
0x3a: {  	_ = 	snop  }
0x3b: {  	_ = 	snop  }
0x3c: {  	p2 =	seq.s32 s10, $0x1;
	s10 =	sld [smem:$0x3FB2]  }
0x3d: {  	_ =	shalt  }
0x3e: {  	_ =	shalt  }
0x3f: {  	_ =	shalt  }
0x40: {  	_ =	shalt  }
0x41: {  	_ =	shalt  }
0x42: {  	_ =	shalt  }
0x43: {  	_ =	shalt  }
0x44: {  	_ =	shalt  }
0x45: {  	_ =	shalt  }
0x46: {  	_ =	shalt  }
0x47: {  	_ =	shalt  }
0x48: {  	_ =	shalt  }
0x49: {  	_ =	shalt  }
0x4a: {  	_ =	shalt  }
0x4b: {  	_ =	shalt  }
0x4c: {  	_ =	shalt  }
0x4d: {  	_ =	shalt  }
0x4e: {  	_ =	shalt  }
0x4f: {  	_ =	shalt  }
0x50: {  	_ =	shalt  }
0x51: {  	_ =	shalt  }
0x52: {  	_ =	shalt  }
0x53: {  	_ =	shalt  }
0x54: {  	_ =	shalt  }
0x55: {  	_ =	shalt  }
0x56: {  	_ =	shalt  }
0x57: {  	_ =	shalt  }
0x58: {  	_ =	shalt  }
0x59: {  	_ =	shalt  }
0x5a: {  	_ =	shalt  }
0x5b: {  	_ =	shalt  }
0x5c: {  	_ =	shalt  }
0x5d: {  	_ =	shalt  }
0x5e: {  	_ =	shalt  }
0x5f: {  	_ =	shalt  }
0x60: {  	_ =	shalt  }
0x61: {  	_ =	shalt  }
0x62: {  	_ =	shalt  }
0x63: {  	_ =	shalt  }
0x64: {  	_ =	shalt  }
0x65: {  	_ =	shalt  }
0x66: {  	_ =	shalt  }
0x67: {  	_ =	shalt  }
0x68: {  	_ =	shalt  }
0x69: {  	_ =	shalt  }
0x6a: {  	_ =	shalt  }
0x6b: {  	_ =	shalt  }
0x6c: {  	_ =	shalt  }
0x6d: {  	_ =	shalt  }
0x6e: {  	_ =	shalt  }
0x6f: {  	_ =	shalt  }
0x70: {  	_ =	shalt  }
0x71: {  	_ =	shalt  }
0x72: {  	_ =	shalt  }
0x73: {  	_ =	shalt  }
0x74: {  	_ =	shalt  }
0x75: {  	_ =	shalt  }
0x76: {  	_ =	shalt  }
0x77: {  	_ =	shalt  }
0x78: {  	_ =	shalt  }
0x79: {  	_ =	shalt  }
0x7a: {  	_ =	shalt  }
0x7b: {  	_ =	shalt  }
0x7c: {  	_ =	shalt  }
0x7d: {  	_ =	shalt  }
0x7e: {  	_ =	shalt  }
0x7f: {  	_ =	shalt  }
0x80: {  	_ =	shalt  }
0x81: {  	_ =	shalt  }
0x82: {  	_ =	shalt  }
0x83: {  	_ =	shalt  }
0x84: {  	_ =	shalt  }
0x85: {  	_ =	shalt  }
0x86: {  	_ =	shalt  }
0x87: {  	_ =	shalt  }
.Lfunc_end0:
.L_simem_size_0:
called_computation.1_lowered:
.L_overlay_start_0:
0x88: {  	s2 =	sld [smem:$0x3FD9]  }
0x89: {  	s3 =	sld [smem:$0x3FFE];
	_ =	sdelay $0x1  }
0x8a: {  	s1 =	srdreg.scid  }
0x8b: {  	s0 =	sand.u32 $0x1, s1  }
0x8c: {  	s16 =	sshll.u32 s0, $0xA;
	s2 =	sadd.s32 s3, s2  }
0x8d: {  	s2 =	sadd.s32 s2, s16  }
0x8e: {  	[smem:$0x3FBE] =	sst s2  }
0x8f: {  	_ = 	snop  }
0x90: {  	(tm) =	ssettm $0x1  }
0x91: {  	s17 =	sld [smem:$0x3FFB];
	_ =	sdelay $0x3  }
0x92: {  	_ =	strace s17  }
0x93: {  	s2 =	sld [smem:$0x3FFC];
	_ =	sdelay $0x3  }
0x94: {  	_ =	strace s2  }
0x95: {  	s2 =	sld [smem:$0x3FFD];
	_ =	sdelay $0x3  }
0x96: {  	_ =	strace s2  }
0x97: {  	_ =	strace $0x8FFFFFFF  }
0x98: {  	s18 =	sld [smem:$0x3FDB];
	_ =	sdelay $0x1  }
0x99: {  	s19 =	simm.s32 $_scs_section_size  }
0x9a: {  	s4 =	simm.s32 $_size__tile_overlayer_lowered;
	s5 =	simm.s32 $_tile_overlayer_lowered  }
0x9b: {  	s22 =	simm.s32 $0x1BFF;
	s21 =	sshll.u32 s5, $0x1;
	s2 =	sadd.s32 s19, s18  }
0x9c: {  	s6 =	simm.s32 $0x0;
	s20 =	sshll.u32 s4, $0x1;
	s4 =	sadd.s32 s21, s2  }
0x9d: {  	[timem:s6], [sflag:s22] =	dma.local [hbm:s4], s20  }
0x9e: {  	_ =	swait.ge [sflag:s22], s20  }
0x9f: {  	s3 =	ssub.s32 $0x0, s20;
	[sflag:s22] =	ssyncset.done $0x0  }
0xa0: {  	[sflag:s22] =	ssyncadd.s32 s3;
	_ =	sdelay $0x1  }
0xa1: {  	s23 =	simm.s32 $0x1B8B  }
0xa2: {  	_ =	swait.ge [sflag:s23], $0x1  }
0xa3: {  	[sflag:s23] =	ssyncset.done $0x0  }
0xa4: {  	s25 =	simm.s32 $0x1B8E;
	s24 =	sld [smem:$0x3FFE];
	[sflag:s23] =	ssyncadd.s32 $0xFFFFFFFF  }
0xa5: {  	s26 =	simm.s32 $execute0_lowered;
	[smem:$0x3FD2] =	sst s25  }
0xa6: {  	s4 =	sshll.u32 s26, $0x1;
	_ =	strace $0x80000049;
	[dreg:$0x1] =	wrdreg $0xFFFFFFFF  }
0xa7: {  	s28 =	simm.s32 $_size_execute0_lowered;
	s2 =	sadd.s32 s2, s4;
	[dreg:$0x0] =	wrdreg $0x0  }
0xa8: {  	s4 =	sshll.u32 s28, $0x1;
	[dreg:$0x2] =	wrdreg s2  }
0xa9: {  	[dreg:$0x3] =	wrdreg s4  }
0xaa: {  	[dreg:$0x4] =	wrdreg $0xC0  }
0xab: {  	_ =	task [dreg:s6], $0x5FFFF  }
0xac: {  	[dreg:$0x1] =	wrdreg $0xFFFFFFFF  }
0xad: {  	[dreg:$0x0] =	wrdreg $0x60  }
0xae: {  	[dreg:$0x2] =	wrdreg s24  }
0xaf: {  	[dreg:$0x3] =	wrdreg $0x0  }
0xb0: {  	[dreg:$0x4] =	wrdreg $0x9  }
0xb1: {  	_ =	task.clear_ibuf [dreg:s6], $0x5FFFF;
	_ =	strace $0x90000049  }
0xb2: {  	s29 =	simm.s32 $0x9;
	_ =	strace $0x8000004B  }
0xb3: {  	_ =	swait.ge [sflag:s29], $0x1  }
0xb4: {  	[sflag:s29] =	ssyncadd.s32 $0xFFFFFFFF  }
0xb5: {  	_ =	strace $0x9000004B  }
0xb6: {  	_ =	sfence  }
0xb7: {  	s30 =	sld [smem:$0x0];
	_ =	sdelay $0x2  }
0xb8: {  	s31 =	sshll.u32 s1, $0xD;
	s1 =	sshrl.u32 s1, $0x2  }
0xb9: {  	s3 =	sand.u32 $0x4000, s31;
	s1 =	sadd.s32 s1, s30  }
0xba: {  	s0 =	sor.u32 s3, s0;
	s1 =	sshll.u32 s1, $0x11  }
0xbb: {  	s0 =	sor.u32 s1, s0  }
0xbc: {  	s0 =	sadd.s32 $0x8F2B, s0  }
0xbd: {  	[sflag:s0] =	ssyncadd.remote.s32 $0x1  }
0xbe: {  	_ =	sfence.sel $0xFFFF  }
0xbf: {  	[dreg:$0x0] =	wrdreg $0xFFFFFFFF;
	(pc) =	sbr.abs _section_cstart, $3  }
0xc0: {  	[dreg:$0x1] =	wrdreg $0xFFFFFFFF  }
0xc1: {  	_ =	task.clear_ibuf [dreg:s6], $0x2FFFF;
	_ =	strace $0x9FFFFFFF  }
0xc2: {  	(tm) =	ssettm $0x7FFFFFFF  }
0xc3: {  	_ =	shalt  }
tec
execute0_lowered:
.L_overlay_start_1:
0x0: {  	(tag) =	ssettag $0x1  }
0x1: {  	s4 =	rddreg [dreg:$0x0]  }
0x2: {  	s1 =	rddreg [dreg:$0x1]  }
0x3: {  	s0 =	srdreg.scid;
	s2 =	simm.s32 $0x0;
	s30 =	simm.s32 $0x4  }
0x4: {  	s31 =	simm.s32 $0x50;
	s7 =	sand.u32 $0x1, s0;
	s0 =	stileid.u32  }
0x5: {  	[smem:$0x7FF] =	sst s2;
	s6 =	sadd.s32 $0x3400, s4;
	s9 =	sadd.s32 $0x17000, s4  }
0x6: {  	s14 =	sadd.s32 $0x138000, s1;
	s3 =	sshll.u32 s7, $0x4;
	_ =	strace $0x8000004A  }
0x7: {  	s8 =	ssub.s32 $0x2, s7;
	[dreg:$0xe] =	wrdreg s9;
	s21 =	smul.u32 $0x4E000, s0  }
0x8: {  	s28 =	sshll.u32 s0, $0x6;
	s7 =	smul.u32 $0x138800, s7;
	s5 =	sor.u32 s0, s3  }
0x9: {  	[dreg:$0x15] =	wrdreg s14;
	p0 =	sne.s32 s0, $0x0;
	s13 =	smul.u32 $0x2710, s5  }
0xa: {  	s14 =	simm.s32 $0x1B200;
	s3 =	sadd.s32 $0x19800, s4;
	s16 =	sshrl.u32 s8, $0x1  }
0xb: {  	s5 =	sadd.s32 $0xD200, s4;
	s11 =	sadd.s32 $0x140, s13;
	[dreg:$0xd] =	wrdreg s13  }
0xc: {  	s4 =	sadd.s32 $0xDCE00, s4;
	s20 =	sadd.s32 $0x190, s13;
	[dreg:$0x3] =	wrdreg s11  }
0xd: {  	s8 =	ssub.s32 s8, s16;
	s22 =	sadd.s32 $0x1E0, s13;
	[dreg:$0x4] =	wrdreg s20  }
0xe: {  	s24 =	sshrl.u32 s21, $0x2;
	s23 =	sadd.s32 $0x230, s13;
	[dreg:$0x5] =	wrdreg s22  }
0xf: {  	s21 =	smul.u32 $0x13800, s0;
	s25 =	sadd.s32 $0x280, s13;
	[dreg:$0x6] =	wrdreg s23  }
0x10: {  	s0 =	simm.s32 $0x13880;
	s26 =	sadd.s32 $0x2D0, s13;
	[dreg:$0x7] =	wrdreg s25  }
0x11: {  	s10 =	sshrl.u32 s13, $0x3;
	s29 =	sadd.s32 $0x320, s13;
	[dreg:$0x8] =	wrdreg s26  }
0x12: {  	s15 =	sadd.s32 $0x3C0, s13;
	s16 =	sadd.s32 $0x410, s13;
	[dreg:$0x9] =	wrdreg s29  }
0x13: {  	s17 =	sadd.s32 s5, s10;
	s18 =	sadd.s32 s6, s10;
	[dreg:$0xb] =	wrdreg s15  }
0x14: {  	s19 =	sadd.s32 $0xA, s10;
	s11 =	sadd.s32 s24, s1;
	[dreg:$0xc] =	wrdreg s16  }
0x15: {  	s23 =	sor.u32 $0x1C0A, s28;
	s20 =	sadd.s32 $0x4CE, s10;
	[dreg:$0xf] =	wrdreg s17  }
0x16: {  	s24 =	sadd.s32 $0x4D8, s10;
	s25 =	sadd.s32 s21, s7;
	[dreg:$0x10] =	wrdreg s18  }
0x17: {  	s7 =	sshrl.u32 s7, $0x3;
	s29 =	smax.u32 s8, $0x1;
	[dreg:$0x13] =	wrdreg s11  }
0x18: {  	s8 =	simm.s32 $0x1B180;
	s15 =	simm.s32 $0x1B400;
	[dreg:$0x1e] =	wrdreg s29  }
0x19: {  	s16 =	simm.s32 $0x6;
	s12 =	sadd.s32 s5, s19;
	[dreg:$0x14] =	wrdreg s23  }
0x1a: {  	s21 =	simm.s32 $0x3;
	s9 =	sadd.s32 s6, s19;
	[dreg:$0x11] =	wrdreg s12  }
0x1b: {  	s17 =	sadd.s32 $0x4C4, s10;
	s22 =	sadd.s32 s5, s20;
	[dreg:$0x12] =	wrdreg s9  }
0x1c: {  	s10 =	sadd.s32 s5, s24;
	s26 =	sshrl.u32 s25, $0x3;
	[dreg:$0x18] =	wrdreg s22  }
0x1d: {  	s7 =	sadd.s32 s4, s7;
	s12 =	sadd.s32 $0x370, s13;
	[dreg:$0x1a] =	wrdreg s10  }
0x1e: {  	s11 =	simm.s32 $0x16080;
	s18 =	sadd.s32 s5, s17;
	[dreg:$0xa] =	wrdreg s12  }
0x1f: {  	s19 =	sadd.s32 s6, s17;
	s9 =	sadd.s32 s6, s20;
	[dreg:$0x16] =	wrdreg s18  }
0x20: {  	s4 =	sadd.s32 s4, s26;
	s28 =	sadd.s32 $0x27000, s7;
	[dreg:$0x17] =	wrdreg s19  }
0x21: {  	s13 =	simm.s32 $0xA;
	s10 =	simm.s32 $0x5;
	[dreg:$0x19] =	wrdreg s9  }
0x22: {  	s17 =	simm.s32 $0x18880;
	s20 =	simm.s32 $0x7;
	[dreg:$0x1c] =	wrdreg s4  }
0x23: {  	s22 =	simm.s32 $0x9;
	s9 =	sadd.s32 s6, s24;
	[dreg:$0x1d] =	wrdreg s28  }
0x24: {  	s12 =	simm.s32 $0x1;
	s18 =	simm.s32 $0x2;
	s19 =	simm.s32 $0x8  }
0x25: {  	s24 =	simm.s32 $0x0;
	[dreg:$0x1b] =	wrdreg s9;
	s9 =	simm.s32 $0x1B380  }
.LBB2_1:
0x26: {  	[dreg:$0x1f] =	wrdreg s24  }
0x27: {  	s4 =	rddreg [dreg:$0xf];
	s24 =	simm.s32 $0x1B080  }
0x28: {  	[tilespmem:s24], [sflag:$0x4] =	stream.linear.gather [hbm4b:s4+s2], $0x50, $0x38;
	[tilespmem:$0x1B480] =	vst v63  }
0x29: {  	s26 =	rddreg [dreg:$0x10];
	s25 =	simm.s32 $0x1B280  }
0x2a: {  	[tilespmem:s25], [sflag:$0x4] =	stream.linear.gather [hbm4b:s26+s2], $0x50, $0x38;
	[tilespmem:$0x1B480] =	vst v63  }
0x2b: {  	s28 =	rddreg [dreg:$0x11];
	s26 =	simm.s32 $0x1B100  }
0x2c: {  	[tilespmem:s26], [sflag:$0x5] =	stream.linear.gather [hbm4b:s28+s2], $0x50, $0x38;
	[tilespmem:$0x1B480] =	vst v63  }
0x2d: {  	s7 =	rddreg [dreg:$0x12];
	s28 =	simm.s32 $0x1B300  }
0x2e: {  	[tilespmem:s28], [sflag:$0x5] =	stream.linear.gather [hbm4b:s7+s2], $0x50, $0x38;
	[tilespmem:$0x1B480] =	vst v63  }
0x2f: {  	s7 =	rddreg [dreg:$0x13]  }
0x30: {  	s4 =	rddreg [dreg:$0xe];
	s7 =	sshrl.u32 s7, $0x3  }
0x31: {  	[smem:$0x7FC] =	sst s7  }
0x32: {  	[spmem:s7], [sflag:s23] =	dma.local [hbm:s4], $0x2700  }
0x33: {  	_ =	swait.ge [sflag:s13], $0x2700  }
0x34: {  	s7 =	rddreg [dreg:$0x15]  }
0x35: {  	[sflag:s13] =	ssyncset.done $0x0;
	s7 =	sshrl.u32 @!p0 s7, $0x3  }
0x36: {  	[sflag:s13] =	ssyncadd.s32 $0xFFFFD900;
	[smem:$0x7FD] =	sst s7  }
0x37: {  	[spmem:s7], [sflag:s23] =	dma.local @!p0 [hbm:s4], $0x100  }
0x38: {  	s4 =	simm.s32 @!p0 $0xA  }
0x39: {  	_ =	swait.ge @!p0 [sflag:s4], $0x100  }
0x3a: {  	[sflag:s4] =	ssyncset.done @!p0 $0x0  }
0x3b: {  	[sflag:s4] =	ssyncadd.s32 @!p0 $0xFFFFFF00  }
0x3c: {  	[bflag:$0x0] =	sbarrier.arrive $0xFFFF  }
0x3d: {  	_ =	swait.ge [sflag:s30], $0x50  }
0x3e: {  	[sflag:s30] =	ssyncset.done $0x0  }
0x3f: {  	[sflag:s30] =	ssyncadd.s32 $0xFFFFFFB0  }
0x40: {  	p1 =	por $0x1, $0x1;
	_ =	swait.ge [sflag:s30], $0x50  }
0x41: {  	s7 =	simm.s32 @!p1 $0x8;
	s4 =	simm.s32 @!p1 $0xA0;
	[sflag:s30] =	ssyncset.done $0x0  }
0x42: {  	s4 =	simm.s32 @p1 $0xA0;
	s13 =	rddreg [dreg:$0xd];
	[sflag:s30] =	ssyncadd.s32 $0xFFFFFFB0  }
0x43: {  	[tilespmem:s0], [sflag:$0x1] =	stream.indirect.gather [hbm4b:s3+s31], $0x80, s24, s31, $0xb8;
	[tilespmem:$0x1B480] =	vst v63  }
0x44: {  	s4 =	sadd.s32 s13, s4;
	_ =	swait.ge @!p1 [sflag:s7], $0x2800  }
0x45: {  	s4 =	sshrl.u32 s4, $0x3;
	[sflag:s7] =	ssyncset.done @!p1 $0x0  }
0x46: {  	s23 =	sadd.s32 s5, s4;
	[sflag:s7] =	ssyncadd.s32 @!p1 $0xFFFFD800  }
0x47: {  	[tilespmem:s8], [sflag:$0x6] =	stream.linear.gather [hbm4b:s23+s2], $0x50, $0x38;
	[tilespmem:$0x1B480] =	vst v63  }
0x48: {  	s4 =	sadd.s32 s6, s4  }
0x49: {  	[tilespmem:s9], [sflag:$0x6] =	stream.linear.gather [hbm4b:s4+s2], $0x50, $0x38;
	[tilespmem:$0x1B480] =	vst v63  }
0x4a: {  	_ =	swait.ge [sflag:s10], $0x50  }
0x4b: {  	[sflag:s10] =	ssyncset.done $0x0  }
0x4c: {  	[sflag:s10] =	ssyncadd.s32 $0xFFFFFFB0  }
0x4d: {  	_ =	swait.ge [sflag:s10], $0x50  }
0x4e: {  	[sflag:s10] =	ssyncset.done $0x0  }
0x4f: {  	[sflag:s10] =	ssyncadd.s32 $0xFFFFFFB0  }
0x50: {  	[tilespmem:s11], [sflag:$0x2] =	stream.indirect.gather [hbm4b:s3+s31], $0x80, s26, s31, $0xb8;
	[tilespmem:$0x1B480] =	vst v63  }
0x51: {  	_ =	swait.ge [sflag:s12], $0x2800  }
0x52: {  	s4 =	simm.s32 @!p1 $0xF0;
	[sflag:s12] =	ssyncset.done $0x0  }
0x53: {  	s7 =	simm.s32 @!p1 $0x9;
	s4 =	simm.s32 @p1 $0xF0;
	[sflag:s12] =	ssyncadd.s32 $0xFFFFD800  }
0x54: {  	[spmem:s1] =	stream.indirect.scatter.add.f32 [tilespmem:s0], [sflag:$0x8], $0x80, s25, s31, $0xb8;
	[tilespmem:$0x1B480] =	vst v63  }
0x55: {  	s4 =	sadd.s32 s13, s4;
	_ =	swait.ge @!p1 [sflag:s7], $0x2800  }
0x56: {  	s4 =	sshrl.u32 s4, $0x3;
	[sflag:s7] =	ssyncset.done @!p1 $0x0  }
0x57: {  	s23 =	sadd.s32 s5, s4;
	[sflag:s7] =	ssyncadd.s32 @!p1 $0xFFFFD800  }
0x58: {  	[tilespmem:s14], [sflag:$0x7] =	stream.linear.gather [hbm4b:s23+s2], $0x50, $0x38;
	[tilespmem:$0x1B480] =	vst v63  }
0x59: {  	s4 =	sadd.s32 s6, s4  }
0x5a: {  	[tilespmem:s15], [sflag:$0x7] =	stream.linear.gather [hbm4b:s4+s2], $0x50, $0x38;
	[tilespmem:$0x1B480] =	vst v63  }
0x5b: {  	_ =	swait.ge [sflag:s16], $0x50  }
0x5c: {  	[sflag:s16] =	ssyncset.done $0x0  }
0x5d: {  	[sflag:s16] =	ssyncadd.s32 $0xFFFFFFB0  }
0x5e: {  	_ =	swait.ge [sflag:s16], $0x50  }
0x5f: {  	[sflag:s16] =	ssyncset.done $0x0  }
0x60: {  	[sflag:s16] =	ssyncadd.s32 $0xFFFFFFB0  }
0x61: {  	[tilespmem:s17], [sflag:$0x3] =	stream.indirect.gather [hbm4b:s3+s31], $0x80, s8, s31, $0xb8;
	[tilespmem:$0x1B480] =	vst v63  }
0x62: {  	_ =	swait.ge [sflag:s18], $0x2800  }
0x63: {  	[sflag:s18] =	ssyncset.done $0x0  }
0x64: {  	[sflag:s18] =	ssyncadd.s32 $0xFFFFD800  }
0x65: {  	[spmem:s1] =	stream.indirect.scatter.add.f32 [tilespmem:s11], [sflag:$0x9], $0x80, s28, s31, $0xb8;
	[tilespmem:$0x1B480] =	vst v63  }
0x66: {  	s7 =	simm.s32 $0x0;
	_ =	swait.ge [sflag:s19], $0x2800  }
0x67: {  	s7 =	simm.s32 @p1 $0x0;
	s13 =	rddreg [dreg:$0x3]  }
0x68: {  	s4 =	sadd.s32 s7, s13  }
0x69: {  	[sflag:s19] =	ssyncset.done $0x0;
	s4 =	sshrl.u32 s4, $0x3  }
0x6a: {  	[sflag:s19] =	ssyncadd.s32 $0xFFFFD800;
	s23 =	sadd.s32 s5, s4  }
0x6b: {  	[tilespmem:s24], [sflag:$0x4] =	stream.linear.gather [hbm4b:s23+s2], $0x50, $0x38;
	[tilespmem:$0x1B480] =	vst v63  }
0x6c: {  	s4 =	sadd.s32 s6, s4  }
0x6d: {  	[tilespmem:s25], [sflag:$0x4] =	stream.linear.gather [hbm4b:s4+s2], $0x50, $0x38;
	[tilespmem:$0x1B480] =	vst v63  }
0x6e: {  	_ =	swait.ge [sflag:s20], $0x50  }
0x6f: {  	[sflag:s20] =	ssyncset.done $0x0  }
0x70: {  	[sflag:s20] =	ssyncadd.s32 $0xFFFFFFB0  }
0x71: {  	_ =	swait.ge [sflag:s20], $0x50  }
0x72: {  	[sflag:s20] =	ssyncset.done $0x0  }
0x73: {  	[sflag:s20] =	ssyncadd.s32 $0xFFFFFFB0  }
0x74: {  	[tilespmem:s0], [sflag:$0x1] =	stream.indirect.gather [hbm4b:s3+s31], $0x80, s14, s31, $0xb8;
	[tilespmem:$0x1B480] =	vst v63  }
0x75: {  	_ =	swait.ge [sflag:s21], $0x2800  }
0x76: {  	[sflag:s21] =	ssyncset.done $0x0  }
0x77: {  	[sflag:s21] =	ssyncadd.s32 $0xFFFFD800  }
0x78: {  	[spmem:s1] =	stream.indirect.scatter.add.f32 [tilespmem:s17], [sflag:$0x8], $0x80, s9, s31, $0xb8;
	[tilespmem:$0x1B480] =	vst v63  }
0x79: {  	_ =	swait.ge [sflag:s22], $0x2800  }
0x7a: {  	s13 =	rddreg [dreg:$0x4]  }
0x7b: {  	s4 =	sadd.s32 s7, s13  }
0x7c: {  	[sflag:s22] =	ssyncset.done $0x0;
	s4 =	sshrl.u32 s4, $0x3  }
0x7d: {  	[sflag:s22] =	ssyncadd.s32 $0xFFFFD800;
	s23 =	sadd.s32 s5, s4  }
0x7e: {  	[tilespmem:s26], [sflag:$0x5] =	stream.linear.gather [hbm4b:s23+s2], $0x50, $0x38;
	[tilespmem:$0x1B480] =	vst v63  }
0x7f: {  	s4 =	sadd.s32 s6, s4  }
0x80: {  	[tilespmem:s28], [sflag:$0x5] =	stream.linear.gather [hbm4b:s4+s2], $0x50, $0x38;
	[tilespmem:$0x1B480] =	vst v63  }
0x81: {  	_ =	swait.ge [sflag:s30], $0x50  }
0x82: {  	[sflag:s30] =	ssyncset.done $0x0  }
0x83: {  	[sflag:s30] =	ssyncadd.s32 $0xFFFFFFB0  }
0x84: {  	_ =	swait.ge [sflag:s30], $0x50  }
0x85: {  	[sflag:s30] =	ssyncset.done $0x0  }
0x86: {  	[sflag:s30] =	ssyncadd.s32 $0xFFFFFFB0  }
0x87: {  	[tilespmem:s11], [sflag:$0x2] =	stream.indirect.gather [hbm4b:s3+s31], $0x80, s24, s31, $0xb8;
	[tilespmem:$0x1B480] =	vst v63  }
0x88: {  	_ =	swait.ge [sflag:s12], $0x2800  }
0x89: {  	[sflag:s12] =	ssyncset.done $0x0  }
0x8a: {  	[sflag:s12] =	ssyncadd.s32 $0xFFFFD800  }
0x8b: {  	[spmem:s1] =	stream.indirect.scatter.add.f32 [tilespmem:s0], [sflag:$0x9], $0x80, s15, s31, $0xb8;
	[tilespmem:$0x1B480] =	vst v63  }
0x8c: {  	_ =	swait.ge [sflag:s19], $0x2800  }
0x8d: {  	s13 =	rddreg [dreg:$0x5]  }
0x8e: {  	s4 =	sadd.s32 s7, s13  }
0x8f: {  	[sflag:s19] =	ssyncset.done $0x0;
	s4 =	sshrl.u32 s4, $0x3  }
0x90: {  	[sflag:s19] =	ssyncadd.s32 $0xFFFFD800;
	s23 =	sadd.s32 s5, s4  }
0x91: {  	[tilespmem:s8], [sflag:$0x6] =	stream.linear.gather [hbm4b:s23+s2], $0x50, $0x38;
	[tilespmem:$0x1B480] =	vst v63  }
0x92: {  	s4 =	sadd.s32 s6, s4  }
0x93: {  	[tilespmem:s9], [sflag:$0x6] =	stream.linear.gather [hbm4b:s4+s2], $0x50, $0x38;
	[tilespmem:$0x1B480] =	vst v63  }
0x94: {  	_ =	swait.ge [sflag:s10], $0x50  }
0x95: {  	[sflag:s10] =	ssyncset.done $0x0  }
0x96: {  	[sflag:s10] =	ssyncadd.s32 $0xFFFFFFB0  }
0x97: {  	_ =	swait.ge [sflag:s10], $0x50  }
0x98: {  	[sflag:s10] =	ssyncset.done $0x0  }
0x99: {  	[sflag:s10] =	ssyncadd.s32 $0xFFFFFFB0  }
0x9a: {  	[tilespmem:s17], [sflag:$0x3] =	stream.indirect.gather [hbm4b:s3+s31], $0x80, s26, s31, $0xb8;
	[tilespmem:$0x1B480] =	vst v63  }
0x9b: {  	_ =	swait.ge [sflag:s18], $0x2800  }
0x9c: {  	[sflag:s18] =	ssyncset.done $0x0  }
0x9d: {  	[sflag:s18] =	ssyncadd.s32 $0xFFFFD800  }
0x9e: {  	[spmem:s1] =	stream.indirect.scatter.add.f32 [tilespmem:s11], [sflag:$0x8], $0x80, s25, s31, $0xb8;
	[tilespmem:$0x1B480] =	vst v63  }
0x9f: {  	_ =	swait.ge [sflag:s22], $0x2800  }
0xa0: {  	s13 =	rddreg [dreg:$0x6]  }
0xa1: {  	s4 =	sadd.s32 s7, s13  }
0xa2: {  	[sflag:s22] =	ssyncset.done $0x0;
	s4 =	sshrl.u32 s4, $0x3  }
0xa3: {  	[sflag:s22] =	ssyncadd.s32 $0xFFFFD800;
	s23 =	sadd.s32 s5, s4  }
0xa4: {  	[tilespmem:s14], [sflag:$0x7] =	stream.linear.gather [hbm4b:s23+s2], $0x50, $0x38;
	[tilespmem:$0x1B480] =	vst v63  }
0xa5: {  	s4 =	sadd.s32 s6, s4  }
0xa6: {  	[tilespmem:s15], [sflag:$0x7] =	stream.linear.gather [hbm4b:s4+s2], $0x50, $0x38;
	[tilespmem:$0x1B480] =	vst v63  }
0xa7: {  	_ =	swait.ge [sflag:s16], $0x50  }
0xa8: {  	[sflag:s16] =	ssyncset.done $0x0  }
0xa9: {  	[sflag:s16] =	ssyncadd.s32 $0xFFFFFFB0  }
0xaa: {  	_ =	swait.ge [sflag:s16], $0x50  }
0xab: {  	[sflag:s16] =	ssyncset.done $0x0  }
0xac: {  	[sflag:s16] =	ssyncadd.s32 $0xFFFFFFB0  }
0xad: {  	[tilespmem:s0], [sflag:$0x1] =	stream.indirect.gather [hbm4b:s3+s31], $0x80, s8, s31, $0xb8;
	[tilespmem:$0x1B480] =	vst v63  }
0xae: {  	_ =	swait.ge [sflag:s21], $0x2800  }
0xaf: {  	[sflag:s21] =	ssyncset.done $0x0  }
0xb0: {  	[sflag:s21] =	ssyncadd.s32 $0xFFFFD800  }
0xb1: {  	[spmem:s1] =	stream.indirect.scatter.add.f32 [tilespmem:s17], [sflag:$0x9], $0x80, s28, s31, $0xb8;
	[tilespmem:$0x1B480] =	vst v63  }
0xb2: {  	_ =	swait.ge [sflag:s19], $0x2800  }
0xb3: {  	s13 =	rddreg [dreg:$0x7]  }
0xb4: {  	s4 =	sadd.s32 s7, s13  }
0xb5: {  	[sflag:s19] =	ssyncset.done $0x0;
	s4 =	sshrl.u32 s4, $0x3  }
0xb6: {  	[sflag:s19] =	ssyncadd.s32 $0xFFFFD800;
	s23 =	sadd.s32 s5, s4  }
0xb7: {  	[tilespmem:s24], [sflag:$0x4] =	stream.linear.gather [hbm4b:s23+s2], $0x50, $0x38;
	[tilespmem:$0x1B480] =	vst v63  }
0xb8: {  	s4 =	sadd.s32 s6, s4  }
0xb9: {  	[tilespmem:s25], [sflag:$0x4] =	stream.linear.gather [hbm4b:s4+s2], $0x50, $0x38;
	[tilespmem:$0x1B480] =	vst v63  }
0xba: {  	_ =	swait.ge [sflag:s20], $0x50  }
0xbb: {  	[sflag:s20] =	ssyncset.done $0x0  }
0xbc: {  	[sflag:s20] =	ssyncadd.s32 $0xFFFFFFB0  }
0xbd: {  	_ =	swait.ge [sflag:s20], $0x50  }
0xbe: {  	[sflag:s20] =	ssyncset.done $0x0  }
0xbf: {  	[sflag:s20] =	ssyncadd.s32 $0xFFFFFFB0  }
0xc0: {  	[tilespmem:s11], [sflag:$0x2] =	stream.indirect.gather [hbm4b:s3+s31], $0x80, s14, s31, $0xb8;
	[tilespmem:$0x1B480] =	vst v63  }
0xc1: {  	_ =	swait.ge [sflag:s12], $0x2800  }
0xc2: {  	[sflag:s12] =	ssyncset.done $0x0  }
0xc3: {  	[sflag:s12] =	ssyncadd.s32 $0xFFFFD800  }
0xc4: {  	[spmem:s1] =	stream.indirect.scatter.add.f32 [tilespmem:s0], [sflag:$0x8], $0x80, s9, s31, $0xb8;
	[tilespmem:$0x1B480] =	vst v63  }
0xc5: {  	_ =	swait.ge [sflag:s22], $0x2800  }
0xc6: {  	s13 =	rddreg [dreg:$0x8]  }
0xc7: {  	s4 =	sadd.s32 s7, s13  }
0xc8: {  	[sflag:s22] =	ssyncset.done $0x0;
	s4 =	sshrl.u32 s4, $0x3  }
0xc9: {  	[sflag:s22] =	ssyncadd.s32 $0xFFFFD800;
	s23 =	sadd.s32 s5, s4  }
0xca: {  	[tilespmem:s26], [sflag:$0x5] =	stream.linear.gather [hbm4b:s23+s2], $0x50, $0x38;
	[tilespmem:$0x1B480] =	vst v63  }
0xcb: {  	s4 =	sadd.s32 s6, s4  }
0xcc: {  	[tilespmem:s28], [sflag:$0x5] =	stream.linear.gather [hbm4b:s4+s2], $0x50, $0x38;
	[tilespmem:$0x1B480] =	vst v63  }
0xcd: {  	_ =	swait.ge [sflag:s30], $0x50  }
0xce: {  	[sflag:s30] =	ssyncset.done $0x0  }
0xcf: {  	[sflag:s30] =	ssyncadd.s32 $0xFFFFFFB0  }
0xd0: {  	_ =	swait.ge [sflag:s30], $0x50  }
0xd1: {  	[sflag:s30] =	ssyncset.done $0x0  }
0xd2: {  	[sflag:s30] =	ssyncadd.s32 $0xFFFFFFB0  }
0xd3: {  	[tilespmem:s17], [sflag:$0x3] =	stream.indirect.gather [hbm4b:s3+s31], $0x80, s24, s31, $0xb8;
	[tilespmem:$0x1B480] =	vst v63  }
0xd4: {  	_ =	swait.ge [sflag:s18], $0x2800  }
0xd5: {  	[sflag:s18] =	ssyncset.done $0x0  }
0xd6: {  	[sflag:s18] =	ssyncadd.s32 $0xFFFFD800  }
0xd7: {  	[spmem:s1] =	stream.indirect.scatter.add.f32 [tilespmem:s11], [sflag:$0x9], $0x80, s15, s31, $0xb8;
	[tilespmem:$0x1B480] =	vst v63  }
0xd8: {  	_ =	swait.ge [sflag:s19], $0x2800  }
0xd9: {  	s13 =	rddreg [dreg:$0x9]  }
0xda: {  	s4 =	sadd.s32 s7, s13  }
0xdb: {  	[sflag:s19] =	ssyncset.done $0x0;
	s4 =	sshrl.u32 s4, $0x3  }
0xdc: {  	[sflag:s19] =	ssyncadd.s32 $0xFFFFD800;
	s23 =	sadd.s32 s5, s4  }
0xdd: {  	[tilespmem:s8], [sflag:$0x6] =	stream.linear.gather [hbm4b:s23+s2], $0x50, $0x38;
	[tilespmem:$0x1B480] =	vst v63  }
0xde: {  	s4 =	sadd.s32 s6, s4  }
0xdf: {  	[tilespmem:s9], [sflag:$0x6] =	stream.linear.gather [hbm4b:s4+s2], $0x50, $0x38;
	[tilespmem:$0x1B480] =	vst v63  }
0xe0: {  	_ =	swait.ge [sflag:s10], $0x50  }
0xe1: {  	[sflag:s10] =	ssyncset.done $0x0  }
0xe2: {  	[sflag:s10] =	ssyncadd.s32 $0xFFFFFFB0  }
0xe3: {  	_ =	swait.ge [sflag:s10], $0x50  }
0xe4: {  	[sflag:s10] =	ssyncset.done $0x0  }
0xe5: {  	[sflag:s10] =	ssyncadd.s32 $0xFFFFFFB0  }
0xe6: {  	[tilespmem:s0], [sflag:$0x1] =	stream.indirect.gather [hbm4b:s3+s31], $0x80, s26, s31, $0xb8;
	[tilespmem:$0x1B480] =	vst v63  }
0xe7: {  	_ =	swait.ge [sflag:s21], $0x2800  }
0xe8: {  	[sflag:s21] =	ssyncset.done $0x0  }
0xe9: {  	[sflag:s21] =	ssyncadd.s32 $0xFFFFD800  }
0xea: {  	[spmem:s1] =	stream.indirect.scatter.add.f32 [tilespmem:s17], [sflag:$0x8], $0x80, s25, s31, $0xb8;
	[tilespmem:$0x1B480] =	vst v63  }
0xeb: {  	_ =	swait.ge [sflag:s22], $0x2800  }
0xec: {  	s13 =	rddreg [dreg:$0xa]  }
0xed: {  	s4 =	sadd.s32 s7, s13  }
0xee: {  	[sflag:s22] =	ssyncset.done $0x0;
	s4 =	sshrl.u32 s4, $0x3  }
0xef: {  	[sflag:s22] =	ssyncadd.s32 $0xFFFFD800;
	s23 =	sadd.s32 s5, s4  }
0xf0: {  	[tilespmem:s14], [sflag:$0x7] =	stream.linear.gather [hbm4b:s23+s2], $0x50, $0x38;
	[tilespmem:$0x1B480] =	vst v63  }
0xf1: {  	s4 =	sadd.s32 s6, s4  }
0xf2: {  	[tilespmem:s15], [sflag:$0x7] =	stream.linear.gather [hbm4b:s4+s2], $0x50, $0x38;
	[tilespmem:$0x1B480] =	vst v63  }
0xf3: {  	_ =	swait.ge [sflag:s16], $0x50  }
0xf4: {  	[sflag:s16] =	ssyncset.done $0x0  }
0xf5: {  	[sflag:s16] =	ssyncadd.s32 $0xFFFFFFB0  }
0xf6: {  	_ =	swait.ge [sflag:s16], $0x50  }
0xf7: {  	[sflag:s16] =	ssyncset.done $0x0  }
0xf8: {  	[sflag:s16] =	ssyncadd.s32 $0xFFFFFFB0  }
0xf9: {  	[tilespmem:s11], [sflag:$0x2] =	stream.indirect.gather [hbm4b:s3+s31], $0x80, s8, s31, $0xb8;
	[tilespmem:$0x1B480] =	vst v63  }
0xfa: {  	_ =	swait.ge [sflag:s12], $0x2800  }
0xfb: {  	[sflag:s12] =	ssyncset.done $0x0  }
0xfc: {  	[sflag:s12] =	ssyncadd.s32 $0xFFFFD800  }
0xfd: {  	[spmem:s1] =	stream.indirect.scatter.add.f32 [tilespmem:s0], [sflag:$0x9], $0x80, s28, s31, $0xb8;
	[tilespmem:$0x1B480] =	vst v63  }
0xfe: {  	_ =	swait.ge [sflag:s19], $0x2800  }
0xff: {  	s13 =	rddreg [dreg:$0xb]  }
0x100: {  	s4 =	sadd.s32 s7, s13  }
0x101: {  	[sflag:s19] =	ssyncset.done $0x0;
	s4 =	sshrl.u32 s4, $0x3  }
0x102: {  	[sflag:s19] =	ssyncadd.s32 $0xFFFFD800;
	s23 =	sadd.s32 s5, s4  }
0x103: {  	[tilespmem:s24], [sflag:$0x4] =	stream.linear.gather [hbm4b:s23+s2], $0x50, $0x38;
	[tilespmem:$0x1B480] =	vst v63  }
0x104: {  	s4 =	sadd.s32 s6, s4  }
0x105: {  	[tilespmem:s25], [sflag:$0x4] =	stream.linear.gather [hbm4b:s4+s2], $0x50, $0x38;
	[tilespmem:$0x1B480] =	vst v63  }
0x106: {  	_ =	swait.ge [sflag:s20], $0x50  }
0x107: {  	[sflag:s20] =	ssyncset.done $0x0  }
0x108: {  	[sflag:s20] =	ssyncadd.s32 $0xFFFFFFB0  }
0x109: {  	_ =	swait.ge [sflag:s20], $0x50  }
0x10a: {  	[sflag:s20] =	ssyncset.done $0x0  }
0x10b: {  	[sflag:s20] =	ssyncadd.s32 $0xFFFFFFB0  }
0x10c: {  	[tilespmem:s17], [sflag:$0x3] =	stream.indirect.gather [hbm4b:s3+s31], $0x80, s14, s31, $0xb8;
	[tilespmem:$0x1B480] =	vst v63  }
0x10d: {  	_ =	swait.ge [sflag:s18], $0x2800  }
0x10e: {  	[sflag:s18] =	ssyncset.done $0x0  }
0x10f: {  	[sflag:s18] =	ssyncadd.s32 $0xFFFFD800  }
0x110: {  	[spmem:s1] =	stream.indirect.scatter.add.f32 [tilespmem:s11], [sflag:$0x8], $0x80, s9, s31, $0xb8;
	[tilespmem:$0x1B480] =	vst v63  }
0x111: {  	_ =	swait.ge [sflag:s22], $0x2800  }
0x112: {  	s24 =	rddreg [dreg:$0xc]  }
0x113: {  	s4 =	sadd.s32 s7, s24  }
0x114: {  	[sflag:s22] =	ssyncset.done $0x0;
	s4 =	sshrl.u32 s4, $0x3  }
0x115: {  	[sflag:s22] =	ssyncadd.s32 $0xFFFFD800;
	s25 =	sadd.s32 s5, s4  }
0x116: {  	[tilespmem:s26], [sflag:$0x5] =	stream.linear.gather [hbm4b:s25+s2], $0x50, $0x38;
	[tilespmem:$0x1B480] =	vst v63  }
0x117: {  	s4 =	sadd.s32 s6, s4  }
0x118: {  	[tilespmem:s28], [sflag:$0x5] =	stream.linear.gather [hbm4b:s4+s2], $0x50, $0x38;
	[tilespmem:$0x1B480] =	vst v63  }
0x119: {  	_ =	swait.ge [sflag:s30], $0x50  }
0x11a: {  	[sflag:s30] =	ssyncset.done $0x0  }
0x11b: {  	[sflag:s30] =	ssyncadd.s32 $0xFFFFFFB0  }
0x11c: {  	s29 =	simm.s32 $0x780;
	_ =	swait.ge [sflag:s30], $0x50  }
0x11d: {  	p2 =	por $0x0, $0x0;
	s13 =	simm.s32 $0x3C0;
	[sflag:s30] =	ssyncset.done $0x0  }
0x11e: {  	s7 =	simm.s32 @!p2 $0x4B0;
	s4 =	simm.s32 @!p2 $0x460;
	[sflag:s30] =	ssyncadd.s32 $0xFFFFFFB0  }
.LBB2_2:
0x11f: {  	s26 =	simm.s32 $0x1B080  }
0x120: {  	[tilespmem:s0], [sflag:$0x1] =	stream.indirect.gather [hbm4b:s3+s31], $0x80, s26, s31, $0xb8;
	[tilespmem:$0x1B480] =	vst v63  }
0x121: {  	_ =	swait.ge [sflag:s21], $0x2800  }
0x122: {  	s4 =	simm.s32 @p2 $0xA0;
	[sflag:s21] =	ssyncset.done $0x0  }
0x123: {  	s24 =	simm.s32 @!p2 $0x8;
	s25 =	rddreg [dreg:$0xd];
	[sflag:s21] =	ssyncadd.s32 $0xFFFFD800  }
0x124: {  	[spmem:s1] =	stream.indirect.scatter.add.f32 [tilespmem:s17], [sflag:$0x9], $0x80, s15, s31, $0xb8;
	[tilespmem:$0x1B480] =	vst v63  }
0x125: {  	s4 =	sadd.s32 s25, s4;
	_ =	swait.ge @!p2 [sflag:s24], $0x2800  }
0x126: {  	s4 =	sshrl.u32 s4, $0x3;
	[sflag:s24] =	ssyncset.done @!p2 $0x0  }
0x127: {  	s28 =	sadd.s32 s5, s4;
	[sflag:s24] =	ssyncadd.s32 @!p2 $0xFFFFD800  }
0x128: {  	[tilespmem:s8], [sflag:$0x6] =	stream.linear.gather [hbm4b:s28+s2], $0x50, $0x38;
	[tilespmem:$0x1B480] =	vst v63  }
0x129: {  	s4 =	sadd.s32 s6, s4  }
0x12a: {  	[tilespmem:s9], [sflag:$0x6] =	stream.linear.gather [hbm4b:s4+s2], $0x50, $0x38;
	[tilespmem:$0x1B480] =	vst v63  }
0x12b: {  	_ =	swait.ge [sflag:s10], $0x50  }
0x12c: {  	[sflag:s10] =	ssyncset.done $0x0  }
0x12d: {  	[sflag:s10] =	ssyncadd.s32 $0xFFFFFFB0  }
0x12e: {  	_ =	swait.ge [sflag:s10], $0x50  }
0x12f: {  	[sflag:s10] =	ssyncset.done $0x0  }
0x130: {  	s28 =	simm.s32 $0x1B100;
	[sflag:s10] =	ssyncadd.s32 $0xFFFFFFB0  }
0x131: {  	[tilespmem:s11], [sflag:$0x2] =	stream.indirect.gather [hbm4b:s3+s31], $0x80, s28, s31, $0xb8;
	[tilespmem:$0x1B480] =	vst v63  }
0x132: {  	_ =	swait.ge [sflag:s12], $0x2800  }
0x133: {  	s7 =	simm.s32 @p2 $0xF0;
	[sflag:s12] =	ssyncset.done $0x0  }
0x134: {  	s24 =	simm.s32 $0x1B280;
	s4 =	simm.s32 @!p2 $0x9;
	[sflag:s12] =	ssyncadd.s32 $0xFFFFD800  }
0x135: {  	[spmem:s1] =	stream.indirect.scatter.add.f32 [tilespmem:s0], [sflag:$0x8], $0x80, s24, s31, $0xb8;
	[tilespmem:$0x1B480] =	vst v63  }
0x136: {  	s7 =	sadd.s32 s25, s7;
	_ =	swait.ge @!p2 [sflag:s4], $0x2800  }
0x137: {  	s7 =	sshrl.u32 s7, $0x3;
	[sflag:s4] =	ssyncset.done @!p2 $0x0  }
0x138: {  	s25 =	sadd.s32 s5, s7;
	[sflag:s4] =	ssyncadd.s32 @!p2 $0xFFFFD800  }
0x139: {  	[tilespmem:s14], [sflag:$0x7] =	stream.linear.gather [hbm4b:s25+s2], $0x50, $0x38;
	[tilespmem:$0x1B480] =	vst v63  }
0x13a: {  	s7 =	sadd.s32 s6, s7  }
0x13b: {  	[tilespmem:s15], [sflag:$0x7] =	stream.linear.gather [hbm4b:s7+s2], $0x50, $0x38;
	[tilespmem:$0x1B480] =	vst v63  }
0x13c: {  	_ =	swait.ge [sflag:s16], $0x50  }
0x13d: {  	[sflag:s16] =	ssyncset.done $0x0  }
0x13e: {  	[sflag:s16] =	ssyncadd.s32 $0xFFFFFFB0  }
0x13f: {  	_ =	swait.ge [sflag:s16], $0x50  }
0x140: {  	[sflag:s16] =	ssyncset.done $0x0  }
0x141: {  	[sflag:s16] =	ssyncadd.s32 $0xFFFFFFB0  }
0x142: {  	[tilespmem:s17], [sflag:$0x3] =	stream.indirect.gather [hbm4b:s3+s31], $0x80, s8, s31, $0xb8;
	[tilespmem:$0x1B480] =	vst v63  }
0x143: {  	_ =	swait.ge [sflag:s18], $0x2800  }
0x144: {  	[sflag:s18] =	ssyncset.done $0x0  }
0x145: {  	s25 =	simm.s32 $0x1B300;
	[sflag:s18] =	ssyncadd.s32 $0xFFFFD800  }
0x146: {  	[spmem:s1] =	stream.indirect.scatter.add.f32 [tilespmem:s11], [sflag:$0x9], $0x80, s25, s31, $0xb8;
	[tilespmem:$0x1B480] =	vst v63  }
0x147: {  	s7 =	smov.u32 s13;
	_ =	swait.ge [sflag:s19], $0x2800  }
0x148: {  	s7 =	simm.s32 @p2 $0x0;
	s4 =	rddreg [dreg:$0x3]  }
0x149: {  	s4 =	sadd.s32 s7, s4  }
0x14a: {  	s23 =	smov.u32 s29;
	[sflag:s19] =	ssyncset.done $0x0;
	s4 =	sshrl.u32 s4, $0x3  }
0x14b: {  	s13 =	smov.u32 s23;
	[sflag:s19] =	ssyncadd.s32 $0xFFFFD800;
	s23 =	sadd.s32 s5, s4  }
0x14c: {  	[tilespmem:s26], [sflag:$0x4] =	stream.linear.gather [hbm4b:s23+s2], $0x50, $0x38;
	[tilespmem:$0x1B480] =	vst v63  }
0x14d: {  	s4 =	sadd.s32 s6, s4  }
0x14e: {  	[tilespmem:s24], [sflag:$0x4] =	stream.linear.gather [hbm4b:s4+s2], $0x50, $0x38;
	[tilespmem:$0x1B480] =	vst v63  }
0x14f: {  	_ =	swait.ge [sflag:s20], $0x50  }
0x150: {  	[sflag:s20] =	ssyncset.done $0x0  }
0x151: {  	[sflag:s20] =	ssyncadd.s32 $0xFFFFFFB0  }
0x152: {  	_ =	swait.ge [sflag:s20], $0x50  }
0x153: {  	[sflag:s20] =	ssyncset.done $0x0  }
0x154: {  	[sflag:s20] =	ssyncadd.s32 $0xFFFFFFB0  }
0x155: {  	[tilespmem:s0], [sflag:$0x1] =	stream.indirect.gather [hbm4b:s3+s31], $0x80, s14, s31, $0xb8;
	[tilespmem:$0x1B480] =	vst v63  }
0x156: {  	_ =	swait.ge [sflag:s21], $0x2800  }
0x157: {  	[sflag:s21] =	ssyncset.done $0x0  }
0x158: {  	[sflag:s21] =	ssyncadd.s32 $0xFFFFD800  }
0x159: {  	[spmem:s1] =	stream.indirect.scatter.add.f32 [tilespmem:s17], [sflag:$0x8], $0x80, s9, s31, $0xb8;
	[tilespmem:$0x1B480] =	vst v63  }
0x15a: {  	_ =	swait.ge [sflag:s22], $0x2800  }
0x15b: {  	s23 =	rddreg [dreg:$0x4]  }
0x15c: {  	s4 =	sadd.s32 s7, s23  }
0x15d: {  	[sflag:s22] =	ssyncset.done $0x0;
	s4 =	sshrl.u32 s4, $0x3  }
0x15e: {  	[sflag:s22] =	ssyncadd.s32 $0xFFFFD800;
	s23 =	sadd.s32 s5, s4  }
0x15f: {  	[tilespmem:s28], [sflag:$0x5] =	stream.linear.gather [hbm4b:s23+s2], $0x50, $0x38;
	[tilespmem:$0x1B480] =	vst v63  }
0x160: {  	s4 =	sadd.s32 s6, s4  }
0x161: {  	[tilespmem:s25], [sflag:$0x5] =	stream.linear.gather [hbm4b:s4+s2], $0x50, $0x38;
	[tilespmem:$0x1B480] =	vst v63  }
0x162: {  	_ =	swait.ge [sflag:s30], $0x50  }
0x163: {  	[sflag:s30] =	ssyncset.done $0x0  }
0x164: {  	[sflag:s30] =	ssyncadd.s32 $0xFFFFFFB0  }
0x165: {  	_ =	swait.ge [sflag:s30], $0x50  }
0x166: {  	[sflag:s30] =	ssyncset.done $0x0  }
0x167: {  	[sflag:s30] =	ssyncadd.s32 $0xFFFFFFB0  }
0x168: {  	[tilespmem:s11], [sflag:$0x2] =	stream.indirect.gather [hbm4b:s3+s31], $0x80, s26, s31, $0xb8;
	[tilespmem:$0x1B480] =	vst v63  }
0x169: {  	_ =	swait.ge [sflag:s12], $0x2800  }
0x16a: {  	[sflag:s12] =	ssyncset.done $0x0  }
0x16b: {  	[sflag:s12] =	ssyncadd.s32 $0xFFFFD800  }
0x16c: {  	[spmem:s1] =	stream.indirect.scatter.add.f32 [tilespmem:s0], [sflag:$0x9], $0x80, s15, s31, $0xb8;
	[tilespmem:$0x1B480] =	vst v63  }
0x16d: {  	_ =	swait.ge [sflag:s19], $0x2800  }
0x16e: {  	s23 =	rddreg [dreg:$0x5]  }
0x16f: {  	s4 =	sadd.s32 s7, s23  }
0x170: {  	[sflag:s19] =	ssyncset.done $0x0;
	s4 =	sshrl.u32 s4, $0x3  }
0x171: {  	[sflag:s19] =	ssyncadd.s32 $0xFFFFD800;
	s23 =	sadd.s32 s5, s4  }
0x172: {  	[tilespmem:s8], [sflag:$0x6] =	stream.linear.gather [hbm4b:s23+s2], $0x50, $0x38;
	[tilespmem:$0x1B480] =	vst v63  }
0x173: {  	s4 =	sadd.s32 s6, s4  }
0x174: {  	[tilespmem:s9], [sflag:$0x6] =	stream.linear.gather [hbm4b:s4+s2], $0x50, $0x38;
	[tilespmem:$0x1B480] =	vst v63  }
0x175: {  	_ =	swait.ge [sflag:s10], $0x50  }
0x176: {  	[sflag:s10] =	ssyncset.done $0x0  }
0x177: {  	[sflag:s10] =	ssyncadd.s32 $0xFFFFFFB0  }
0x178: {  	_ =	swait.ge [sflag:s10], $0x50  }
0x179: {  	[sflag:s10] =	ssyncset.done $0x0  }
0x17a: {  	[sflag:s10] =	ssyncadd.s32 $0xFFFFFFB0  }
0x17b: {  	[tilespmem:s17], [sflag:$0x3] =	stream.indirect.gather [hbm4b:s3+s31], $0x80, s28, s31, $0xb8;
	[tilespmem:$0x1B480] =	vst v63  }
0x17c: {  	_ =	swait.ge [sflag:s18], $0x2800  }
0x17d: {  	[sflag:s18] =	ssyncset.done $0x0  }
0x17e: {  	[sflag:s18] =	ssyncadd.s32 $0xFFFFD800  }
0x17f: {  	[spmem:s1] =	stream.indirect.scatter.add.f32 [tilespmem:s11], [sflag:$0x8], $0x80, s24, s31, $0xb8;
	[tilespmem:$0x1B480] =	vst v63  }
0x180: {  	_ =	swait.ge [sflag:s22], $0x2800  }
0x181: {  	s23 =	rddreg [dreg:$0x6]  }
0x182: {  	s4 =	sadd.s32 s7, s23  }
0x183: {  	[sflag:s22] =	ssyncset.done $0x0;
	s4 =	sshrl.u32 s4, $0x3  }
0x184: {  	[sflag:s22] =	ssyncadd.s32 $0xFFFFD800;
	s23 =	sadd.s32 s5, s4  }
0x185: {  	[tilespmem:s14], [sflag:$0x7] =	stream.linear.gather [hbm4b:s23+s2], $0x50, $0x38;
	[tilespmem:$0x1B480] =	vst v63  }
0x186: {  	s4 =	sadd.s32 s6, s4  }
0x187: {  	[tilespmem:s15], [sflag:$0x7] =	stream.linear.gather [hbm4b:s4+s2], $0x50, $0x38;
	[tilespmem:$0x1B480] =	vst v63  }
0x188: {  	_ =	swait.ge [sflag:s16], $0x50  }
0x189: {  	[sflag:s16] =	ssyncset.done $0x0  }
0x18a: {  	[sflag:s16] =	ssyncadd.s32 $0xFFFFFFB0  }
0x18b: {  	_ =	swait.ge [sflag:s16], $0x50  }
0x18c: {  	[sflag:s16] =	ssyncset.done $0x0  }
0x18d: {  	[sflag:s16] =	ssyncadd.s32 $0xFFFFFFB0  }
0x18e: {  	[tilespmem:s0], [sflag:$0x1] =	stream.indirect.gather [hbm4b:s3+s31], $0x80, s8, s31, $0xb8;
	[tilespmem:$0x1B480] =	vst v63  }
0x18f: {  	_ =	swait.ge [sflag:s21], $0x2800  }
0x190: {  	[sflag:s21] =	ssyncset.done $0x0  }
0x191: {  	[sflag:s21] =	ssyncadd.s32 $0xFFFFD800  }
0x192: {  	[spmem:s1] =	stream.indirect.scatter.add.f32 [tilespmem:s17], [sflag:$0x9], $0x80, s25, s31, $0xb8;
	[tilespmem:$0x1B480] =	vst v63  }
0x193: {  	_ =	swait.ge [sflag:s19], $0x2800  }
0x194: {  	s23 =	rddreg [dreg:$0x7]  }
0x195: {  	s4 =	sadd.s32 s7, s23  }
0x196: {  	[sflag:s19] =	ssyncset.done $0x0;
	s4 =	sshrl.u32 s4, $0x3  }
0x197: {  	[sflag:s19] =	ssyncadd.s32 $0xFFFFD800;
	s23 =	sadd.s32 s5, s4  }
0x198: {  	[tilespmem:s26], [sflag:$0x4] =	stream.linear.gather [hbm4b:s23+s2], $0x50, $0x38;
	[tilespmem:$0x1B480] =	vst v63  }
0x199: {  	s4 =	sadd.s32 s6, s4  }
0x19a: {  	[tilespmem:s24], [sflag:$0x4] =	stream.linear.gather [hbm4b:s4+s2], $0x50, $0x38;
	[tilespmem:$0x1B480] =	vst v63  }
0x19b: {  	_ =	swait.ge [sflag:s20], $0x50  }
0x19c: {  	[sflag:s20] =	ssyncset.done $0x0  }
0x19d: {  	[sflag:s20] =	ssyncadd.s32 $0xFFFFFFB0  }
0x19e: {  	_ =	swait.ge [sflag:s20], $0x50  }
0x19f: {  	[sflag:s20] =	ssyncset.done $0x0  }
0x1a0: {  	[sflag:s20] =	ssyncadd.s32 $0xFFFFFFB0  }
0x1a1: {  	[tilespmem:s11], [sflag:$0x2] =	stream.indirect.gather [hbm4b:s3+s31], $0x80, s14, s31, $0xb8;
	[tilespmem:$0x1B480] =	vst v63  }
0x1a2: {  	_ =	swait.ge [sflag:s12], $0x2800  }
0x1a3: {  	[sflag:s12] =	ssyncset.done $0x0  }
0x1a4: {  	[sflag:s12] =	ssyncadd.s32 $0xFFFFD800  }
0x1a5: {  	[spmem:s1] =	stream.indirect.scatter.add.f32 [tilespmem:s0], [sflag:$0x8], $0x80, s9, s31, $0xb8;
	[tilespmem:$0x1B480] =	vst v63  }
0x1a6: {  	_ =	swait.ge [sflag:s22], $0x2800  }
0x1a7: {  	s23 =	rddreg [dreg:$0x8]  }
0x1a8: {  	s4 =	sadd.s32 s7, s23  }
0x1a9: {  	[sflag:s22] =	ssyncset.done $0x0;
	s4 =	sshrl.u32 s4, $0x3  }
0x1aa: {  	[sflag:s22] =	ssyncadd.s32 $0xFFFFD800;
	s23 =	sadd.s32 s5, s4  }
0x1ab: {  	[tilespmem:s28], [sflag:$0x5] =	stream.linear.gather [hbm4b:s23+s2], $0x50, $0x38;
	[tilespmem:$0x1B480] =	vst v63  }
0x1ac: {  	s4 =	sadd.s32 s6, s4  }
0x1ad: {  	[tilespmem:s25], [sflag:$0x5] =	stream.linear.gather [hbm4b:s4+s2], $0x50, $0x38;
	[tilespmem:$0x1B480] =	vst v63  }
0x1ae: {  	_ =	swait.ge [sflag:s30], $0x50  }
0x1af: {  	[sflag:s30] =	ssyncset.done $0x0  }
0x1b0: {  	[sflag:s30] =	ssyncadd.s32 $0xFFFFFFB0  }
0x1b1: {  	_ =	swait.ge [sflag:s30], $0x50  }
0x1b2: {  	[sflag:s30] =	ssyncset.done $0x0  }
0x1b3: {  	[sflag:s30] =	ssyncadd.s32 $0xFFFFFFB0  }
0x1b4: {  	[tilespmem:s17], [sflag:$0x3] =	stream.indirect.gather [hbm4b:s3+s31], $0x80, s26, s31, $0xb8;
	[tilespmem:$0x1B480] =	vst v63  }
0x1b5: {  	_ =	swait.ge [sflag:s18], $0x2800  }
0x1b6: {  	[sflag:s18] =	ssyncset.done $0x0  }
0x1b7: {  	[sflag:s18] =	ssyncadd.s32 $0xFFFFD800  }
0x1b8: {  	[spmem:s1] =	stream.indirect.scatter.add.f32 [tilespmem:s11], [sflag:$0x9], $0x80, s15, s31, $0xb8;
	[tilespmem:$0x1B480] =	vst v63  }
0x1b9: {  	_ =	swait.ge [sflag:s19], $0x2800  }
0x1ba: {  	s23 =	rddreg [dreg:$0x9]  }
0x1bb: {  	s4 =	sadd.s32 s7, s23  }
0x1bc: {  	[sflag:s19] =	ssyncset.done $0x0;
	s4 =	sshrl.u32 s4, $0x3  }
0x1bd: {  	[sflag:s19] =	ssyncadd.s32 $0xFFFFD800;
	s23 =	sadd.s32 s5, s4  }
0x1be: {  	[tilespmem:s8], [sflag:$0x6] =	stream.linear.gather [hbm4b:s23+s2], $0x50, $0x38;
	[tilespmem:$0x1B480] =	vst v63  }
0x1bf: {  	s4 =	sadd.s32 s6, s4  }
0x1c0: {  	[tilespmem:s9], [sflag:$0x6] =	stream.linear.gather [hbm4b:s4+s2], $0x50, $0x38;
	[tilespmem:$0x1B480] =	vst v63  }
0x1c1: {  	_ =	swait.ge [sflag:s10], $0x50  }
0x1c2: {  	[sflag:s10] =	ssyncset.done $0x0  }
0x1c3: {  	[sflag:s10] =	ssyncadd.s32 $0xFFFFFFB0  }
0x1c4: {  	_ =	swait.ge [sflag:s10], $0x50  }
0x1c5: {  	[sflag:s10] =	ssyncset.done $0x0  }
0x1c6: {  	[sflag:s10] =	ssyncadd.s32 $0xFFFFFFB0  }
0x1c7: {  	[tilespmem:s0], [sflag:$0x1] =	stream.indirect.gather [hbm4b:s3+s31], $0x80, s28, s31, $0xb8;
	[tilespmem:$0x1B480] =	vst v63  }
0x1c8: {  	_ =	swait.ge [sflag:s21], $0x2800  }
0x1c9: {  	[sflag:s21] =	ssyncset.done $0x0  }
0x1ca: {  	[sflag:s21] =	ssyncadd.s32 $0xFFFFD800  }
0x1cb: {  	[spmem:s1] =	stream.indirect.scatter.add.f32 [tilespmem:s17], [sflag:$0x8], $0x80, s24, s31, $0xb8;
	[tilespmem:$0x1B480] =	vst v63  }
0x1cc: {  	_ =	swait.ge [sflag:s22], $0x2800  }
0x1cd: {  	s23 =	rddreg [dreg:$0xa]  }
0x1ce: {  	s4 =	sadd.s32 s7, s23  }
0x1cf: {  	[sflag:s22] =	ssyncset.done $0x0;
	s4 =	sshrl.u32 s4, $0x3  }
0x1d0: {  	[sflag:s22] =	ssyncadd.s32 $0xFFFFD800;
	s23 =	sadd.s32 s5, s4  }
0x1d1: {  	[tilespmem:s14], [sflag:$0x7] =	stream.linear.gather [hbm4b:s23+s2], $0x50, $0x38;
	[tilespmem:$0x1B480] =	vst v63  }
0x1d2: {  	s4 =	sadd.s32 s6, s4  }
0x1d3: {  	[tilespmem:s15], [sflag:$0x7] =	stream.linear.gather [hbm4b:s4+s2], $0x50, $0x38;
	[tilespmem:$0x1B480] =	vst v63  }
0x1d4: {  	_ =	swait.ge [sflag:s16], $0x50  }
0x1d5: {  	[sflag:s16] =	ssyncset.done $0x0  }
0x1d6: {  	[sflag:s16] =	ssyncadd.s32 $0xFFFFFFB0  }
0x1d7: {  	_ =	swait.ge [sflag:s16], $0x50  }
0x1d8: {  	[sflag:s16] =	ssyncset.done $0x0  }
0x1d9: {  	[sflag:s16] =	ssyncadd.s32 $0xFFFFFFB0  }
0x1da: {  	[tilespmem:s11], [sflag:$0x2] =	stream.indirect.gather [hbm4b:s3+s31], $0x80, s8, s31, $0xb8;
	[tilespmem:$0x1B480] =	vst v63  }
0x1db: {  	_ =	swait.ge [sflag:s12], $0x2800  }
0x1dc: {  	[sflag:s12] =	ssyncset.done $0x0  }
0x1dd: {  	[sflag:s12] =	ssyncadd.s32 $0xFFFFD800  }
0x1de: {  	[spmem:s1] =	stream.indirect.scatter.add.f32 [tilespmem:s0], [sflag:$0x9], $0x80, s25, s31, $0xb8;
	[tilespmem:$0x1B480] =	vst v63  }
0x1df: {  	_ =	swait.ge [sflag:s19], $0x2800  }
0x1e0: {  	s23 =	rddreg [dreg:$0xb]  }
0x1e1: {  	s4 =	sadd.s32 s7, s23  }
0x1e2: {  	[sflag:s19] =	ssyncset.done $0x0;
	s4 =	sshrl.u32 s4, $0x3  }
0x1e3: {  	[sflag:s19] =	ssyncadd.s32 $0xFFFFD800;
	s23 =	sadd.s32 s5, s4  }
0x1e4: {  	[tilespmem:s26], [sflag:$0x4] =	stream.linear.gather [hbm4b:s23+s2], $0x50, $0x38;
	[tilespmem:$0x1B480] =	vst v63  }
0x1e5: {  	s4 =	sadd.s32 s6, s4  }
0x1e6: {  	[tilespmem:s24], [sflag:$0x4] =	stream.linear.gather [hbm4b:s4+s2], $0x50, $0x38;
	[tilespmem:$0x1B480] =	vst v63  }
0x1e7: {  	_ =	swait.ge [sflag:s20], $0x50  }
0x1e8: {  	[sflag:s20] =	ssyncset.done $0x0  }
0x1e9: {  	[sflag:s20] =	ssyncadd.s32 $0xFFFFFFB0  }
0x1ea: {  	_ =	swait.ge [sflag:s20], $0x50  }
0x1eb: {  	[sflag:s20] =	ssyncset.done $0x0  }
0x1ec: {  	[sflag:s20] =	ssyncadd.s32 $0xFFFFFFB0  }
0x1ed: {  	[tilespmem:s17], [sflag:$0x3] =	stream.indirect.gather [hbm4b:s3+s31], $0x80, s14, s31, $0xb8;
	[tilespmem:$0x1B480] =	vst v63  }
0x1ee: {  	_ =	swait.ge [sflag:s18], $0x2800  }
0x1ef: {  	[sflag:s18] =	ssyncset.done $0x0  }
0x1f0: {  	[sflag:s18] =	ssyncadd.s32 $0xFFFFD800  }
0x1f1: {  	[spmem:s1] =	stream.indirect.scatter.add.f32 [tilespmem:s11], [sflag:$0x8], $0x80, s9, s31, $0xb8;
	[tilespmem:$0x1B480] =	vst v63  }
0x1f2: {  	_ =	swait.ge [sflag:s22], $0x2800  }
0x1f3: {  	s24 =	rddreg [dreg:$0xc]  }
0x1f4: {  	s4 =	sadd.s32 s7, s24  }
0x1f5: {  	[sflag:s22] =	ssyncset.done $0x0;
	s4 =	sshrl.u32 s4, $0x3  }
0x1f6: {  	[sflag:s22] =	ssyncadd.s32 $0xFFFFD800;
	s26 =	sadd.s32 s5, s4  }
0x1f7: {  	[tilespmem:s28], [sflag:$0x5] =	stream.linear.gather [hbm4b:s26+s2], $0x50, $0x38;
	[tilespmem:$0x1B480] =	vst v63  }
0x1f8: {  	s29 =	sadd.s32 $0x3C0, s29;
	s4 =	sadd.s32 s6, s4  }
0x1f9: {  	[tilespmem:s25], [sflag:$0x5] =	stream.linear.gather [hbm4b:s4+s2], $0x50, $0x38;
	[tilespmem:$0x1B480] =	vst v63  }
0x1fa: {  	p1 =	sne.s32 s29, $0x2580;
	_ =	swait.ge [sflag:s30], $0x50  }
.Ltmp0:
0x1fb: {  	[sflag:s30] =	ssyncset.done $0x0;
	(pc) =	sbr.rel @p1 .LBB2_2-.Ltmp0, $4  }
0x1fc: {  	[sflag:s30] =	ssyncadd.s32 $0xFFFFFFB0  }
0x1fd: {  	_ =	swait.ge [sflag:s30], $0x50  }
0x1fe: {  	p2 =	seq.s32 s13, $0x0;
	[sflag:s30] =	ssyncset.done $0x0  }
0x1ff: {  	s7 =	sadd.s32 @!p2 $0xF0, s13;
	s4 =	sadd.s32 @!p2 $0xA0, s13;
	[sflag:s30] =	ssyncadd.s32 $0xFFFFFFB0  }
0x200: {  	s25 =	simm.s32 $0x1B080  }
0x201: {  	[tilespmem:s0], [sflag:$0x1] =	stream.indirect.gather [hbm4b:s3+s31], $0x80, s25, s31, $0xb8;
	[tilespmem:$0x1B480] =	vst v63  }
0x202: {  	_ =	swait.ge [sflag:s21], $0x2800  }
0x203: {  	s4 =	simm.s32 @p2 $0xA0;
	[sflag:s21] =	ssyncset.done $0x0  }
0x204: {  	s23 =	simm.s32 @!p2 $0x8;
	s24 =	rddreg [dreg:$0xd];
	[sflag:s21] =	ssyncadd.s32 $0xFFFFD800  }
0x205: {  	[spmem:s1] =	stream.indirect.scatter.add.f32 [tilespmem:s17], [sflag:$0x9], $0x80, s15, s31, $0xb8;
	[tilespmem:$0x1B480] =	vst v63  }
0x206: {  	s4 =	sadd.s32 s24, s4;
	_ =	swait.ge @!p2 [sflag:s23], $0x2800  }
0x207: {  	s4 =	sshrl.u32 s4, $0x3;
	[sflag:s23] =	ssyncset.done @!p2 $0x0  }
0x208: {  	s28 =	sadd.s32 s5, s4;
	[sflag:s23] =	ssyncadd.s32 @!p2 $0xFFFFD800  }
0x209: {  	[tilespmem:s8], [sflag:$0x6] =	stream.linear.gather [hbm4b:s28+s2], $0x50, $0x38;
	[tilespmem:$0x1B480] =	vst v63  }
0x20a: {  	s4 =	sadd.s32 s6, s4  }
0x20b: {  	[tilespmem:s9], [sflag:$0x6] =	stream.linear.gather [hbm4b:s4+s2], $0x50, $0x38;
	[tilespmem:$0x1B480] =	vst v63  }
0x20c: {  	_ =	swait.ge [sflag:s10], $0x50  }
0x20d: {  	[sflag:s10] =	ssyncset.done $0x0  }
0x20e: {  	[sflag:s10] =	ssyncadd.s32 $0xFFFFFFB0  }
0x20f: {  	_ =	swait.ge [sflag:s10], $0x50  }
0x210: {  	[sflag:s10] =	ssyncset.done $0x0  }
0x211: {  	s26 =	simm.s32 $0x1B100;
	[sflag:s10] =	ssyncadd.s32 $0xFFFFFFB0  }
0x212: {  	[tilespmem:s11], [sflag:$0x2] =	stream.indirect.gather [hbm4b:s3+s31], $0x80, s26, s31, $0xb8;
	[tilespmem:$0x1B480] =	vst v63  }
0x213: {  	_ =	swait.ge [sflag:s12], $0x2800  }
0x214: {  	s7 =	simm.s32 @p2 $0xF0;
	[sflag:s12] =	ssyncset.done $0x0  }
0x215: {  	s23 =	simm.s32 $0x1B280;
	s4 =	simm.s32 @!p2 $0x9;
	[sflag:s12] =	ssyncadd.s32 $0xFFFFD800  }
0x216: {  	[spmem:s1] =	stream.indirect.scatter.add.f32 [tilespmem:s0], [sflag:$0x8], $0x80, s23, s31, $0xb8;
	[tilespmem:$0x1B480] =	vst v63  }
0x217: {  	s7 =	sadd.s32 s24, s7;
	_ =	swait.ge @!p2 [sflag:s4], $0x2800  }
0x218: {  	s7 =	sshrl.u32 s7, $0x3;
	[sflag:s4] =	ssyncset.done @!p2 $0x0  }
0x219: {  	s29 =	sadd.s32 s5, s7;
	[sflag:s4] =	ssyncadd.s32 @!p2 $0xFFFFD800  }
0x21a: {  	[tilespmem:s14], [sflag:$0x7] =	stream.linear.gather [hbm4b:s29+s2], $0x50, $0x38;
	[tilespmem:$0x1B480] =	vst v63  }
0x21b: {  	s24 =	sadd.s32 s6, s7  }
0x21c: {  	[tilespmem:s15], [sflag:$0x7] =	stream.linear.gather [hbm4b:s24+s2], $0x50, $0x38;
	[tilespmem:$0x1B480] =	vst v63  }
0x21d: {  	_ =	swait.ge [sflag:s16], $0x50  }
0x21e: {  	[sflag:s16] =	ssyncset.done $0x0  }
0x21f: {  	[sflag:s16] =	ssyncadd.s32 $0xFFFFFFB0  }
0x220: {  	_ =	swait.ge [sflag:s16], $0x50  }
0x221: {  	[sflag:s16] =	ssyncset.done $0x0  }
0x222: {  	[sflag:s16] =	ssyncadd.s32 $0xFFFFFFB0  }
0x223: {  	[tilespmem:s17], [sflag:$0x3] =	stream.indirect.gather [hbm4b:s3+s31], $0x80, s8, s31, $0xb8;
	[tilespmem:$0x1B480] =	vst v63  }
0x224: {  	_ =	swait.ge [sflag:s18], $0x2800  }
0x225: {  	[sflag:s18] =	ssyncset.done $0x0  }
0x226: {  	s24 =	simm.s32 $0x1B300;
	[sflag:s18] =	ssyncadd.s32 $0xFFFFD800  }
0x227: {  	[spmem:s1] =	stream.indirect.scatter.add.f32 [tilespmem:s11], [sflag:$0x9], $0x80, s24, s31, $0xb8;
	[tilespmem:$0x1B480] =	vst v63  }
0x228: {  	_ =	swait.ge [sflag:s19], $0x2800  }
0x229: {  	s13 =	simm.s32 @p2 $0x0;
	s28 =	rddreg [dreg:$0x3]  }
0x22a: {  	s4 =	sadd.s32 s13, s28  }
0x22b: {  	[sflag:s19] =	ssyncset.done $0x0;
	s4 =	sshrl.u32 s4, $0x3  }
0x22c: {  	[sflag:s19] =	ssyncadd.s32 $0xFFFFD800;
	s29 =	sadd.s32 s5, s4  }
0x22d: {  	[tilespmem:s25], [sflag:$0x4] =	stream.linear.gather [hbm4b:s29+s2], $0x50, $0x38;
	[tilespmem:$0x1B480] =	vst v63  }
0x22e: {  	s4 =	sadd.s32 s6, s4  }
0x22f: {  	[tilespmem:s23], [sflag:$0x4] =	stream.linear.gather [hbm4b:s4+s2], $0x50, $0x38;
	[tilespmem:$0x1B480] =	vst v63  }
0x230: {  	_ =	swait.ge [sflag:s20], $0x50  }
0x231: {  	[sflag:s20] =	ssyncset.done $0x0  }
0x232: {  	[sflag:s20] =	ssyncadd.s32 $0xFFFFFFB0  }
0x233: {  	_ =	swait.ge [sflag:s20], $0x50  }
0x234: {  	[sflag:s20] =	ssyncset.done $0x0  }
0x235: {  	[sflag:s20] =	ssyncadd.s32 $0xFFFFFFB0  }
0x236: {  	[tilespmem:s0], [sflag:$0x1] =	stream.indirect.gather [hbm4b:s3+s31], $0x80, s14, s31, $0xb8;
	[tilespmem:$0x1B480] =	vst v63  }
0x237: {  	_ =	swait.ge [sflag:s21], $0x2800  }
0x238: {  	[sflag:s21] =	ssyncset.done $0x0  }
0x239: {  	[sflag:s21] =	ssyncadd.s32 $0xFFFFD800  }
0x23a: {  	[spmem:s1] =	stream.indirect.scatter.add.f32 [tilespmem:s17], [sflag:$0x8], $0x80, s9, s31, $0xb8;
	[tilespmem:$0x1B480] =	vst v63  }
0x23b: {  	_ =	swait.ge [sflag:s22], $0x2800  }
0x23c: {  	s28 =	rddreg [dreg:$0x4]  }
0x23d: {  	s4 =	sadd.s32 s13, s28  }
0x23e: {  	[sflag:s22] =	ssyncset.done $0x0;
	s4 =	sshrl.u32 s4, $0x3  }
0x23f: {  	[sflag:s22] =	ssyncadd.s32 $0xFFFFD800;
	s29 =	sadd.s32 s5, s4  }
0x240: {  	[tilespmem:s26], [sflag:$0x5] =	stream.linear.gather [hbm4b:s29+s2], $0x50, $0x38;
	[tilespmem:$0x1B480] =	vst v63  }
0x241: {  	s4 =	sadd.s32 s6, s4  }
0x242: {  	[tilespmem:s24], [sflag:$0x5] =	stream.linear.gather [hbm4b:s4+s2], $0x50, $0x38;
	[tilespmem:$0x1B480] =	vst v63  }
0x243: {  	_ =	swait.ge [sflag:s30], $0x50  }
0x244: {  	[sflag:s30] =	ssyncset.done $0x0  }
0x245: {  	[sflag:s30] =	ssyncadd.s32 $0xFFFFFFB0  }
0x246: {  	_ =	swait.ge [sflag:s30], $0x50  }
0x247: {  	[sflag:s30] =	ssyncset.done $0x0  }
0x248: {  	[sflag:s30] =	ssyncadd.s32 $0xFFFFFFB0  }
0x249: {  	[tilespmem:s11], [sflag:$0x2] =	stream.indirect.gather [hbm4b:s3+s31], $0x80, s25, s31, $0xb8;
	[tilespmem:$0x1B480] =	vst v63  }
0x24a: {  	_ =	swait.ge [sflag:s12], $0x2800  }
0x24b: {  	[sflag:s12] =	ssyncset.done $0x0  }
0x24c: {  	[sflag:s12] =	ssyncadd.s32 $0xFFFFD800  }
0x24d: {  	[spmem:s1] =	stream.indirect.scatter.add.f32 [tilespmem:s0], [sflag:$0x9], $0x80, s15, s31, $0xb8;
	[tilespmem:$0x1B480] =	vst v63  }
0x24e: {  	_ =	swait.ge [sflag:s19], $0x2800  }
0x24f: {  	s28 =	rddreg [dreg:$0x5]  }
0x250: {  	s4 =	sadd.s32 s13, s28  }
0x251: {  	[sflag:s19] =	ssyncset.done $0x0;
	s4 =	sshrl.u32 s4, $0x3  }
0x252: {  	[sflag:s19] =	ssyncadd.s32 $0xFFFFD800;
	s29 =	sadd.s32 s5, s4  }
0x253: {  	[tilespmem:s8], [sflag:$0x6] =	stream.linear.gather [hbm4b:s29+s2], $0x50, $0x38;
	[tilespmem:$0x1B480] =	vst v63  }
0x254: {  	s4 =	sadd.s32 s6, s4  }
0x255: {  	[tilespmem:s9], [sflag:$0x6] =	stream.linear.gather [hbm4b:s4+s2], $0x50, $0x38;
	[tilespmem:$0x1B480] =	vst v63  }
0x256: {  	_ =	swait.ge [sflag:s10], $0x50  }
0x257: {  	[sflag:s10] =	ssyncset.done $0x0  }
0x258: {  	[sflag:s10] =	ssyncadd.s32 $0xFFFFFFB0  }
0x259: {  	_ =	swait.ge [sflag:s10], $0x50  }
0x25a: {  	[sflag:s10] =	ssyncset.done $0x0  }
0x25b: {  	[sflag:s10] =	ssyncadd.s32 $0xFFFFFFB0  }
0x25c: {  	[tilespmem:s17], [sflag:$0x3] =	stream.indirect.gather [hbm4b:s3+s31], $0x80, s26, s31, $0xb8;
	[tilespmem:$0x1B480] =	vst v63  }
0x25d: {  	_ =	swait.ge [sflag:s18], $0x2800  }
0x25e: {  	[sflag:s18] =	ssyncset.done $0x0  }
0x25f: {  	[sflag:s18] =	ssyncadd.s32 $0xFFFFD800  }
0x260: {  	[spmem:s1] =	stream.indirect.scatter.add.f32 [tilespmem:s11], [sflag:$0x8], $0x80, s23, s31, $0xb8;
	[tilespmem:$0x1B480] =	vst v63  }
0x261: {  	_ =	swait.ge [sflag:s22], $0x2800  }
0x262: {  	s28 =	rddreg [dreg:$0x6]  }
0x263: {  	s4 =	sadd.s32 s13, s28  }
0x264: {  	[sflag:s22] =	ssyncset.done $0x0;
	s4 =	sshrl.u32 s4, $0x3  }
0x265: {  	[sflag:s22] =	ssyncadd.s32 $0xFFFFD800;
	s29 =	sadd.s32 s5, s4  }
0x266: {  	[tilespmem:s14], [sflag:$0x7] =	stream.linear.gather [hbm4b:s29+s2], $0x50, $0x38;
	[tilespmem:$0x1B480] =	vst v63  }
0x267: {  	s4 =	sadd.s32 s6, s4  }
0x268: {  	[tilespmem:s15], [sflag:$0x7] =	stream.linear.gather [hbm4b:s4+s2], $0x50, $0x38;
	[tilespmem:$0x1B480] =	vst v63  }
0x269: {  	_ =	swait.ge [sflag:s16], $0x50  }
0x26a: {  	[sflag:s16] =	ssyncset.done $0x0  }
0x26b: {  	[sflag:s16] =	ssyncadd.s32 $0xFFFFFFB0  }
0x26c: {  	_ =	swait.ge [sflag:s16], $0x50  }
0x26d: {  	[sflag:s16] =	ssyncset.done $0x0  }
0x26e: {  	[sflag:s16] =	ssyncadd.s32 $0xFFFFFFB0  }
0x26f: {  	[tilespmem:s0], [sflag:$0x1] =	stream.indirect.gather [hbm4b:s3+s31], $0x80, s8, s31, $0xb8;
	[tilespmem:$0x1B480] =	vst v63  }
0x270: {  	_ =	swait.ge [sflag:s21], $0x2800  }
0x271: {  	[sflag:s21] =	ssyncset.done $0x0  }
0x272: {  	[sflag:s21] =	ssyncadd.s32 $0xFFFFD800  }
0x273: {  	[spmem:s1] =	stream.indirect.scatter.add.f32 [tilespmem:s17], [sflag:$0x9], $0x80, s24, s31, $0xb8;
	[tilespmem:$0x1B480] =	vst v63  }
0x274: {  	_ =	swait.ge [sflag:s19], $0x2800  }
0x275: {  	s28 =	rddreg [dreg:$0x7]  }
0x276: {  	s4 =	sadd.s32 s13, s28  }
0x277: {  	[sflag:s19] =	ssyncset.done $0x0;
	s4 =	sshrl.u32 s4, $0x3  }
0x278: {  	[sflag:s19] =	ssyncadd.s32 $0xFFFFD800;
	s29 =	sadd.s32 s5, s4  }
0x279: {  	[tilespmem:s25], [sflag:$0x4] =	stream.linear.gather [hbm4b:s29+s2], $0x50, $0x38;
	[tilespmem:$0x1B480] =	vst v63  }
0x27a: {  	s4 =	sadd.s32 s6, s4  }
0x27b: {  	[tilespmem:s23], [sflag:$0x4] =	stream.linear.gather [hbm4b:s4+s2], $0x50, $0x38;
	[tilespmem:$0x1B480] =	vst v63  }
0x27c: {  	_ =	swait.ge [sflag:s20], $0x50  }
0x27d: {  	[sflag:s20] =	ssyncset.done $0x0  }
0x27e: {  	[sflag:s20] =	ssyncadd.s32 $0xFFFFFFB0  }
0x27f: {  	_ =	swait.ge [sflag:s20], $0x50  }
0x280: {  	[sflag:s20] =	ssyncset.done $0x0  }
0x281: {  	[sflag:s20] =	ssyncadd.s32 $0xFFFFFFB0  }
0x282: {  	[tilespmem:s11], [sflag:$0x2] =	stream.indirect.gather [hbm4b:s3+s31], $0x80, s14, s31, $0xb8;
	[tilespmem:$0x1B480] =	vst v63  }
0x283: {  	_ =	swait.ge [sflag:s12], $0x2800  }
0x284: {  	[sflag:s12] =	ssyncset.done $0x0  }
0x285: {  	[sflag:s12] =	ssyncadd.s32 $0xFFFFD800  }
0x286: {  	[spmem:s1] =	stream.indirect.scatter.add.f32 [tilespmem:s0], [sflag:$0x8], $0x80, s9, s31, $0xb8;
	[tilespmem:$0x1B480] =	vst v63  }
0x287: {  	_ =	swait.ge [sflag:s22], $0x2800  }
0x288: {  	s28 =	rddreg [dreg:$0x8]  }
0x289: {  	s4 =	sadd.s32 s13, s28  }
0x28a: {  	[sflag:s22] =	ssyncset.done $0x0;
	s4 =	sshrl.u32 s4, $0x3  }
0x28b: {  	[sflag:s22] =	ssyncadd.s32 $0xFFFFD800;
	s29 =	sadd.s32 s5, s4  }
0x28c: {  	[tilespmem:s26], [sflag:$0x5] =	stream.linear.gather [hbm4b:s29+s2], $0x50, $0x38;
	[tilespmem:$0x1B480] =	vst v63  }
0x28d: {  	s4 =	sadd.s32 s6, s4  }
0x28e: {  	[tilespmem:s24], [sflag:$0x5] =	stream.linear.gather [hbm4b:s4+s2], $0x50, $0x38;
	[tilespmem:$0x1B480] =	vst v63  }
0x28f: {  	_ =	swait.ge [sflag:s30], $0x50  }
0x290: {  	[sflag:s30] =	ssyncset.done $0x0  }
0x291: {  	[sflag:s30] =	ssyncadd.s32 $0xFFFFFFB0  }
0x292: {  	_ =	swait.ge [sflag:s30], $0x50  }
0x293: {  	[sflag:s30] =	ssyncset.done $0x0  }
0x294: {  	[sflag:s30] =	ssyncadd.s32 $0xFFFFFFB0  }
0x295: {  	[tilespmem:s17], [sflag:$0x3] =	stream.indirect.gather [hbm4b:s3+s31], $0x80, s25, s31, $0xb8;
	[tilespmem:$0x1B480] =	vst v63  }
0x296: {  	_ =	swait.ge [sflag:s18], $0x2800  }
0x297: {  	[sflag:s18] =	ssyncset.done $0x0  }
0x298: {  	[sflag:s18] =	ssyncadd.s32 $0xFFFFD800  }
0x299: {  	[spmem:s1] =	stream.indirect.scatter.add.f32 [tilespmem:s11], [sflag:$0x9], $0x80, s15, s31, $0xb8;
	[tilespmem:$0x1B480] =	vst v63  }
0x29a: {  	_ =	swait.ge [sflag:s19], $0x2800  }
0x29b: {  	s28 =	rddreg [dreg:$0x9]  }
0x29c: {  	s4 =	sadd.s32 s13, s28  }
0x29d: {  	[sflag:s19] =	ssyncset.done $0x0;
	s4 =	sshrl.u32 s4, $0x3  }
0x29e: {  	[sflag:s19] =	ssyncadd.s32 $0xFFFFD800;
	s29 =	sadd.s32 s5, s4  }
0x29f: {  	[tilespmem:s8], [sflag:$0x6] =	stream.linear.gather [hbm4b:s29+s2], $0x50, $0x38;
	[tilespmem:$0x1B480] =	vst v63  }
0x2a0: {  	s4 =	sadd.s32 s6, s4  }
0x2a1: {  	[tilespmem:s9], [sflag:$0x6] =	stream.linear.gather [hbm4b:s4+s2], $0x50, $0x38;
	[tilespmem:$0x1B480] =	vst v63  }
0x2a2: {  	_ =	swait.ge [sflag:s10], $0x50  }
0x2a3: {  	[sflag:s10] =	ssyncset.done $0x0  }
0x2a4: {  	[sflag:s10] =	ssyncadd.s32 $0xFFFFFFB0  }
0x2a5: {  	_ =	swait.ge [sflag:s10], $0x50  }
0x2a6: {  	[sflag:s10] =	ssyncset.done $0x0  }
0x2a7: {  	[sflag:s10] =	ssyncadd.s32 $0xFFFFFFB0  }
0x2a8: {  	[tilespmem:s0], [sflag:$0x1] =	stream.indirect.gather [hbm4b:s3+s31], $0x80, s26, s31, $0xb8;
	[tilespmem:$0x1B480] =	vst v63  }
0x2a9: {  	_ =	swait.ge [sflag:s21], $0x2800  }
0x2aa: {  	[sflag:s21] =	ssyncset.done $0x0  }
0x2ab: {  	[sflag:s21] =	ssyncadd.s32 $0xFFFFD800  }
0x2ac: {  	[spmem:s1] =	stream.indirect.scatter.add.f32 [tilespmem:s17], [sflag:$0x8], $0x80, s23, s31, $0xb8;
	[tilespmem:$0x1B480] =	vst v63  }
0x2ad: {  	_ =	swait.ge [sflag:s22], $0x2800  }
0x2ae: {  	s28 =	rddreg [dreg:$0xa]  }
0x2af: {  	s4 =	sadd.s32 s13, s28  }
0x2b0: {  	[sflag:s22] =	ssyncset.done $0x0;
	s4 =	sshrl.u32 s4, $0x3  }
0x2b1: {  	[sflag:s22] =	ssyncadd.s32 $0xFFFFD800;
	s29 =	sadd.s32 s5, s4  }
0x2b2: {  	[tilespmem:s14], [sflag:$0x7] =	stream.linear.gather [hbm4b:s29+s2], $0x50, $0x38;
	[tilespmem:$0x1B480] =	vst v63  }
0x2b3: {  	s4 =	sadd.s32 s6, s4  }
0x2b4: {  	[tilespmem:s15], [sflag:$0x7] =	stream.linear.gather [hbm4b:s4+s2], $0x50, $0x38;
	[tilespmem:$0x1B480] =	vst v63  }
0x2b5: {  	_ =	swait.ge [sflag:s16], $0x50  }
0x2b6: {  	[sflag:s16] =	ssyncset.done $0x0  }
0x2b7: {  	[sflag:s16] =	ssyncadd.s32 $0xFFFFFFB0  }
0x2b8: {  	_ =	swait.ge [sflag:s16], $0x50  }
0x2b9: {  	[sflag:s16] =	ssyncset.done $0x0  }
0x2ba: {  	[sflag:s16] =	ssyncadd.s32 $0xFFFFFFB0  }
0x2bb: {  	[tilespmem:s11], [sflag:$0x2] =	stream.indirect.gather [hbm4b:s3+s31], $0x80, s8, s31, $0xb8;
	[tilespmem:$0x1B480] =	vst v63  }
0x2bc: {  	_ =	swait.ge [sflag:s12], $0x2800  }
0x2bd: {  	[sflag:s12] =	ssyncset.done $0x0  }
0x2be: {  	[sflag:s12] =	ssyncadd.s32 $0xFFFFD800  }
0x2bf: {  	[spmem:s1] =	stream.indirect.scatter.add.f32 [tilespmem:s0], [sflag:$0x9], $0x80, s24, s31, $0xb8;
	[tilespmem:$0x1B480] =	vst v63  }
0x2c0: {  	_ =	swait.ge [sflag:s19], $0x2800  }
0x2c1: {  	s28 =	rddreg [dreg:$0xb]  }
0x2c2: {  	s4 =	sadd.s32 s13, s28  }
0x2c3: {  	[sflag:s19] =	ssyncset.done $0x0;
	s4 =	sshrl.u32 s4, $0x3  }
0x2c4: {  	[sflag:s19] =	ssyncadd.s32 $0xFFFFD800;
	s29 =	sadd.s32 s5, s4  }
0x2c5: {  	[tilespmem:s25], [sflag:$0x4] =	stream.linear.gather [hbm4b:s29+s2], $0x50, $0x38;
	[tilespmem:$0x1B480] =	vst v63  }
0x2c6: {  	s4 =	sadd.s32 s6, s4  }
0x2c7: {  	[tilespmem:s23], [sflag:$0x4] =	stream.linear.gather [hbm4b:s4+s2], $0x50, $0x38;
	[tilespmem:$0x1B480] =	vst v63  }
0x2c8: {  	_ =	swait.ge [sflag:s20], $0x50  }
0x2c9: {  	[sflag:s20] =	ssyncset.done $0x0  }
0x2ca: {  	[sflag:s20] =	ssyncadd.s32 $0xFFFFFFB0  }
0x2cb: {  	_ =	swait.ge [sflag:s20], $0x50  }
0x2cc: {  	[sflag:s20] =	ssyncset.done $0x0  }
0x2cd: {  	[sflag:s20] =	ssyncadd.s32 $0xFFFFFFB0  }
0x2ce: {  	[tilespmem:s17], [sflag:$0x3] =	stream.indirect.gather [hbm4b:s3+s31], $0x80, s14, s31, $0xb8;
	[tilespmem:$0x1B480] =	vst v63  }
0x2cf: {  	_ =	swait.ge [sflag:s18], $0x2800  }
0x2d0: {  	[sflag:s18] =	ssyncset.done $0x0  }
0x2d1: {  	[sflag:s18] =	ssyncadd.s32 $0xFFFFD800  }
0x2d2: {  	[spmem:s1] =	stream.indirect.scatter.add.f32 [tilespmem:s11], [sflag:$0x8], $0x80, s9, s31, $0xb8;
	[tilespmem:$0x1B480] =	vst v63  }
0x2d3: {  	_ =	swait.ge [sflag:s22], $0x2800  }
0x2d4: {  	s28 =	rddreg [dreg:$0xc]  }
0x2d5: {  	s4 =	sadd.s32 s13, s28  }
0x2d6: {  	[sflag:s22] =	ssyncset.done $0x0;
	s4 =	sshrl.u32 s4, $0x3  }
0x2d7: {  	[sflag:s22] =	ssyncadd.s32 $0xFFFFD800;
	s29 =	sadd.s32 s5, s4  }
0x2d8: {  	[tilespmem:s26], [sflag:$0x5] =	stream.linear.gather [hbm4b:s29+s2], $0x50, $0x38;
	[tilespmem:$0x1B480] =	vst v63  }
0x2d9: {  	s4 =	sadd.s32 s6, s4  }
0x2da: {  	[tilespmem:s24], [sflag:$0x5] =	stream.linear.gather [hbm4b:s4+s2], $0x50, $0x38;
	[tilespmem:$0x1B480] =	vst v63  }
0x2db: {  	_ =	swait.ge [sflag:s30], $0x50  }
0x2dc: {  	[sflag:s30] =	ssyncset.done $0x0  }
0x2dd: {  	[sflag:s30] =	ssyncadd.s32 $0xFFFFFFB0  }
0x2de: {  	_ =	swait.ge [sflag:s30], $0x50  }
0x2df: {  	[sflag:s30] =	ssyncset.done $0x0  }
0x2e0: {  	[sflag:s30] =	ssyncadd.s32 $0xFFFFFFB0  }
0x2e1: {  	[tilespmem:s0], [sflag:$0x1] =	stream.indirect.gather [hbm4b:s3+s31], $0x80, s25, s31, $0xb8;
	[tilespmem:$0x1B480] =	vst v63  }
0x2e2: {  	_ =	swait.ge [sflag:s21], $0x2800  }
0x2e3: {  	[sflag:s21] =	ssyncset.done $0x0  }
0x2e4: {  	[sflag:s21] =	ssyncadd.s32 $0xFFFFD800  }
0x2e5: {  	[spmem:s1] =	stream.indirect.scatter.add.f32 [tilespmem:s17], [sflag:$0x9], $0x80, s15, s31, $0xb8;
	[tilespmem:$0x1B480] =	vst v63  }
0x2e6: {  	_ =	swait.ge [sflag:s19], $0x2800  }
0x2e7: {  	[sflag:s19] =	ssyncset.done $0x0  }
0x2e8: {  	s13 =	rddreg [dreg:$0x16];
	[sflag:s19] =	ssyncadd.s32 $0xFFFFD800  }
0x2e9: {  	[tilespmem:s8], [sflag:$0x6] =	stream.linear.gather [hbm4b:s13+s2], $0x50, $0x38;
	[tilespmem:$0x1B480] =	vst v63  }
0x2ea: {  	s28 =	rddreg [dreg:$0x17]  }
0x2eb: {  	[tilespmem:s9], [sflag:$0x6] =	stream.linear.gather [hbm4b:s28+s2], $0x50, $0x38;
	[tilespmem:$0x1B480] =	vst v63  }
0x2ec: {  	_ =	swait.ge [sflag:s10], $0x50  }
0x2ed: {  	[sflag:s10] =	ssyncset.done $0x0  }
0x2ee: {  	[sflag:s10] =	ssyncadd.s32 $0xFFFFFFB0  }
0x2ef: {  	_ =	swait.ge [sflag:s10], $0x50  }
0x2f0: {  	[sflag:s10] =	ssyncset.done $0x0  }
0x2f1: {  	[sflag:s10] =	ssyncadd.s32 $0xFFFFFFB0  }
0x2f2: {  	[tilespmem:s11], [sflag:$0x2] =	stream.indirect.gather [hbm4b:s3+s31], $0x80, s26, s31, $0xb8;
	[tilespmem:$0x1B480] =	vst v63  }
0x2f3: {  	_ =	swait.ge [sflag:s12], $0x2800  }
0x2f4: {  	[sflag:s12] =	ssyncset.done $0x0  }
0x2f5: {  	[sflag:s12] =	ssyncadd.s32 $0xFFFFD800  }
0x2f6: {  	[spmem:s1] =	stream.indirect.scatter.add.f32 [tilespmem:s0], [sflag:$0x8], $0x80, s23, s31, $0xb8;
	[tilespmem:$0x1B480] =	vst v63  }
0x2f7: {  	_ =	swait.ge [sflag:s22], $0x2800  }
0x2f8: {  	[sflag:s22] =	ssyncset.done $0x0  }
0x2f9: {  	s29 =	rddreg [dreg:$0x18];
	[sflag:s22] =	ssyncadd.s32 $0xFFFFD800  }
0x2fa: {  	[tilespmem:s14], [sflag:$0x7] =	stream.linear.gather [hbm4b:s29+s2], $0x50, $0x38;
	[tilespmem:$0x1B480] =	vst v63  }
0x2fb: {  	s7 =	rddreg [dreg:$0x19]  }
0x2fc: {  	[tilespmem:s15], [sflag:$0x7] =	stream.linear.gather [hbm4b:s7+s2], $0x50, $0x38;
	[tilespmem:$0x1B480] =	vst v63  }
0x2fd: {  	_ =	swait.ge [sflag:s16], $0x50  }
0x2fe: {  	[sflag:s16] =	ssyncset.done $0x0  }
0x2ff: {  	[sflag:s16] =	ssyncadd.s32 $0xFFFFFFB0  }
0x300: {  	_ =	swait.ge [sflag:s16], $0x50  }
0x301: {  	[sflag:s16] =	ssyncset.done $0x0  }
0x302: {  	[sflag:s16] =	ssyncadd.s32 $0xFFFFFFB0  }
0x303: {  	[tilespmem:s17], [sflag:$0x3] =	stream.indirect.gather [hbm4b:s3+s31], $0x80, s8, s31, $0xb8;
	[tilespmem:$0x1B480] =	vst v63  }
0x304: {  	_ =	swait.ge [sflag:s18], $0x2800  }
0x305: {  	[sflag:s18] =	ssyncset.done $0x0  }
0x306: {  	[sflag:s18] =	ssyncadd.s32 $0xFFFFD800  }
0x307: {  	[spmem:s1] =	stream.indirect.scatter.add.f32 [tilespmem:s11], [sflag:$0x9], $0x80, s24, s31, $0xb8;
	[tilespmem:$0x1B480] =	vst v63  }
0x308: {  	_ =	swait.ge [sflag:s19], $0x2800  }
0x309: {  	[sflag:s19] =	ssyncset.done $0x0  }
0x30a: {  	s13 =	rddreg [dreg:$0x1a];
	[sflag:s19] =	ssyncadd.s32 $0xFFFFD800  }
0x30b: {  	[tilespmem:s25], [sflag:$0x4] =	stream.linear.gather [hbm4b:s13+s2], $0x50, $0x38;
	[tilespmem:$0x1B480] =	vst v63  }
0x30c: {  	s24 =	rddreg [dreg:$0x1b]  }
0x30d: {  	[tilespmem:s23], [sflag:$0x4] =	stream.linear.gather [hbm4b:s24+s2], $0x50, $0x38;
	[tilespmem:$0x1B480] =	vst v63  }
0x30e: {  	_ =	swait.ge [sflag:s20], $0x50  }
0x30f: {  	[sflag:s20] =	ssyncset.done $0x0  }
0x310: {  	[sflag:s20] =	ssyncadd.s32 $0xFFFFFFB0  }
0x311: {  	_ =	swait.ge [sflag:s20], $0x50  }
0x312: {  	[sflag:s20] =	ssyncset.done $0x0  }
0x313: {  	[sflag:s20] =	ssyncadd.s32 $0xFFFFFFB0  }
0x314: {  	[tilespmem:s0], [sflag:$0x1] =	stream.indirect.gather [hbm4b:s3+s31], $0x80, s14, s31, $0xb8;
	[tilespmem:$0x1B480] =	vst v63  }
0x315: {  	_ =	swait.ge [sflag:s21], $0x2800  }
0x316: {  	[sflag:s21] =	ssyncset.done $0x0  }
0x317: {  	[sflag:s21] =	ssyncadd.s32 $0xFFFFD800  }
0x318: {  	[spmem:s1] =	stream.indirect.scatter.add.f32 [tilespmem:s17], [sflag:$0x8], $0x80, s9, s31, $0xb8;
	[tilespmem:$0x1B480] =	vst v63  }
0x319: {  	_ =	swait.ge [sflag:s22], $0x2800  }
0x31a: {  	[sflag:s22] =	ssyncset.done $0x0  }
0x31b: {  	[sflag:s22] =	ssyncadd.s32 $0xFFFFD800  }
0x31c: {  	_ =	swait.ge [sflag:s30], $0x50  }
0x31d: {  	[sflag:s30] =	ssyncset.done $0x0  }
0x31e: {  	[sflag:s30] =	ssyncadd.s32 $0xFFFFFFB0  }
0x31f: {  	_ =	swait.ge [sflag:s30], $0x50  }
0x320: {  	[sflag:s30] =	ssyncset.done $0x0  }
0x321: {  	[sflag:s30] =	ssyncadd.s32 $0xFFFFFFB0  }
0x322: {  	[tilespmem:s11], [sflag:$0x2] =	stream.indirect.gather [hbm4b:s3+s31], $0x80, s25, s31, $0xb8;
	[tilespmem:$0x1B480] =	vst v63  }
0x323: {  	_ =	swait.ge [sflag:s12], $0x2800  }
0x324: {  	[sflag:s12] =	ssyncset.done $0x0  }
0x325: {  	[sflag:s12] =	ssyncadd.s32 $0xFFFFD800  }
0x326: {  	[spmem:s1] =	stream.indirect.scatter.add.f32 [tilespmem:s0], [sflag:$0x9], $0x80, s15, s31, $0xb8;
	[tilespmem:$0x1B480] =	vst v63  }
0x327: {  	_ =	swait.ge [sflag:s19], $0x2800  }
0x328: {  	[sflag:s19] =	ssyncset.done $0x0  }
0x329: {  	[sflag:s19] =	ssyncadd.s32 $0xFFFFD800  }
0x32a: {  	_ =	swait.ge [sflag:s18], $0x2800  }
0x32b: {  	[sflag:s18] =	ssyncset.done $0x0  }
0x32c: {  	[sflag:s18] =	ssyncadd.s32 $0xFFFFD800  }
0x32d: {  	[spmem:s1] =	stream.indirect.scatter.add.f32 [tilespmem:s11], [sflag:$0x8], $0x80, s23, s31, $0xb8;
	[tilespmem:$0x1B480] =	vst v63  }
0x32e: {  	_ =	swait.ge [sflag:s22], $0x2800  }
0x32f: {  	[sflag:s22] =	ssyncset.done $0x0  }
0x330: {  	[sflag:s22] =	ssyncadd.s32 $0xFFFFD800  }
0x331: {  	_ =	swait.ge [sflag:s19], $0x2800  }
0x332: {  	[sflag:s19] =	ssyncset.done $0x0  }
0x333: {  	[sflag:s19] =	ssyncadd.s32 $0xFFFFD800  }
0x334: {  	[bflag:$0x0] =	sbarrier.arrive $0xFFFF  }
0x335: {  	s26 =	sld [smem:$0x7FC]  }
0x336: {  	s23 =	rddreg [dreg:$0x14]  }
0x337: {  	s13 =	simm.s32 $0xA;
	s25 =	rddreg [dreg:$0x1c]  }
0x338: {  	[hbm:s25], [sflag:s23] =	dma.local [spmem:s26], $0x2700  }
0x339: {  	_ =	swait.ge [sflag:s13], $0x2700  }
0x33a: {  	s7 =	sld [smem:$0x7FD]  }
0x33b: {  	[sflag:s13] =	ssyncset.done $0x0  }
0x33c: {  	s4 =	rddreg [dreg:$0x1d];
	[sflag:s13] =	ssyncadd.s32 $0xFFFFD900  }
0x33d: {  	[hbm:s4], [sflag:s23] =	dma.local @!p0 [spmem:s7], $0x100  }
0x33e: {  	s4 =	simm.s32 @!p0 $0xA  }
0x33f: {  	_ =	swait.ge @!p0 [sflag:s4], $0x100  }
0x340: {  	s28 =	rddreg [dreg:$0x1f]  }
0x341: {  	s29 =	rddreg [dreg:$0x1e];
	s24 =	sadd.s32 $0x1, s28  }
0x342: {  	p1 =	sne.s32 s24, s29  }
.Ltmp1:
0x343: {  	_ = 	snop;
	(pc) =	sbr.rel @p1 .LBB2_1-.Ltmp1, $3  }
0x344: {  	_ =	sdelay $0x1  }
0x345: {  	[sflag:s4] =	ssyncset.done @!p0 $0x0  }
0x346: {  	[sflag:s4] =	ssyncadd.s32 @!p0 $0xFFFFFF00  }
0x347: {  	_ =	sfence.sel $0x180000  }
0x348: {  	[bflag:$0x0] =	sbarrier.arrive $0xFFFF  }
0x349: {  	_ =	strace $0x9000004A  }
0x34a: {  	[bflag:$0x2] =	sbarrier.arrive $0xFFFF  }
0x34b: {  	s0 =	rddreg [dreg:$0x2]  }
0x34c: {  	s0 =	sadd.s32 @!p0 $0x100000, s0  }
0x34d: {  	[sflag:s0] =	ssyncadd.tile.s32 @!p0 $0x1;
	_ =	shalt  }
.Lfunc_end2:
_tile_overlayer_lowered:
.L_overlay_start_2:
0x34e: {  	(tag) =	ssettag $0x2  }
0x34f: {  	s0 =	rddreg [dreg:$0x0];
	s2 =	stileid.u32  }
0x350: {  	s1 =	rddreg [dreg:$0x1];
	p0 =	sne.s32 s2, $0x0  }
0x351: {  	s3 =	rddreg [dreg:$0x2];
	[bflag:$0x3] =	sbarrier.arrive $0xFFFF;
	s2 =	simm.s32 @!p0 $0x1C0A  }
0x352: {  	[timem:s3], [sflag:s2] =	dma.local @!p0 [hbm:s0], s1  }
0x353: {  	s0 =	simm.s32 @!p0 $0xA  }
0x354: {  	_ =	swait.ge @!p0 [sflag:s0], s1  }
0x355: {  	s1 =	ssub.s32 @!p0 $0x0, s1;
	[sflag:s0] =	ssyncset.done @!p0 $0x0  }
0x356: {  	[sflag:s0] =	ssyncadd.s32 @!p0 s1  }
0x357: {  	[bflag:$0x3] =	sbarrier.arrive $0xFFFF  }
0x358: {  	_ =	shalt  }

// kernel: kernel.13.cloned.1.call-start
scs
__scs_entry_jumppad:
0x0: {  	(pc) =	sbr.rel $0x88, $3  }
0x1: {  	(tag) =	ssettag $0x0;
	lr =	simm.s32 $0x1  }
0x2: {  	[smem:$0x3F97] =	sst lr;
	_ =	strace $0xD0000000  }
0x3: {  	_ = 	snop  }
0x4: {  	_ = 	snop  }
0x5: {  	_ = 	snop  }
0x6: {  	_ = 	snop  }
0x7: {  	_ = 	snop  }
__scs_overlays_trampoline_lowered:
0x8: {  	[smem:$0x3FA6] =	sst s0  }
0x9: {  	[smem:$0x3FA7] =	sst s1  }
0xa: {  	[smem:$0x3FA8] =	sst s2  }
0xb: {  	[smem:$0x3FA9] =	sst s3  }
0xc: {  	[smem:$0x3FAA] =	sst s4  }
0xd: {  	[smem:$0x3FAB] =	sst s5  }
0xe: {  	[smem:$0x3FAC] =	sst s6  }
0xf: {  	[smem:$0x3FAD] =	sst s7  }
0x10: {  	[smem:$0x3FAE] =	sst s8  }
0x11: {  	[smem:$0x3FAF] =	sst s9;
	s0 =	simm.s32 @!p0 $0x0  }
0x12: {  	s1 =	sld [smem:$0x3F95];
	s0 =	simm.s32 @p0 $0x1  }
0x13: {  	[smem:$0x3FB0] =	sst s0;
	s0 =	simm.s32 @!p1 $0x0  }
0x14: {  	s2 =	sld [smem:$0x3F94];
	s0 =	simm.s32 @p1 $0x1  }
0x15: {  	[smem:$0x3FB1] =	sst s0;
	s0 =	simm.s32 @!p2 $0x0  }
0x16: {  	s3 =	sld [smem:$0x3FDB];
	s0 =	simm.s32 @p2 $0x1  }
0x17: {  	s4 =	simm.s32 $0x1BF5;
	[smem:$0x3FB3] =	sst s0  }
0x18: {  	s0 =	sld [smem:$0x3F96];
	_ =	swait.ge [sflag:s4], $0x0  }
0x19: {  	s7 =	sld [smem:$0x3F97]  }
0x1a: {  	s8 =	sadd.s32 $0xFFFFE003, lr  }
0x1b: {  	s9 =	sadd.s32 $0xFFFFFEF7, lr;
	s5 =	simm.s32 $0xFFFFFFFF;
	p2 =	slt.u32 s8, $0xFFFFF086  }
0x1c: {  	p1 =	slt.u32 s9, $0xF7A;
	s5 =	simm.s32 @!p2 $0x0  }
0x1d: {  	s5 =	simm.s32 @p1 $0x1;
	p0 =	seq.s32 s7, s2  }
0x1e: {  	s7 =	smul.u32 @!p0 $0xF7A, s2;
	p2 =	seq.s32 @!p0 s5, $0x0  }
0x1f: {  	s9 =	smul.u32 $0xF7A, s1;
	s8 =	simm.s32 @!p0 $0x1BF5;
	p2 =	por !p2, p0  }
0x20: {  	[sflag:s8] =	ssyncset.s32 @!p0 $0xFFFFF086;
	s6 =	sadd.s32 @!p0 s3, s7;
	s7 =	simm.s32 @!p0 $0x108  }
0x21: {  	s3 =	sadd.s32 s3, s9;
	s6 =	sadd.s32 @!p0 $0x88, s6;
	s7 =	simm.s32 @p2 $0x1082  }
0x22: {  	[simem:s7], [sflag:s8] =	dma.local @!p0 [hbm:s6], $0xF7A  }
0x23: {  	s9 =	sor.u32 $0xD0000000, s2;
	s6 =	simm.s32 $0x108;
	_ =	swait.ge @!p0 [sflag:s8], $0x0  }
0x24: {  	s3 =	sadd.s32 $0x88, s3;
	s6 =	simm.s32 @!p1 $0x1082;
	[sflag:s4] =	ssyncset.s32 $0xFFFFF086  }
0x25: {  	[simem:s6], [sflag:s4] =	dma.local [hbm:s3], $0xF7A  }
0x26: {  	[smem:$0x3F97] =	sst s1;
	(tag) =	ssettag s2;
	_ =	strace s9  }
0x27: {  	s1 =	sld [smem:$0x3FA7]  }
0x28: {  	s2 =	sld [smem:$0x3FA8]  }
0x29: {  	s4 =	sld [smem:$0x3FAA]  }
0x2a: {  	p0 =	seq.s32 s5, $0x0;
	s5 =	sld [smem:$0x3FAB]  }
0x2b: {  	s6 =	sld [smem:$0x3FAC]  }
0x2c: {  	s7 =	sld [smem:$0x3FAD]  }
0x2d: {  	s3 =	simm.s32 $0x108;
	s8 =	sld [smem:$0x3FAE]  }
0x2e: {  	s3 =	simm.s32 @!p0 $0x1082;
	s9 =	sld [smem:$0x3FAF]  }
0x2f: {  	lr =	sadd.s32 s0, s3;
	s0 =	sld [smem:$0x3FA6]  }
0x30: {  	s3 =	sld [smem:$0x3FA9]  }
0x31: {  	[smem:$0x3FB2] =	sst s10  }
0x32: {  	s10 =	sld [smem:$0x3FB0];
	_ =	sdelay $0x3  }
0x33: {  	p0 =	seq.s32 s10, $0x1;
	s10 =	sld [smem:$0x3FB2];
	_ =	sdelay $0x3  }
0x34: {  	[smem:$0x3FB2] =	sst s10  }
0x35: {  	s10 =	sld [smem:$0x3FB1];
	_ =	sdelay $0x3  }
0x36: {  	p1 =	seq.s32 s10, $0x1;
	s10 =	sld [smem:$0x3FB2];
	_ =	sdelay $0x3  }
0x37: {  	[smem:$0x3FB2] =	sst s10  }
0x38: {  	s10 =	sld [smem:$0x3FB3]  }
0x39: {  	_ = 	snop;
	(pc) =	sbr.ind lr, $3  }
0x3a: {  	_ = 	snop  }
0x3b: {  	_ = 	snop  }
0x3c: {  	p2 =	seq.s32 s10, $0x1;
	s10 =	sld [smem:$0x3FB2]  }
0x3d: {  	_ =	shalt  }
0x3e: {  	_ =	shalt  }
0x3f: {  	_ =	shalt  }
0x40: {  	_ =	shalt  }
0x41: {  	_ =	shalt  }
0x42: {  	_ =	shalt  }
0x43: {  	_ =	shalt  }
0x44: {  	_ =	shalt  }
0x45: {  	_ =	shalt  }
0x46: {  	_ =	shalt  }
0x47: {  	_ =	shalt  }
0x48: {  	_ =	shalt  }
0x49: {  	_ =	shalt  }
0x4a: {  	_ =	shalt  }
0x4b: {  	_ =	shalt  }
0x4c: {  	_ =	shalt  }
0x4d: {  	_ =	shalt  }
0x4e: {  	_ =	shalt  }
0x4f: {  	_ =	shalt  }
0x50: {  	_ =	shalt  }
0x51: {  	_ =	shalt  }
0x52: {  	_ =	shalt  }
0x53: {  	_ =	shalt  }
0x54: {  	_ =	shalt  }
0x55: {  	_ =	shalt  }
0x56: {  	_ =	shalt  }
0x57: {  	_ =	shalt  }
0x58: {  	_ =	shalt  }
0x59: {  	_ =	shalt  }
0x5a: {  	_ =	shalt  }
0x5b: {  	_ =	shalt  }
0x5c: {  	_ =	shalt  }
0x5d: {  	_ =	shalt  }
0x5e: {  	_ =	shalt  }
0x5f: {  	_ =	shalt  }
0x60: {  	_ =	shalt  }
0x61: {  	_ =	shalt  }
0x62: {  	_ =	shalt  }
0x63: {  	_ =	shalt  }
0x64: {  	_ =	shalt  }
0x65: {  	_ =	shalt  }
0x66: {  	_ =	shalt  }
0x67: {  	_ =	shalt  }
0x68: {  	_ =	shalt  }
0x69: {  	_ =	shalt  }
0x6a: {  	_ =	shalt  }
0x6b: {  	_ =	shalt  }
0x6c: {  	_ =	shalt  }
0x6d: {  	_ =	shalt  }
0x6e: {  	_ =	shalt  }
0x6f: {  	_ =	shalt  }
0x70: {  	_ =	shalt  }
0x71: {  	_ =	shalt  }
0x72: {  	_ =	shalt  }
0x73: {  	_ =	shalt  }
0x74: {  	_ =	shalt  }
0x75: {  	_ =	shalt  }
0x76: {  	_ =	shalt  }
0x77: {  	_ =	shalt  }
0x78: {  	_ =	shalt  }
0x79: {  	_ =	shalt  }
0x7a: {  	_ =	shalt  }
0x7b: {  	_ =	shalt  }
0x7c: {  	_ =	shalt  }
0x7d: {  	_ =	shalt  }
0x7e: {  	_ =	shalt  }
0x7f: {  	_ =	shalt  }
0x80: {  	_ =	shalt  }
0x81: {  	_ =	shalt  }
0x82: {  	_ =	shalt  }
0x83: {  	_ =	shalt  }
0x84: {  	_ =	shalt  }
0x85: {  	_ =	shalt  }
0x86: {  	_ =	shalt  }
0x87: {  	_ =	shalt  }
.Lfunc_end0:
.L_simem_size_0:
called_computation.2_lowered:
.L_overlay_start_0:
0x88: {  	s2 =	sld [smem:$0x3FD9]  }
0x89: {  	s3 =	sld [smem:$0x3FFE];
	_ =	sdelay $0x1  }
0x8a: {  	s1 =	srdreg.scid  }
0x8b: {  	s0 =	sand.u32 $0x1, s1  }
0x8c: {  	s17 =	sshll.u32 s0, $0xA;
	s2 =	sadd.s32 s3, s2  }
0x8d: {  	s2 =	sadd.s32 s2, s17  }
0x8e: {  	[smem:$0x3FBE] =	sst s2  }
0x8f: {  	_ = 	snop  }
0x90: {  	s2 =	sld [smem:$0x3FD0];
	(tm) =	ssettm $0x1  }
0x91: {  	s18 =	sld [smem:$0x3FFB];
	_ =	sdelay $0x3  }
0x92: {  	_ =	strace s18  }
0x93: {  	s3 =	sld [smem:$0x3FFC];
	_ =	sdelay $0x3  }
0x94: {  	_ =	strace s3  }
0x95: {  	s3 =	sld [smem:$0x3FFD];
	_ =	sdelay $0x3  }
0x96: {  	_ =	strace s3  }
0x97: {  	_ =	strace $0x8FFFFFFF  }
0x98: {  	s19 =	sld [smem:$0x3FDB];
	_ =	sdelay $0x1  }
0x99: {  	s4 =	simm.s32 $_scs_section_size  }
0x9a: {  	s5 =	simm.s32 $_size__tile_overlayer_lowered;
	s6 =	simm.s32 $_tile_overlayer_lowered  }
0x9b: {  	s22 =	simm.s32 $0x1BFF;
	s21 =	sshll.u32 s6, $0x1;
	s3 =	sadd.s32 s4, s19  }
0x9c: {  	s7 =	simm.s32 $0x0;
	s20 =	sshll.u32 s5, $0x1;
	s5 =	sadd.s32 s21, s3  }
0x9d: {  	[timem:s7], [sflag:s22] =	dma.local [hbm:s5], s20  }
0x9e: {  	_ =	swait.ge [sflag:s22], s20  }
0x9f: {  	s4 =	ssub.s32 $0x0, s20;
	[sflag:s22] =	ssyncset.done $0x0  }
0xa0: {  	[sflag:s22] =	ssyncadd.s32 s4;
	_ =	sdelay $0x1  }
0xa1: {  	s23 =	simm.s32 $0x1B8B  }
0xa2: {  	_ =	swait.ge [sflag:s23], $0x1  }
0xa3: {  	[sflag:s23] =	ssyncset.done $0x0  }
0xa4: {  	s25 =	simm.s32 $0x1B8E;
	s24 =	sld [smem:$0x3FFE];
	[sflag:s23] =	ssyncadd.s32 $0xFFFFFFFF  }
0xa5: {  	s26 =	simm.s32 $execute0_lowered;
	[smem:$0x3FD2] =	sst s25  }
0xa6: {  	s5 =	sshll.u32 s26, $0x1;
	_ =	strace $0x8000004C;
	[dreg:$0x1] =	wrdreg $0xFFFFFFFF  }
0xa7: {  	s28 =	simm.s32 $_size_execute0_lowered;
	s3 =	sadd.s32 s3, s5;
	[dreg:$0x0] =	wrdreg $0x0  }
0xa8: {  	s5 =	sshll.u32 s28, $0x1;
	[dreg:$0x2] =	wrdreg s3  }
0xa9: {  	[dreg:$0x3] =	wrdreg s5  }
0xaa: {  	[dreg:$0x4] =	wrdreg $0xC0  }
0xab: {  	_ =	task [dreg:s7], $0x5FFFF  }
0xac: {  	[dreg:$0x1] =	wrdreg $0xFFFFFFFF  }
0xad: {  	[dreg:$0x0] =	wrdreg $0x60  }
0xae: {  	[dreg:$0x2] =	wrdreg s24  }
0xaf: {  	[dreg:$0x3] =	wrdreg s2  }
0xb0: {  	[dreg:$0x4] =	wrdreg $0x9  }
0xb1: {  	_ =	task.clear_ibuf [dreg:s7], $0x5FFFF;
	_ =	strace $0x9000004C  }
0xb2: {  	s29 =	simm.s32 $0x9;
	_ =	strace $0x8000004E  }
0xb3: {  	_ =	swait.ge [sflag:s29], $0x1  }
0xb4: {  	[sflag:s29] =	ssyncadd.s32 $0xFFFFFFFF  }
0xb5: {  	_ =	strace $0x9000004E  }
0xb6: {  	_ =	sfence  }
0xb7: {  	s30 =	sld [smem:$0x0];
	_ =	sdelay $0x2  }
0xb8: {  	s31 =	sshll.u32 s1, $0xD;
	s1 =	sshrl.u32 s1, $0x2  }
0xb9: {  	s3 =	sand.u32 $0x4000, s31;
	s1 =	sadd.s32 s1, s30  }
0xba: {  	s0 =	sor.u32 s3, s0;
	s1 =	sshll.u32 s1, $0x11  }
0xbb: {  	s0 =	sor.u32 s1, s0  }
0xbc: {  	s0 =	sadd.s32 $0x8F2B, s0  }
0xbd: {  	[sflag:s0] =	ssyncadd.remote.s32 $0x1  }
0xbe: {  	_ =	sfence.sel $0xFFFF  }
0xbf: {  	[dreg:$0x0] =	wrdreg $0xFFFFFFFF;
	(pc) =	sbr.abs _section_cstart, $3  }
0xc0: {  	[dreg:$0x1] =	wrdreg $0xFFFFFFFF  }
0xc1: {  	_ =	task.clear_ibuf [dreg:s7], $0x2FFFF;
	_ =	strace $0x9FFFFFFF  }
0xc2: {  	(tm) =	ssettm $0x7FFFFFFF  }
0xc3: {  	_ =	shalt  }
tec
execute0_lowered:
.L_overlay_start_1:
0x0: {  	(tag) =	ssettag $0x1  }
0x1: {  	s4 =	rddreg [dreg:$0x0]  }
0x2: {  	s7 =	rddreg [dreg:$0x1]  }
0x3: {  	s1 =	srdreg.scid;
	s0 =	rddreg [dreg:$0x2];
	s2 =	simm.s32 $0x0  }
0x4: {  	s11 =	simm.s32 $0x9D00;
	s12 =	simm.s32 $0xDD00;
	s13 =	simm.s32 $0x11D00  }
0x5: {  	s14 =	simm.s32 $0x0;
	s5 =	sand.u32 $0x1, s1;
	[smem:$0x7FF] =	sst s2  }
0x6: {  	s1 =	stileid.u32;
	s3 =	sshll.u32 s5, $0x4;
	_ =	strace $0x8000004D  }
0x7: {  	v0 =	vlaneseq.u32;
	s5 =	ssub.s32 $0x2, s5;
	s6 =	sor.u32 s1, s3;
	s3 =	sadd.s32 $0x3400, s4  }
0x8: {  	v0 =	vmul.u32 $0x2, v0;
	s9 =	sshrl.u32 s5, $0x1;
	s8 =	sshll.u32 s6, $0xB;
	s10 =	smul.u32 $0x9C4, s6  }
0x9: {  	s9 =	ssub.s32 s5, s9;
	s8 =	sadd.s32 s8, s4;
	s4 =	sadd.s32 $0x3E00, s4  }
0xa: {  	v1 =	vor.u32 $0x80, v0;
	s5 =	sadd.s32 $0x77C00, s8;
	s6 =	sadd.s32 $0x67C00, s8;
	s7 =	sadd.s32 s7, s10  }
0xb: {  	v2 =	vor.u32 $0x60, v0;
	v3 =	vor.u32 $0x40, v0;
	v4 =	vor.u32 $0x20, v0;
	s8 =	smax.u32 s9, $0x1;
	s9 =	simm.s32 $0x1;
	s10 =	simm.s32 $0x4E80  }
.LBB2_1:
0xc: {  	[tilespmem:s2], [sflag:$0x1] =	stream.linear.gather [hbm4b:s3+s2], $0x4E80, $0x38;
	[tilespmem:$0x16B80] =	vst v63  }
0xd: {  	_ =	swait.ge [sflag:s9], $0x4E80  }
0xe: {  	[sflag:s9] =	ssyncset.done $0x0  }
0xf: {  	[sflag:s9] =	ssyncadd.s32 $0xFFFFB180  }
0x10: {  	[tilespmem:s10], [sflag:$0x1] =	stream.linear.gather [hbm4b:s4+s2], $0x4E80, $0x38;
	[tilespmem:$0x16B80] =	vst v63  }
0x11: {  	_ =	swait.ge [sflag:s9], $0x4E80  }
0x12: {  	[sflag:s9] =	ssyncset.done $0x0  }
0x13: {  	[sflag:s9] =	ssyncadd.s32 $0xFFFFB180  }
0x14: {  	[tilespmem:s11], [sflag:$0x1] =	stream.linear.gather [hbm4b:s5+s2], $0x3E80, $0x38;
	[tilespmem:$0x16B80] =	vst v63  }
0x15: {  	_ =	swait.ge [sflag:s9], $0x3E80  }
0x16: {  	[sflag:s9] =	ssyncset.done $0x0  }
0x17: {  	[sflag:s9] =	ssyncadd.s32 $0xFFFFC180  }
0x18: {  	[tilespmem:s12], [sflag:$0x1] =	stream.linear.gather [hbm4b:s6+s2], $0x3E80, $0x38;
	[tilespmem:$0x16B80] =	vst v63  }
0x19: {  	_ =	swait.ge [sflag:s9], $0x3E80  }
0x1a: {  	s15 =	simm.s32 $0x9D20;
	[sflag:s9] =	ssyncset.done $0x0  }
0x1b: {  	s16 =	simm.s32 $0xDD20;
	s17 =	simm.s32 $0x0;
	[sflag:s9] =	ssyncadd.s32 $0xFFFFC180  }
.LBB2_2:
0x1c: {  	v5 =	vld [tilespmem:s15+$0xFFFFFFE0]  }
0x1d: {  	v6 =	vld [tilespmem:s16+$0xFFFFFFE0];
	_ =	sdelay $0x3  }
0x1e: {  	v5 =	vshll.u32 v5, $0x1  }
0x1f: {  	v6 =	vshll.u32 v6, $0x1  }
0x20: {  	v7 =	vor.u32 $0x1, v5  }
0x21: {  	v8 =	vor.u32 $0x1, v6;
	_ =	sdelay $0x1  }
0x22: {  	v5 =	vld.idx.msk [tilespmem:v5+s2+$0x0], $0xffff  }
0x23: {  	v6 =	vld.idx.msk [tilespmem:v6+s10+$0x0], $0xffff  }
0x24: {  	v9 =	vmov s17;
	v7 =	vld.idx.msk [tilespmem:v7+s2+$0x0], $0xffff  }
0x25: {  	v9 =	vshll.u32 v9, $0x1;
	v8 =	vld.idx.msk [tilespmem:v8+s10+$0x0], $0xffff  }
0x26: {  	v10 =	vor.u32 v0, v9  }
0x27: {  	v11 =	vor.u32 $0x1, v10;
	_ =	sdelay $0x1  }
0x28: {  	v5 =	vadd.f32 v6, v5  }
0x29: {  	v6 =	vadd.f32 v8, v7  }
0x2a: {  	[tilespmem:v10+s13+$0x0] =	vst.idx.msk $0xffff, v5  }
0x2b: {  	[tilespmem:v11+s13+$0x0] =	vst.idx.msk $0xffff, v6  }
0x2c: {  	v5 =	vld [tilespmem:s15+$0xFFFFFFF0]  }
0x2d: {  	v6 =	vld [tilespmem:s16+$0xFFFFFFF0];
	_ =	sdelay $0x3  }
0x2e: {  	v5 =	vshll.u32 v5, $0x1  }
0x2f: {  	v6 =	vshll.u32 v6, $0x1  }
0x30: {  	v7 =	vor.u32 $0x1, v5  }
0x31: {  	v53 =	vor.u32 $0x1, v6;
	_ =	sdelay $0x1  }
0x32: {  	v5 =	vld.idx.msk [tilespmem:v5+s2+$0x0], $0xffff  }
0x33: {  	v6 =	vld.idx.msk [tilespmem:v6+s10+$0x0], $0xffff  }
0x34: {  	v7 =	vld.idx.msk [tilespmem:v7+s2+$0x0], $0xffff  }
0x35: {  	v8 =	vld.idx.msk [tilespmem:v53+s10+$0x0], $0xffff  }
0x36: {  	v54 =	vadd.s32 v4, v9  }
0x37: {  	v55 =	vor.u32 $0x1, v54;
	_ =	sdelay $0x1  }
0x38: {  	v5 =	vadd.f32 v6, v5  }
0x39: {  	v6 =	vadd.f32 v8, v7  }
0x3a: {  	[tilespmem:v54+s13+$0x0] =	vst.idx.msk $0xffff, v5  }
0x3b: {  	[tilespmem:v55+s13+$0x0] =	vst.idx.msk $0xffff, v6  }
0x3c: {  	v5 =	vld [tilespmem:s15+$0x0]  }
0x3d: {  	v6 =	vld [tilespmem:s16+$0x0];
	_ =	sdelay $0x3  }
0x3e: {  	v5 =	vshll.u32 v5, $0x1  }
0x3f: {  	v6 =	vshll.u32 v6, $0x1  }
0x40: {  	v7 =	vor.u32 $0x1, v5  }
0x41: {  	v56 =	vor.u32 $0x1, v6;
	_ =	sdelay $0x1  }
0x42: {  	v5 =	vld.idx.msk [tilespmem:v5+s2+$0x0], $0xffff  }
0x43: {  	v6 =	vld.idx.msk [tilespmem:v6+s10+$0x0], $0xffff  }
0x44: {  	v7 =	vld.idx.msk [tilespmem:v7+s2+$0x0], $0xffff  }
0x45: {  	v8 =	vld.idx.msk [tilespmem:v56+s10+$0x0], $0xffff  }
0x46: {  	v57 =	vadd.s32 v3, v9  }
0x47: {  	v58 =	vor.u32 $0x1, v57;
	_ =	sdelay $0x1  }
0x48: {  	v5 =	vadd.f32 v6, v5  }
0x49: {  	v6 =	vadd.f32 v8, v7  }
0x4a: {  	[tilespmem:v57+s13+$0x0] =	vst.idx.msk $0xffff, v5  }
0x4b: {  	[tilespmem:v58+s13+$0x0] =	vst.idx.msk $0xffff, v6  }
0x4c: {  	v5 =	vld [tilespmem:s15+$0x10]  }
0x4d: {  	v6 =	vld [tilespmem:s16+$0x10];
	_ =	sdelay $0x3  }
0x4e: {  	v5 =	vshll.u32 v5, $0x1  }
0x4f: {  	v6 =	vshll.u32 v6, $0x1  }
0x50: {  	v7 =	vor.u32 $0x1, v5  }
0x51: {  	v59 =	vor.u32 $0x1, v6;
	_ =	sdelay $0x1  }
0x52: {  	v5 =	vld.idx.msk [tilespmem:v5+s2+$0x0], $0xffff  }
0x53: {  	v6 =	vld.idx.msk [tilespmem:v6+s10+$0x0], $0xffff  }
0x54: {  	v7 =	vld.idx.msk [tilespmem:v7+s2+$0x0], $0xffff  }
0x55: {  	v8 =	vld.idx.msk [tilespmem:v59+s10+$0x0], $0xffff  }
0x56: {  	v60 =	vadd.s32 v2, v9  }
0x57: {  	v61 =	vor.u32 $0x1, v60;
	_ =	sdelay $0x1  }
0x58: {  	v5 =	vadd.f32 v6, v5  }
0x59: {  	v6 =	vadd.f32 v8, v7  }
0x5a: {  	[tilespmem:v60+s13+$0x0] =	vst.idx.msk $0xffff, v5  }
0x5b: {  	[tilespmem:v61+s13+$0x0] =	vst.idx.msk $0xffff, v6  }
0x5c: {  	v5 =	vld [tilespmem:s15+$0x20]  }
0x5d: {  	v6 =	vld [tilespmem:s16+$0x20];
	_ =	sdelay $0x3  }
0x5e: {  	v5 =	vshll.u32 v5, $0x1  }
0x5f: {  	v6 =	vshll.u32 v6, $0x1  }
0x60: {  	v7 =	vor.u32 $0x1, v5  }
0x61: {  	v62 =	vor.u32 $0x1, v6;
	_ =	sdelay $0x1  }
0x62: {  	v5 =	vld.idx.msk [tilespmem:v5+s2+$0x0], $0xffff  }
0x63: {  	v6 =	vld.idx.msk [tilespmem:v6+s10+$0x0], $0xffff  }
0x64: {  	v7 =	vld.idx.msk [tilespmem:v7+s2+$0x0], $0xffff  }
0x65: {  	v8 =	vld.idx.msk [tilespmem:v62+s10+$0x0], $0xffff  }
0x66: {  	v9 =	vadd.s32 v1, v9  }
0x67: {  	p0 =	sne.s32 s17, $0x26C0;
	v63 =	vor.u32 $0x1, v9  }
.Ltmp0:
0x68: {  	_ = 	snop;
	(pc) =	sbr.rel @p0 .LBB2_2-.Ltmp0, $4  }
0x69: {  	v5 =	vadd.f32 v6, v5  }
0x6a: {  	v6 =	vadd.f32 v8, v7  }
0x6b: {  	[tilespmem:v9+s13+$0x0] =	vst.idx.msk $0xffff, v5  }
0x6c: {  	s17 =	sadd.s32 $0x50, s17;
	s15 =	sadd.s32 $0x80, s15;
	s16 =	sadd.s32 $0x80, s16;
	[tilespmem:v63+s13+$0x0] =	vst.idx.msk $0xffff, v6  }
0x6d: {  	s14 =	sadd.s32 $0x1, s14  }
0x6e: {  	p0 =	sne.s32 s14, s8  }
.Ltmp1:
0x6f: {  	_ = 	snop;
	(pc) =	sbr.rel @p0 .LBB2_1-.Ltmp1, $4  }
0x70: {  	[hbm4b:s7+s2] =	stream.linear.scatter [tilespmem:s13], [sflag:$0x1], $0x4E20, $0x38;
	[tilespmem:$0x16B80] =	vst v63  }
0x71: {  	_ =	swait.ge [sflag:s9], $0x4E20  }
0x72: {  	[sflag:s9] =	ssyncset.done $0x0  }
0x73: {  	[sflag:s9] =	ssyncadd.s32 $0xFFFFB1E0  }
0x74: {  	_ =	sfence.sel $0x180000  }
0x75: {  	[bflag:$0x0] =	sbarrier.arrive $0xFFFF  }
0x76: {  	p0 =	sne.s32 s1, $0x0;
	_ =	strace $0x9000004D  }
0x77: {  	s0 =	sadd.s32 @!p0 $0x100000, s0;
	[bflag:$0x2] =	sbarrier.arrive $0xFFFF  }
0x78: {  	[sflag:s0] =	ssyncadd.tile.s32 @!p0 $0x1;
	_ =	shalt  }
.Lfunc_end2:
_tile_overlayer_lowered:
.L_overlay_start_2:
0x79: {  	(tag) =	ssettag $0x2  }
0x7a: {  	s0 =	rddreg [dreg:$0x0];
	s2 =	stileid.u32  }
0x7b: {  	s1 =	rddreg [dreg:$0x1];
	p0 =	sne.s32 s2, $0x0  }
0x7c: {  	s3 =	rddreg [dreg:$0x2];
	[bflag:$0x3] =	sbarrier.arrive $0xFFFF;
	s2 =	simm.s32 @!p0 $0x1C01  }
0x7d: {  	[timem:s3], [sflag:s2] =	dma.local @!p0 [hbm:s0], s1  }
0x7e: {  	s0 =	simm.s32 @!p0 $0x1  }
0x7f: {  	_ =	swait.ge @!p0 [sflag:s0], s1  }
0x80: {  	s1 =	ssub.s32 @!p0 $0x0, s1;
	[sflag:s0] =	ssyncset.done @!p0 $0x0  }
0x81: {  	[sflag:s0] =	ssyncadd.s32 @!p0 s1  }
0x82: {  	[bflag:$0x3] =	sbarrier.arrive $0xFFFF  }
0x83: {  	_ =	shalt  }

// kernel: kernel.7.cloned.1.call-start
scs
__scs_entry_jumppad:
0x0: {  	(pc) =	sbr.rel $0x88, $3  }
0x1: {  	(tag) =	ssettag $0x0;
	lr =	simm.s32 $0x1  }
0x2: {  	[smem:$0x3F97] =	sst lr;
	_ =	strace $0xD0000000  }
0x3: {  	_ = 	snop  }
0x4: {  	_ = 	snop  }
0x5: {  	_ = 	snop  }
0x6: {  	_ = 	snop  }
0x7: {  	_ = 	snop  }
__scs_overlays_trampoline_lowered:
0x8: {  	[smem:$0x3FA6] =	sst s0  }
0x9: {  	[smem:$0x3FA7] =	sst s1  }
0xa: {  	[smem:$0x3FA8] =	sst s2  }
0xb: {  	[smem:$0x3FA9] =	sst s3  }
0xc: {  	[smem:$0x3FAA] =	sst s4  }
0xd: {  	[smem:$0x3FAB] =	sst s5  }
0xe: {  	[smem:$0x3FAC] =	sst s6  }
0xf: {  	[smem:$0x3FAD] =	sst s7  }
0x10: {  	[smem:$0x3FAE] =	sst s8  }
0x11: {  	[smem:$0x3FAF] =	sst s9;
	s0 =	simm.s32 @!p0 $0x0  }
0x12: {  	s1 =	sld [smem:$0x3F95];
	s0 =	simm.s32 @p0 $0x1  }
0x13: {  	[smem:$0x3FB0] =	sst s0;
	s0 =	simm.s32 @!p1 $0x0  }
0x14: {  	s2 =	sld [smem:$0x3F94];
	s0 =	simm.s32 @p1 $0x1  }
0x15: {  	[smem:$0x3FB1] =	sst s0;
	s0 =	simm.s32 @!p2 $0x0  }
0x16: {  	s3 =	sld [smem:$0x3FDB];
	s0 =	simm.s32 @p2 $0x1  }
0x17: {  	s4 =	simm.s32 $0x1BF5;
	[smem:$0x3FB3] =	sst s0  }
0x18: {  	s0 =	sld [smem:$0x3F96];
	_ =	swait.ge [sflag:s4], $0x0  }
0x19: {  	s7 =	sld [smem:$0x3F97]  }
0x1a: {  	s8 =	sadd.s32 $0xFFFFE003, lr  }
0x1b: {  	s9 =	sadd.s32 $0xFFFFFEF7, lr;
	s5 =	simm.s32 $0xFFFFFFFF;
	p2 =	slt.u32 s8, $0xFFFFF086  }
0x1c: {  	p1 =	slt.u32 s9, $0xF7A;
	s5 =	simm.s32 @!p2 $0x0  }
0x1d: {  	s5 =	simm.s32 @p1 $0x1;
	p0 =	seq.s32 s7, s2  }
0x1e: {  	s7 =	smul.u32 @!p0 $0xF7A, s2;
	p2 =	seq.s32 @!p0 s5, $0x0  }
0x1f: {  	s9 =	smul.u32 $0xF7A, s1;
	s8 =	simm.s32 @!p0 $0x1BF5;
	p2 =	por !p2, p0  }
0x20: {  	[sflag:s8] =	ssyncset.s32 @!p0 $0xFFFFF086;
	s6 =	sadd.s32 @!p0 s3, s7;
	s7 =	simm.s32 @!p0 $0x108  }
0x21: {  	s3 =	sadd.s32 s3, s9;
	s6 =	sadd.s32 @!p0 $0x88, s6;
	s7 =	simm.s32 @p2 $0x1082  }
0x22: {  	[simem:s7], [sflag:s8] =	dma.local @!p0 [hbm:s6], $0xF7A  }
0x23: {  	s9 =	sor.u32 $0xD0000000, s2;
	s6 =	simm.s32 $0x108;
	_ =	swait.ge @!p0 [sflag:s8], $0x0  }
0x24: {  	s3 =	sadd.s32 $0x88, s3;
	s6 =	simm.s32 @!p1 $0x1082;
	[sflag:s4] =	ssyncset.s32 $0xFFFFF086  }
0x25: {  	[simem:s6], [sflag:s4] =	dma.local [hbm:s3], $0xF7A  }
0x26: {  	[smem:$0x3F97] =	sst s1;
	(tag) =	ssettag s2;
	_ =	strace s9  }
0x27: {  	s1 =	sld [smem:$0x3FA7]  }
0x28: {  	s2 =	sld [smem:$0x3FA8]  }
0x29: {  	s4 =	sld [smem:$0x3FAA]  }
0x2a: {  	p0 =	seq.s32 s5, $0x0;
	s5 =	sld [smem:$0x3FAB]  }
0x2b: {  	s6 =	sld [smem:$0x3FAC]  }
0x2c: {  	s7 =	sld [smem:$0x3FAD]  }
0x2d: {  	s3 =	simm.s32 $0x108;
	s8 =	sld [smem:$0x3FAE]  }
0x2e: {  	s3 =	simm.s32 @!p0 $0x1082;
	s9 =	sld [smem:$0x3FAF]  }
0x2f: {  	lr =	sadd.s32 s0, s3;
	s0 =	sld [smem:$0x3FA6]  }
0x30: {  	s3 =	sld [smem:$0x3FA9]  }
0x31: {  	[smem:$0x3FB2] =	sst s10  }
0x32: {  	s10 =	sld [smem:$0x3FB0];
	_ =	sdelay $0x3  }
0x33: {  	p0 =	seq.s32 s10, $0x1;
	s10 =	sld [smem:$0x3FB2];
	_ =	sdelay $0x3  }
0x34: {  	[smem:$0x3FB2] =	sst s10  }
0x35: {  	s10 =	sld [smem:$0x3FB1];
	_ =	sdelay $0x3  }
0x36: {  	p1 =	seq.s32 s10, $0x1;
	s10 =	sld [smem:$0x3FB2];
	_ =	sdelay $0x3  }
0x37: {  	[smem:$0x3FB2] =	sst s10  }
0x38: {  	s10 =	sld [smem:$0x3FB3]  }
0x39: {  	_ = 	snop;
	(pc) =	sbr.ind lr, $3  }
0x3a: {  	_ = 	snop  }
0x3b: {  	_ = 	snop  }
0x3c: {  	p2 =	seq.s32 s10, $0x1;
	s10 =	sld [smem:$0x3FB2]  }
0x3d: {  	_ =	shalt  }
0x3e: {  	_ =	shalt  }
0x3f: {  	_ =	shalt  }
0x40: {  	_ =	shalt  }
0x41: {  	_ =	shalt  }
0x42: {  	_ =	shalt  }
0x43: {  	_ =	shalt  }
0x44: {  	_ =	shalt  }
0x45: {  	_ =	shalt  }
0x46: {  	_ =	shalt  }
0x47: {  	_ =	shalt  }
0x48: {  	_ =	shalt  }
0x49: {  	_ =	shalt  }
0x4a: {  	_ =	shalt  }
0x4b: {  	_ =	shalt  }
0x4c: {  	_ =	shalt  }
0x4d: {  	_ =	shalt  }
0x4e: {  	_ =	shalt  }
0x4f: {  	_ =	shalt  }
0x50: {  	_ =	shalt  }
0x51: {  	_ =	shalt  }
0x52: {  	_ =	shalt  }
0x53: {  	_ =	shalt  }
0x54: {  	_ =	shalt  }
0x55: {  	_ =	shalt  }
0x56: {  	_ =	shalt  }
0x57: {  	_ =	shalt  }
0x58: {  	_ =	shalt  }
0x59: {  	_ =	shalt  }
0x5a: {  	_ =	shalt  }
0x5b: {  	_ =	shalt  }
0x5c: {  	_ =	shalt  }
0x5d: {  	_ =	shalt  }
0x5e: {  	_ =	shalt  }
0x5f: {  	_ =	shalt  }
0x60: {  	_ =	shalt  }
0x61: {  	_ =	shalt  }
0x62: {  	_ =	shalt  }
0x63: {  	_ =	shalt  }
0x64: {  	_ =	shalt  }
0x65: {  	_ =	shalt  }
0x66: {  	_ =	shalt  }
0x67: {  	_ =	shalt  }
0x68: {  	_ =	shalt  }
0x69: {  	_ =	shalt  }
0x6a: {  	_ =	shalt  }
0x6b: {  	_ =	shalt  }
0x6c: {  	_ =	shalt  }
0x6d: {  	_ =	shalt  }
0x6e: {  	_ =	shalt  }
0x6f: {  	_ =	shalt  }
0x70: {  	_ =	shalt  }
0x71: {  	_ =	shalt  }
0x72: {  	_ =	shalt  }
0x73: {  	_ =	shalt  }
0x74: {  	_ =	shalt  }
0x75: {  	_ =	shalt  }
0x76: {  	_ =	shalt  }
0x77: {  	_ =	shalt  }
0x78: {  	_ =	shalt  }
0x79: {  	_ =	shalt  }
0x7a: {  	_ =	shalt  }
0x7b: {  	_ =	shalt  }
0x7c: {  	_ =	shalt  }
0x7d: {  	_ =	shalt  }
0x7e: {  	_ =	shalt  }
0x7f: {  	_ =	shalt  }
0x80: {  	_ =	shalt  }
0x81: {  	_ =	shalt  }
0x82: {  	_ =	shalt  }
0x83: {  	_ =	shalt  }
0x84: {  	_ =	shalt  }
0x85: {  	_ =	shalt  }
0x86: {  	_ =	shalt  }
0x87: {  	_ =	shalt  }
.Lfunc_end0:
.L_simem_size_0:
called_computation_lowered:
.L_overlay_start_0:
0x88: {  	s2 =	sld [smem:$0x3FD9]  }
0x89: {  	s3 =	sld [smem:$0x3FFE];
	_ =	sdelay $0x1  }
0x8a: {  	s1 =	srdreg.scid  }
0x8b: {  	s0 =	sand.u32 $0x1, s1  }
0x8c: {  	s17 =	sshll.u32 s0, $0xA;
	s2 =	sadd.s32 s3, s2  }
0x8d: {  	s2 =	sadd.s32 s2, s17  }
0x8e: {  	[smem:$0x3FBE] =	sst s2  }
0x8f: {  	_ = 	snop  }
0x90: {  	s2 =	sld [smem:$0x3FC9]  }
0x91: {  	s18 =	sld [smem:$0x3FD0];
	(tm) =	ssettm $0x1  }
0x92: {  	s4 =	sld [smem:$0x3FFB];
	_ =	sdelay $0x3  }
0x93: {  	_ =	strace s4  }
0x94: {  	s4 =	sld [smem:$0x3FFC];
	_ =	sdelay $0x3  }
0x95: {  	_ =	strace s4  }
0x96: {  	s4 =	sld [smem:$0x3FFD];
	_ =	sdelay $0x3  }
0x97: {  	_ =	strace s4  }
0x98: {  	_ =	strace $0x8FFFFFFF  }
0x99: {  	s19 =	sld [smem:$0x3FDB];
	_ =	sdelay $0x1  }
0x9a: {  	s5 =	simm.s32 $_scs_section_size  }
0x9b: {  	s6 =	simm.s32 $_size__tile_overlayer_lowered;
	s7 =	simm.s32 $_tile_overlayer_lowered  }
0x9c: {  	s22 =	simm.s32 $0x1BFF;
	s21 =	sshll.u32 s7, $0x1;
	s4 =	sadd.s32 s5, s19  }
0x9d: {  	s8 =	simm.s32 $0x0;
	s20 =	sshll.u32 s6, $0x1;
	s6 =	sadd.s32 s21, s4  }
0x9e: {  	[timem:s8], [sflag:s22] =	dma.local [hbm:s6], s20  }
0x9f: {  	_ =	swait.ge [sflag:s22], s20  }
0xa0: {  	s5 =	ssub.s32 $0x0, s20;
	[sflag:s22] =	ssyncset.done $0x0  }
0xa1: {  	[sflag:s22] =	ssyncadd.s32 s5;
	_ =	sdelay $0x1  }
0xa2: {  	s23 =	simm.s32 $0x1B8B  }
0xa3: {  	_ =	swait.ge [sflag:s23], $0x1  }
0xa4: {  	[sflag:s23] =	ssyncset.done $0x0  }
0xa5: {  	s25 =	simm.s32 $0x1B8E;
	s24 =	sld [smem:$0x3FFE];
	[sflag:s23] =	ssyncadd.s32 $0xFFFFFFFF  }
0xa6: {  	s26 =	simm.s32 $execute0_lowered;
	[smem:$0x3FD2] =	sst s25  }
0xa7: {  	s6 =	sshll.u32 s26, $0x1;
	_ =	strace $0x80000046;
	[dreg:$0x1] =	wrdreg $0xFFFFFFFF  }
0xa8: {  	s28 =	simm.s32 $_size_execute0_lowered;
	s4 =	sadd.s32 s4, s6;
	[dreg:$0x0] =	wrdreg $0x0  }
0xa9: {  	s6 =	sshll.u32 s28, $0x1;
	[dreg:$0x2] =	wrdreg s4  }
0xaa: {  	[dreg:$0x3] =	wrdreg s6  }
0xab: {  	[dreg:$0x4] =	wrdreg $0xC0  }
0xac: {  	_ =	task [dreg:s8], $0x5FFFF  }
0xad: {  	[dreg:$0x1] =	wrdreg $0xFFFFFFFF  }
0xae: {  	[dreg:$0x0] =	wrdreg $0x60  }
0xaf: {  	[dreg:$0x2] =	wrdreg s2  }
0xb0: {  	[dreg:$0x3] =	wrdreg s24  }
0xb1: {  	[dreg:$0x4] =	wrdreg s18  }
0xb2: {  	[dreg:$0x5] =	wrdreg $0x28000  }
0xb3: {  	[dreg:$0x6] =	wrdreg $0x9  }
0xb4: {  	_ =	task.clear_ibuf [dreg:s8], $0x7FFFF;
	_ =	strace $0x90000046  }
0xb5: {  	s29 =	simm.s32 $0x9;
	_ =	strace $0x80000048  }
0xb6: {  	_ =	swait.ge [sflag:s29], $0x1  }
0xb7: {  	[sflag:s29] =	ssyncadd.s32 $0xFFFFFFFF  }
0xb8: {  	_ =	strace $0x90000048  }
0xb9: {  	_ =	sfence  }
0xba: {  	s30 =	sld [smem:$0x0];
	_ =	sdelay $0x2  }
0xbb: {  	s31 =	sshll.u32 s1, $0xD;
	s1 =	sshrl.u32 s1, $0x2  }
0xbc: {  	s3 =	sand.u32 $0x4000, s31;
	s1 =	sadd.s32 s1, s30  }
0xbd: {  	s0 =	sor.u32 s3, s0;
	s1 =	sshll.u32 s1, $0x11  }
0xbe: {  	s0 =	sor.u32 s1, s0  }
0xbf: {  	s0 =	sadd.s32 $0x8F2B, s0  }
0xc0: {  	[sflag:s0] =	ssyncadd.remote.s32 $0x1  }
0xc1: {  	_ =	sfence.sel $0xFFFF  }
0xc2: {  	[dreg:$0x0] =	wrdreg $0xFFFFFFFF;
	(pc) =	sbr.abs _section_cstart, $3  }
0xc3: {  	[dreg:$0x1] =	wrdreg $0xFFFFFFFF  }
0xc4: {  	_ =	task.clear_ibuf [dreg:s8], $0x2FFFF;
	_ =	strace $0x9FFFFFFF  }
0xc5: {  	(tm) =	ssettm $0x7FFFFFFF  }
tec
execute0_lowered:
.L_overlay_start_1:
0x0: {  	(tag) =	ssettag $0x1  }
0x1: {  	s1 =	rddreg [dreg:$0x0]  }
0x2: {  	s7 =	rddreg [dreg:$0x1]  }
0x3: {  	s8 =	rddreg [dreg:$0x2]  }
0x4: {  	s2 =	rddreg [dreg:$0x3]  }
0x5: {  	s0 =	srdreg.scid;
	s3 =	simm.s32 $0x0;
	s28 =	simm.s32 $0x1D900  }
0x6: {  	s29 =	simm.s32 $0x1DB00;
	s31 =	simm.s32 $0x4;
	s9 =	sand.u32 $0x1, s0  }
0x7: {  	[smem:$0x7FF] =	sst s3;
	s0 =	stileid.u32;
	s6 =	sadd.s32 $0x3400, s7  }
0x8: {  	s24 =	sadd.s32 $0x17000, s7;
	s4 =	sshll.u32 s9, $0x4;
	_ =	strace $0x80000047  }
0x9: {  	s11 =	ssub.s32 $0x2, s9;
	s16 =	smul.u32 $0x4E000, s0;
	s22 =	sshll.u32 s0, $0x6  }
0xa: {  	s9 =	smul.u32 $0x138800, s9;
	p0 =	sne.s32 s0, $0x0;
	s10 =	sor.u32 s0, s4  }
0xb: {  	[dreg:$0xf] =	wrdreg s24;
	s4 =	sadd.s32 $0xD200, s7;
	s5 =	smul.u32 $0x2710, s10  }
0xc: {  	s12 =	sshrl.u32 s11, $0x1;
	s7 =	sadd.s32 $0x19800, s7;
	s30 =	sor.u32 $0x1C0A, s22  }
0xd: {  	s11 =	ssub.s32 s11, s12;
	[dreg:$0x15] =	wrdreg s30;
	s25 =	sadd.s32 $0x140, s5  }
0xe: {  	s19 =	sshrl.u32 s16, $0x2;
	s26 =	sadd.s32 $0x190, s5;
	[dreg:$0x5] =	wrdreg s25  }
0xf: {  	s10 =	smul.u32 $0x500, s10;
	s17 =	sadd.s32 $0x230, s5;
	[dreg:$0x6] =	wrdreg s26  }
0x10: {  	s12 =	sshrl.u32 s5, $0x3;
	s18 =	sadd.s32 $0x280, s5;
	[dreg:$0x8] =	wrdreg s17  }
0x11: {  	s20 =	sadd.s32 $0x2D0, s5;
	s21 =	sadd.s32 $0x320, s5;
	[dreg:$0x9] =	wrdreg s18  }
0x12: {  	s8 =	sadd.s32 s8, s10;
	s10 =	simm.s32 $0x1DB80;
	[dreg:$0xa] =	wrdreg s20  }
0x13: {  	s13 =	sadd.s32 s4, s12;
	s23 =	sadd.s32 s6, s12;
	[dreg:$0xb] =	wrdreg s21  }
0x14: {  	s14 =	sadd.s32 $0xA, s12;
	s25 =	sadd.s32 $0x3C0, s5;
	[dreg:$0x19] =	wrdreg s8  }
0x15: {  	s26 =	sadd.s32 $0x138000, s2;
	s17 =	smul.u32 $0x13800, s0;
	[dreg:$0x10] =	wrdreg s13  }
0x16: {  	s18 =	sadd.s32 $0x4CE, s12;
	s22 =	sadd.s32 $0x4D8, s12;
	[dreg:$0x11] =	wrdreg s23  }
0x17: {  	s0 =	simm.s32 $0x50;
	s15 =	sadd.s32 s4, s14;
	[dreg:$0x16] =	wrdreg s26  }
0x18: {  	s14 =	sadd.s32 s6, s14;
	s23 =	sadd.s32 $0x370, s5;
	[dreg:$0xd] =	wrdreg s25  }
0x19: {  	s20 =	sadd.s32 s6, s18;
	s25 =	sadd.s32 s6, s22;
	[dreg:$0x12] =	wrdreg s15  }
0x1a: {  	s26 =	smax.u32 s11, $0x1;
	s13 =	simm.s32 $0xA;
	[dreg:$0x13] =	wrdreg s14  }
0x1b: {  	s11 =	simm.s32 $0x5;
	s15 =	sadd.s32 $0x1E0, s5;
	[dreg:$0xc] =	wrdreg s23  }
0x1c: {  	s14 =	sadd.s32 s19, s2;
	s19 =	sadd.s32 s4, s18;
	[dreg:$0x1b] =	wrdreg s20  }
0x1d: {  	s21 =	sadd.s32 s17, s9;
	s9 =	sshrl.u32 s9, $0x3;
	[dreg:$0x1e] =	wrdreg s25  }
0x1e: {  	s23 =	sadd.s32 s4, s22;
	[smem:$0x7FC] =	sst s26;
	s25 =	simm.s32 $0x1D880  }
0x1f: {  	s26 =	simm.s32 $0x1DA80;
	s17 =	simm.s32 $0x6;
	[dreg:$0x7] =	wrdreg s15  }
0x20: {  	s18 =	simm.s32 $0x1B080;
	s20 =	simm.s32 $0x8;
	[dreg:$0x14] =	wrdreg s14  }
0x21: {  	s22 =	simm.s32 $0x3;
	s14 =	sadd.s32 $0x410, s5;
	[dreg:$0x1a] =	wrdreg s19  }
0x22: {  	s15 =	sadd.s32 $0x4C4, s12;
	s8 =	sshrl.u32 s21, $0x3;
	[dreg:$0x1d] =	wrdreg s23  }
0x23: {  	s12 =	simm.s32 $0x18880;
	s19 =	simm.s32 $0x2;
	s21 =	simm.s32 $0x7  }
0x24: {  	s23 =	simm.s32 $0x9;
	[dreg:$0xe] =	wrdreg s14;
	s16 =	sadd.s32 s4, s15  }
0x25: {  	s14 =	sadd.s32 s6, s15;
	s8 =	sadd.s32 s7, s8;
	[dreg:$0x17] =	wrdreg s16  }
0x26: {  	s7 =	sadd.s32 s7, s9;
	s9 =	simm.s32 $0x1D980;
	[dreg:$0x18] =	wrdreg s14  }
0x27: {  	s15 =	simm.s32 $0x1DA00;
	[dreg:$0x1c] =	wrdreg s8;
	s7 =	sadd.s32 $0x27000, s7  }
0x28: {  	s8 =	simm.s32 $0x16080;
	[dreg:$0x1f] =	wrdreg s7;
	s7 =	simm.s32 $0x0  }
0x29: {  	v0 =	vimm.f32 $0.0e+00;
	v1 =	vimm.f32 $1.000000000e+00;
	s14 =	simm.s32 $0x1;
	s16 =	simm.s32 $0x1DC00;
	[smem:$0x7FD] =	sst s7  }
.LBB2_1:
0x2a: {  	s7 =	rddreg [dreg:$0x10]  }
0x2b: {  	[tilespmem:s25], [sflag:$0x4] =	stream.linear.gather [hbm4b:s7+s3], $0x50, $0x38;
	[tilespmem:$0x1DC80] =	vst v63  }
0x2c: {  	s7 =	rddreg [dreg:$0x11]  }
0x2d: {  	[tilespmem:s26], [sflag:$0x4] =	stream.linear.gather [hbm4b:s7+s3], $0x50, $0x38;
	[tilespmem:$0x1DC80] =	vst v63  }
0x2e: {  	s7 =	rddreg [dreg:$0x12]  }
0x2f: {  	[tilespmem:s28], [sflag:$0x5] =	stream.linear.gather [hbm4b:s7+s3], $0x50, $0x38;
	[tilespmem:$0x1DC80] =	vst v63  }
0x30: {  	s7 =	rddreg [dreg:$0x13]  }
0x31: {  	[tilespmem:s29], [sflag:$0x5] =	stream.linear.gather [hbm4b:s7+s3], $0x50, $0x38;
	[tilespmem:$0x1DC80] =	vst v63  }
0x32: {  	s7 =	rddreg [dreg:$0x14]  }
0x33: {  	s7 =	sshrl.u32 s7, $0x3  }
0x34: {  	[smem:$0x7FB] =	sst s7  }
0x35: {  	[spmem:s7], [sflag:s30] =	dma.local [hbm:s24], $0x2700  }
0x36: {  	_ =	swait.ge [sflag:s13], $0x2700  }
0x37: {  	[sflag:s13] =	ssyncset.done $0x0  }
0x38: {  	s7 =	simm.s32 $0x0;
	[sflag:s13] =	ssyncadd.s32 $0xFFFFD900;
	s13 =	simm.s32 $0x200  }
.LBB2_2:
0x39: {  	p1 =	sne.s32 s13, $0x9E00;
	[tilespmem:s7+$0x70] =	vst v0  }
0x3a: {  	[tilespmem:s7+$0x0] =	vst v0  }
0x3b: {  	[tilespmem:s7+$0x10] =	vst v0  }
.Ltmp0:
0x3c: {  	[tilespmem:s7+$0x20] =	vst v0;
	(pc) =	sbr.rel @p1 .LBB2_2-.Ltmp0, $4  }
0x3d: {  	[tilespmem:s7+$0x30] =	vst v0  }
0x3e: {  	[tilespmem:s7+$0x40] =	vst v0  }
0x3f: {  	[tilespmem:s7+$0x50] =	vst v0  }
0x40: {  	[tilespmem:s7+$0x60] =	vst v0;
	s7 =	sshra.s32 s13, $0x2;
	s13 =	sadd.s32 $0x200, s13  }
0x41: {  	[tilespmem:s7+$0x70] =	vst v0  }
0x42: {  	[tilespmem:s7+$0x0] =	vst v0  }
0x43: {  	[tilespmem:s7+$0x10] =	vst v0  }
0x44: {  	[tilespmem:s7+$0x20] =	vst v0  }
0x45: {  	[tilespmem:s7+$0x30] =	vst v0  }
0x46: {  	[tilespmem:s7+$0x40] =	vst v0  }
0x47: {  	[tilespmem:s7+$0x50] =	vst v0  }
0x48: {  	[tilespmem:s7+$0x60] =	vst v0;
	s7 =	rddreg [dreg:$0x16]  }
0x49: {  	s7 =	sshrl.u32 @!p0 s7, $0x3  }
0x4a: {  	[smem:$0x7FA] =	sst s7  }
0x4b: {  	[spmem:s7], [sflag:s30] =	dma.local @!p0 [hbm:s24], $0x100  }
0x4c: {  	s7 =	simm.s32 @!p0 $0xA  }
0x4d: {  	_ =	swait.ge @!p0 [sflag:s7], $0x100  }
0x4e: {  	[sflag:s7] =	ssyncset.done @!p0 $0x0  }
0x4f: {  	[sflag:s7] =	ssyncadd.s32 @!p0 $0xFFFFFF00  }
0x50: {  	[bflag:$0x0] =	sbarrier.arrive $0xFFFF  }
0x51: {  	_ =	swait.ge [sflag:s31], $0x50  }
0x52: {  	[sflag:s31] =	ssyncset.done $0x0  }
0x53: {  	[sflag:s31] =	ssyncadd.s32 $0xFFFFFFB0  }
0x54: {  	_ =	swait.ge [sflag:s31], $0x50  }
0x55: {  	[sflag:s31] =	ssyncset.done $0x0  }
0x56: {  	s13 =	simm.s32 $0x0;
	[sflag:s31] =	ssyncadd.s32 $0xFFFFFFB0  }
0x57: {  	[tilespmem:s8], [sflag:$0x1] =	stream.indirect.gather [hbm4b:s1+s0], $0x80, s25, s0, $0xb8;
	[tilespmem:$0x1DC80] =	vst v63  }
.LBB2_4:
0x58: {  	p1 =	seq.s32 s13, $0x0  }
0x59: {  	s7 =	sadd.s32 @!p1 $0xA0, s13  }
0x5a: {  	s30 =	simm.s32 @!p1 $0x8;
	s7 =	simm.s32 @p1 $0xA0  }
0x5b: {  	_ =	swait.ge @!p1 [sflag:s30], $0x2800;
	s7 =	sadd.s32 s5, s7  }
0x5c: {  	[sflag:s30] =	ssyncset.done @!p1 $0x0;
	s7 =	sshrl.u32 s7, $0x3  }
0x5d: {  	[sflag:s30] =	ssyncadd.s32 @!p1 $0xFFFFD800;
	s24 =	sadd.s32 s4, s7  }
0x5e: {  	[tilespmem:s9], [sflag:$0x6] =	stream.linear.gather [hbm4b:s24+s3], $0x50, $0x38;
	[tilespmem:$0x1DC80] =	vst v63  }
0x5f: {  	s7 =	sadd.s32 s6, s7  }
0x60: {  	[tilespmem:s10], [sflag:$0x6] =	stream.linear.gather [hbm4b:s7+s3], $0x50, $0x38;
	[tilespmem:$0x1DC80] =	vst v63  }
0x61: {  	_ =	swait.ge [sflag:s11], $0x50  }
0x62: {  	[sflag:s11] =	ssyncset.done $0x0  }
0x63: {  	[sflag:s11] =	ssyncadd.s32 $0xFFFFFFB0  }
0x64: {  	_ =	swait.ge [sflag:s11], $0x50  }
0x65: {  	[sflag:s11] =	ssyncset.done $0x0  }
0x66: {  	[sflag:s11] =	ssyncadd.s32 $0xFFFFFFB0  }
0x67: {  	[tilespmem:s12], [sflag:$0x2] =	stream.indirect.gather [hbm4b:s1+s0], $0x80, s28, s0, $0xb8;
	[tilespmem:$0x1DC80] =	vst v63  }
0x68: {  	_ =	swait.ge [sflag:s14], $0x2800  }
0x69: {  	[sflag:s14] =	ssyncset.done $0x0  }
0x6a: {  	[sflag:s14] =	ssyncadd.s32 $0xFFFFD800  }
0x6b: {  	v2 =	vld [tilespmem:$0x1DA80];
	_ =	sdelay $0x7  }
0x6c: {  	[tilespmem:v2+s3+$0x0] =	vst.idx.add.f32.msk $0xffff, v1  }
0x6d: {  	v2 =	vld [tilespmem:$0x1DA90];
	_ =	sdelay $0x7  }
0x6e: {  	[tilespmem:v2+s3+$0x0] =	vst.idx.add.f32.msk $0xffff, v1  }
0x6f: {  	v2 =	vld [tilespmem:$0x1DAA0];
	_ =	sdelay $0x7  }
0x70: {  	[tilespmem:v2+s3+$0x0] =	vst.idx.add.f32.msk $0xffff, v1  }
0x71: {  	v2 =	vld [tilespmem:$0x1DAB0];
	_ =	sdelay $0x7  }
0x72: {  	[tilespmem:v2+s3+$0x0] =	vst.idx.add.f32.msk $0xffff, v1  }
0x73: {  	v2 =	vld [tilespmem:$0x1DAC0];
	_ =	sdelay $0x6  }
0x74: {  	s7 =	sadd.s32 @!p1 $0xF0, s13  }
0x75: {  	s30 =	simm.s32 @!p1 $0x9;
	s7 =	simm.s32 @p1 $0xF0;
	[tilespmem:v2+s3+$0x0] =	vst.idx.add.f32.msk $0xffff, v1  }
0x76: {  	[spmem:s2] =	stream.indirect.scatter.add.f32 [tilespmem:s8], [sflag:$0x8], $0x80, s26, s0, $0xb8;
	[tilespmem:$0x1DC80] =	vst v63  }
0x77: {  	s7 =	sadd.s32 s5, s7;
	_ =	swait.ge @!p1 [sflag:s30], $0x2800  }
0x78: {  	s7 =	sshrl.u32 s7, $0x3;
	[sflag:s30] =	ssyncset.done @!p1 $0x0  }
0x79: {  	s24 =	sadd.s32 s4, s7;
	[sflag:s30] =	ssyncadd.s32 @!p1 $0xFFFFD800  }
0x7a: {  	[tilespmem:s15], [sflag:$0x7] =	stream.linear.gather [hbm4b:s24+s3], $0x50, $0x38;
	[tilespmem:$0x1DC80] =	vst v63  }
0x7b: {  	s7 =	sadd.s32 s6, s7  }
0x7c: {  	[tilespmem:s16], [sflag:$0x7] =	stream.linear.gather [hbm4b:s7+s3], $0x50, $0x38;
	[tilespmem:$0x1DC80] =	vst v63  }
0x7d: {  	_ =	swait.ge [sflag:s17], $0x50  }
0x7e: {  	[sflag:s17] =	ssyncset.done $0x0  }
0x7f: {  	[sflag:s17] =	ssyncadd.s32 $0xFFFFFFB0  }
0x80: {  	_ =	swait.ge [sflag:s17], $0x50  }
0x81: {  	[sflag:s17] =	ssyncset.done $0x0  }
0x82: {  	[sflag:s17] =	ssyncadd.s32 $0xFFFFFFB0  }
0x83: {  	[tilespmem:s18], [sflag:$0x3] =	stream.indirect.gather [hbm4b:s1+s0], $0x80, s9, s0, $0xb8;
	[tilespmem:$0x1DC80] =	vst v63  }
0x84: {  	_ =	swait.ge [sflag:s19], $0x2800  }
0x85: {  	[sflag:s19] =	ssyncset.done $0x0  }
0x86: {  	[sflag:s19] =	ssyncadd.s32 $0xFFFFD800  }
0x87: {  	v2 =	vld [tilespmem:$0x1DB00];
	_ =	sdelay $0x7  }
0x88: {  	[tilespmem:v2+s3+$0x0] =	vst.idx.add.f32.msk $0xffff, v1  }
0x89: {  	v2 =	vld [tilespmem:$0x1DB10];
	_ =	sdelay $0x7  }
0x8a: {  	[tilespmem:v2+s3+$0x0] =	vst.idx.add.f32.msk $0xffff, v1  }
0x8b: {  	v2 =	vld [tilespmem:$0x1DB20];
	_ =	sdelay $0x7  }
0x8c: {  	[tilespmem:v2+s3+$0x0] =	vst.idx.add.f32.msk $0xffff, v1  }
0x8d: {  	v2 =	vld [tilespmem:$0x1DB30];
	_ =	sdelay $0x7  }
0x8e: {  	[tilespmem:v2+s3+$0x0] =	vst.idx.add.f32.msk $0xffff, v1  }
0x8f: {  	v2 =	vld [tilespmem:$0x1DB40];
	_ =	sdelay $0x7  }
0x90: {  	[tilespmem:v2+s3+$0x0] =	vst.idx.add.f32.msk $0xffff, v1  }
0x91: {  	[spmem:s2] =	stream.indirect.scatter.add.f32 [tilespmem:s12], [sflag:$0x9], $0x80, s29, s0, $0xb8;
	[tilespmem:$0x1DC80] =	vst v63  }
0x92: {  	s7 =	smov.u32 s13;
	_ =	swait.ge [sflag:s20], $0x2800  }
0x93: {  	s7 =	simm.s32 @p1 $0x0;
	s24 =	rddreg [dreg:$0x5]  }
0x94: {  	s30 =	sadd.s32 s7, s24  }
0x95: {  	[sflag:s20] =	ssyncset.done $0x0;
	s30 =	sshrl.u32 s30, $0x3  }
0x96: {  	[sflag:s20] =	ssyncadd.s32 $0xFFFFD800;
	s24 =	sadd.s32 s4, s30  }
0x97: {  	[tilespmem:s25], [sflag:$0x4] =	stream.linear.gather [hbm4b:s24+s3], $0x50, $0x38;
	[tilespmem:$0x1DC80] =	vst v63  }
0x98: {  	s30 =	sadd.s32 s6, s30  }
0x99: {  	[tilespmem:s26], [sflag:$0x4] =	stream.linear.gather [hbm4b:s30+s3], $0x50, $0x38;
	[tilespmem:$0x1DC80] =	vst v63  }
0x9a: {  	_ =	swait.ge [sflag:s21], $0x50  }
0x9b: {  	[sflag:s21] =	ssyncset.done $0x0  }
0x9c: {  	[sflag:s21] =	ssyncadd.s32 $0xFFFFFFB0  }
0x9d: {  	_ =	swait.ge [sflag:s21], $0x50  }
0x9e: {  	[sflag:s21] =	ssyncset.done $0x0  }
0x9f: {  	[sflag:s21] =	ssyncadd.s32 $0xFFFFFFB0  }
0xa0: {  	[tilespmem:s8], [sflag:$0x1] =	stream.indirect.gather [hbm4b:s1+s0], $0x80, s15, s0, $0xb8;
	[tilespmem:$0x1DC80] =	vst v63  }
0xa1: {  	_ =	swait.ge [sflag:s22], $0x2800  }
0xa2: {  	[sflag:s22] =	ssyncset.done $0x0  }
0xa3: {  	[sflag:s22] =	ssyncadd.s32 $0xFFFFD800  }
0xa4: {  	v2 =	vld [tilespmem:$0x1DB80];
	_ =	sdelay $0x7  }
0xa5: {  	[tilespmem:v2+s3+$0x0] =	vst.idx.add.f32.msk $0xffff, v1  }
0xa6: {  	v2 =	vld [tilespmem:$0x1DB90];
	_ =	sdelay $0x7  }
0xa7: {  	[tilespmem:v2+s3+$0x0] =	vst.idx.add.f32.msk $0xffff, v1  }
0xa8: {  	v2 =	vld [tilespmem:$0x1DBA0];
	_ =	sdelay $0x7  }
0xa9: {  	[tilespmem:v2+s3+$0x0] =	vst.idx.add.f32.msk $0xffff, v1  }
0xaa: {  	v2 =	vld [tilespmem:$0x1DBB0];
	_ =	sdelay $0x7  }
0xab: {  	[tilespmem:v2+s3+$0x0] =	vst.idx.add.f32.msk $0xffff, v1  }
0xac: {  	v2 =	vld [tilespmem:$0x1DBC0];
	_ =	sdelay $0x7  }
0xad: {  	[tilespmem:v2+s3+$0x0] =	vst.idx.add.f32.msk $0xffff, v1  }
0xae: {  	[spmem:s2] =	stream.indirect.scatter.add.f32 [tilespmem:s18], [sflag:$0x8], $0x80, s10, s0, $0xb8;
	[tilespmem:$0x1DC80] =	vst v63  }
0xaf: {  	_ =	swait.ge [sflag:s23], $0x2800  }
0xb0: {  	s30 =	rddreg [dreg:$0x6]  }
0xb1: {  	s24 =	sadd.s32 s7, s30  }
0xb2: {  	[sflag:s23] =	ssyncset.done $0x0;
	s24 =	sshrl.u32 s24, $0x3  }
0xb3: {  	[sflag:s23] =	ssyncadd.s32 $0xFFFFD800;
	s30 =	sadd.s32 s4, s24  }
0xb4: {  	[tilespmem:s28], [sflag:$0x5] =	stream.linear.gather [hbm4b:s30+s3], $0x50, $0x38;
	[tilespmem:$0x1DC80] =	vst v63  }
0xb5: {  	s24 =	sadd.s32 s6, s24  }
0xb6: {  	[tilespmem:s29], [sflag:$0x5] =	stream.linear.gather [hbm4b:s24+s3], $0x50, $0x38;
	[tilespmem:$0x1DC80] =	vst v63  }
0xb7: {  	_ =	swait.ge [sflag:s31], $0x50  }
0xb8: {  	[sflag:s31] =	ssyncset.done $0x0  }
0xb9: {  	[sflag:s31] =	ssyncadd.s32 $0xFFFFFFB0  }
0xba: {  	_ =	swait.ge [sflag:s31], $0x50  }
0xbb: {  	[sflag:s31] =	ssyncset.done $0x0  }
0xbc: {  	[sflag:s31] =	ssyncadd.s32 $0xFFFFFFB0  }
0xbd: {  	[tilespmem:s12], [sflag:$0x2] =	stream.indirect.gather [hbm4b:s1+s0], $0x80, s25, s0, $0xb8;
	[tilespmem:$0x1DC80] =	vst v63  }
0xbe: {  	_ =	swait.ge [sflag:s14], $0x2800  }
0xbf: {  	[sflag:s14] =	ssyncset.done $0x0  }
0xc0: {  	[sflag:s14] =	ssyncadd.s32 $0xFFFFD800  }
0xc1: {  	v2 =	vld [tilespmem:$0x1DC00];
	_ =	sdelay $0x7  }
0xc2: {  	[tilespmem:v2+s3+$0x0] =	vst.idx.add.f32.msk $0xffff, v1  }
0xc3: {  	v2 =	vld [tilespmem:$0x1DC10];
	_ =	sdelay $0x7  }
0xc4: {  	[tilespmem:v2+s3+$0x0] =	vst.idx.add.f32.msk $0xffff, v1  }
0xc5: {  	v2 =	vld [tilespmem:$0x1DC20];
	_ =	sdelay $0x7  }
0xc6: {  	[tilespmem:v2+s3+$0x0] =	vst.idx.add.f32.msk $0xffff, v1  }
0xc7: {  	v2 =	vld [tilespmem:$0x1DC30];
	_ =	sdelay $0x7  }
0xc8: {  	[tilespmem:v2+s3+$0x0] =	vst.idx.add.f32.msk $0xffff, v1  }
0xc9: {  	v2 =	vld [tilespmem:$0x1DC40];
	_ =	sdelay $0x7  }
0xca: {  	[tilespmem:v2+s3+$0x0] =	vst.idx.add.f32.msk $0xffff, v1  }
0xcb: {  	[spmem:s2] =	stream.indirect.scatter.add.f32 [tilespmem:s8], [sflag:$0x9], $0x80, s16, s0, $0xb8;
	[tilespmem:$0x1DC80] =	vst v63  }
0xcc: {  	_ =	swait.ge [sflag:s20], $0x2800  }
0xcd: {  	s30 =	rddreg [dreg:$0x7]  }
0xce: {  	s24 =	sadd.s32 s7, s30  }
0xcf: {  	[sflag:s20] =	ssyncset.done $0x0;
	s24 =	sshrl.u32 s24, $0x3  }
0xd0: {  	[sflag:s20] =	ssyncadd.s32 $0xFFFFD800;
	s30 =	sadd.s32 s4, s24  }
0xd1: {  	[tilespmem:s9], [sflag:$0x6] =	stream.linear.gather [hbm4b:s30+s3], $0x50, $0x38;
	[tilespmem:$0x1DC80] =	vst v63  }
0xd2: {  	s24 =	sadd.s32 s6, s24  }
0xd3: {  	[tilespmem:s10], [sflag:$0x6] =	stream.linear.gather [hbm4b:s24+s3], $0x50, $0x38;
	[tilespmem:$0x1DC80] =	vst v63  }
0xd4: {  	_ =	swait.ge [sflag:s11], $0x50  }
0xd5: {  	[sflag:s11] =	ssyncset.done $0x0  }
0xd6: {  	[sflag:s11] =	ssyncadd.s32 $0xFFFFFFB0  }
0xd7: {  	_ =	swait.ge [sflag:s11], $0x50  }
0xd8: {  	[sflag:s11] =	ssyncset.done $0x0  }
0xd9: {  	[sflag:s11] =	ssyncadd.s32 $0xFFFFFFB0  }
0xda: {  	[tilespmem:s18], [sflag:$0x3] =	stream.indirect.gather [hbm4b:s1+s0], $0x80, s28, s0, $0xb8;
	[tilespmem:$0x1DC80] =	vst v63  }
0xdb: {  	_ =	swait.ge [sflag:s19], $0x2800  }
0xdc: {  	[sflag:s19] =	ssyncset.done $0x0  }
0xdd: {  	[sflag:s19] =	ssyncadd.s32 $0xFFFFD800  }
0xde: {  	v2 =	vld [tilespmem:$0x1DA80];
	_ =	sdelay $0x7  }
0xdf: {  	[tilespmem:v2+s3+$0x0] =	vst.idx.add.f32.msk $0xffff, v1  }
0xe0: {  	v2 =	vld [tilespmem:$0x1DA90];
	_ =	sdelay $0x7  }
0xe1: {  	[tilespmem:v2+s3+$0x0] =	vst.idx.add.f32.msk $0xffff, v1  }
0xe2: {  	v2 =	vld [tilespmem:$0x1DAA0];
	_ =	sdelay $0x7  }
0xe3: {  	[tilespmem:v2+s3+$0x0] =	vst.idx.add.f32.msk $0xffff, v1  }
0xe4: {  	v2 =	vld [tilespmem:$0x1DAB0];
	_ =	sdelay $0x7  }
0xe5: {  	[tilespmem:v2+s3+$0x0] =	vst.idx.add.f32.msk $0xffff, v1  }
0xe6: {  	v2 =	vld [tilespmem:$0x1DAC0];
	_ =	sdelay $0x7  }
0xe7: {  	[tilespmem:v2+s3+$0x0] =	vst.idx.add.f32.msk $0xffff, v1  }
0xe8: {  	[spmem:s2] =	stream.indirect.scatter.add.f32 [tilespmem:s12], [sflag:$0x8], $0x80, s26, s0, $0xb8;
	[tilespmem:$0x1DC80] =	vst v63  }
0xe9: {  	_ =	swait.ge [sflag:s23], $0x2800  }
0xea: {  	s30 =	rddreg [dreg:$0x8]  }
0xeb: {  	s24 =	sadd.s32 s7, s30  }
0xec: {  	[sflag:s23] =	ssyncset.done $0x0;
	s24 =	sshrl.u32 s24, $0x3  }
0xed: {  	[sflag:s23] =	ssyncadd.s32 $0xFFFFD800;
	s30 =	sadd.s32 s4, s24  }
0xee: {  	[tilespmem:s15], [sflag:$0x7] =	stream.linear.gather [hbm4b:s30+s3], $0x50, $0x38;
	[tilespmem:$0x1DC80] =	vst v63  }
0xef: {  	s24 =	sadd.s32 s6, s24  }
0xf0: {  	[tilespmem:s16], [sflag:$0x7] =	stream.linear.gather [hbm4b:s24+s3], $0x50, $0x38;
	[tilespmem:$0x1DC80] =	vst v63  }
0xf1: {  	_ =	swait.ge [sflag:s17], $0x50  }
0xf2: {  	[sflag:s17] =	ssyncset.done $0x0  }
0xf3: {  	[sflag:s17] =	ssyncadd.s32 $0xFFFFFFB0  }
0xf4: {  	_ =	swait.ge [sflag:s17], $0x50  }
0xf5: {  	[sflag:s17] =	ssyncset.done $0x0  }
0xf6: {  	[sflag:s17] =	ssyncadd.s32 $0xFFFFFFB0  }
0xf7: {  	[tilespmem:s8], [sflag:$0x1] =	stream.indirect.gather [hbm4b:s1+s0], $0x80, s9, s0, $0xb8;
	[tilespmem:$0x1DC80] =	vst v63  }
0xf8: {  	_ =	swait.ge [sflag:s22], $0x2800  }
0xf9: {  	[sflag:s22] =	ssyncset.done $0x0  }
0xfa: {  	[sflag:s22] =	ssyncadd.s32 $0xFFFFD800  }
0xfb: {  	v2 =	vld [tilespmem:$0x1DB00];
	_ =	sdelay $0x7  }
0xfc: {  	[tilespmem:v2+s3+$0x0] =	vst.idx.add.f32.msk $0xffff, v1  }
0xfd: {  	v2 =	vld [tilespmem:$0x1DB10];
	_ =	sdelay $0x7  }
0xfe: {  	[tilespmem:v2+s3+$0x0] =	vst.idx.add.f32.msk $0xffff, v1  }
0xff: {  	v2 =	vld [tilespmem:$0x1DB20];
	_ =	sdelay $0x7  }
0x100: {  	[tilespmem:v2+s3+$0x0] =	vst.idx.add.f32.msk $0xffff, v1  }
0x101: {  	v2 =	vld [tilespmem:$0x1DB30];
	_ =	sdelay $0x7  }
0x102: {  	[tilespmem:v2+s3+$0x0] =	vst.idx.add.f32.msk $0xffff, v1  }
0x103: {  	v2 =	vld [tilespmem:$0x1DB40];
	_ =	sdelay $0x7  }
0x104: {  	[tilespmem:v2+s3+$0x0] =	vst.idx.add.f32.msk $0xffff, v1  }
0x105: {  	[spmem:s2] =	stream.indirect.scatter.add.f32 [tilespmem:s18], [sflag:$0x9], $0x80, s29, s0, $0xb8;
	[tilespmem:$0x1DC80] =	vst v63  }
0x106: {  	_ =	swait.ge [sflag:s20], $0x2800  }
0x107: {  	s30 =	rddreg [dreg:$0x9]  }
0x108: {  	s24 =	sadd.s32 s7, s30  }
0x109: {  	[sflag:s20] =	ssyncset.done $0x0;
	s24 =	sshrl.u32 s24, $0x3  }
0x10a: {  	[sflag:s20] =	ssyncadd.s32 $0xFFFFD800;
	s30 =	sadd.s32 s4, s24  }
0x10b: {  	[tilespmem:s25], [sflag:$0x4] =	stream.linear.gather [hbm4b:s30+s3], $0x50, $0x38;
	[tilespmem:$0x1DC80] =	vst v63  }
0x10c: {  	s24 =	sadd.s32 s6, s24  }
0x10d: {  	[tilespmem:s26], [sflag:$0x4] =	stream.linear.gather [hbm4b:s24+s3], $0x50, $0x38;
	[tilespmem:$0x1DC80] =	vst v63  }
0x10e: {  	_ =	swait.ge [sflag:s21], $0x50  }
0x10f: {  	[sflag:s21] =	ssyncset.done $0x0  }
0x110: {  	[sflag:s21] =	ssyncadd.s32 $0xFFFFFFB0  }
0x111: {  	_ =	swait.ge [sflag:s21], $0x50  }
0x112: {  	[sflag:s21] =	ssyncset.done $0x0  }
0x113: {  	[sflag:s21] =	ssyncadd.s32 $0xFFFFFFB0  }
0x114: {  	[tilespmem:s12], [sflag:$0x2] =	stream.indirect.gather [hbm4b:s1+s0], $0x80, s15, s0, $0xb8;
	[tilespmem:$0x1DC80] =	vst v63  }
0x115: {  	_ =	swait.ge [sflag:s14], $0x2800  }
0x116: {  	[sflag:s14] =	ssyncset.done $0x0  }
0x117: {  	[sflag:s14] =	ssyncadd.s32 $0xFFFFD800  }
0x118: {  	v2 =	vld [tilespmem:$0x1DB80];
	_ =	sdelay $0x7  }
0x119: {  	[tilespmem:v2+s3+$0x0] =	vst.idx.add.f32.msk $0xffff, v1  }
0x11a: {  	v2 =	vld [tilespmem:$0x1DB90];
	_ =	sdelay $0x7  }
0x11b: {  	[tilespmem:v2+s3+$0x0] =	vst.idx.add.f32.msk $0xffff, v1  }
0x11c: {  	v2 =	vld [tilespmem:$0x1DBA0];
	_ =	sdelay $0x7  }
0x11d: {  	[tilespmem:v2+s3+$0x0] =	vst.idx.add.f32.msk $0xffff, v1  }
0x11e: {  	v2 =	vld [tilespmem:$0x1DBB0];
	_ =	sdelay $0x7  }
0x11f: {  	[tilespmem:v2+s3+$0x0] =	vst.idx.add.f32.msk $0xffff, v1  }
0x120: {  	v2 =	vld [tilespmem:$0x1DBC0];
	_ =	sdelay $0x7  }
0x121: {  	[tilespmem:v2+s3+$0x0] =	vst.idx.add.f32.msk $0xffff, v1  }
0x122: {  	[spmem:s2] =	stream.indirect.scatter.add.f32 [tilespmem:s8], [sflag:$0x8], $0x80, s10, s0, $0xb8;
	[tilespmem:$0x1DC80] =	vst v63  }
0x123: {  	_ =	swait.ge [sflag:s23], $0x2800  }
0x124: {  	s30 =	rddreg [dreg:$0xa]  }
0x125: {  	s24 =	sadd.s32 s7, s30  }
0x126: {  	[sflag:s23] =	ssyncset.done $0x0;
	s24 =	sshrl.u32 s24, $0x3  }
0x127: {  	[sflag:s23] =	ssyncadd.s32 $0xFFFFD800;
	s30 =	sadd.s32 s4, s24  }
0x128: {  	[tilespmem:s28], [sflag:$0x5] =	stream.linear.gather [hbm4b:s30+s3], $0x50, $0x38;
	[tilespmem:$0x1DC80] =	vst v63  }
0x129: {  	s24 =	sadd.s32 s6, s24  }
0x12a: {  	[tilespmem:s29], [sflag:$0x5] =	stream.linear.gather [hbm4b:s24+s3], $0x50, $0x38;
	[tilespmem:$0x1DC80] =	vst v63  }
0x12b: {  	_ =	swait.ge [sflag:s31], $0x50  }
0x12c: {  	[sflag:s31] =	ssyncset.done $0x0  }
0x12d: {  	[sflag:s31] =	ssyncadd.s32 $0xFFFFFFB0  }
0x12e: {  	_ =	swait.ge [sflag:s31], $0x50  }
0x12f: {  	[sflag:s31] =	ssyncset.done $0x0  }
0x130: {  	[sflag:s31] =	ssyncadd.s32 $0xFFFFFFB0  }
0x131: {  	[tilespmem:s18], [sflag:$0x3] =	stream.indirect.gather [hbm4b:s1+s0], $0x80, s25, s0, $0xb8;
	[tilespmem:$0x1DC80] =	vst v63  }
0x132: {  	_ =	swait.ge [sflag:s19], $0x2800  }
0x133: {  	[sflag:s19] =	ssyncset.done $0x0  }
0x134: {  	[sflag:s19] =	ssyncadd.s32 $0xFFFFD800  }
0x135: {  	v2 =	vld [tilespmem:$0x1DC00];
	_ =	sdelay $0x7  }
0x136: {  	[tilespmem:v2+s3+$0x0] =	vst.idx.add.f32.msk $0xffff, v1  }
0x137: {  	v2 =	vld [tilespmem:$0x1DC10];
	_ =	sdelay $0x7  }
0x138: {  	[tilespmem:v2+s3+$0x0] =	vst.idx.add.f32.msk $0xffff, v1  }
0x139: {  	v2 =	vld [tilespmem:$0x1DC20];
	_ =	sdelay $0x7  }
0x13a: {  	[tilespmem:v2+s3+$0x0] =	vst.idx.add.f32.msk $0xffff, v1  }
0x13b: {  	v2 =	vld [tilespmem:$0x1DC30];
	_ =	sdelay $0x7  }
0x13c: {  	[tilespmem:v2+s3+$0x0] =	vst.idx.add.f32.msk $0xffff, v1  }
0x13d: {  	v2 =	vld [tilespmem:$0x1DC40];
	_ =	sdelay $0x7  }
0x13e: {  	[tilespmem:v2+s3+$0x0] =	vst.idx.add.f32.msk $0xffff, v1  }
0x13f: {  	[spmem:s2] =	stream.indirect.scatter.add.f32 [tilespmem:s12], [sflag:$0x9], $0x80, s16, s0, $0xb8;
	[tilespmem:$0x1DC80] =	vst v63  }
0x140: {  	_ =	swait.ge [sflag:s20], $0x2800  }
0x141: {  	s30 =	rddreg [dreg:$0xb]  }
0x142: {  	s24 =	sadd.s32 s7, s30  }
0x143: {  	[sflag:s20] =	ssyncset.done $0x0;
	s24 =	sshrl.u32 s24, $0x3  }
0x144: {  	[sflag:s20] =	ssyncadd.s32 $0xFFFFD800;
	s30 =	sadd.s32 s4, s24  }
0x145: {  	[tilespmem:s9], [sflag:$0x6] =	stream.linear.gather [hbm4b:s30+s3], $0x50, $0x38;
	[tilespmem:$0x1DC80] =	vst v63  }
0x146: {  	s24 =	sadd.s32 s6, s24  }
0x147: {  	[tilespmem:s10], [sflag:$0x6] =	stream.linear.gather [hbm4b:s24+s3], $0x50, $0x38;
	[tilespmem:$0x1DC80] =	vst v63  }
0x148: {  	_ =	swait.ge [sflag:s11], $0x50  }
0x149: {  	[sflag:s11] =	ssyncset.done $0x0  }
0x14a: {  	[sflag:s11] =	ssyncadd.s32 $0xFFFFFFB0  }
0x14b: {  	_ =	swait.ge [sflag:s11], $0x50  }
0x14c: {  	[sflag:s11] =	ssyncset.done $0x0  }
0x14d: {  	[sflag:s11] =	ssyncadd.s32 $0xFFFFFFB0  }
0x14e: {  	[tilespmem:s8], [sflag:$0x1] =	stream.indirect.gather [hbm4b:s1+s0], $0x80, s28, s0, $0xb8;
	[tilespmem:$0x1DC80] =	vst v63  }
0x14f: {  	_ =	swait.ge [sflag:s22], $0x2800  }
0x150: {  	[sflag:s22] =	ssyncset.done $0x0  }
0x151: {  	[sflag:s22] =	ssyncadd.s32 $0xFFFFD800  }
0x152: {  	v2 =	vld [tilespmem:$0x1DA80];
	_ =	sdelay $0x7  }
0x153: {  	[tilespmem:v2+s3+$0x0] =	vst.idx.add.f32.msk $0xffff, v1  }
0x154: {  	v2 =	vld [tilespmem:$0x1DA90];
	_ =	sdelay $0x7  }
0x155: {  	[tilespmem:v2+s3+$0x0] =	vst.idx.add.f32.msk $0xffff, v1  }
0x156: {  	v2 =	vld [tilespmem:$0x1DAA0];
	_ =	sdelay $0x7  }
0x157: {  	[tilespmem:v2+s3+$0x0] =	vst.idx.add.f32.msk $0xffff, v1  }
0x158: {  	v2 =	vld [tilespmem:$0x1DAB0];
	_ =	sdelay $0x7  }
0x159: {  	[tilespmem:v2+s3+$0x0] =	vst.idx.add.f32.msk $0xffff, v1  }
0x15a: {  	v2 =	vld [tilespmem:$0x1DAC0];
	_ =	sdelay $0x7  }
0x15b: {  	[tilespmem:v2+s3+$0x0] =	vst.idx.add.f32.msk $0xffff, v1  }
0x15c: {  	[spmem:s2] =	stream.indirect.scatter.add.f32 [tilespmem:s18], [sflag:$0x8], $0x80, s26, s0, $0xb8;
	[tilespmem:$0x1DC80] =	vst v63  }
0x15d: {  	_ =	swait.ge [sflag:s23], $0x2800  }
0x15e: {  	s30 =	rddreg [dreg:$0xc]  }
0x15f: {  	s24 =	sadd.s32 s7, s30  }
0x160: {  	[sflag:s23] =	ssyncset.done $0x0;
	s24 =	sshrl.u32 s24, $0x3  }
0x161: {  	[sflag:s23] =	ssyncadd.s32 $0xFFFFD800;
	s30 =	sadd.s32 s4, s24  }
0x162: {  	[tilespmem:s15], [sflag:$0x7] =	stream.linear.gather [hbm4b:s30+s3], $0x50, $0x38;
	[tilespmem:$0x1DC80] =	vst v63  }
0x163: {  	s24 =	sadd.s32 s6, s24  }
0x164: {  	[tilespmem:s16], [sflag:$0x7] =	stream.linear.gather [hbm4b:s24+s3], $0x50, $0x38;
	[tilespmem:$0x1DC80] =	vst v63  }
0x165: {  	_ =	swait.ge [sflag:s17], $0x50  }
0x166: {  	[sflag:s17] =	ssyncset.done $0x0  }
0x167: {  	[sflag:s17] =	ssyncadd.s32 $0xFFFFFFB0  }
0x168: {  	_ =	swait.ge [sflag:s17], $0x50  }
0x169: {  	[sflag:s17] =	ssyncset.done $0x0  }
0x16a: {  	[sflag:s17] =	ssyncadd.s32 $0xFFFFFFB0  }
0x16b: {  	[tilespmem:s12], [sflag:$0x2] =	stream.indirect.gather [hbm4b:s1+s0], $0x80, s9, s0, $0xb8;
	[tilespmem:$0x1DC80] =	vst v63  }
0x16c: {  	_ =	swait.ge [sflag:s14], $0x2800  }
0x16d: {  	[sflag:s14] =	ssyncset.done $0x0  }
0x16e: {  	[sflag:s14] =	ssyncadd.s32 $0xFFFFD800  }
0x16f: {  	v2 =	vld [tilespmem:$0x1DB00];
	_ =	sdelay $0x7  }
0x170: {  	[tilespmem:v2+s3+$0x0] =	vst.idx.add.f32.msk $0xffff, v1  }
0x171: {  	v2 =	vld [tilespmem:$0x1DB10];
	_ =	sdelay $0x7  }
0x172: {  	[tilespmem:v2+s3+$0x0] =	vst.idx.add.f32.msk $0xffff, v1  }
0x173: {  	v2 =	vld [tilespmem:$0x1DB20];
	_ =	sdelay $0x7  }
0x174: {  	[tilespmem:v2+s3+$0x0] =	vst.idx.add.f32.msk $0xffff, v1  }
0x175: {  	v2 =	vld [tilespmem:$0x1DB30];
	_ =	sdelay $0x7  }
0x176: {  	[tilespmem:v2+s3+$0x0] =	vst.idx.add.f32.msk $0xffff, v1  }
0x177: {  	v2 =	vld [tilespmem:$0x1DB40];
	_ =	sdelay $0x7  }
0x178: {  	[tilespmem:v2+s3+$0x0] =	vst.idx.add.f32.msk $0xffff, v1  }
0x179: {  	[spmem:s2] =	stream.indirect.scatter.add.f32 [tilespmem:s8], [sflag:$0x9], $0x80, s29, s0, $0xb8;
	[tilespmem:$0x1DC80] =	vst v63  }
0x17a: {  	_ =	swait.ge [sflag:s20], $0x2800  }
0x17b: {  	s30 =	rddreg [dreg:$0xd]  }
0x17c: {  	s24 =	sadd.s32 s7, s30  }
0x17d: {  	[sflag:s20] =	ssyncset.done $0x0;
	s24 =	sshrl.u32 s24, $0x3  }
0x17e: {  	[sflag:s20] =	ssyncadd.s32 $0xFFFFD800;
	s30 =	sadd.s32 s4, s24  }
0x17f: {  	[tilespmem:s25], [sflag:$0x4] =	stream.linear.gather [hbm4b:s30+s3], $0x50, $0x38;
	[tilespmem:$0x1DC80] =	vst v63  }
0x180: {  	s24 =	sadd.s32 s6, s24  }
0x181: {  	[tilespmem:s26], [sflag:$0x4] =	stream.linear.gather [hbm4b:s24+s3], $0x50, $0x38;
	[tilespmem:$0x1DC80] =	vst v63  }
0x182: {  	_ =	swait.ge [sflag:s21], $0x50  }
0x183: {  	[sflag:s21] =	ssyncset.done $0x0  }
0x184: {  	[sflag:s21] =	ssyncadd.s32 $0xFFFFFFB0  }
0x185: {  	_ =	swait.ge [sflag:s21], $0x50  }
0x186: {  	[sflag:s21] =	ssyncset.done $0x0  }
0x187: {  	[sflag:s21] =	ssyncadd.s32 $0xFFFFFFB0  }
0x188: {  	[tilespmem:s18], [sflag:$0x3] =	stream.indirect.gather [hbm4b:s1+s0], $0x80, s15, s0, $0xb8;
	[tilespmem:$0x1DC80] =	vst v63  }
0x189: {  	_ =	swait.ge [sflag:s19], $0x2800  }
0x18a: {  	[sflag:s19] =	ssyncset.done $0x0  }
0x18b: {  	[sflag:s19] =	ssyncadd.s32 $0xFFFFD800  }
0x18c: {  	v2 =	vld [tilespmem:$0x1DB80];
	_ =	sdelay $0x7  }
0x18d: {  	[tilespmem:v2+s3+$0x0] =	vst.idx.add.f32.msk $0xffff, v1  }
0x18e: {  	v2 =	vld [tilespmem:$0x1DB90];
	_ =	sdelay $0x7  }
0x18f: {  	[tilespmem:v2+s3+$0x0] =	vst.idx.add.f32.msk $0xffff, v1  }
0x190: {  	v2 =	vld [tilespmem:$0x1DBA0];
	_ =	sdelay $0x7  }
0x191: {  	[tilespmem:v2+s3+$0x0] =	vst.idx.add.f32.msk $0xffff, v1  }
0x192: {  	v2 =	vld [tilespmem:$0x1DBB0];
	_ =	sdelay $0x7  }
0x193: {  	[tilespmem:v2+s3+$0x0] =	vst.idx.add.f32.msk $0xffff, v1  }
0x194: {  	v2 =	vld [tilespmem:$0x1DBC0];
	_ =	sdelay $0x7  }
0x195: {  	[tilespmem:v2+s3+$0x0] =	vst.idx.add.f32.msk $0xffff, v1  }
0x196: {  	[spmem:s2] =	stream.indirect.scatter.add.f32 [tilespmem:s12], [sflag:$0x8], $0x80, s10, s0, $0xb8;
	[tilespmem:$0x1DC80] =	vst v63  }
0x197: {  	_ =	swait.ge [sflag:s23], $0x2800  }
0x198: {  	s30 =	rddreg [dreg:$0xe]  }
0x199: {  	s7 =	sadd.s32 s7, s30  }
0x19a: {  	[sflag:s23] =	ssyncset.done $0x0;
	s7 =	sshrl.u32 s7, $0x3  }
0x19b: {  	[sflag:s23] =	ssyncadd.s32 $0xFFFFD800;
	s30 =	sadd.s32 s4, s7  }
0x19c: {  	[tilespmem:s28], [sflag:$0x5] =	stream.linear.gather [hbm4b:s30+s3], $0x50, $0x38;
	[tilespmem:$0x1DC80] =	vst v63  }
0x19d: {  	s7 =	sadd.s32 s6, s7  }
0x19e: {  	[tilespmem:s29], [sflag:$0x5] =	stream.linear.gather [hbm4b:s7+s3], $0x50, $0x38;
	[tilespmem:$0x1DC80] =	vst v63  }
0x19f: {  	_ =	swait.ge [sflag:s31], $0x50  }
0x1a0: {  	[sflag:s31] =	ssyncset.done $0x0  }
0x1a1: {  	[sflag:s31] =	ssyncadd.s32 $0xFFFFFFB0  }
0x1a2: {  	_ =	swait.ge [sflag:s31], $0x50  }
0x1a3: {  	[sflag:s31] =	ssyncset.done $0x0  }
0x1a4: {  	[sflag:s31] =	ssyncadd.s32 $0xFFFFFFB0  }
0x1a5: {  	[tilespmem:s8], [sflag:$0x1] =	stream.indirect.gather [hbm4b:s1+s0], $0x80, s25, s0, $0xb8;
	[tilespmem:$0x1DC80] =	vst v63  }
0x1a6: {  	_ =	swait.ge [sflag:s22], $0x2800  }
0x1a7: {  	[sflag:s22] =	ssyncset.done $0x0  }
0x1a8: {  	[sflag:s22] =	ssyncadd.s32 $0xFFFFD800  }
0x1a9: {  	v2 =	vld [tilespmem:$0x1DC00];
	_ =	sdelay $0x7  }
0x1aa: {  	[tilespmem:v2+s3+$0x0] =	vst.idx.add.f32.msk $0xffff, v1  }
0x1ab: {  	v2 =	vld [tilespmem:$0x1DC10];
	_ =	sdelay $0x7  }
0x1ac: {  	[tilespmem:v2+s3+$0x0] =	vst.idx.add.f32.msk $0xffff, v1  }
0x1ad: {  	v2 =	vld [tilespmem:$0x1DC20];
	_ =	sdelay $0x7  }
0x1ae: {  	[tilespmem:v2+s3+$0x0] =	vst.idx.add.f32.msk $0xffff, v1  }
0x1af: {  	v2 =	vld [tilespmem:$0x1DC30];
	_ =	sdelay $0x7  }
0x1b0: {  	[tilespmem:v2+s3+$0x0] =	vst.idx.add.f32.msk $0xffff, v1  }
0x1b1: {  	v2 =	vld [tilespmem:$0x1DC40];
	_ =	sdelay $0x2  }
0x1b2: {  	s13 =	sadd.s32 $0x3C0, s13  }
0x1b3: {  	p1 =	sne.s32 s13, $0x2580  }
.Ltmp1:
0x1b4: {  	_ = 	snop;
	(pc) =	sbr.rel @p1 .LBB2_4-.Ltmp1, $3  }
0x1b5: {  	_ =	sdelay $0x1  }
0x1b6: {  	[tilespmem:v2+s3+$0x0] =	vst.idx.add.f32.msk $0xffff, v1  }
0x1b7: {  	[spmem:s2] =	stream.indirect.scatter.add.f32 [tilespmem:s18], [sflag:$0x9], $0x80, s16, s0, $0xb8;
	[tilespmem:$0x1DC80] =	vst v63  }
0x1b8: {  	_ =	swait.ge [sflag:s20], $0x2800  }
0x1b9: {  	[sflag:s20] =	ssyncset.done $0x0  }
0x1ba: {  	s7 =	rddreg [dreg:$0x17];
	[sflag:s20] =	ssyncadd.s32 $0xFFFFD800  }
0x1bb: {  	[tilespmem:s9], [sflag:$0x6] =	stream.linear.gather [hbm4b:s7+s3], $0x50, $0x38;
	[tilespmem:$0x1DC80] =	vst v63  }
0x1bc: {  	s13 =	rddreg [dreg:$0x18]  }
0x1bd: {  	[tilespmem:s10], [sflag:$0x6] =	stream.linear.gather [hbm4b:s13+s3], $0x50, $0x38;
	[tilespmem:$0x1DC80] =	vst v63  }
0x1be: {  	_ =	swait.ge [sflag:s11], $0x50  }
0x1bf: {  	[sflag:s11] =	ssyncset.done $0x0  }
0x1c0: {  	[sflag:s11] =	ssyncadd.s32 $0xFFFFFFB0  }
0x1c1: {  	_ =	swait.ge [sflag:s11], $0x50  }
0x1c2: {  	[sflag:s11] =	ssyncset.done $0x0  }
0x1c3: {  	[sflag:s11] =	ssyncadd.s32 $0xFFFFFFB0  }
0x1c4: {  	[tilespmem:s12], [sflag:$0x2] =	stream.indirect.gather [hbm4b:s1+s0], $0x80, s28, s0, $0xb8;
	[tilespmem:$0x1DC80] =	vst v63  }
0x1c5: {  	_ =	swait.ge [sflag:s14], $0x2800  }
0x1c6: {  	[sflag:s14] =	ssyncset.done $0x0  }
0x1c7: {  	[sflag:s14] =	ssyncadd.s32 $0xFFFFD800  }
0x1c8: {  	v2 =	vld [tilespmem:$0x1DA80];
	_ =	sdelay $0x7  }
0x1c9: {  	[tilespmem:v2+s3+$0x0] =	vst.idx.add.f32.msk $0xffff, v1  }
0x1ca: {  	v2 =	vld [tilespmem:$0x1DA90];
	_ =	sdelay $0x7  }
0x1cb: {  	[tilespmem:v2+s3+$0x0] =	vst.idx.add.f32.msk $0xffff, v1  }
0x1cc: {  	v2 =	vld [tilespmem:$0x1DAA0];
	_ =	sdelay $0x7  }
0x1cd: {  	[tilespmem:v2+s3+$0x0] =	vst.idx.add.f32.msk $0xffff, v1  }
0x1ce: {  	v2 =	vld [tilespmem:$0x1DAB0];
	_ =	sdelay $0x7  }
0x1cf: {  	[tilespmem:v2+s3+$0x0] =	vst.idx.add.f32.msk $0xffff, v1  }
0x1d0: {  	v2 =	vld [tilespmem:$0x1DAC0];
	_ =	sdelay $0x7  }
0x1d1: {  	[tilespmem:v2+s3+$0x0] =	vst.idx.add.f32.msk $0xffff, v1  }
0x1d2: {  	[spmem:s2] =	stream.indirect.scatter.add.f32 [tilespmem:s8], [sflag:$0x8], $0x80, s26, s0, $0xb8;
	[tilespmem:$0x1DC80] =	vst v63  }
0x1d3: {  	_ =	swait.ge [sflag:s23], $0x2800  }
0x1d4: {  	[sflag:s23] =	ssyncset.done $0x0  }
0x1d5: {  	s24 =	rddreg [dreg:$0x1a];
	[sflag:s23] =	ssyncadd.s32 $0xFFFFD800  }
0x1d6: {  	[tilespmem:s15], [sflag:$0x7] =	stream.linear.gather [hbm4b:s24+s3], $0x50, $0x38;
	[tilespmem:$0x1DC80] =	vst v63  }
0x1d7: {  	s13 =	rddreg [dreg:$0x1b]  }
0x1d8: {  	[tilespmem:s16], [sflag:$0x7] =	stream.linear.gather [hbm4b:s13+s3], $0x50, $0x38;
	[tilespmem:$0x1DC80] =	vst v63  }
0x1d9: {  	_ =	swait.ge [sflag:s17], $0x50  }
0x1da: {  	[sflag:s17] =	ssyncset.done $0x0  }
0x1db: {  	[sflag:s17] =	ssyncadd.s32 $0xFFFFFFB0  }
0x1dc: {  	_ =	swait.ge [sflag:s17], $0x50  }
0x1dd: {  	[sflag:s17] =	ssyncset.done $0x0  }
0x1de: {  	[sflag:s17] =	ssyncadd.s32 $0xFFFFFFB0  }
0x1df: {  	[tilespmem:s18], [sflag:$0x3] =	stream.indirect.gather [hbm4b:s1+s0], $0x80, s9, s0, $0xb8;
	[tilespmem:$0x1DC80] =	vst v63  }
0x1e0: {  	_ =	swait.ge [sflag:s19], $0x2800  }
0x1e1: {  	[sflag:s19] =	ssyncset.done $0x0  }
0x1e2: {  	[sflag:s19] =	ssyncadd.s32 $0xFFFFD800  }
0x1e3: {  	v2 =	vld [tilespmem:$0x1DB00];
	_ =	sdelay $0x7  }
0x1e4: {  	[tilespmem:v2+s3+$0x0] =	vst.idx.add.f32.msk $0xffff, v1  }
0x1e5: {  	v2 =	vld [tilespmem:$0x1DB10];
	_ =	sdelay $0x7  }
0x1e6: {  	[tilespmem:v2+s3+$0x0] =	vst.idx.add.f32.msk $0xffff, v1  }
0x1e7: {  	v2 =	vld [tilespmem:$0x1DB20];
	_ =	sdelay $0x7  }
0x1e8: {  	[tilespmem:v2+s3+$0x0] =	vst.idx.add.f32.msk $0xffff, v1  }
0x1e9: {  	v2 =	vld [tilespmem:$0x1DB30];
	_ =	sdelay $0x7  }
0x1ea: {  	[tilespmem:v2+s3+$0x0] =	vst.idx.add.f32.msk $0xffff, v1  }
0x1eb: {  	v2 =	vld [tilespmem:$0x1DB40];
	_ =	sdelay $0x7  }
0x1ec: {  	[tilespmem:v2+s3+$0x0] =	vst.idx.add.f32.msk $0xffff, v1  }
0x1ed: {  	[spmem:s2] =	stream.indirect.scatter.add.f32 [tilespmem:s12], [sflag:$0x9], $0x80, s29, s0, $0xb8;
	[tilespmem:$0x1DC80] =	vst v63  }
0x1ee: {  	_ =	swait.ge [sflag:s20], $0x2800  }
0x1ef: {  	[sflag:s20] =	ssyncset.done $0x0  }
0x1f0: {  	s24 =	rddreg [dreg:$0x1d];
	[sflag:s20] =	ssyncadd.s32 $0xFFFFD800  }
0x1f1: {  	[tilespmem:s25], [sflag:$0x4] =	stream.linear.gather [hbm4b:s24+s3], $0x50, $0x38;
	[tilespmem:$0x1DC80] =	vst v63  }
0x1f2: {  	s13 =	rddreg [dreg:$0x1e]  }
0x1f3: {  	[tilespmem:s26], [sflag:$0x4] =	stream.linear.gather [hbm4b:s13+s3], $0x50, $0x38;
	[tilespmem:$0x1DC80] =	vst v63  }
0x1f4: {  	_ =	swait.ge [sflag:s21], $0x50  }
0x1f5: {  	[sflag:s21] =	ssyncset.done $0x0  }
0x1f6: {  	[sflag:s21] =	ssyncadd.s32 $0xFFFFFFB0  }
0x1f7: {  	_ =	swait.ge [sflag:s21], $0x50  }
0x1f8: {  	[sflag:s21] =	ssyncset.done $0x0  }
0x1f9: {  	[sflag:s21] =	ssyncadd.s32 $0xFFFFFFB0  }
0x1fa: {  	[tilespmem:s8], [sflag:$0x1] =	stream.indirect.gather [hbm4b:s1+s0], $0x80, s15, s0, $0xb8;
	[tilespmem:$0x1DC80] =	vst v63  }
0x1fb: {  	_ =	swait.ge [sflag:s22], $0x2800  }
0x1fc: {  	[sflag:s22] =	ssyncset.done $0x0  }
0x1fd: {  	[sflag:s22] =	ssyncadd.s32 $0xFFFFD800  }
0x1fe: {  	v2 =	vld [tilespmem:$0x1DB80];
	_ =	sdelay $0x7  }
0x1ff: {  	[tilespmem:v2+s3+$0x0] =	vst.idx.add.f32.msk $0xffff, v1  }
0x200: {  	v2 =	vld [tilespmem:$0x1DB90];
	_ =	sdelay $0x7  }
0x201: {  	[tilespmem:v2+s3+$0x0] =	vst.idx.add.f32.msk $0xffff, v1  }
0x202: {  	v2 =	vld [tilespmem:$0x1DBA0];
	_ =	sdelay $0x7  }
0x203: {  	[tilespmem:v2+s3+$0x0] =	vst.idx.add.f32.msk $0xffff, v1  }
0x204: {  	v2 =	vld [tilespmem:$0x1DBB0];
	_ =	sdelay $0x7  }
0x205: {  	[tilespmem:v2+s3+$0x0] =	vst.idx.add.f32.msk $0xffff, v1  }
0x206: {  	v2 =	vld [tilespmem:$0x1DBC0];
	_ =	sdelay $0x7  }
0x207: {  	[tilespmem:v2+s3+$0x0] =	vst.idx.add.f32.msk $0xffff, v1  }
0x208: {  	[spmem:s2] =	stream.indirect.scatter.add.f32 [tilespmem:s18], [sflag:$0x8], $0x80, s10, s0, $0xb8;
	[tilespmem:$0x1DC80] =	vst v63  }
0x209: {  	_ =	swait.ge [sflag:s23], $0x2800  }
0x20a: {  	[sflag:s23] =	ssyncset.done $0x0  }
0x20b: {  	[sflag:s23] =	ssyncadd.s32 $0xFFFFD800  }
0x20c: {  	_ =	swait.ge [sflag:s31], $0x50  }
0x20d: {  	[sflag:s31] =	ssyncset.done $0x0  }
0x20e: {  	[sflag:s31] =	ssyncadd.s32 $0xFFFFFFB0  }
0x20f: {  	_ =	swait.ge [sflag:s31], $0x50  }
0x210: {  	[sflag:s31] =	ssyncset.done $0x0  }
0x211: {  	[sflag:s31] =	ssyncadd.s32 $0xFFFFFFB0  }
0x212: {  	[tilespmem:s12], [sflag:$0x2] =	stream.indirect.gather [hbm4b:s1+s0], $0x80, s25, s0, $0xb8;
	[tilespmem:$0x1DC80] =	vst v63  }
0x213: {  	_ =	swait.ge [sflag:s14], $0x2800  }
0x214: {  	[sflag:s14] =	ssyncset.done $0x0  }
0x215: {  	[sflag:s14] =	ssyncadd.s32 $0xFFFFD800  }
0x216: {  	v2 =	vld [tilespmem:$0x1DC00];
	_ =	sdelay $0x7  }
0x217: {  	[tilespmem:v2+s3+$0x0] =	vst.idx.add.f32.msk $0xffff, v1  }
0x218: {  	v2 =	vld [tilespmem:$0x1DC10];
	_ =	sdelay $0x7  }
0x219: {  	[tilespmem:v2+s3+$0x0] =	vst.idx.add.f32.msk $0xffff, v1  }
0x21a: {  	v2 =	vld [tilespmem:$0x1DC20];
	_ =	sdelay $0x7  }
0x21b: {  	[tilespmem:v2+s3+$0x0] =	vst.idx.add.f32.msk $0xffff, v1  }
0x21c: {  	v2 =	vld [tilespmem:$0x1DC30];
	_ =	sdelay $0x7  }
0x21d: {  	[tilespmem:v2+s3+$0x0] =	vst.idx.add.f32.msk $0xffff, v1  }
0x21e: {  	v2 =	vld [tilespmem:$0x1DC40];
	_ =	sdelay $0x7  }
0x21f: {  	[tilespmem:v2+s3+$0x0] =	vst.idx.add.f32.msk $0xffff, v1  }
0x220: {  	[spmem:s2] =	stream.indirect.scatter.add.f32 [tilespmem:s8], [sflag:$0x9], $0x80, s16, s0, $0xb8;
	[tilespmem:$0x1DC80] =	vst v63  }
0x221: {  	_ =	swait.ge [sflag:s20], $0x2800  }
0x222: {  	[sflag:s20] =	ssyncset.done $0x0  }
0x223: {  	[sflag:s20] =	ssyncadd.s32 $0xFFFFD800  }
0x224: {  	_ =	swait.ge [sflag:s19], $0x2800  }
0x225: {  	[sflag:s19] =	ssyncset.done $0x0  }
0x226: {  	[sflag:s19] =	ssyncadd.s32 $0xFFFFD800  }
0x227: {  	v2 =	vld [tilespmem:$0x1DA80];
	_ =	sdelay $0x7  }
0x228: {  	[tilespmem:v2+s3+$0x0] =	vst.idx.add.f32.msk $0xffff, v1  }
0x229: {  	v2 =	vld [tilespmem:$0x1DA90];
	_ =	sdelay $0x7  }
0x22a: {  	[tilespmem:v2+s3+$0x0] =	vst.idx.add.f32.msk $0xffff, v1  }
0x22b: {  	v2 =	vld [tilespmem:$0x1DAA0];
	_ =	sdelay $0x7  }
0x22c: {  	[tilespmem:v2+s3+$0x0] =	vst.idx.add.f32.msk $0xffff, v1  }
0x22d: {  	v2 =	vld [tilespmem:$0x1DAB0];
	_ =	sdelay $0x7  }
0x22e: {  	[tilespmem:v2+s3+$0x0] =	vst.idx.add.f32.msk $0xffff, v1  }
0x22f: {  	v2 =	vld [tilespmem:$0x1DAC0];
	_ =	sdelay $0x7  }
0x230: {  	[tilespmem:v2+s3+$0x0] =	vst.idx.add.f32.msk $0xffff, v1  }
0x231: {  	[spmem:s2] =	stream.indirect.scatter.add.f32 [tilespmem:s12], [sflag:$0x8], $0x80, s26, s0, $0xb8;
	[tilespmem:$0x1DC80] =	vst v63  }
0x232: {  	_ =	swait.ge [sflag:s23], $0x2800  }
0x233: {  	[sflag:s23] =	ssyncset.done $0x0  }
0x234: {  	[sflag:s23] =	ssyncadd.s32 $0xFFFFD800  }
0x235: {  	_ =	swait.ge [sflag:s20], $0x2800  }
0x236: {  	[sflag:s20] =	ssyncset.done $0x0  }
0x237: {  	s13 =	simm.s32 $0xA;
	s24 =	rddreg [dreg:$0x19];
	[sflag:s20] =	ssyncadd.s32 $0xFFFFD800  }
0x238: {  	[hbm4b:s24+s3] =	stream.linear.scatter [tilespmem:s3], [sflag:$0xA], $0x2800, $0x38;
	[tilespmem:$0x1DC80] =	vst v63  }
0x239: {  	_ =	swait.ge [sflag:s13], $0x2800  }
0x23a: {  	[sflag:s13] =	ssyncset.done $0x0  }
0x23b: {  	[sflag:s13] =	ssyncadd.s32 $0xFFFFD800  }
0x23c: {  	[bflag:$0x0] =	sbarrier.arrive $0xFFFF  }
0x23d: {  	s24 =	sld [smem:$0x7FB]  }
0x23e: {  	s30 =	rddreg [dreg:$0x15]  }
0x23f: {  	s7 =	rddreg [dreg:$0x1c]  }
0x240: {  	[hbm:s7], [sflag:s30] =	dma.local [spmem:s24], $0x2700  }
0x241: {  	_ =	swait.ge [sflag:s13], $0x2700  }
0x242: {  	[sflag:s13] =	ssyncset.done $0x0  }
0x243: {  	[sflag:s13] =	ssyncadd.s32 $0xFFFFD900;
	s13 =	sld [smem:$0x7FA];
	_ =	sdelay $0x1  }
0x244: {  	s7 =	rddreg [dreg:$0x1f]  }
0x245: {  	[hbm:s7], [sflag:s30] =	dma.local @!p0 [spmem:s13], $0x100  }
0x246: {  	s7 =	simm.s32 @!p0 $0xA  }
0x247: {  	_ =	swait.ge @!p0 [sflag:s7], $0x100  }
0x248: {  	s13 =	sld [smem:$0x7FD];
	_ =	sdelay $0x2  }
0x249: {  	s24 =	sadd.s32 $0x1, s13;
	s13 =	sld [smem:$0x7FC];
	_ =	sdelay $0x2  }
0x24a: {  	p1 =	sne.s32 s24, s13  }
.Ltmp2:
0x24b: {  	_ = 	snop;
	(pc) =	sbr.rel @p1 .LBB2_1-.Ltmp2, $3  }
0x24c: {  	_ =	sdelay $0x1  }
0x24d: {  	[sflag:s7] =	ssyncset.done @!p0 $0x0;
	[smem:$0x7FD] =	sst s24  }
0x24e: {  	[sflag:s7] =	ssyncadd.s32 @!p0 $0xFFFFFF00;
	s13 =	simm.s32 $0xA;
	s24 =	rddreg [dreg:$0xf]  }
0x24f: {  	_ =	sfence.sel $0x180000  }
0x250: {  	[bflag:$0x0] =	sbarrier.arrive $0xFFFF  }
0x251: {  	_ =	strace $0x90000047  }
0x252: {  	[bflag:$0x2] =	sbarrier.arrive $0xFFFF  }
0x253: {  	s0 =	rddreg [dreg:$0x4]  }
0x254: {  	s0 =	sadd.s32 @!p0 $0x100000, s0  }
0x255: {  	[sflag:s0] =	ssyncadd.tile.s32 @!p0 $0x1;
	_ =	shalt  }
.Lfunc_end2:
_tile_overlayer_lowered:
.L_overlay_start_2:
0x256: {  	(tag) =	ssettag $0x2  }
0x257: {  	s0 =	rddreg [dreg:$0x0];
	s2 =	stileid.u32  }
0x258: {  	s1 =	rddreg [dreg:$0x1];
	p0 =	sne.s32 s2, $0x0  }
0x259: {  	s3 =	rddreg [dreg:$0x2];
	[bflag:$0x3] =	sbarrier.arrive $0xFFFF;
	s2 =	simm.s32 @!p0 $0x1C0A  }
0x25a: {  	[timem:s3], [sflag:s2] =	dma.local @!p0 [hbm:s0], s1  }
0x25b: {  	s0 =	simm.s32 @!p0 $0xA  }
0x25c: {  	_ =	swait.ge @!p0 [sflag:s0], s1  }
0x25d: {  	s1 =	ssub.s32 @!p0 $0x0, s1;
	[sflag:s0] =	ssyncset.done @!p0 $0x0  }
0x25e: {  	[sflag:s0] =	ssyncadd.s32 @!p0 s1  }
0x25f: {  	[bflag:$0x3] =	sbarrier.arrive $0xFFFF  }
0x260: {  	_ =	shalt  }

</sc_bundles>
